<compile_context>
chip_gen: v7x
topology: tpu7x:2x2x1
jax: 0.10.2.dev20260603
libtpu: 0.0.44.dev20260713+nightly
codegen_flags: <defaults>
</compile_context>

<pallas_src>
import jax
import jax.numpy as jnp
from jax import lax
from jax.experimental import pallas as pl
from jax.experimental.pallas import tpu as pltpu
from jax.experimental.pallas import tpu_sc as plsc

N = 10000
E = 320000
IN_CH = 256
HID = 256
OUT_CH = 128

NC = 2
NS = 16
K = 80
NROWS = E // K
NBUF = 4
NBUF_PROP = 4
CR_PROP = 25
NCH_PROP = NROWS // NS // CR_PROP
CR_DEG = 25
NCH_DEG = NROWS // (NC * NS) // CR_DEG
CP_TILES = 10
CP_ROWS = N // CP_TILES
DEG_W = 128

_mesh = plsc.VectorSubcoreMesh(
    core_axis_name="c", subcore_axis_name="s", num_cores=NC, num_subcores=NS
)


def _zero_acc(sid, zeros_hbm, acc_sh):
    @pl.when(sid < CP_TILES)
    def _():
        pltpu.sync_copy(zeros_hbm,
                        acc_sh.at[pl.ds(sid * CP_ROWS, CP_ROWS)])


def _copy_out(cid, sid, out_hbm, acc_sh):
    @pl.when(sid < CP_TILES)
    def _():
        pltpu.sync_copy(acc_sh.at[pl.ds(sid * CP_ROWS, CP_ROWS)],
                        out_hbm.at[pl.ds(cid * N + sid * CP_ROWS, CP_ROWS)])


EPT = E // (NC * NS)


def _deg_body(dst_hbm, deg_out, dstv, acc):
    cid = lax.axis_index("c")
    sid = lax.axis_index("s")
    tid = cid * NS + sid

    zeros16 = jnp.zeros((16,), jnp.float32)

    def z(i, c):
        acc[pl.ds(i * 16, 16)] = zeros16
        return c

    lax.fori_loop(0, N // 16, z, 0)
    pltpu.sync_copy(dst_hbm.at[pl.ds(tid * EPT, EPT)], dstv)

    ones16 = jnp.ones((16,), jnp.float32)

    def step(i, c):
        idx = dstv[pl.ds(i * 16, 16)]
        plsc.addupdate_scatter(acc, [idx], ones16)
        return c

    lax.fori_loop(0, EPT // 16, step, 0)
    pltpu.sync_copy(acc, deg_out.at[pl.ds(tid * N, N)])


_deg_call = pl.kernel(
    _deg_body,
    out_type=jax.ShapeDtypeStruct((NC * NS * N,), jnp.float32),
    mesh=_mesh,
    scratch_types=[
        pltpu.VMEM((EPT,), jnp.int32),
        pltpu.VMEM((N,), jnp.float32),
    ],
    compiler_params=pltpu.CompilerParams(needs_layout_passes=False),
)


def _run_waves(cr, g_hbm, acc_sh, src_v, dst_v, bufs, gsems, ssems):
    nb = len(bufs)
    nwave = cr // nb
    ntail = cr - nwave * nb

    def wave(q, c2):
        base = q * nb
        for b in range(nb):
            j = base + b
            pltpu.make_async_copy(g_hbm.at[src_v.at[j]], bufs[b],
                                  gsems[b]).wait()
            pltpu.async_copy(bufs[b], acc_sh.at[dst_v.at[j]], ssems[b],
                             add=True)
        for b in range(nb):
            jn = base + b + nb

            @pl.when(jn < cr)
            def _(b=b, jn=jn):
                pltpu.make_async_copy(bufs[b], acc_sh.at[dst_v.at[0]],
                                      ssems[b]).wait()
                pltpu.async_copy(g_hbm.at[src_v.at[jn]], bufs[b],
                                 gsems[b])

        return c2

    lax.fori_loop(0, nwave, wave, 0)
    for b in range(ntail):
        j = nwave * nb + b
        pltpu.make_async_copy(g_hbm.at[src_v.at[j]], bufs[b],
                              gsems[b]).wait()
        pltpu.async_copy(bufs[b], acc_sh.at[dst_v.at[j]], ssems[b],
                         add=True)


def _drain_scatters(acc_sh, dst_v, bufs, ssems):
    for b in range(len(bufs)):
        pltpu.make_async_copy(bufs[b], acc_sh.at[dst_v.at[0]],
                              ssems[b]).wait()


def _prop_pipelined(nch, cr, src_row, dst_row, g_hbm, src_hbm, dst_hbm,
                    acc_sh, src_v, dst_v, bufs, gsems, ssems, is0, is1):
    nb = len(bufs)
    pltpu.sync_copy(src_hbm.at[src_row(0)], src_v)
    pltpu.sync_copy(dst_hbm.at[dst_row(0)], dst_v)
    for b in range(nb):
        pltpu.async_copy(g_hbm.at[src_v.at[b]], bufs[b], gsems[b])
    plsc.subcore_barrier()
    _run_waves(cr, g_hbm, acc_sh, src_v, dst_v, bufs, gsems, ssems)

    def chunk(t, carry):
        pltpu.async_copy(src_hbm.at[src_row(t)], src_v, is0)
        _drain_scatters(acc_sh, dst_v, bufs, ssems)
        pltpu.async_copy(dst_hbm.at[dst_row(t)], dst_v, is1)
        pltpu.make_async_copy(src_hbm.at[src_row(t)], src_v, is0).wait()
        for b in range(nb):
            pltpu.async_copy(g_hbm.at[src_v.at[b]], bufs[b], gsems[b])
        pltpu.make_async_copy(dst_hbm.at[dst_row(t)], dst_v, is1).wait()
        _run_waves(cr, g_hbm, acc_sh, src_v, dst_v, bufs, gsems, ssems)
        return carry

    lax.fori_loop(1, nch, chunk, 0)
    _drain_scatters(acc_sh, dst_v, bufs, ssems)


def _make_prop_body(nbuf, edge_split):
    def body(g_hbm, src_hbm, dst_hbm, zeros_hbm, out_hbm, *scr):
        src_v, dst_v = scr[0], scr[1]
        bufs = list(scr[2:2 + nbuf])
        acc_sh = scr[2 + nbuf]
        is0, is1 = scr[3 + nbuf], scr[4 + nbuf]
        gsems = list(scr[5 + nbuf:5 + 2 * nbuf])
        ssems = list(scr[5 + 2 * nbuf:5 + 3 * nbuf])

        cid = lax.axis_index("c")
        sid = lax.axis_index("s")
        tid = cid * NS + sid

        _zero_acc(sid, zeros_hbm, acc_sh)

        if edge_split:
            nch, cr = NCH_DEG, CR_DEG

            def src_row(t):
                return tid * nch + t

            dst_row = src_row
        else:
            nch, cr = NCH_PROP, CR_PROP

            def src_row(t):
                return tid * nch + t

            def dst_row(t):
                return sid * nch + t

        _prop_pipelined(nch, cr, src_row, dst_row, g_hbm, src_hbm, dst_hbm,
                        acc_sh, src_v, dst_v, bufs, gsems, ssems, is0, is1)
        plsc.subcore_barrier()
        _copy_out(cid, sid, out_hbm, acc_sh)

    return body


def _prop_scratch(c_width, cr, nbuf):
    return (
        [pltpu.VMEM((cr, K), jnp.int32),
         pltpu.VMEM((cr, K), jnp.int32)]
        + [pltpu.VMEM((K, c_width), jnp.float32) for _ in range(nbuf)]
        + [pltpu.VMEM_SHARED((N, c_width), jnp.float32)]
        + [pltpu.SemaphoreType.DMA for _ in range(2 + 2 * nbuf)]
    )


_prop128 = pl.kernel(
    _make_prop_body(NBUF_PROP, edge_split=False),
    out_type=jax.ShapeDtypeStruct((NC * N, HID // 2), jnp.float32),
    mesh=_mesh,
    scratch_types=_prop_scratch(HID // 2, CR_PROP, NBUF_PROP),
)


_prop_es = pl.kernel(
    _make_prop_body(NBUF, edge_split=True),
    out_type=jax.ShapeDtypeStruct((NC * N, OUT_CH), jnp.float32),
    mesh=_mesh,
    scratch_types=_prop_scratch(OUT_CH, CR_DEG, NBUF),
)


_B = 5000
_NB = N // _B
_PREC = lax.Precision.DEFAULT


def _tc1_body(dp_ref, x_ref, w_ref, g_ref, d8_ref):
    deg = jnp.sum(dp_ref[0], axis=0)[:, None] + 1.0
    d = lax.rsqrt(deg)
    h = jnp.dot(x_ref[...], w_ref[...], preferred_element_type=jnp.float32,
                precision=_PREC)
    g_ref[0] = h[:, :HID // 2] * d
    g_ref[1] = h[:, HID // 2:] * d
    d8_ref[...] = jnp.broadcast_to(d, (_B, 8))


def _tc1(degp, x, w1):
    return pl.pallas_call(
        _tc1_body,
        grid=(_NB,),
        in_specs=[
            pl.BlockSpec((1, NC * NS, _B), lambda i: (i, 0, 0)),
            pl.BlockSpec((_B, IN_CH), lambda i: (i, 0)),
            pl.BlockSpec((IN_CH, HID), lambda i: (0, 0)),
        ],
        out_specs=[
            pl.BlockSpec((2, _B, HID // 2), lambda i: (0, i, 0)),
            pl.BlockSpec((_B, 8), lambda i: (i, 0)),
        ],
        out_shape=[
            jax.ShapeDtypeStruct((2, N, HID // 2), jnp.float32),
            jax.ShapeDtypeStruct((N, 8), jnp.float32),
        ],
    )(degp, x, w1)


def _tc2_body(scat_ref, g_ref, d8_ref, b1_ref, w2_ref, out_ref):
    d = d8_ref[:, 0:1]
    h1a = jnp.maximum(d * (scat_ref[0] + g_ref[0]) + b1_ref[0:1, :], 0.0)
    h1b = jnp.maximum(d * (scat_ref[1] + g_ref[1]) + b1_ref[1:2, :], 0.0)
    res = (jnp.dot(h1a, w2_ref[0:HID // 2, :],
                   preferred_element_type=jnp.float32, precision=_PREC)
           + jnp.dot(h1b, w2_ref[HID // 2:, :],
                     preferred_element_type=jnp.float32, precision=_PREC))
    out_ref[...] = res * d


def _tc2(scat1, g1, d8, b1r, w2):
    return pl.pallas_call(
        _tc2_body,
        grid=(_NB,),
        in_specs=[
            pl.BlockSpec((2, _B, HID // 2), lambda i: (0, i, 0)),
            pl.BlockSpec((2, _B, HID // 2), lambda i: (0, i, 0)),
            pl.BlockSpec((_B, 8), lambda i: (i, 0)),
            pl.BlockSpec((2, HID // 2), lambda i: (0, 0)),
            pl.BlockSpec((HID, OUT_CH), lambda i: (0, 0)),
        ],
        out_specs=pl.BlockSpec((_B, OUT_CH), lambda i: (i, 0)),
        out_shape=jax.ShapeDtypeStruct((N, OUT_CH), jnp.float32),
    )(scat1, g1, d8, b1r, w2)


def _tc3_body(scat_ref, g_ref, d8_ref, b2_ref, z_ref):
    d = d8_ref[:, 0:1]
    z_ref[...] = d * (scat_ref[0] + scat_ref[1] + g_ref[...]) + b2_ref[0:1, :]


def _tc3(scat2, g2, d8, b2r):
    return pl.pallas_call(
        _tc3_body,
        grid=(_NB,),
        in_specs=[
            pl.BlockSpec((2, _B, OUT_CH), lambda i: (0, i, 0)),
            pl.BlockSpec((_B, OUT_CH), lambda i: (i, 0)),
            pl.BlockSpec((_B, 8), lambda i: (i, 0)),
            pl.BlockSpec((1, OUT_CH), lambda i: (0, 0)),
        ],
        out_specs=pl.BlockSpec((_B, OUT_CH), lambda i: (i, 0)),
        out_shape=jax.ShapeDtypeStruct((N, OUT_CH), jnp.float32),
    )(scat2, g2, d8, b2r)


def kernel(x, edge_index, W1, b1, W2, b2):
    src = edge_index[0].astype(jnp.int32)
    dst = edge_index[1].astype(jnp.int32)
    src_off = jnp.concatenate([src, src + N]).reshape(
        NC * NS * NCH_PROP, CR_PROP, K)
    dst_prop = dst.reshape(NS * NCH_PROP, CR_PROP, K)
    src_es = src.reshape(NC * NS * NCH_DEG, CR_DEG, K)
    dst_es = dst.reshape(NC * NS * NCH_DEG, CR_DEG, K)

    zeros_128 = jnp.zeros((CP_ROWS, HID // 2), jnp.float32)

    degp = _deg_call(dst).reshape(NC * NS, _NB, _B).transpose(1, 0, 2)

    g1, d8 = _tc1(degp, x, W1)
    scat1 = _prop128(g1.reshape(NC * N, HID // 2), src_off, dst_prop,
                     zeros_128).reshape(NC, N, HID // 2)

    g2 = _tc2(scat1, g1, d8, b1.reshape(2, HID // 2), W2)
    scat2 = _prop_es(g2, src_es, dst_es,
                     zeros_128).reshape(NC, N, OUT_CH)

    return _tc3(scat2, g2, d8, b2.reshape(1, OUT_CH))

# --- scband reference (transcript-rebuilt; emitter-appended) ---
"""Pipeline reference for scband-gae-72971494359295 (READ-ONLY COPY).

The authoritative reference and input builder live on the scoring server;
editing this copy changes nothing except your own understanding.
"""

import jax, jax.numpy as jnp
import numpy as np

N_NODES = 10000
IN_CH = 256
OUT_CH = 128
HID = 2 * OUT_CH  # 256
N_EDGES = 320000


def gcn_conv(x, edge_index, W, b, n_nodes):
    # PyG GCNConv: linear transform, add self-loops, symmetric normalization, scatter-add
    src = edge_index[0]
    dst = edge_index[1]
    loop = jnp.arange(n_nodes, dtype=src.dtype)
    src = jnp.concatenate([src, loop])
    dst = jnp.concatenate([dst, loop])
    h = x @ W
    ones = jnp.ones(src.shape[0], dtype=h.dtype)
    deg = jax.ops.segment_sum(ones, dst, num_segments=n_nodes)
    deg_inv_sqrt = jnp.where(deg > 0, 1.0 / jnp.sqrt(deg), 0.0)
    norm = deg_inv_sqrt[src] * deg_inv_sqrt[dst]
    msgs = h[src] * norm[:, None]
    out = jax.ops.segment_sum(msgs, dst, num_segments=n_nodes)
    return out + b


def setup_inputs(seed: int = 0) -> dict:
    key = jax.random.key(seed)
    k1, k2, k3, k4, k5 = jax.random.split(key, 5)
    x = jax.random.normal(k1, (N_NODES, IN_CH), dtype=jnp.float32)
    edge_index = jax.random.randint(k2, (2, N_EDGES), 0, N_NODES, dtype=jnp.int64)
    # Glorot-initialized weights, zero bias (matches GCNConv reset_parameters)
    s1 = float(np.sqrt(6.0 / (IN_CH + HID)))
    W1 = jax.random.uniform(k3, (IN_CH, HID), minval=-s1, maxval=s1, dtype=jnp.float32)
    b1 = jnp.zeros((HID,), dtype=jnp.float32)
    s2 = float(np.sqrt(6.0 / (HID + OUT_CH)))
    W2 = jax.random.uniform(k4, (HID, OUT_CH), minval=-s2, maxval=s2, dtype=jnp.float32)
    b2 = jnp.zeros((OUT_CH,), dtype=jnp.float32)
    return {"x": x, "edge_index": edge_index, "W1": W1, "b1": b1, "W2": W2, "b2": b2}


def reference(x, edge_index, W1, b1, W2, b2):
    # GAE.forward -> encode -> Encoder.forward: conv2(relu(conv1(x, ei)), ei)
    h = gcn_conv(x, edge_index, W1, b1, N_NODES)
    h = jax.nn.relu(h)
    z = gcn_conv(h, edge_index, W2, b2, N_NODES)
    return z

if __name__ == "__main__":
    import jax
    _d = setup_inputs()
    print(jax.jit(kernel)(*tuple(_d.values())))

</pallas_src>

<mosaic_0001>
#map = affine_map<(d0, d1) -> (0, 0)>
#map1 = affine_map<(d0, d1) -> (0, 0, 0)>
module attributes {stable_mosaic.version = 14 : i64} {
  func.func @body(%arg0: i32, %arg1: i32, %arg2: memref<10000x128xf32, #tpu.memory_space<hbm>>, %arg3: memref<160x25x80xi32, #tpu.memory_space<hbm>>, %arg4: memref<160x25x80xi32, #tpu.memory_space<hbm>>, %arg5: memref<1000x128xf32, #tpu.memory_space<hbm>>, %arg6: memref<20000x128xf32, #tpu.memory_space<hbm>>, %arg7: memref<25x80xi32, #tpu.memory_space<vmem>>, %arg8: memref<25x80xi32, #tpu.memory_space<vmem>>, %arg9: memref<80x128xf32, #tpu.memory_space<vmem>>, %arg10: memref<80x128xf32, #tpu.memory_space<vmem>>, %arg11: memref<80x128xf32, #tpu.memory_space<vmem>>, %arg12: memref<80x128xf32, #tpu.memory_space<vmem>>, %arg13: memref<10000x128xf32, #tpu.memory_space<vmem_shared>>, %arg14: memref<!tpu.dma_semaphore, #tpu.memory_space<semaphore_mem>>, %arg15: memref<!tpu.dma_semaphore, #tpu.memory_space<semaphore_mem>>, %arg16: memref<!tpu.dma_semaphore, #tpu.memory_space<semaphore_mem>>, %arg17: memref<!tpu.dma_semaphore, #tpu.memory_space<semaphore_mem>>, %arg18: memref<!tpu.dma_semaphore, #tpu.memory_space<semaphore_mem>>, %arg19: memref<!tpu.dma_semaphore, #tpu.memory_space<semaphore_mem>>, %arg20: memref<!tpu.dma_semaphore, #tpu.memory_space<semaphore_mem>>, %arg21: memref<!tpu.dma_semaphore, #tpu.memory_space<semaphore_mem>>, %arg22: memref<!tpu.dma_semaphore, #tpu.memory_space<semaphore_mem>>, %arg23: memref<!tpu.dma_semaphore, #tpu.memory_space<semaphore_mem>>) attributes {dimension_semantics = [#tpu.dimension_semantics<core_parallel>, #tpu.dimension_semantics<subcore_parallel>], iteration_bounds = array<i64: 2, 16>, scalar_prefetch = 0 : i64, scratch_operands = 17 : i64, tpu.core_type = #tpu.core_type<sc_vector_subcore>, window_params = [{transform_indices = #map}, {transform_indices = #map1}, {transform_indices = #map1}, {transform_indices = #map}, {transform_indices = #map}]} {
    %mul3A = arith.constant 16 : i32
    %mul3A_0 = arith.muli %arg0, %mul3A : i32
    %add3A = arith.addi %mul3A_0, %arg1 : i32
    %lt3A = arith.constant 10 : i32
    %lt3A_1 = arith.cmpi slt, %arg1, %lt3A : i32
    %convert_element_type3A = arith.extui %lt3A_1 : i1 to i32
    %cond3A = arith.constant 0 : i32
    %cond3A_2 = arith.cmpi ne, %convert_element_type3A, %cond3A : i32
    scf.if %cond3A_2 {
      %mul3A_96 = arith.constant 1000 : i32
      %mul3A_97 = arith.muli %arg1, %mul3A_96 : i32
      "tpu.region"() ({
        %run_scoped3A = tpu.sem_alloc : memref<!tpu.dma_semaphore, #tpu.memory_space<semaphore_mem>>
        %dma_start3A_98 = arith.constant 0 : i32
        %dma_start3A_99 = tpu.memref_slice %arg13[%mul3A_97, %dma_start3A_98] : memref<10000x128xf32, #tpu.memory_space<vmem_shared>> -> memref<1000x128xf32, #tpu.memory_space<vmem_shared>>
        tpu.enqueue_dma source(%arg5 : memref<1000x128xf32, #tpu.memory_space<hbm>>) target(%dma_start3A_99 : memref<1000x128xf32, #tpu.memory_space<vmem_shared>>) target_semaphore(%run_scoped3A : memref<!tpu.dma_semaphore, #tpu.memory_space<semaphore_mem>>)
        %dma_wait3A_100 = arith.constant 0 : i32
        %dma_wait3A_101 = tpu.memref_slice %arg13[%mul3A_97, %dma_wait3A_100] : memref<10000x128xf32, #tpu.memory_space<vmem_shared>> -> memref<1000x128xf32, #tpu.memory_space<vmem_shared>>
        tpu.wait_dma2 semaphore(%run_scoped3A : memref<!tpu.dma_semaphore, #tpu.memory_space<semaphore_mem>>) src(%arg5 : memref<1000x128xf32, #tpu.memory_space<hbm>>) dst(%dma_wait3A_101 : memref<1000x128xf32, #tpu.memory_space<vmem_shared>>)
        tpu.yield
      }) : () -> ()
    } else {
    }
    %mul3A_3 = arith.constant 5 : i32
    %mul3A_4 = arith.muli %add3A, %mul3A_3 : i32
    %add3A_5 = arith.constant 0 : i32
    %add3A_6 = arith.addi %mul3A_4, %add3A_5 : i32
    "tpu.region"() ({
      %run_scoped3A = tpu.sem_alloc : memref<!tpu.dma_semaphore, #tpu.memory_space<semaphore_mem>>
      %dma_start3A_96 = arith.constant 0 : i32
      %dma_start3A_97 = arith.constant 0 : i32
      %dma_start3A_98 = tpu.memref_slice %arg3[%add3A_6, %dma_start3A_96, %dma_start3A_97] : memref<160x25x80xi32, #tpu.memory_space<hbm>> -> memref<1x25x80xi32, #tpu.memory_space<hbm>>
      %dma_start3A_99 = tpu.memref_squeeze %dma_start3A_98 : memref<1x25x80xi32, #tpu.memory_space<hbm>> -> memref<25x80xi32, #tpu.memory_space<hbm>>
      %dma_start3A_100 = arith.constant 0 : i32
      %dma_start3A_101 = arith.constant 0 : i32
      %dma_start3A_102 = tpu.memref_slice %arg3[%add3A_6, %dma_start3A_100, %dma_start3A_101] : memref<160x25x80xi32, #tpu.memory_space<hbm>> -> memref<1x25x80xi32, #tpu.memory_space<hbm>>
      %dma_start3A_103 = tpu.memref_squeeze %dma_start3A_102 : memref<1x25x80xi32, #tpu.memory_space<hbm>> -> memref<25x80xi32, #tpu.memory_space<hbm>>
      tpu.enqueue_dma source(%dma_start3A_103 : memref<25x80xi32, #tpu.memory_space<hbm>>) target(%arg7 : memref<25x80xi32, #tpu.memory_space<vmem>>) target_semaphore(%run_scoped3A : memref<!tpu.dma_semaphore, #tpu.memory_space<semaphore_mem>>)
      %dma_wait3A_104 = arith.constant 0 : i32
      %dma_wait3A_105 = arith.constant 0 : i32
      %dma_wait3A_106 = tpu.memref_slice %arg3[%add3A_6, %dma_wait3A_104, %dma_wait3A_105] : memref<160x25x80xi32, #tpu.memory_space<hbm>> -> memref<1x25x80xi32, #tpu.memory_space<hbm>>
      %dma_wait3A_107 = tpu.memref_squeeze %dma_wait3A_106 : memref<1x25x80xi32, #tpu.memory_space<hbm>> -> memref<25x80xi32, #tpu.memory_space<hbm>>
      %dma_wait3A_108 = arith.constant 0 : i32
      %dma_wait3A_109 = arith.constant 0 : i32
      %dma_wait3A_110 = tpu.memref_slice %arg3[%add3A_6, %dma_wait3A_108, %dma_wait3A_109] : memref<160x25x80xi32, #tpu.memory_space<hbm>> -> memref<1x25x80xi32, #tpu.memory_space<hbm>>
      %dma_wait3A_111 = tpu.memref_squeeze %dma_wait3A_110 : memref<1x25x80xi32, #tpu.memory_space<hbm>> -> memref<25x80xi32, #tpu.memory_space<hbm>>
      tpu.wait_dma2 semaphore(%run_scoped3A : memref<!tpu.dma_semaphore, #tpu.memory_space<semaphore_mem>>) src(%dma_wait3A_111 : memref<25x80xi32, #tpu.memory_space<hbm>>) dst(%arg7 : memref<25x80xi32, #tpu.memory_space<vmem>>)
      tpu.yield
    }) : () -> ()
    %mul3A_7 = arith.constant 5 : i32
    %mul3A_8 = arith.muli %add3A, %mul3A_7 : i32
    %add3A_9 = arith.constant 0 : i32
    %add3A_10 = arith.addi %mul3A_8, %add3A_9 : i32
    "tpu.region"() ({
      %run_scoped3A = tpu.sem_alloc : memref<!tpu.dma_semaphore, #tpu.memory_space<semaphore_mem>>
      %dma_start3A_96 = arith.constant 0 : i32
      %dma_start3A_97 = arith.constant 0 : i32
      %dma_start3A_98 = tpu.memref_slice %arg4[%add3A_10, %dma_start3A_96, %dma_start3A_97] : memref<160x25x80xi32, #tpu.memory_space<hbm>> -> memref<1x25x80xi32, #tpu.memory_space<hbm>>
      %dma_start3A_99 = tpu.memref_squeeze %dma_start3A_98 : memref<1x25x80xi32, #tpu.memory_space<hbm>> -> memref<25x80xi32, #tpu.memory_space<hbm>>
      %dma_start3A_100 = arith.constant 0 : i32
      %dma_start3A_101 = arith.constant 0 : i32
      %dma_start3A_102 = tpu.memref_slice %arg4[%add3A_10, %dma_start3A_100, %dma_start3A_101] : memref<160x25x80xi32, #tpu.memory_space<hbm>> -> memref<1x25x80xi32, #tpu.memory_space<hbm>>
      %dma_start3A_103 = tpu.memref_squeeze %dma_start3A_102 : memref<1x25x80xi32, #tpu.memory_space<hbm>> -> memref<25x80xi32, #tpu.memory_space<hbm>>
      tpu.enqueue_dma source(%dma_start3A_103 : memref<25x80xi32, #tpu.memory_space<hbm>>) target(%arg8 : memref<25x80xi32, #tpu.memory_space<vmem>>) target_semaphore(%run_scoped3A : memref<!tpu.dma_semaphore, #tpu.memory_space<semaphore_mem>>)
      %dma_wait3A_104 = arith.constant 0 : i32
      %dma_wait3A_105 = arith.constant 0 : i32
      %dma_wait3A_106 = tpu.memref_slice %arg4[%add3A_10, %dma_wait3A_104, %dma_wait3A_105] : memref<160x25x80xi32, #tpu.memory_space<hbm>> -> memref<1x25x80xi32, #tpu.memory_space<hbm>>
      %dma_wait3A_107 = tpu.memref_squeeze %dma_wait3A_106 : memref<1x25x80xi32, #tpu.memory_space<hbm>> -> memref<25x80xi32, #tpu.memory_space<hbm>>
      %dma_wait3A_108 = arith.constant 0 : i32
      %dma_wait3A_109 = arith.constant 0 : i32
      %dma_wait3A_110 = tpu.memref_slice %arg4[%add3A_10, %dma_wait3A_108, %dma_wait3A_109] : memref<160x25x80xi32, #tpu.memory_space<hbm>> -> memref<1x25x80xi32, #tpu.memory_space<hbm>>
      %dma_wait3A_111 = tpu.memref_squeeze %dma_wait3A_110 : memref<1x25x80xi32, #tpu.memory_space<hbm>> -> memref<25x80xi32, #tpu.memory_space<hbm>>
      tpu.wait_dma2 semaphore(%run_scoped3A : memref<!tpu.dma_semaphore, #tpu.memory_space<semaphore_mem>>) src(%dma_wait3A_111 : memref<25x80xi32, #tpu.memory_space<hbm>>) dst(%arg8 : memref<25x80xi32, #tpu.memory_space<vmem>>)
      tpu.yield
    }) : () -> ()
    %dma_start3A = arith.constant 0 : i32
    %dma_start3A_11 = arith.constant 0 : i32
    %dma_start3A_12 = tpu.memref_slice %arg7[%dma_start3A, %dma_start3A_11] : memref<25x80xi32, #tpu.memory_space<vmem>> -> memref<1x80xi32, #tpu.memory_space<vmem>>
    %dma_start3A_13 = tpu.memref_squeeze %dma_start3A_12 : memref<1x80xi32, #tpu.memory_space<vmem>> -> memref<80xi32, #tpu.memory_space<vmem>>
    %dma_start3A_14 = arith.constant 0 : i32
    %dma_start3A_15 = arith.constant 0 : i32
    %dma_start3A_16 = tpu.memref_slice %arg2[%dma_start3A_14, %dma_start3A_15] : memref<10000x128xf32, #tpu.memory_space<hbm>> -> memref<10000x128xf32, #tpu.memory_space<hbm>>
    tpu.enqueue_indirect_dma source(%dma_start3A_16 : memref<10000x128xf32, #tpu.memory_space<hbm>>) target(%arg9 : memref<80x128xf32, #tpu.memory_space<vmem>>) offsets(%dma_start3A_13 : memref<80xi32, #tpu.memory_space<vmem>>) semaphore(%arg16 : memref<!tpu.dma_semaphore, #tpu.memory_space<semaphore_mem>>)
    %dma_start3A_17 = arith.constant 1 : i32
    %dma_start3A_18 = arith.constant 0 : i32
    %dma_start3A_19 = tpu.memref_slice %arg7[%dma_start3A_17, %dma_start3A_18] : memref<25x80xi32, #tpu.memory_space<vmem>> -> memref<1x80xi32, #tpu.memory_space<vmem>>
    %dma_start3A_20 = tpu.memref_squeeze %dma_start3A_19 : memref<1x80xi32, #tpu.memory_space<vmem>> -> memref<80xi32, #tpu.memory_space<vmem>>
    %dma_start3A_21 = arith.constant 0 : i32
    %dma_start3A_22 = arith.constant 0 : i32
    %dma_start3A_23 = tpu.memref_slice %arg2[%dma_start3A_21, %dma_start3A_22] : memref<10000x128xf32, #tpu.memory_space<hbm>> -> memref<10000x128xf32, #tpu.memory_space<hbm>>
    tpu.enqueue_indirect_dma source(%dma_start3A_23 : memref<10000x128xf32, #tpu.memory_space<hbm>>) target(%arg10 : memref<80x128xf32, #tpu.memory_space<vmem>>) offsets(%dma_start3A_20 : memref<80xi32, #tpu.memory_space<vmem>>) semaphore(%arg17 : memref<!tpu.dma_semaphore, #tpu.memory_space<semaphore_mem>>)
    %dma_start3A_24 = arith.constant 2 : i32
    %dma_start3A_25 = arith.constant 0 : i32
    %dma_start3A_26 = tpu.memref_slice %arg7[%dma_start3A_24, %dma_start3A_25] : memref<25x80xi32, #tpu.memory_space<vmem>> -> memref<1x80xi32, #tpu.memory_space<vmem>>
    %dma_start3A_27 = tpu.memref_squeeze %dma_start3A_26 : memref<1x80xi32, #tpu.memory_space<vmem>> -> memref<80xi32, #tpu.memory_space<vmem>>
    %dma_start3A_28 = arith.constant 0 : i32
    %dma_start3A_29 = arith.constant 0 : i32
    %dma_start3A_30 = tpu.memref_slice %arg2[%dma_start3A_28, %dma_start3A_29] : memref<10000x128xf32, #tpu.memory_space<hbm>> -> memref<10000x128xf32, #tpu.memory_space<hbm>>
    tpu.enqueue_indirect_dma source(%dma_start3A_30 : memref<10000x128xf32, #tpu.memory_space<hbm>>) target(%arg11 : memref<80x128xf32, #tpu.memory_space<vmem>>) offsets(%dma_start3A_27 : memref<80xi32, #tpu.memory_space<vmem>>) semaphore(%arg18 : memref<!tpu.dma_semaphore, #tpu.memory_space<semaphore_mem>>)
    %dma_start3A_31 = arith.constant 3 : i32
    %dma_start3A_32 = arith.constant 0 : i32
    %dma_start3A_33 = tpu.memref_slice %arg7[%dma_start3A_31, %dma_start3A_32] : memref<25x80xi32, #tpu.memory_space<vmem>> -> memref<1x80xi32, #tpu.memory_space<vmem>>
    %dma_start3A_34 = tpu.memref_squeeze %dma_start3A_33 : memref<1x80xi32, #tpu.memory_space<vmem>> -> memref<80xi32, #tpu.memory_space<vmem>>
    %dma_start3A_35 = arith.constant 0 : i32
    %dma_start3A_36 = arith.constant 0 : i32
    %dma_start3A_37 = tpu.memref_slice %arg2[%dma_start3A_35, %dma_start3A_36] : memref<10000x128xf32, #tpu.memory_space<hbm>> -> memref<10000x128xf32, #tpu.memory_space<hbm>>
    tpu.enqueue_indirect_dma source(%dma_start3A_37 : memref<10000x128xf32, #tpu.memory_space<hbm>>) target(%arg12 : memref<80x128xf32, #tpu.memory_space<vmem>>) offsets(%dma_start3A_34 : memref<80xi32, #tpu.memory_space<vmem>>) semaphore(%arg19 : memref<!tpu.dma_semaphore, #tpu.memory_space<semaphore_mem>>)
    %barrier3A = arith.constant 0 : index
    tpu.barrier barrier_id(%barrier3A)
    %scan3A = arith.constant 0 : i32
    %scan3A_38 = arith.constant 0 : i32
    %scan3A_39 = arith.constant 6 : i32
    %scan3A_40 = arith.addi %scan3A_38, %scan3A_39 : i32
    %scan3A_41 = arith.constant 1 : i32
    scf.for %scan3A_96 = %scan3A_38 to %scan3A_40 step %scan3A_41  : i32 {
      %mul3A_97 = arith.constant 4 : i32
      %mul3A_98 = arith.muli %scan3A_96, %mul3A_97 : i32
      %add3A_99 = arith.constant 0 : i32
      %add3A_100 = arith.addi %mul3A_98, %add3A_99 : i32
      %dma_wait3A_101 = arith.constant 0 : i32
      %dma_wait3A_102 = tpu.memref_slice %arg7[%add3A_100, %dma_wait3A_101] : memref<25x80xi32, #tpu.memory_space<vmem>> -> memref<1x80xi32, #tpu.memory_space<vmem>>
      %dma_wait3A_103 = tpu.memref_squeeze %dma_wait3A_102 : memref<1x80xi32, #tpu.memory_space<vmem>> -> memref<80xi32, #tpu.memory_space<vmem>>
      %dma_wait3A_104 = arith.constant 0 : i32
      %dma_wait3A_105 = arith.constant 0 : i32
      %dma_wait3A_106 = tpu.memref_slice %arg2[%dma_wait3A_104, %dma_wait3A_105] : memref<10000x128xf32, #tpu.memory_space<hbm>> -> memref<10000x128xf32, #tpu.memory_space<hbm>>
      tpu.wait_indirect_dma semaphore(%arg16 : memref<!tpu.dma_semaphore, #tpu.memory_space<semaphore_mem>>) src(%dma_wait3A_106 : memref<10000x128xf32, #tpu.memory_space<hbm>>) dst(%arg9 : memref<80x128xf32, #tpu.memory_space<vmem>>)
      %dma_start3A_107 = arith.constant 0 : i32
      %dma_start3A_108 = tpu.memref_slice %arg8[%add3A_100, %dma_start3A_107] : memref<25x80xi32, #tpu.memory_space<vmem>> -> memref<1x80xi32, #tpu.memory_space<vmem>>
      %dma_start3A_109 = tpu.memref_squeeze %dma_start3A_108 : memref<1x80xi32, #tpu.memory_space<vmem>> -> memref<80xi32, #tpu.memory_space<vmem>>
      %dma_start3A_110 = arith.constant 0 : i32
      %dma_start3A_111 = arith.constant 0 : i32
      %dma_start3A_112 = tpu.memref_slice %arg13[%dma_start3A_110, %dma_start3A_111] : memref<10000x128xf32, #tpu.memory_space<vmem_shared>> -> memref<10000x128xf32, #tpu.memory_space<vmem_shared>>
      tpu.enqueue_indirect_dma source(%arg9 : memref<80x128xf32, #tpu.memory_space<vmem>>) target(%dma_start3A_112 : memref<10000x128xf32, #tpu.memory_space<vmem_shared>>) offsets(%dma_start3A_109 : memref<80xi32, #tpu.memory_space<vmem>>) semaphore(%arg20 : memref<!tpu.dma_semaphore, #tpu.memory_space<semaphore_mem>>) {add = true}
      %add3A_113 = arith.constant 1 : i32
      %add3A_114 = arith.addi %mul3A_98, %add3A_113 : i32
      %dma_wait3A_115 = arith.constant 0 : i32
      %dma_wait3A_116 = tpu.memref_slice %arg7[%add3A_114, %dma_wait3A_115] : memref<25x80xi32, #tpu.memory_space<vmem>> -> memref<1x80xi32, #tpu.memory_space<vmem>>
      %dma_wait3A_117 = tpu.memref_squeeze %dma_wait3A_116 : memref<1x80xi32, #tpu.memory_space<vmem>> -> memref<80xi32, #tpu.memory_space<vmem>>
      %dma_wait3A_118 = arith.constant 0 : i32
      %dma_wait3A_119 = arith.constant 0 : i32
      %dma_wait3A_120 = tpu.memref_slice %arg2[%dma_wait3A_118, %dma_wait3A_119] : memref<10000x128xf32, #tpu.memory_space<hbm>> -> memref<10000x128xf32, #tpu.memory_space<hbm>>
      tpu.wait_indirect_dma semaphore(%arg17 : memref<!tpu.dma_semaphore, #tpu.memory_space<semaphore_mem>>) src(%dma_wait3A_120 : memref<10000x128xf32, #tpu.memory_space<hbm>>) dst(%arg10 : memref<80x128xf32, #tpu.memory_space<vmem>>)
      %dma_start3A_121 = arith.constant 0 : i32
      %dma_start3A_122 = tpu.memref_slice %arg8[%add3A_114, %dma_start3A_121] : memref<25x80xi32, #tpu.memory_space<vmem>> -> memref<1x80xi32, #tpu.memory_space<vmem>>
      %dma_start3A_123 = tpu.memref_squeeze %dma_start3A_122 : memref<1x80xi32, #tpu.memory_space<vmem>> -> memref<80xi32, #tpu.memory_space<vmem>>
      %dma_start3A_124 = arith.constant 0 : i32
      %dma_start3A_125 = arith.constant 0 : i32
      %dma_start3A_126 = tpu.memref_slice %arg13[%dma_start3A_124, %dma_start3A_125] : memref<10000x128xf32, #tpu.memory_space<vmem_shared>> -> memref<10000x128xf32, #tpu.memory_space<vmem_shared>>
      tpu.enqueue_indirect_dma source(%arg10 : memref<80x128xf32, #tpu.memory_space<vmem>>) target(%dma_start3A_126 : memref<10000x128xf32, #tpu.memory_space<vmem_shared>>) offsets(%dma_start3A_123 : memref<80xi32, #tpu.memory_space<vmem>>) semaphore(%arg21 : memref<!tpu.dma_semaphore, #tpu.memory_space<semaphore_mem>>) {add = true}
      %add3A_127 = arith.constant 2 : i32
      %add3A_128 = arith.addi %mul3A_98, %add3A_127 : i32
      %dma_wait3A_129 = arith.constant 0 : i32
      %dma_wait3A_130 = tpu.memref_slice %arg7[%add3A_128, %dma_wait3A_129] : memref<25x80xi32, #tpu.memory_space<vmem>> -> memref<1x80xi32, #tpu.memory_space<vmem>>
      %dma_wait3A_131 = tpu.memref_squeeze %dma_wait3A_130 : memref<1x80xi32, #tpu.memory_space<vmem>> -> memref<80xi32, #tpu.memory_space<vmem>>
      %dma_wait3A_132 = arith.constant 0 : i32
      %dma_wait3A_133 = arith.constant 0 : i32
      %dma_wait3A_134 = tpu.memref_slice %arg2[%dma_wait3A_132, %dma_wait3A_133] : memref<10000x128xf32, #tpu.memory_space<hbm>> -> memref<10000x128xf32, #tpu.memory_space<hbm>>
      tpu.wait_indirect_dma semaphore(%arg18 : memref<!tpu.dma_semaphore, #tpu.memory_space<semaphore_mem>>) src(%dma_wait3A_134 : memref<10000x128xf32, #tpu.memory_space<hbm>>) dst(%arg11 : memref<80x128xf32, #tpu.memory_space<vmem>>)
      %dma_start3A_135 = arith.constant 0 : i32
      %dma_start3A_136 = tpu.memref_slice %arg8[%add3A_128, %dma_start3A_135] : memref<25x80xi32, #tpu.memory_space<vmem>> -> memref<1x80xi32, #tpu.memory_space<vmem>>
      %dma_start3A_137 = tpu.memref_squeeze %dma_start3A_136 : memref<1x80xi32, #tpu.memory_space<vmem>> -> memref<80xi32, #tpu.memory_space<vmem>>
      %dma_start3A_138 = arith.constant 0 : i32
      %dma_start3A_139 = arith.constant 0 : i32
      %dma_start3A_140 = tpu.memref_slice %arg13[%dma_start3A_138, %dma_start3A_139] : memref<10000x128xf32, #tpu.memory_space<vmem_shared>> -> memref<10000x128xf32, #tpu.memory_space<vmem_shared>>
      tpu.enqueue_indirect_dma source(%arg11 : memref<80x128xf32, #tpu.memory_space<vmem>>) target(%dma_start3A_140 : memref<10000x128xf32, #tpu.memory_space<vmem_shared>>) offsets(%dma_start3A_137 : memref<80xi32, #tpu.memory_space<vmem>>) semaphore(%arg22 : memref<!tpu.dma_semaphore, #tpu.memory_space<semaphore_mem>>) {add = true}
      %add3A_141 = arith.constant 3 : i32
      %add3A_142 = arith.addi %mul3A_98, %add3A_141 : i32
      %dma_wait3A_143 = arith.constant 0 : i32
      %dma_wait3A_144 = tpu.memref_slice %arg7[%add3A_142, %dma_wait3A_143] : memref<25x80xi32, #tpu.memory_space<vmem>> -> memref<1x80xi32, #tpu.memory_space<vmem>>
      %dma_wait3A_145 = tpu.memref_squeeze %dma_wait3A_144 : memref<1x80xi32, #tpu.memory_space<vmem>> -> memref<80xi32, #tpu.memory_space<vmem>>
      %dma_wait3A_146 = arith.constant 0 : i32
      %dma_wait3A_147 = arith.constant 0 : i32
      %dma_wait3A_148 = tpu.memref_slice %arg2[%dma_wait3A_146, %dma_wait3A_147] : memref<10000x128xf32, #tpu.memory_space<hbm>> -> memref<10000x128xf32, #tpu.memory_space<hbm>>
      tpu.wait_indirect_dma semaphore(%arg19 : memref<!tpu.dma_semaphore, #tpu.memory_space<semaphore_mem>>) src(%dma_wait3A_148 : memref<10000x128xf32, #tpu.memory_space<hbm>>) dst(%arg12 : memref<80x128xf32, #tpu.memory_space<vmem>>)
      %dma_start3A_149 = arith.constant 0 : i32
      %dma_start3A_150 = tpu.memref_slice %arg8[%add3A_142, %dma_start3A_149] : memref<25x80xi32, #tpu.memory_space<vmem>> -> memref<1x80xi32, #tpu.memory_space<vmem>>
      %dma_start3A_151 = tpu.memref_squeeze %dma_start3A_150 : memref<1x80xi32, #tpu.memory_space<vmem>> -> memref<80xi32, #tpu.memory_space<vmem>>
      %dma_start3A_152 = arith.constant 0 : i32
      %dma_start3A_153 = arith.constant 0 : i32
      %dma_start3A_154 = tpu.memref_slice %arg13[%dma_start3A_152, %dma_start3A_153] : memref<10000x128xf32, #tpu.memory_space<vmem_shared>> -> memref<10000x128xf32, #tpu.memory_space<vmem_shared>>
      tpu.enqueue_indirect_dma source(%arg12 : memref<80x128xf32, #tpu.memory_space<vmem>>) target(%dma_start3A_154 : memref<10000x128xf32, #tpu.memory_space<vmem_shared>>) offsets(%dma_start3A_151 : memref<80xi32, #tpu.memory_space<vmem>>) semaphore(%arg23 : memref<!tpu.dma_semaphore, #tpu.memory_space<semaphore_mem>>) {add = true}
      %add3A_155 = arith.constant 0 : i32
      %add3A_156 = arith.addi %mul3A_98, %add3A_155 : i32
      %add3A_157 = arith.constant 4 : i32
      %add3A_158 = arith.addi %add3A_156, %add3A_157 : i32
      %lt3A_159 = arith.constant 25 : i32
      %lt3A_160 = arith.cmpi slt, %add3A_158, %lt3A_159 : i32
      %convert_element_type3A_161 = arith.extui %lt3A_160 : i1 to i32
      %cond3A_162 = arith.constant 0 : i32
      %cond3A_163 = arith.cmpi ne, %convert_element_type3A_161, %cond3A_162 : i32
      scf.if %cond3A_163 {
        %dma_wait3A_191 = arith.constant 0 : i32
        %dma_wait3A_192 = arith.constant 0 : i32
        %dma_wait3A_193 = tpu.memref_slice %arg8[%dma_wait3A_191, %dma_wait3A_192] : memref<25x80xi32, #tpu.memory_space<vmem>> -> memref<1x80xi32, #tpu.memory_space<vmem>>
        %dma_wait3A_194 = tpu.memref_squeeze %dma_wait3A_193 : memref<1x80xi32, #tpu.memory_space<vmem>> -> memref<80xi32, #tpu.memory_space<vmem>>
        %dma_wait3A_195 = arith.constant 0 : i32
        %dma_wait3A_196 = arith.constant 0 : i32
        %dma_wait3A_197 = tpu.memref_slice %arg13[%dma_wait3A_195, %dma_wait3A_196] : memref<10000x128xf32, #tpu.memory_space<vmem_shared>> -> memref<10000x128xf32, #tpu.memory_space<vmem_shared>>
        tpu.wait_indirect_dma semaphore(%arg20 : memref<!tpu.dma_semaphore, #tpu.memory_space<semaphore_mem>>) src(%arg9 : memref<80x128xf32, #tpu.memory_space<vmem>>) dst(%dma_wait3A_197 : memref<10000x128xf32, #tpu.memory_space<vmem_shared>>)
        %dma_start3A_198 = arith.constant 0 : i32
        %dma_start3A_199 = tpu.memref_slice %arg7[%add3A_158, %dma_start3A_198] : memref<25x80xi32, #tpu.memory_space<vmem>> -> memref<1x80xi32, #tpu.memory_space<vmem>>
        %dma_start3A_200 = tpu.memref_squeeze %dma_start3A_199 : memref<1x80xi32, #tpu.memory_space<vmem>> -> memref<80xi32, #tpu.memory_space<vmem>>
        %dma_start3A_201 = arith.constant 0 : i32
        %dma_start3A_202 = arith.constant 0 : i32
        %dma_start3A_203 = tpu.memref_slice %arg2[%dma_start3A_201, %dma_start3A_202] : memref<10000x128xf32, #tpu.memory_space<hbm>> -> memref<10000x128xf32, #tpu.memory_space<hbm>>
        tpu.enqueue_indirect_dma source(%dma_start3A_203 : memref<10000x128xf32, #tpu.memory_space<hbm>>) target(%arg9 : memref<80x128xf32, #tpu.memory_space<vmem>>) offsets(%dma_start3A_200 : memref<80xi32, #tpu.memory_space<vmem>>) semaphore(%arg16 : memref<!tpu.dma_semaphore, #tpu.memory_space<semaphore_mem>>)
      } else {
      }
      %add3A_164 = arith.constant 1 : i32
      %add3A_165 = arith.addi %mul3A_98, %add3A_164 : i32
      %add3A_166 = arith.constant 4 : i32
      %add3A_167 = arith.addi %add3A_165, %add3A_166 : i32
      %lt3A_168 = arith.constant 25 : i32
      %lt3A_169 = arith.cmpi slt, %add3A_167, %lt3A_168 : i32
      %convert_element_type3A_170 = arith.extui %lt3A_169 : i1 to i32
      %cond3A_171 = arith.constant 0 : i32
      %cond3A_172 = arith.cmpi ne, %convert_element_type3A_170, %cond3A_171 : i32
      scf.if %cond3A_172 {
        %dma_wait3A_191 = arith.constant 0 : i32
        %dma_wait3A_192 = arith.constant 0 : i32
        %dma_wait3A_193 = tpu.memref_slice %arg8[%dma_wait3A_191, %dma_wait3A_192] : memref<25x80xi32, #tpu.memory_space<vmem>> -> memref<1x80xi32, #tpu.memory_space<vmem>>
        %dma_wait3A_194 = tpu.memref_squeeze %dma_wait3A_193 : memref<1x80xi32, #tpu.memory_space<vmem>> -> memref<80xi32, #tpu.memory_space<vmem>>
        %dma_wait3A_195 = arith.constant 0 : i32
        %dma_wait3A_196 = arith.constant 0 : i32
        %dma_wait3A_197 = tpu.memref_slice %arg13[%dma_wait3A_195, %dma_wait3A_196] : memref<10000x128xf32, #tpu.memory_space<vmem_shared>> -> memref<10000x128xf32, #tpu.memory_space<vmem_shared>>
        tpu.wait_indirect_dma semaphore(%arg21 : memref<!tpu.dma_semaphore, #tpu.memory_space<semaphore_mem>>) src(%arg10 : memref<80x128xf32, #tpu.memory_space<vmem>>) dst(%dma_wait3A_197 : memref<10000x128xf32, #tpu.memory_space<vmem_shared>>)
        %dma_start3A_198 = arith.constant 0 : i32
        %dma_start3A_199 = tpu.memref_slice %arg7[%add3A_167, %dma_start3A_198] : memref<25x80xi32, #tpu.memory_space<vmem>> -> memref<1x80xi32, #tpu.memory_space<vmem>>
        %dma_start3A_200 = tpu.memref_squeeze %dma_start3A_199 : memref<1x80xi32, #tpu.memory_space<vmem>> -> memref<80xi32, #tpu.memory_space<vmem>>
        %dma_start3A_201 = arith.constant 0 : i32
        %dma_start3A_202 = arith.constant 0 : i32
        %dma_start3A_203 = tpu.memref_slice %arg2[%dma_start3A_201, %dma_start3A_202] : memref<10000x128xf32, #tpu.memory_space<hbm>> -> memref<10000x128xf32, #tpu.memory_space<hbm>>
        tpu.enqueue_indirect_dma source(%dma_start3A_203 : memref<10000x128xf32, #tpu.memory_space<hbm>>) target(%arg10 : memref<80x128xf32, #tpu.memory_space<vmem>>) offsets(%dma_start3A_200 : memref<80xi32, #tpu.memory_space<vmem>>) semaphore(%arg17 : memref<!tpu.dma_semaphore, #tpu.memory_space<semaphore_mem>>)
      } else {
      }
      %add3A_173 = arith.constant 2 : i32
      %add3A_174 = arith.addi %mul3A_98, %add3A_173 : i32
      %add3A_175 = arith.constant 4 : i32
      %add3A_176 = arith.addi %add3A_174, %add3A_175 : i32
      %lt3A_177 = arith.constant 25 : i32
      %lt3A_178 = arith.cmpi slt, %add3A_176, %lt3A_177 : i32
      %convert_element_type3A_179 = arith.extui %lt3A_178 : i1 to i32
      %cond3A_180 = arith.constant 0 : i32
      %cond3A_181 = arith.cmpi ne, %convert_element_type3A_179, %cond3A_180 : i32
      scf.if %cond3A_181 {
        %dma_wait3A_191 = arith.constant 0 : i32
        %dma_wait3A_192 = arith.constant 0 : i32
        %dma_wait3A_193 = tpu.memref_slice %arg8[%dma_wait3A_191, %dma_wait3A_192] : memref<25x80xi32, #tpu.memory_space<vmem>> -> memref<1x80xi32, #tpu.memory_space<vmem>>
        %dma_wait3A_194 = tpu.memref_squeeze %dma_wait3A_193 : memref<1x80xi32, #tpu.memory_space<vmem>> -> memref<80xi32, #tpu.memory_space<vmem>>
        %dma_wait3A_195 = arith.constant 0 : i32
        %dma_wait3A_196 = arith.constant 0 : i32
        %dma_wait3A_197 = tpu.memref_slice %arg13[%dma_wait3A_195, %dma_wait3A_196] : memref<10000x128xf32, #tpu.memory_space<vmem_shared>> -> memref<10000x128xf32, #tpu.memory_space<vmem_shared>>
        tpu.wait_indirect_dma semaphore(%arg22 : memref<!tpu.dma_semaphore, #tpu.memory_space<semaphore_mem>>) src(%arg11 : memref<80x128xf32, #tpu.memory_space<vmem>>) dst(%dma_wait3A_197 : memref<10000x128xf32, #tpu.memory_space<vmem_shared>>)
        %dma_start3A_198 = arith.constant 0 : i32
        %dma_start3A_199 = tpu.memref_slice %arg7[%add3A_176, %dma_start3A_198] : memref<25x80xi32, #tpu.memory_space<vmem>> -> memref<1x80xi32, #tpu.memory_space<vmem>>
        %dma_start3A_200 = tpu.memref_squeeze %dma_start3A_199 : memref<1x80xi32, #tpu.memory_space<vmem>> -> memref<80xi32, #tpu.memory_space<vmem>>
        %dma_start3A_201 = arith.constant 0 : i32
        %dma_start3A_202 = arith.constant 0 : i32
        %dma_start3A_203 = tpu.memref_slice %arg2[%dma_start3A_201, %dma_start3A_202] : memref<10000x128xf32, #tpu.memory_space<hbm>> -> memref<10000x128xf32, #tpu.memory_space<hbm>>
        tpu.enqueue_indirect_dma source(%dma_start3A_203 : memref<10000x128xf32, #tpu.memory_space<hbm>>) target(%arg11 : memref<80x128xf32, #tpu.memory_space<vmem>>) offsets(%dma_start3A_200 : memref<80xi32, #tpu.memory_space<vmem>>) semaphore(%arg18 : memref<!tpu.dma_semaphore, #tpu.memory_space<semaphore_mem>>)
      } else {
      }
      %add3A_182 = arith.constant 3 : i32
      %add3A_183 = arith.addi %mul3A_98, %add3A_182 : i32
      %add3A_184 = arith.constant 4 : i32
      %add3A_185 = arith.addi %add3A_183, %add3A_184 : i32
      %lt3A_186 = arith.constant 25 : i32
      %lt3A_187 = arith.cmpi slt, %add3A_185, %lt3A_186 : i32
      %convert_element_type3A_188 = arith.extui %lt3A_187 : i1 to i32
      %cond3A_189 = arith.constant 0 : i32
      %cond3A_190 = arith.cmpi ne, %convert_element_type3A_188, %cond3A_189 : i32
      scf.if %cond3A_190 {
        %dma_wait3A_191 = arith.constant 0 : i32
        %dma_wait3A_192 = arith.constant 0 : i32
        %dma_wait3A_193 = tpu.memref_slice %arg8[%dma_wait3A_191, %dma_wait3A_192] : memref<25x80xi32, #tpu.memory_space<vmem>> -> memref<1x80xi32, #tpu.memory_space<vmem>>
        %dma_wait3A_194 = tpu.memref_squeeze %dma_wait3A_193 : memref<1x80xi32, #tpu.memory_space<vmem>> -> memref<80xi32, #tpu.memory_space<vmem>>
        %dma_wait3A_195 = arith.constant 0 : i32
        %dma_wait3A_196 = arith.constant 0 : i32
        %dma_wait3A_197 = tpu.memref_slice %arg13[%dma_wait3A_195, %dma_wait3A_196] : memref<10000x128xf32, #tpu.memory_space<vmem_shared>> -> memref<10000x128xf32, #tpu.memory_space<vmem_shared>>
        tpu.wait_indirect_dma semaphore(%arg23 : memref<!tpu.dma_semaphore, #tpu.memory_space<semaphore_mem>>) src(%arg12 : memref<80x128xf32, #tpu.memory_space<vmem>>) dst(%dma_wait3A_197 : memref<10000x128xf32, #tpu.memory_space<vmem_shared>>)
        %dma_start3A_198 = arith.constant 0 : i32
        %dma_start3A_199 = tpu.memref_slice %arg7[%add3A_185, %dma_start3A_198] : memref<25x80xi32, #tpu.memory_space<vmem>> -> memref<1x80xi32, #tpu.memory_space<vmem>>
        %dma_start3A_200 = tpu.memref_squeeze %dma_start3A_199 : memref<1x80xi32, #tpu.memory_space<vmem>> -> memref<80xi32, #tpu.memory_space<vmem>>
        %dma_start3A_201 = arith.constant 0 : i32
        %dma_start3A_202 = arith.constant 0 : i32
        %dma_start3A_203 = tpu.memref_slice %arg2[%dma_start3A_201, %dma_start3A_202] : memref<10000x128xf32, #tpu.memory_space<hbm>> -> memref<10000x128xf32, #tpu.memory_space<hbm>>
        tpu.enqueue_indirect_dma source(%dma_start3A_203 : memref<10000x128xf32, #tpu.memory_space<hbm>>) target(%arg12 : memref<80x128xf32, #tpu.memory_space<vmem>>) offsets(%dma_start3A_200 : memref<80xi32, #tpu.memory_space<vmem>>) semaphore(%arg19 : memref<!tpu.dma_semaphore, #tpu.memory_space<semaphore_mem>>)
      } else {
      }
    }
    %scan3A_42 = arith.constant 6 : i32
    %dma_wait3A = arith.constant 24 : i32
    %dma_wait3A_43 = arith.constant 0 : i32
    %dma_wait3A_44 = tpu.memref_slice %arg7[%dma_wait3A, %dma_wait3A_43] : memref<25x80xi32, #tpu.memory_space<vmem>> -> memref<1x80xi32, #tpu.memory_space<vmem>>
    %dma_wait3A_45 = tpu.memref_squeeze %dma_wait3A_44 : memref<1x80xi32, #tpu.memory_space<vmem>> -> memref<80xi32, #tpu.memory_space<vmem>>
    %dma_wait3A_46 = arith.constant 0 : i32
    %dma_wait3A_47 = arith.constant 0 : i32
    %dma_wait3A_48 = tpu.memref_slice %arg2[%dma_wait3A_46, %dma_wait3A_47] : memref<10000x128xf32, #tpu.memory_space<hbm>> -> memref<10000x128xf32, #tpu.memory_space<hbm>>
    tpu.wait_indirect_dma semaphore(%arg16 : memref<!tpu.dma_semaphore, #tpu.memory_space<semaphore_mem>>) src(%dma_wait3A_48 : memref<10000x128xf32, #tpu.memory_space<hbm>>) dst(%arg9 : memref<80x128xf32, #tpu.memory_space<vmem>>)
    %dma_start3A_49 = arith.constant 24 : i32
    %dma_start3A_50 = arith.constant 0 : i32
    %dma_start3A_51 = tpu.memref_slice %arg8[%dma_start3A_49, %dma_start3A_50] : memref<25x80xi32, #tpu.memory_space<vmem>> -> memref<1x80xi32, #tpu.memory_space<vmem>>
    %dma_start3A_52 = tpu.memref_squeeze %dma_start3A_51 : memref<1x80xi32, #tpu.memory_space<vmem>> -> memref<80xi32, #tpu.memory_space<vmem>>
    %dma_start3A_53 = arith.constant 0 : i32
    %dma_start3A_54 = arith.constant 0 : i32
    %dma_start3A_55 = tpu.memref_slice %arg13[%dma_start3A_53, %dma_start3A_54] : memref<10000x128xf32, #tpu.memory_space<vmem_shared>> -> memref<10000x128xf32, #tpu.memory_space<vmem_shared>>
    tpu.enqueue_indirect_dma source(%arg9 : memref<80x128xf32, #tpu.memory_space<vmem>>) target(%dma_start3A_55 : memref<10000x128xf32, #tpu.memory_space<vmem_shared>>) offsets(%dma_start3A_52 : memref<80xi32, #tpu.memory_space<vmem>>) semaphore(%arg20 : memref<!tpu.dma_semaphore, #tpu.memory_space<semaphore_mem>>) {add = true}
    %scan3A_56 = arith.constant 0 : i32
    %scan3A_57 = arith.constant 1 : i32
    %scan3A_58 = arith.constant 4 : i32
    %scan3A_59 = arith.addi %scan3A_57, %scan3A_58 : i32
    %scan3A_60 = arith.constant 1 : i32
    scf.for %scan3A_96 = %scan3A_57 to %scan3A_59 step %scan3A_60  : i32 {
      %mul3A_97 = arith.constant 5 : i32
      %mul3A_98 = arith.muli %add3A, %mul3A_97 : i32
      %add3A_99 = arith.addi %mul3A_98, %scan3A_96 : i32
      %dma_start3A_100 = arith.constant 0 : i32
      %dma_start3A_101 = arith.constant 0 : i32
      %dma_start3A_102 = tpu.memref_slice %arg3[%add3A_99, %dma_start3A_100, %dma_start3A_101] : memref<160x25x80xi32, #tpu.memory_space<hbm>> -> memref<1x25x80xi32, #tpu.memory_space<hbm>>
      %dma_start3A_103 = tpu.memref_squeeze %dma_start3A_102 : memref<1x25x80xi32, #tpu.memory_space<hbm>> -> memref<25x80xi32, #tpu.memory_space<hbm>>
      %dma_start3A_104 = arith.constant 0 : i32
      %dma_start3A_105 = arith.constant 0 : i32
      %dma_start3A_106 = tpu.memref_slice %arg3[%add3A_99, %dma_start3A_104, %dma_start3A_105] : memref<160x25x80xi32, #tpu.memory_space<hbm>> -> memref<1x25x80xi32, #tpu.memory_space<hbm>>
      %dma_start3A_107 = tpu.memref_squeeze %dma_start3A_106 : memref<1x25x80xi32, #tpu.memory_space<hbm>> -> memref<25x80xi32, #tpu.memory_space<hbm>>
      tpu.enqueue_dma source(%dma_start3A_107 : memref<25x80xi32, #tpu.memory_space<hbm>>) target(%arg7 : memref<25x80xi32, #tpu.memory_space<vmem>>) target_semaphore(%arg14 : memref<!tpu.dma_semaphore, #tpu.memory_space<semaphore_mem>>)
      %dma_wait3A_108 = arith.constant 0 : i32
      %dma_wait3A_109 = arith.constant 0 : i32
      %dma_wait3A_110 = tpu.memref_slice %arg8[%dma_wait3A_108, %dma_wait3A_109] : memref<25x80xi32, #tpu.memory_space<vmem>> -> memref<1x80xi32, #tpu.memory_space<vmem>>
      %dma_wait3A_111 = tpu.memref_squeeze %dma_wait3A_110 : memref<1x80xi32, #tpu.memory_space<vmem>> -> memref<80xi32, #tpu.memory_space<vmem>>
      %dma_wait3A_112 = arith.constant 0 : i32
      %dma_wait3A_113 = arith.constant 0 : i32
      %dma_wait3A_114 = tpu.memref_slice %arg13[%dma_wait3A_112, %dma_wait3A_113] : memref<10000x128xf32, #tpu.memory_space<vmem_shared>> -> memref<10000x128xf32, #tpu.memory_space<vmem_shared>>
      tpu.wait_indirect_dma semaphore(%arg20 : memref<!tpu.dma_semaphore, #tpu.memory_space<semaphore_mem>>) src(%arg9 : memref<80x128xf32, #tpu.memory_space<vmem>>) dst(%dma_wait3A_114 : memref<10000x128xf32, #tpu.memory_space<vmem_shared>>)
      %dma_wait3A_115 = arith.constant 0 : i32
      %dma_wait3A_116 = arith.constant 0 : i32
      %dma_wait3A_117 = tpu.memref_slice %arg8[%dma_wait3A_115, %dma_wait3A_116] : memref<25x80xi32, #tpu.memory_space<vmem>> -> memref<1x80xi32, #tpu.memory_space<vmem>>
      %dma_wait3A_118 = tpu.memref_squeeze %dma_wait3A_117 : memref<1x80xi32, #tpu.memory_space<vmem>> -> memref<80xi32, #tpu.memory_space<vmem>>
      %dma_wait3A_119 = arith.constant 0 : i32
      %dma_wait3A_120 = arith.constant 0 : i32
      %dma_wait3A_121 = tpu.memref_slice %arg13[%dma_wait3A_119, %dma_wait3A_120] : memref<10000x128xf32, #tpu.memory_space<vmem_shared>> -> memref<10000x128xf32, #tpu.memory_space<vmem_shared>>
      tpu.wait_indirect_dma semaphore(%arg21 : memref<!tpu.dma_semaphore, #tpu.memory_space<semaphore_mem>>) src(%arg10 : memref<80x128xf32, #tpu.memory_space<vmem>>) dst(%dma_wait3A_121 : memref<10000x128xf32, #tpu.memory_space<vmem_shared>>)
      %dma_wait3A_122 = arith.constant 0 : i32
      %dma_wait3A_123 = arith.constant 0 : i32
      %dma_wait3A_124 = tpu.memref_slice %arg8[%dma_wait3A_122, %dma_wait3A_123] : memref<25x80xi32, #tpu.memory_space<vmem>> -> memref<1x80xi32, #tpu.memory_space<vmem>>
      %dma_wait3A_125 = tpu.memref_squeeze %dma_wait3A_124 : memref<1x80xi32, #tpu.memory_space<vmem>> -> memref<80xi32, #tpu.memory_space<vmem>>
      %dma_wait3A_126 = arith.constant 0 : i32
      %dma_wait3A_127 = arith.constant 0 : i32
      %dma_wait3A_128 = tpu.memref_slice %arg13[%dma_wait3A_126, %dma_wait3A_127] : memref<10000x128xf32, #tpu.memory_space<vmem_shared>> -> memref<10000x128xf32, #tpu.memory_space<vmem_shared>>
      tpu.wait_indirect_dma semaphore(%arg22 : memref<!tpu.dma_semaphore, #tpu.memory_space<semaphore_mem>>) src(%arg11 : memref<80x128xf32, #tpu.memory_space<vmem>>) dst(%dma_wait3A_128 : memref<10000x128xf32, #tpu.memory_space<vmem_shared>>)
      %dma_wait3A_129 = arith.constant 0 : i32
      %dma_wait3A_130 = arith.constant 0 : i32
      %dma_wait3A_131 = tpu.memref_slice %arg8[%dma_wait3A_129, %dma_wait3A_130] : memref<25x80xi32, #tpu.memory_space<vmem>> -> memref<1x80xi32, #tpu.memory_space<vmem>>
      %dma_wait3A_132 = tpu.memref_squeeze %dma_wait3A_131 : memref<1x80xi32, #tpu.memory_space<vmem>> -> memref<80xi32, #tpu.memory_space<vmem>>
      %dma_wait3A_133 = arith.constant 0 : i32
      %dma_wait3A_134 = arith.constant 0 : i32
      %dma_wait3A_135 = tpu.memref_slice %arg13[%dma_wait3A_133, %dma_wait3A_134] : memref<10000x128xf32, #tpu.memory_space<vmem_shared>> -> memref<10000x128xf32, #tpu.memory_space<vmem_shared>>
      tpu.wait_indirect_dma semaphore(%arg23 : memref<!tpu.dma_semaphore, #tpu.memory_space<semaphore_mem>>) src(%arg12 : memref<80x128xf32, #tpu.memory_space<vmem>>) dst(%dma_wait3A_135 : memref<10000x128xf32, #tpu.memory_space<vmem_shared>>)
      %mul3A_136 = arith.constant 5 : i32
      %mul3A_137 = arith.muli %add3A, %mul3A_136 : i32
      %add3A_138 = arith.addi %mul3A_137, %scan3A_96 : i32
      %dma_start3A_139 = arith.constant 0 : i32
      %dma_start3A_140 = arith.constant 0 : i32
      %dma_start3A_141 = tpu.memref_slice %arg4[%add3A_138, %dma_start3A_139, %dma_start3A_140] : memref<160x25x80xi32, #tpu.memory_space<hbm>> -> memref<1x25x80xi32, #tpu.memory_space<hbm>>
      %dma_start3A_142 = tpu.memref_squeeze %dma_start3A_141 : memref<1x25x80xi32, #tpu.memory_space<hbm>> -> memref<25x80xi32, #tpu.memory_space<hbm>>
      %dma_start3A_143 = arith.constant 0 : i32
      %dma_start3A_144 = arith.constant 0 : i32
      %dma_start3A_145 = tpu.memref_slice %arg4[%add3A_138, %dma_start3A_143, %dma_start3A_144] : memref<160x25x80xi32, #tpu.memory_space<hbm>> -> memref<1x25x80xi32, #tpu.memory_space<hbm>>
      %dma_start3A_146 = tpu.memref_squeeze %dma_start3A_145 : memref<1x25x80xi32, #tpu.memory_space<hbm>> -> memref<25x80xi32, #tpu.memory_space<hbm>>
      tpu.enqueue_dma source(%dma_start3A_146 : memref<25x80xi32, #tpu.memory_space<hbm>>) target(%arg8 : memref<25x80xi32, #tpu.memory_space<vmem>>) target_semaphore(%arg15 : memref<!tpu.dma_semaphore, #tpu.memory_space<semaphore_mem>>)
      %mul3A_147 = arith.constant 5 : i32
      %mul3A_148 = arith.muli %add3A, %mul3A_147 : i32
      %add3A_149 = arith.addi %mul3A_148, %scan3A_96 : i32
      %dma_wait3A_150 = arith.constant 0 : i32
      %dma_wait3A_151 = arith.constant 0 : i32
      %dma_wait3A_152 = tpu.memref_slice %arg3[%add3A_149, %dma_wait3A_150, %dma_wait3A_151] : memref<160x25x80xi32, #tpu.memory_space<hbm>> -> memref<1x25x80xi32, #tpu.memory_space<hbm>>
      %dma_wait3A_153 = tpu.memref_squeeze %dma_wait3A_152 : memref<1x25x80xi32, #tpu.memory_space<hbm>> -> memref<25x80xi32, #tpu.memory_space<hbm>>
      %dma_wait3A_154 = arith.constant 0 : i32
      %dma_wait3A_155 = arith.constant 0 : i32
      %dma_wait3A_156 = tpu.memref_slice %arg3[%add3A_149, %dma_wait3A_154, %dma_wait3A_155] : memref<160x25x80xi32, #tpu.memory_space<hbm>> -> memref<1x25x80xi32, #tpu.memory_space<hbm>>
      %dma_wait3A_157 = tpu.memref_squeeze %dma_wait3A_156 : memref<1x25x80xi32, #tpu.memory_space<hbm>> -> memref<25x80xi32, #tpu.memory_space<hbm>>
      tpu.wait_dma2 semaphore(%arg14 : memref<!tpu.dma_semaphore, #tpu.memory_space<semaphore_mem>>) src(%dma_wait3A_157 : memref<25x80xi32, #tpu.memory_space<hbm>>) dst(%arg7 : memref<25x80xi32, #tpu.memory_space<vmem>>)
      %dma_start3A_158 = arith.constant 0 : i32
      %dma_start3A_159 = arith.constant 0 : i32
      %dma_start3A_160 = tpu.memref_slice %arg7[%dma_start3A_158, %dma_start3A_159] : memref<25x80xi32, #tpu.memory_space<vmem>> -> memref<1x80xi32, #tpu.memory_space<vmem>>
      %dma_start3A_161 = tpu.memref_squeeze %dma_start3A_160 : memref<1x80xi32, #tpu.memory_space<vmem>> -> memref<80xi32, #tpu.memory_space<vmem>>
      %dma_start3A_162 = arith.constant 0 : i32
      %dma_start3A_163 = arith.constant 0 : i32
      %dma_start3A_164 = tpu.memref_slice %arg2[%dma_start3A_162, %dma_start3A_163] : memref<10000x128xf32, #tpu.memory_space<hbm>> -> memref<10000x128xf32, #tpu.memory_space<hbm>>
      tpu.enqueue_indirect_dma source(%dma_start3A_164 : memref<10000x128xf32, #tpu.memory_space<hbm>>) target(%arg9 : memref<80x128xf32, #tpu.memory_space<vmem>>) offsets(%dma_start3A_161 : memref<80xi32, #tpu.memory_space<vmem>>) semaphore(%arg16 : memref<!tpu.dma_semaphore, #tpu.memory_space<semaphore_mem>>)
      %dma_start3A_165 = arith.constant 1 : i32
      %dma_start3A_166 = arith.constant 0 : i32
      %dma_start3A_167 = tpu.memref_slice %arg7[%dma_start3A_165, %dma_start3A_166] : memref<25x80xi32, #tpu.memory_space<vmem>> -> memref<1x80xi32, #tpu.memory_space<vmem>>
      %dma_start3A_168 = tpu.memref_squeeze %dma_start3A_167 : memref<1x80xi32, #tpu.memory_space<vmem>> -> memref<80xi32, #tpu.memory_space<vmem>>
      %dma_start3A_169 = arith.constant 0 : i32
      %dma_start3A_170 = arith.constant 0 : i32
      %dma_start3A_171 = tpu.memref_slice %arg2[%dma_start3A_169, %dma_start3A_170] : memref<10000x128xf32, #tpu.memory_space<hbm>> -> memref<10000x128xf32, #tpu.memory_space<hbm>>
      tpu.enqueue_indirect_dma source(%dma_start3A_171 : memref<10000x128xf32, #tpu.memory_space<hbm>>) target(%arg10 : memref<80x128xf32, #tpu.memory_space<vmem>>) offsets(%dma_start3A_168 : memref<80xi32, #tpu.memory_space<vmem>>) semaphore(%arg17 : memref<!tpu.dma_semaphore, #tpu.memory_space<semaphore_mem>>)
      %dma_start3A_172 = arith.constant 2 : i32
      %dma_start3A_173 = arith.constant 0 : i32
      %dma_start3A_174 = tpu.memref_slice %arg7[%dma_start3A_172, %dma_start3A_173] : memref<25x80xi32, #tpu.memory_space<vmem>> -> memref<1x80xi32, #tpu.memory_space<vmem>>
      %dma_start3A_175 = tpu.memref_squeeze %dma_start3A_174 : memref<1x80xi32, #tpu.memory_space<vmem>> -> memref<80xi32, #tpu.memory_space<vmem>>
      %dma_start3A_176 = arith.constant 0 : i32
      %dma_start3A_177 = arith.constant 0 : i32
      %dma_start3A_178 = tpu.memref_slice %arg2[%dma_start3A_176, %dma_start3A_177] : memref<10000x128xf32, #tpu.memory_space<hbm>> -> memref<10000x128xf32, #tpu.memory_space<hbm>>
      tpu.enqueue_indirect_dma source(%dma_start3A_178 : memref<10000x128xf32, #tpu.memory_space<hbm>>) target(%arg11 : memref<80x128xf32, #tpu.memory_space<vmem>>) offsets(%dma_start3A_175 : memref<80xi32, #tpu.memory_space<vmem>>) semaphore(%arg18 : memref<!tpu.dma_semaphore, #tpu.memory_space<semaphore_mem>>)
      %dma_start3A_179 = arith.constant 3 : i32
      %dma_start3A_180 = arith.constant 0 : i32
      %dma_start3A_181 = tpu.memref_slice %arg7[%dma_start3A_179, %dma_start3A_180] : memref<25x80xi32, #tpu.memory_space<vmem>> -> memref<1x80xi32, #tpu.memory_space<vmem>>
      %dma_start3A_182 = tpu.memref_squeeze %dma_start3A_181 : memref<1x80xi32, #tpu.memory_space<vmem>> -> memref<80xi32, #tpu.memory_space<vmem>>
      %dma_start3A_183 = arith.constant 0 : i32
      %dma_start3A_184 = arith.constant 0 : i32
      %dma_start3A_185 = tpu.memref_slice %arg2[%dma_start3A_183, %dma_start3A_184] : memref<10000x128xf32, #tpu.memory_space<hbm>> -> memref<10000x128xf32, #tpu.memory_space<hbm>>
      tpu.enqueue_indirect_dma source(%dma_start3A_185 : memref<10000x128xf32, #tpu.memory_space<hbm>>) target(%arg12 : memref<80x128xf32, #tpu.memory_space<vmem>>) offsets(%dma_start3A_182 : memref<80xi32, #tpu.memory_space<vmem>>) semaphore(%arg19 : memref<!tpu.dma_semaphore, #tpu.memory_space<semaphore_mem>>)
      %mul3A_186 = arith.constant 5 : i32
      %mul3A_187 = arith.muli %add3A, %mul3A_186 : i32
      %add3A_188 = arith.addi %mul3A_187, %scan3A_96 : i32
      %dma_wait3A_189 = arith.constant 0 : i32
      %dma_wait3A_190 = arith.constant 0 : i32
      %dma_wait3A_191 = tpu.memref_slice %arg4[%add3A_188, %dma_wait3A_189, %dma_wait3A_190] : memref<160x25x80xi32, #tpu.memory_space<hbm>> -> memref<1x25x80xi32, #tpu.memory_space<hbm>>
      %dma_wait3A_192 = tpu.memref_squeeze %dma_wait3A_191 : memref<1x25x80xi32, #tpu.memory_space<hbm>> -> memref<25x80xi32, #tpu.memory_space<hbm>>
      %dma_wait3A_193 = arith.constant 0 : i32
      %dma_wait3A_194 = arith.constant 0 : i32
      %dma_wait3A_195 = tpu.memref_slice %arg4[%add3A_188, %dma_wait3A_193, %dma_wait3A_194] : memref<160x25x80xi32, #tpu.memory_space<hbm>> -> memref<1x25x80xi32, #tpu.memory_space<hbm>>
      %dma_wait3A_196 = tpu.memref_squeeze %dma_wait3A_195 : memref<1x25x80xi32, #tpu.memory_space<hbm>> -> memref<25x80xi32, #tpu.memory_space<hbm>>
      tpu.wait_dma2 semaphore(%arg15 : memref<!tpu.dma_semaphore, #tpu.memory_space<semaphore_mem>>) src(%dma_wait3A_196 : memref<25x80xi32, #tpu.memory_space<hbm>>) dst(%arg8 : memref<25x80xi32, #tpu.memory_space<vmem>>)
      %scan3A_197 = arith.constant 0 : i32
      %scan3A_198 = arith.constant 0 : i32
      %scan3A_199 = arith.constant 6 : i32
      %scan3A_200 = arith.addi %scan3A_198, %scan3A_199 : i32
      %scan3A_201 = arith.constant 1 : i32
      scf.for %scan3A_217 = %scan3A_198 to %scan3A_200 step %scan3A_201  : i32 {
        %mul3A_218 = arith.constant 4 : i32
        %mul3A_219 = arith.muli %scan3A_217, %mul3A_218 : i32
        %add3A_220 = arith.constant 0 : i32
        %add3A_221 = arith.addi %mul3A_219, %add3A_220 : i32
        %dma_wait3A_222 = arith.constant 0 : i32
        %dma_wait3A_223 = tpu.memref_slice %arg7[%add3A_221, %dma_wait3A_222] : memref<25x80xi32, #tpu.memory_space<vmem>> -> memref<1x80xi32, #tpu.memory_space<vmem>>
        %dma_wait3A_224 = tpu.memref_squeeze %dma_wait3A_223 : memref<1x80xi32, #tpu.memory_space<vmem>> -> memref<80xi32, #tpu.memory_space<vmem>>
        %dma_wait3A_225 = arith.constant 0 : i32
        %dma_wait3A_226 = arith.constant 0 : i32
        %dma_wait3A_227 = tpu.memref_slice %arg2[%dma_wait3A_225, %dma_wait3A_226] : memref<10000x128xf32, #tpu.memory_space<hbm>> -> memref<10000x128xf32, #tpu.memory_space<hbm>>
        tpu.wait_indirect_dma semaphore(%arg16 : memref<!tpu.dma_semaphore, #tpu.memory_space<semaphore_mem>>) src(%dma_wait3A_227 : memref<10000x128xf32, #tpu.memory_space<hbm>>) dst(%arg9 : memref<80x128xf32, #tpu.memory_space<vmem>>)
        %dma_start3A_228 = arith.constant 0 : i32
        %dma_start3A_229 = tpu.memref_slice %arg8[%add3A_221, %dma_start3A_228] : memref<25x80xi32, #tpu.memory_space<vmem>> -> memref<1x80xi32, #tpu.memory_space<vmem>>
        %dma_start3A_230 = tpu.memref_squeeze %dma_start3A_229 : memref<1x80xi32, #tpu.memory_space<vmem>> -> memref<80xi32, #tpu.memory_space<vmem>>
        %dma_start3A_231 = arith.constant 0 : i32
        %dma_start3A_232 = arith.constant 0 : i32
        %dma_start3A_233 = tpu.memref_slice %arg13[%dma_start3A_231, %dma_start3A_232] : memref<10000x128xf32, #tpu.memory_space<vmem_shared>> -> memref<10000x128xf32, #tpu.memory_space<vmem_shared>>
        tpu.enqueue_indirect_dma source(%arg9 : memref<80x128xf32, #tpu.memory_space<vmem>>) target(%dma_start3A_233 : memref<10000x128xf32, #tpu.memory_space<vmem_shared>>) offsets(%dma_start3A_230 : memref<80xi32, #tpu.memory_space<vmem>>) semaphore(%arg20 : memref<!tpu.dma_semaphore, #tpu.memory_space<semaphore_mem>>) {add = true}
        %add3A_234 = arith.constant 1 : i32
        %add3A_235 = arith.addi %mul3A_219, %add3A_234 : i32
        %dma_wait3A_236 = arith.constant 0 : i32
        %dma_wait3A_237 = tpu.memref_slice %arg7[%add3A_235, %dma_wait3A_236] : memref<25x80xi32, #tpu.memory_space<vmem>> -> memref<1x80xi32, #tpu.memory_space<vmem>>
        %dma_wait3A_238 = tpu.memref_squeeze %dma_wait3A_237 : memref<1x80xi32, #tpu.memory_space<vmem>> -> memref<80xi32, #tpu.memory_space<vmem>>
        %dma_wait3A_239 = arith.constant 0 : i32
        %dma_wait3A_240 = arith.constant 0 : i32
        %dma_wait3A_241 = tpu.memref_slice %arg2[%dma_wait3A_239, %dma_wait3A_240] : memref<10000x128xf32, #tpu.memory_space<hbm>> -> memref<10000x128xf32, #tpu.memory_space<hbm>>
        tpu.wait_indirect_dma semaphore(%arg17 : memref<!tpu.dma_semaphore, #tpu.memory_space<semaphore_mem>>) src(%dma_wait3A_241 : memref<10000x128xf32, #tpu.memory_space<hbm>>) dst(%arg10 : memref<80x128xf32, #tpu.memory_space<vmem>>)
        %dma_start3A_242 = arith.constant 0 : i32
        %dma_start3A_243 = tpu.memref_slice %arg8[%add3A_235, %dma_start3A_242] : memref<25x80xi32, #tpu.memory_space<vmem>> -> memref<1x80xi32, #tpu.memory_space<vmem>>
        %dma_start3A_244 = tpu.memref_squeeze %dma_start3A_243 : memref<1x80xi32, #tpu.memory_space<vmem>> -> memref<80xi32, #tpu.memory_space<vmem>>
        %dma_start3A_245 = arith.constant 0 : i32
        %dma_start3A_246 = arith.constant 0 : i32
        %dma_start3A_247 = tpu.memref_slice %arg13[%dma_start3A_245, %dma_start3A_246] : memref<10000x128xf32, #tpu.memory_space<vmem_shared>> -> memref<10000x128xf32, #tpu.memory_space<vmem_shared>>
        tpu.enqueue_indirect_dma source(%arg10 : memref<80x128xf32, #tpu.memory_space<vmem>>) target(%dma_start3A_247 : memref<10000x128xf32, #tpu.memory_space<vmem_shared>>) offsets(%dma_start3A_244 : memref<80xi32, #tpu.memory_space<vmem>>) semaphore(%arg21 : memref<!tpu.dma_semaphore, #tpu.memory_space<semaphore_mem>>) {add = true}
        %add3A_248 = arith.constant 2 : i32
        %add3A_249 = arith.addi %mul3A_219, %add3A_248 : i32
        %dma_wait3A_250 = arith.constant 0 : i32
        %dma_wait3A_251 = tpu.memref_slice %arg7[%add3A_249, %dma_wait3A_250] : memref<25x80xi32, #tpu.memory_space<vmem>> -> memref<1x80xi32, #tpu.memory_space<vmem>>
        %dma_wait3A_252 = tpu.memref_squeeze %dma_wait3A_251 : memref<1x80xi32, #tpu.memory_space<vmem>> -> memref<80xi32, #tpu.memory_space<vmem>>
        %dma_wait3A_253 = arith.constant 0 : i32
        %dma_wait3A_254 = arith.constant 0 : i32
        %dma_wait3A_255 = tpu.memref_slice %arg2[%dma_wait3A_253, %dma_wait3A_254] : memref<10000x128xf32, #tpu.memory_space<hbm>> -> memref<10000x128xf32, #tpu.memory_space<hbm>>
        tpu.wait_indirect_dma semaphore(%arg18 : memref<!tpu.dma_semaphore, #tpu.memory_space<semaphore_mem>>) src(%dma_wait3A_255 : memref<10000x128xf32, #tpu.memory_space<hbm>>) dst(%arg11 : memref<80x128xf32, #tpu.memory_space<vmem>>)
        %dma_start3A_256 = arith.constant 0 : i32
        %dma_start3A_257 = tpu.memref_slice %arg8[%add3A_249, %dma_start3A_256] : memref<25x80xi32, #tpu.memory_space<vmem>> -> memref<1x80xi32, #tpu.memory_space<vmem>>
        %dma_start3A_258 = tpu.memref_squeeze %dma_start3A_257 : memref<1x80xi32, #tpu.memory_space<vmem>> -> memref<80xi32, #tpu.memory_space<vmem>>
        %dma_start3A_259 = arith.constant 0 : i32
        %dma_start3A_260 = arith.constant 0 : i32
        %dma_start3A_261 = tpu.memref_slice %arg13[%dma_start3A_259, %dma_start3A_260] : memref<10000x128xf32, #tpu.memory_space<vmem_shared>> -> memref<10000x128xf32, #tpu.memory_space<vmem_shared>>
        tpu.enqueue_indirect_dma source(%arg11 : memref<80x128xf32, #tpu.memory_space<vmem>>) target(%dma_start3A_261 : memref<10000x128xf32, #tpu.memory_space<vmem_shared>>) offsets(%dma_start3A_258 : memref<80xi32, #tpu.memory_space<vmem>>) semaphore(%arg22 : memref<!tpu.dma_semaphore, #tpu.memory_space<semaphore_mem>>) {add = true}
        %add3A_262 = arith.constant 3 : i32
        %add3A_263 = arith.addi %mul3A_219, %add3A_262 : i32
        %dma_wait3A_264 = arith.constant 0 : i32
        %dma_wait3A_265 = tpu.memref_slice %arg7[%add3A_263, %dma_wait3A_264] : memref<25x80xi32, #tpu.memory_space<vmem>> -> memref<1x80xi32, #tpu.memory_space<vmem>>
        %dma_wait3A_266 = tpu.memref_squeeze %dma_wait3A_265 : memref<1x80xi32, #tpu.memory_space<vmem>> -> memref<80xi32, #tpu.memory_space<vmem>>
        %dma_wait3A_267 = arith.constant 0 : i32
        %dma_wait3A_268 = arith.constant 0 : i32
        %dma_wait3A_269 = tpu.memref_slice %arg2[%dma_wait3A_267, %dma_wait3A_268] : memref<10000x128xf32, #tpu.memory_space<hbm>> -> memref<10000x128xf32, #tpu.memory_space<hbm>>
        tpu.wait_indirect_dma semaphore(%arg19 : memref<!tpu.dma_semaphore, #tpu.memory_space<semaphore_mem>>) src(%dma_wait3A_269 : memref<10000x128xf32, #tpu.memory_space<hbm>>) dst(%arg12 : memref<80x128xf32, #tpu.memory_space<vmem>>)
        %dma_start3A_270 = arith.constant 0 : i32
        %dma_start3A_271 = tpu.memref_slice %arg8[%add3A_263, %dma_start3A_270] : memref<25x80xi32, #tpu.memory_space<vmem>> -> memref<1x80xi32, #tpu.memory_space<vmem>>
        %dma_start3A_272 = tpu.memref_squeeze %dma_start3A_271 : memref<1x80xi32, #tpu.memory_space<vmem>> -> memref<80xi32, #tpu.memory_space<vmem>>
        %dma_start3A_273 = arith.constant 0 : i32
        %dma_start3A_274 = arith.constant 0 : i32
        %dma_start3A_275 = tpu.memref_slice %arg13[%dma_start3A_273, %dma_start3A_274] : memref<10000x128xf32, #tpu.memory_space<vmem_shared>> -> memref<10000x128xf32, #tpu.memory_space<vmem_shared>>
        tpu.enqueue_indirect_dma source(%arg12 : memref<80x128xf32, #tpu.memory_space<vmem>>) target(%dma_start3A_275 : memref<10000x128xf32, #tpu.memory_space<vmem_shared>>) offsets(%dma_start3A_272 : memref<80xi32, #tpu.memory_space<vmem>>) semaphore(%arg23 : memref<!tpu.dma_semaphore, #tpu.memory_space<semaphore_mem>>) {add = true}
        %add3A_276 = arith.constant 0 : i32
        %add3A_277 = arith.addi %mul3A_219, %add3A_276 : i32
        %add3A_278 = arith.constant 4 : i32
        %add3A_279 = arith.addi %add3A_277, %add3A_278 : i32
        %lt3A_280 = arith.constant 25 : i32
        %lt3A_281 = arith.cmpi slt, %add3A_279, %lt3A_280 : i32
        %convert_element_type3A_282 = arith.extui %lt3A_281 : i1 to i32
        %cond3A_283 = arith.constant 0 : i32
        %cond3A_284 = arith.cmpi ne, %convert_element_type3A_282, %cond3A_283 : i32
        scf.if %cond3A_284 {
          %dma_wait3A_312 = arith.constant 0 : i32
          %dma_wait3A_313 = arith.constant 0 : i32
          %dma_wait3A_314 = tpu.memref_slice %arg8[%dma_wait3A_312, %dma_wait3A_313] : memref<25x80xi32, #tpu.memory_space<vmem>> -> memref<1x80xi32, #tpu.memory_space<vmem>>
          %dma_wait3A_315 = tpu.memref_squeeze %dma_wait3A_314 : memref<1x80xi32, #tpu.memory_space<vmem>> -> memref<80xi32, #tpu.memory_space<vmem>>
          %dma_wait3A_316 = arith.constant 0 : i32
          %dma_wait3A_317 = arith.constant 0 : i32
          %dma_wait3A_318 = tpu.memref_slice %arg13[%dma_wait3A_316, %dma_wait3A_317] : memref<10000x128xf32, #tpu.memory_space<vmem_shared>> -> memref<10000x128xf32, #tpu.memory_space<vmem_shared>>
          tpu.wait_indirect_dma semaphore(%arg20 : memref<!tpu.dma_semaphore, #tpu.memory_space<semaphore_mem>>) src(%arg9 : memref<80x128xf32, #tpu.memory_space<vmem>>) dst(%dma_wait3A_318 : memref<10000x128xf32, #tpu.memory_space<vmem_shared>>)
          %dma_start3A_319 = arith.constant 0 : i32
          %dma_start3A_320 = tpu.memref_slice %arg7[%add3A_279, %dma_start3A_319] : memref<25x80xi32, #tpu.memory_space<vmem>> -> memref<1x80xi32, #tpu.memory_space<vmem>>
          %dma_start3A_321 = tpu.memref_squeeze %dma_start3A_320 : memref<1x80xi32, #tpu.memory_space<vmem>> -> memref<80xi32, #tpu.memory_space<vmem>>
          %dma_start3A_322 = arith.constant 0 : i32
          %dma_start3A_323 = arith.constant 0 : i32
          %dma_start3A_324 = tpu.memref_slice %arg2[%dma_start3A_322, %dma_start3A_323] : memref<10000x128xf32, #tpu.memory_space<hbm>> -> memref<10000x128xf32, #tpu.memory_space<hbm>>
          tpu.enqueue_indirect_dma source(%dma_start3A_324 : memref<10000x128xf32, #tpu.memory_space<hbm>>) target(%arg9 : memref<80x128xf32, #tpu.memory_space<vmem>>) offsets(%dma_start3A_321 : memref<80xi32, #tpu.memory_space<vmem>>) semaphore(%arg16 : memref<!tpu.dma_semaphore, #tpu.memory_space<semaphore_mem>>)
        } else {
        }
        %add3A_285 = arith.constant 1 : i32
        %add3A_286 = arith.addi %mul3A_219, %add3A_285 : i32
        %add3A_287 = arith.constant 4 : i32
        %add3A_288 = arith.addi %add3A_286, %add3A_287 : i32
        %lt3A_289 = arith.constant 25 : i32
        %lt3A_290 = arith.cmpi slt, %add3A_288, %lt3A_289 : i32
        %convert_element_type3A_291 = arith.extui %lt3A_290 : i1 to i32
        %cond3A_292 = arith.constant 0 : i32
        %cond3A_293 = arith.cmpi ne, %convert_element_type3A_291, %cond3A_292 : i32
        scf.if %cond3A_293 {
          %dma_wait3A_312 = arith.constant 0 : i32
          %dma_wait3A_313 = arith.constant 0 : i32
          %dma_wait3A_314 = tpu.memref_slice %arg8[%dma_wait3A_312, %dma_wait3A_313] : memref<25x80xi32, #tpu.memory_space<vmem>> -> memref<1x80xi32, #tpu.memory_space<vmem>>
          %dma_wait3A_315 = tpu.memref_squeeze %dma_wait3A_314 : memref<1x80xi32, #tpu.memory_space<vmem>> -> memref<80xi32, #tpu.memory_space<vmem>>
          %dma_wait3A_316 = arith.constant 0 : i32
          %dma_wait3A_317 = arith.constant 0 : i32
          %dma_wait3A_318 = tpu.memref_slice %arg13[%dma_wait3A_316, %dma_wait3A_317] : memref<10000x128xf32, #tpu.memory_space<vmem_shared>> -> memref<10000x128xf32, #tpu.memory_space<vmem_shared>>
          tpu.wait_indirect_dma semaphore(%arg21 : memref<!tpu.dma_semaphore, #tpu.memory_space<semaphore_mem>>) src(%arg10 : memref<80x128xf32, #tpu.memory_space<vmem>>) dst(%dma_wait3A_318 : memref<10000x128xf32, #tpu.memory_space<vmem_shared>>)
          %dma_start3A_319 = arith.constant 0 : i32
          %dma_start3A_320 = tpu.memref_slice %arg7[%add3A_288, %dma_start3A_319] : memref<25x80xi32, #tpu.memory_space<vmem>> -> memref<1x80xi32, #tpu.memory_space<vmem>>
          %dma_start3A_321 = tpu.memref_squeeze %dma_start3A_320 : memref<1x80xi32, #tpu.memory_space<vmem>> -> memref<80xi32, #tpu.memory_space<vmem>>
          %dma_start3A_322 = arith.constant 0 : i32
          %dma_start3A_323 = arith.constant 0 : i32
          %dma_start3A_324 = tpu.memref_slice %arg2[%dma_start3A_322, %dma_start3A_323] : memref<10000x128xf32, #tpu.memory_space<hbm>> -> memref<10000x128xf32, #tpu.memory_space<hbm>>
          tpu.enqueue_indirect_dma source(%dma_start3A_324 : memref<10000x128xf32, #tpu.memory_space<hbm>>) target(%arg10 : memref<80x128xf32, #tpu.memory_space<vmem>>) offsets(%dma_start3A_321 : memref<80xi32, #tpu.memory_space<vmem>>) semaphore(%arg17 : memref<!tpu.dma_semaphore, #tpu.memory_space<semaphore_mem>>)
        } else {
        }
        %add3A_294 = arith.constant 2 : i32
        %add3A_295 = arith.addi %mul3A_219, %add3A_294 : i32
        %add3A_296 = arith.constant 4 : i32
        %add3A_297 = arith.addi %add3A_295, %add3A_296 : i32
        %lt3A_298 = arith.constant 25 : i32
        %lt3A_299 = arith.cmpi slt, %add3A_297, %lt3A_298 : i32
        %convert_element_type3A_300 = arith.extui %lt3A_299 : i1 to i32
        %cond3A_301 = arith.constant 0 : i32
        %cond3A_302 = arith.cmpi ne, %convert_element_type3A_300, %cond3A_301 : i32
        scf.if %cond3A_302 {
          %dma_wait3A_312 = arith.constant 0 : i32
          %dma_wait3A_313 = arith.constant 0 : i32
          %dma_wait3A_314 = tpu.memref_slice %arg8[%dma_wait3A_312, %dma_wait3A_313] : memref<25x80xi32, #tpu.memory_space<vmem>> -> memref<1x80xi32, #tpu.memory_space<vmem>>
          %dma_wait3A_315 = tpu.memref_squeeze %dma_wait3A_314 : memref<1x80xi32, #tpu.memory_space<vmem>> -> memref<80xi32, #tpu.memory_space<vmem>>
          %dma_wait3A_316 = arith.constant 0 : i32
          %dma_wait3A_317 = arith.constant 0 : i32
          %dma_wait3A_318 = tpu.memref_slice %arg13[%dma_wait3A_316, %dma_wait3A_317] : memref<10000x128xf32, #tpu.memory_space<vmem_shared>> -> memref<10000x128xf32, #tpu.memory_space<vmem_shared>>
          tpu.wait_indirect_dma semaphore(%arg22 : memref<!tpu.dma_semaphore, #tpu.memory_space<semaphore_mem>>) src(%arg11 : memref<80x128xf32, #tpu.memory_space<vmem>>) dst(%dma_wait3A_318 : memref<10000x128xf32, #tpu.memory_space<vmem_shared>>)
          %dma_start3A_319 = arith.constant 0 : i32
          %dma_start3A_320 = tpu.memref_slice %arg7[%add3A_297, %dma_start3A_319] : memref<25x80xi32, #tpu.memory_space<vmem>> -> memref<1x80xi32, #tpu.memory_space<vmem>>
          %dma_start3A_321 = tpu.memref_squeeze %dma_start3A_320 : memref<1x80xi32, #tpu.memory_space<vmem>> -> memref<80xi32, #tpu.memory_space<vmem>>
          %dma_start3A_322 = arith.constant 0 : i32
          %dma_start3A_323 = arith.constant 0 : i32
          %dma_start3A_324 = tpu.memref_slice %arg2[%dma_start3A_322, %dma_start3A_323] : memref<10000x128xf32, #tpu.memory_space<hbm>> -> memref<10000x128xf32, #tpu.memory_space<hbm>>
          tpu.enqueue_indirect_dma source(%dma_start3A_324 : memref<10000x128xf32, #tpu.memory_space<hbm>>) target(%arg11 : memref<80x128xf32, #tpu.memory_space<vmem>>) offsets(%dma_start3A_321 : memref<80xi32, #tpu.memory_space<vmem>>) semaphore(%arg18 : memref<!tpu.dma_semaphore, #tpu.memory_space<semaphore_mem>>)
        } else {
        }
        %add3A_303 = arith.constant 3 : i32
        %add3A_304 = arith.addi %mul3A_219, %add3A_303 : i32
        %add3A_305 = arith.constant 4 : i32
        %add3A_306 = arith.addi %add3A_304, %add3A_305 : i32
        %lt3A_307 = arith.constant 25 : i32
        %lt3A_308 = arith.cmpi slt, %add3A_306, %lt3A_307 : i32
        %convert_element_type3A_309 = arith.extui %lt3A_308 : i1 to i32
        %cond3A_310 = arith.constant 0 : i32
        %cond3A_311 = arith.cmpi ne, %convert_element_type3A_309, %cond3A_310 : i32
        scf.if %cond3A_311 {
          %dma_wait3A_312 = arith.constant 0 : i32
          %dma_wait3A_313 = arith.constant 0 : i32
          %dma_wait3A_314 = tpu.memref_slice %arg8[%dma_wait3A_312, %dma_wait3A_313] : memref<25x80xi32, #tpu.memory_space<vmem>> -> memref<1x80xi32, #tpu.memory_space<vmem>>
          %dma_wait3A_315 = tpu.memref_squeeze %dma_wait3A_314 : memref<1x80xi32, #tpu.memory_space<vmem>> -> memref<80xi32, #tpu.memory_space<vmem>>
          %dma_wait3A_316 = arith.constant 0 : i32
          %dma_wait3A_317 = arith.constant 0 : i32
          %dma_wait3A_318 = tpu.memref_slice %arg13[%dma_wait3A_316, %dma_wait3A_317] : memref<10000x128xf32, #tpu.memory_space<vmem_shared>> -> memref<10000x128xf32, #tpu.memory_space<vmem_shared>>
          tpu.wait_indirect_dma semaphore(%arg23 : memref<!tpu.dma_semaphore, #tpu.memory_space<semaphore_mem>>) src(%arg12 : memref<80x128xf32, #tpu.memory_space<vmem>>) dst(%dma_wait3A_318 : memref<10000x128xf32, #tpu.memory_space<vmem_shared>>)
          %dma_start3A_319 = arith.constant 0 : i32
          %dma_start3A_320 = tpu.memref_slice %arg7[%add3A_306, %dma_start3A_319] : memref<25x80xi32, #tpu.memory_space<vmem>> -> memref<1x80xi32, #tpu.memory_space<vmem>>
          %dma_start3A_321 = tpu.memref_squeeze %dma_start3A_320 : memref<1x80xi32, #tpu.memory_space<vmem>> -> memref<80xi32, #tpu.memory_space<vmem>>
          %dma_start3A_322 = arith.constant 0 : i32
          %dma_start3A_323 = arith.constant 0 : i32
          %dma_start3A_324 = tpu.memref_slice %arg2[%dma_start3A_322, %dma_start3A_323] : memref<10000x128xf32, #tpu.memory_space<hbm>> -> memref<10000x128xf32, #tpu.memory_space<hbm>>
          tpu.enqueue_indirect_dma source(%dma_start3A_324 : memref<10000x128xf32, #tpu.memory_space<hbm>>) target(%arg12 : memref<80x128xf32, #tpu.memory_space<vmem>>) offsets(%dma_start3A_321 : memref<80xi32, #tpu.memory_space<vmem>>) semaphore(%arg19 : memref<!tpu.dma_semaphore, #tpu.memory_space<semaphore_mem>>)
        } else {
        }
      }
      %scan3A_202 = arith.constant 6 : i32
      %dma_wait3A_203 = arith.constant 24 : i32
      %dma_wait3A_204 = arith.constant 0 : i32
      %dma_wait3A_205 = tpu.memref_slice %arg7[%dma_wait3A_203, %dma_wait3A_204] : memref<25x80xi32, #tpu.memory_space<vmem>> -> memref<1x80xi32, #tpu.memory_space<vmem>>
      %dma_wait3A_206 = tpu.memref_squeeze %dma_wait3A_205 : memref<1x80xi32, #tpu.memory_space<vmem>> -> memref<80xi32, #tpu.memory_space<vmem>>
      %dma_wait3A_207 = arith.constant 0 : i32
      %dma_wait3A_208 = arith.constant 0 : i32
      %dma_wait3A_209 = tpu.memref_slice %arg2[%dma_wait3A_207, %dma_wait3A_208] : memref<10000x128xf32, #tpu.memory_space<hbm>> -> memref<10000x128xf32, #tpu.memory_space<hbm>>
      tpu.wait_indirect_dma semaphore(%arg16 : memref<!tpu.dma_semaphore, #tpu.memory_space<semaphore_mem>>) src(%dma_wait3A_209 : memref<10000x128xf32, #tpu.memory_space<hbm>>) dst(%arg9 : memref<80x128xf32, #tpu.memory_space<vmem>>)
      %dma_start3A_210 = arith.constant 24 : i32
      %dma_start3A_211 = arith.constant 0 : i32
      %dma_start3A_212 = tpu.memref_slice %arg8[%dma_start3A_210, %dma_start3A_211] : memref<25x80xi32, #tpu.memory_space<vmem>> -> memref<1x80xi32, #tpu.memory_space<vmem>>
      %dma_start3A_213 = tpu.memref_squeeze %dma_start3A_212 : memref<1x80xi32, #tpu.memory_space<vmem>> -> memref<80xi32, #tpu.memory_space<vmem>>
      %dma_start3A_214 = arith.constant 0 : i32
      %dma_start3A_215 = arith.constant 0 : i32
      %dma_start3A_216 = tpu.memref_slice %arg13[%dma_start3A_214, %dma_start3A_215] : memref<10000x128xf32, #tpu.memory_space<vmem_shared>> -> memref<10000x128xf32, #tpu.memory_space<vmem_shared>>
      tpu.enqueue_indirect_dma source(%arg9 : memref<80x128xf32, #tpu.memory_space<vmem>>) target(%dma_start3A_216 : memref<10000x128xf32, #tpu.memory_space<vmem_shared>>) offsets(%dma_start3A_213 : memref<80xi32, #tpu.memory_space<vmem>>) semaphore(%arg20 : memref<!tpu.dma_semaphore, #tpu.memory_space<semaphore_mem>>) {add = true}
    }
    %scan3A_61 = arith.constant 4 : i32
    %dma_wait3A_62 = arith.constant 0 : i32
    %dma_wait3A_63 = arith.constant 0 : i32
    %dma_wait3A_64 = tpu.memref_slice %arg8[%dma_wait3A_62, %dma_wait3A_63] : memref<25x80xi32, #tpu.memory_space<vmem>> -> memref<1x80xi32, #tpu.memory_space<vmem>>
    %dma_wait3A_65 = tpu.memref_squeeze %dma_wait3A_64 : memref<1x80xi32, #tpu.memory_space<vmem>> -> memref<80xi32, #tpu.memory_space<vmem>>
    %dma_wait3A_66 = arith.constant 0 : i32
    %dma_wait3A_67 = arith.constant 0 : i32
    %dma_wait3A_68 = tpu.memref_slice %arg13[%dma_wait3A_66, %dma_wait3A_67] : memref<10000x128xf32, #tpu.memory_space<vmem_shared>> -> memref<10000x128xf32, #tpu.memory_space<vmem_shared>>
    tpu.wait_indirect_dma semaphore(%arg20 : memref<!tpu.dma_semaphore, #tpu.memory_space<semaphore_mem>>) src(%arg9 : memref<80x128xf32, #tpu.memory_space<vmem>>) dst(%dma_wait3A_68 : memref<10000x128xf32, #tpu.memory_space<vmem_shared>>)
    %dma_wait3A_69 = arith.constant 0 : i32
    %dma_wait3A_70 = arith.constant 0 : i32
    %dma_wait3A_71 = tpu.memref_slice %arg8[%dma_wait3A_69, %dma_wait3A_70] : memref<25x80xi32, #tpu.memory_space<vmem>> -> memref<1x80xi32, #tpu.memory_space<vmem>>
    %dma_wait3A_72 = tpu.memref_squeeze %dma_wait3A_71 : memref<1x80xi32, #tpu.memory_space<vmem>> -> memref<80xi32, #tpu.memory_space<vmem>>
    %dma_wait3A_73 = arith.constant 0 : i32
    %dma_wait3A_74 = arith.constant 0 : i32
    %dma_wait3A_75 = tpu.memref_slice %arg13[%dma_wait3A_73, %dma_wait3A_74] : memref<10000x128xf32, #tpu.memory_space<vmem_shared>> -> memref<10000x128xf32, #tpu.memory_space<vmem_shared>>
    tpu.wait_indirect_dma semaphore(%arg21 : memref<!tpu.dma_semaphore, #tpu.memory_space<semaphore_mem>>) src(%arg10 : memref<80x128xf32, #tpu.memory_space<vmem>>) dst(%dma_wait3A_75 : memref<10000x128xf32, #tpu.memory_space<vmem_shared>>)
    %dma_wait3A_76 = arith.constant 0 : i32
    %dma_wait3A_77 = arith.constant 0 : i32
    %dma_wait3A_78 = tpu.memref_slice %arg8[%dma_wait3A_76, %dma_wait3A_77] : memref<25x80xi32, #tpu.memory_space<vmem>> -> memref<1x80xi32, #tpu.memory_space<vmem>>
    %dma_wait3A_79 = tpu.memref_squeeze %dma_wait3A_78 : memref<1x80xi32, #tpu.memory_space<vmem>> -> memref<80xi32, #tpu.memory_space<vmem>>
    %dma_wait3A_80 = arith.constant 0 : i32
    %dma_wait3A_81 = arith.constant 0 : i32
    %dma_wait3A_82 = tpu.memref_slice %arg13[%dma_wait3A_80, %dma_wait3A_81] : memref<10000x128xf32, #tpu.memory_space<vmem_shared>> -> memref<10000x128xf32, #tpu.memory_space<vmem_shared>>
    tpu.wait_indirect_dma semaphore(%arg22 : memref<!tpu.dma_semaphore, #tpu.memory_space<semaphore_mem>>) src(%arg11 : memref<80x128xf32, #tpu.memory_space<vmem>>) dst(%dma_wait3A_82 : memref<10000x128xf32, #tpu.memory_space<vmem_shared>>)
    %dma_wait3A_83 = arith.constant 0 : i32
    %dma_wait3A_84 = arith.constant 0 : i32
    %dma_wait3A_85 = tpu.memref_slice %arg8[%dma_wait3A_83, %dma_wait3A_84] : memref<25x80xi32, #tpu.memory_space<vmem>> -> memref<1x80xi32, #tpu.memory_space<vmem>>
    %dma_wait3A_86 = tpu.memref_squeeze %dma_wait3A_85 : memref<1x80xi32, #tpu.memory_space<vmem>> -> memref<80xi32, #tpu.memory_space<vmem>>
    %dma_wait3A_87 = arith.constant 0 : i32
    %dma_wait3A_88 = arith.constant 0 : i32
    %dma_wait3A_89 = tpu.memref_slice %arg13[%dma_wait3A_87, %dma_wait3A_88] : memref<10000x128xf32, #tpu.memory_space<vmem_shared>> -> memref<10000x128xf32, #tpu.memory_space<vmem_shared>>
    tpu.wait_indirect_dma semaphore(%arg23 : memref<!tpu.dma_semaphore, #tpu.memory_space<semaphore_mem>>) src(%arg12 : memref<80x128xf32, #tpu.memory_space<vmem>>) dst(%dma_wait3A_89 : memref<10000x128xf32, #tpu.memory_space<vmem_shared>>)
    %barrier3A_90 = arith.constant 0 : index
    tpu.barrier barrier_id(%barrier3A_90)
    %lt3A_91 = arith.constant 10 : i32
    %lt3A_92 = arith.cmpi slt, %arg1, %lt3A_91 : i32
    %convert_element_type3A_93 = arith.extui %lt3A_92 : i1 to i32
    %cond3A_94 = arith.constant 0 : i32
    %cond3A_95 = arith.cmpi ne, %convert_element_type3A_93, %cond3A_94 : i32
    scf.if %cond3A_95 {
      %mul3A_96 = arith.constant 1000 : i32
      %mul3A_97 = arith.muli %arg1, %mul3A_96 : i32
      %mul3A_98 = arith.constant 10000 : i32
      %mul3A_99 = arith.muli %arg0, %mul3A_98 : i32
      %mul3A_100 = arith.constant 1000 : i32
      %mul3A_101 = arith.muli %arg1, %mul3A_100 : i32
      %add3A_102 = arith.addi %mul3A_99, %mul3A_101 : i32
      "tpu.region"() ({
        %run_scoped3A = tpu.sem_alloc : memref<!tpu.dma_semaphore, #tpu.memory_space<semaphore_mem>>
        %dma_start3A_103 = arith.constant 0 : i32
        %dma_start3A_104 = tpu.memref_slice %arg6[%add3A_102, %dma_start3A_103] : memref<20000x128xf32, #tpu.memory_space<hbm>> -> memref<1000x128xf32, #tpu.memory_space<hbm>>
        %dma_start3A_105 = arith.constant 0 : i32
        %dma_start3A_106 = tpu.memref_slice %arg13[%mul3A_97, %dma_start3A_105] : memref<10000x128xf32, #tpu.memory_space<vmem_shared>> -> memref<1000x128xf32, #tpu.memory_space<vmem_shared>>
        tpu.enqueue_dma source(%dma_start3A_106 : memref<1000x128xf32, #tpu.memory_space<vmem_shared>>) target(%dma_start3A_104 : memref<1000x128xf32, #tpu.memory_space<hbm>>) target_semaphore(%run_scoped3A : memref<!tpu.dma_semaphore, #tpu.memory_space<semaphore_mem>>)
        %dma_wait3A_107 = arith.constant 0 : i32
        %dma_wait3A_108 = tpu.memref_slice %arg6[%add3A_102, %dma_wait3A_107] : memref<20000x128xf32, #tpu.memory_space<hbm>> -> memref<1000x128xf32, #tpu.memory_space<hbm>>
        %dma_wait3A_109 = arith.constant 0 : i32
        %dma_wait3A_110 = tpu.memref_slice %arg13[%mul3A_97, %dma_wait3A_109] : memref<10000x128xf32, #tpu.memory_space<vmem_shared>> -> memref<1000x128xf32, #tpu.memory_space<vmem_shared>>
        tpu.wait_dma2 semaphore(%run_scoped3A : memref<!tpu.dma_semaphore, #tpu.memory_space<semaphore_mem>>) src(%dma_wait3A_110 : memref<1000x128xf32, #tpu.memory_space<vmem_shared>>) dst(%dma_wait3A_108 : memref<1000x128xf32, #tpu.memory_space<hbm>>)
        tpu.yield
      }) : () -> ()
    } else {
    }
    return
  }
}

#map = affine_map<(d0, d1) -> (0)>
module attributes {stable_mosaic.version = 14 : i64} {
  func.func @_deg_body(%arg0: i32, %arg1: i32, %arg2: memref<320000xi32, #tpu.memory_space<hbm>>, %arg3: memref<320000xf32, #tpu.memory_space<hbm>>, %arg4: memref<10000xi32, #tpu.memory_space<vmem>>, %arg5: memref<10000xf32, #tpu.memory_space<vmem>>) attributes {dimension_semantics = [#tpu.dimension_semantics<core_parallel>, #tpu.dimension_semantics<subcore_parallel>], iteration_bounds = array<i64: 2, 16>, scalar_prefetch = 0 : i64, scratch_operands = 2 : i64, tpu.core_type = #tpu.core_type<sc_vector_subcore>, window_params = [{transform_indices = #map}, {transform_indices = #map}]} {
    %mul3A = arith.constant 16 : i32
    %mul3A_0 = arith.muli %arg0, %mul3A : i32
    %add3A = arith.addi %mul3A_0, %arg1 : i32
    %broadcast_in_dim3A = arith.constant 0.000000e+00 : f32
    %broadcast_in_dim3A_1 = vector.broadcast %broadcast_in_dim3A : f32 to vector<16xf32>
    %scan3A = arith.constant 0 : i32
    %scan3A_2 = arith.constant 0 : i32
    %scan3A_3 = arith.constant 625 : i32
    %scan3A_4 = arith.addi %scan3A_2, %scan3A_3 : i32
    %scan3A_5 = arith.constant 1 : i32
    scf.for %scan3A_19 = %scan3A_2 to %scan3A_4 step %scan3A_5  : i32 {
      %mul3A_20 = arith.constant 16 : i32
      %mul3A_21 = arith.muli %scan3A_19, %mul3A_20 : i32
      %swap3A = arith.index_cast %mul3A_21 : i32 to index
      %swap3A_22 = tpu.vector_load %arg5[%swap3A] {strides = array<i32>} : memref<10000xf32, #tpu.memory_space<vmem>>, vector<16xf32>,
      tpu.vector_store %arg5[%swap3A], %broadcast_in_dim3A_1 {strides = array<i32>} : memref<10000xf32, #tpu.memory_space<vmem>>, vector<16xf32>,
    }
    %scan3A_6 = arith.constant 625 : i32
    %mul3A_7 = arith.constant 10000 : i32
    %mul3A_8 = arith.muli %add3A, %mul3A_7 : i32
    "tpu.region"() ({
      %run_scoped3A = tpu.sem_alloc : memref<!tpu.dma_semaphore, #tpu.memory_space<semaphore_mem>>
      %dma_start3A = tpu.memref_slice %arg2[%mul3A_8] : memref<320000xi32, #tpu.memory_space<hbm>> -> memref<10000xi32, #tpu.memory_space<hbm>>
      %dma_start3A_19 = tpu.memref_slice %arg2[%mul3A_8] : memref<320000xi32, #tpu.memory_space<hbm>> -> memref<10000xi32, #tpu.memory_space<hbm>>
      tpu.enqueue_dma source(%dma_start3A_19 : memref<10000xi32, #tpu.memory_space<hbm>>) target(%arg4 : memref<10000xi32, #tpu.memory_space<vmem>>) target_semaphore(%run_scoped3A : memref<!tpu.dma_semaphore, #tpu.memory_space<semaphore_mem>>)
      %dma_wait3A = tpu.memref_slice %arg2[%mul3A_8] : memref<320000xi32, #tpu.memory_space<hbm>> -> memref<10000xi32, #tpu.memory_space<hbm>>
      %dma_wait3A_20 = tpu.memref_slice %arg2[%mul3A_8] : memref<320000xi32, #tpu.memory_space<hbm>> -> memref<10000xi32, #tpu.memory_space<hbm>>
      tpu.wait_dma2 semaphore(%run_scoped3A : memref<!tpu.dma_semaphore, #tpu.memory_space<semaphore_mem>>) src(%dma_wait3A_20 : memref<10000xi32, #tpu.memory_space<hbm>>) dst(%arg4 : memref<10000xi32, #tpu.memory_space<vmem>>)
      tpu.yield
    }) : () -> ()
    %broadcast_in_dim3A_9 = arith.constant 1.000000e+00 : f32
    %broadcast_in_dim3A_10 = vector.broadcast %broadcast_in_dim3A_9 : f32 to vector<16xf32>
    %scan3A_11 = arith.constant 0 : i32
    %scan3A_12 = arith.constant 0 : i32
    %scan3A_13 = arith.constant 625 : i32
    %scan3A_14 = arith.addi %scan3A_12, %scan3A_13 : i32
    %scan3A_15 = arith.constant 1 : i32
    scf.for %scan3A_19 = %scan3A_12 to %scan3A_14 step %scan3A_15  : i32 {
      %mul3A_20 = arith.constant 16 : i32
      %mul3A_21 = arith.muli %scan3A_19, %mul3A_20 : i32
      %get3A = arith.index_cast %mul3A_21 : i32 to index
      %get3A_22 = tpu.vector_load %arg4[%get3A] {strides = array<i32>} : memref<10000xi32, #tpu.memory_space<vmem>>, vector<16xi32>,
      tpu.vector_store_idx %arg5[%get3A_22], %broadcast_in_dim3A_10 {add = true} : memref<10000xf32, #tpu.memory_space<vmem>>[vector<16xi32>], vector<16xf32>,
    }
    %scan3A_16 = arith.constant 625 : i32
    %mul3A_17 = arith.constant 10000 : i32
    %mul3A_18 = arith.muli %add3A, %mul3A_17 : i32
    "tpu.region"() ({
      %run_scoped3A = tpu.sem_alloc : memref<!tpu.dma_semaphore, #tpu.memory_space<semaphore_mem>>
      %dma_start3A = tpu.memref_slice %arg3[%mul3A_18] : memref<320000xf32, #tpu.memory_space<hbm>> -> memref<10000xf32, #tpu.memory_space<hbm>>
      %dma_start3A_19 = tpu.memref_slice %arg3[%mul3A_18] : memref<320000xf32, #tpu.memory_space<hbm>> -> memref<10000xf32, #tpu.memory_space<hbm>>
      tpu.enqueue_dma source(%arg5 : memref<10000xf32, #tpu.memory_space<vmem>>) target(%dma_start3A_19 : memref<10000xf32, #tpu.memory_space<hbm>>) target_semaphore(%run_scoped3A : memref<!tpu.dma_semaphore, #tpu.memory_space<semaphore_mem>>)
      %dma_wait3A = tpu.memref_slice %arg3[%mul3A_18] : memref<320000xf32, #tpu.memory_space<hbm>> -> memref<10000xf32, #tpu.memory_space<hbm>>
      %dma_wait3A_20 = tpu.memref_slice %arg3[%mul3A_18] : memref<320000xf32, #tpu.memory_space<hbm>> -> memref<10000xf32, #tpu.memory_space<hbm>>
      tpu.wait_dma2 semaphore(%run_scoped3A : memref<!tpu.dma_semaphore, #tpu.memory_space<semaphore_mem>>) src(%arg5 : memref<10000xf32, #tpu.memory_space<vmem>>) dst(%dma_wait3A_20 : memref<10000xf32, #tpu.memory_space<hbm>>)
      tpu.yield
    }) : () -> ()
    return
  }
}

#map = affine_map<(d0, d1) -> (0, 0)>
#map1 = affine_map<(d0, d1) -> (0, 0, 0)>
module attributes {stable_mosaic.version = 14 : i64} {
  func.func @body(%arg0: i32, %arg1: i32, %arg2: memref<20000x128xf32, #tpu.memory_space<hbm>>, %arg3: memref<320x25x80xi32, #tpu.memory_space<hbm>>, %arg4: memref<160x25x80xi32, #tpu.memory_space<hbm>>, %arg5: memref<1000x128xf32, #tpu.memory_space<hbm>>, %arg6: memref<20000x128xf32, #tpu.memory_space<hbm>>, %arg7: memref<25x80xi32, #tpu.memory_space<vmem>>, %arg8: memref<25x80xi32, #tpu.memory_space<vmem>>, %arg9: memref<80x128xf32, #tpu.memory_space<vmem>>, %arg10: memref<80x128xf32, #tpu.memory_space<vmem>>, %arg11: memref<80x128xf32, #tpu.memory_space<vmem>>, %arg12: memref<80x128xf32, #tpu.memory_space<vmem>>, %arg13: memref<10000x128xf32, #tpu.memory_space<vmem_shared>>, %arg14: memref<!tpu.dma_semaphore, #tpu.memory_space<semaphore_mem>>, %arg15: memref<!tpu.dma_semaphore, #tpu.memory_space<semaphore_mem>>, %arg16: memref<!tpu.dma_semaphore, #tpu.memory_space<semaphore_mem>>, %arg17: memref<!tpu.dma_semaphore, #tpu.memory_space<semaphore_mem>>, %arg18: memref<!tpu.dma_semaphore, #tpu.memory_space<semaphore_mem>>, %arg19: memref<!tpu.dma_semaphore, #tpu.memory_space<semaphore_mem>>, %arg20: memref<!tpu.dma_semaphore, #tpu.memory_space<semaphore_mem>>, %arg21: memref<!tpu.dma_semaphore, #tpu.memory_space<semaphore_mem>>, %arg22: memref<!tpu.dma_semaphore, #tpu.memory_space<semaphore_mem>>, %arg23: memref<!tpu.dma_semaphore, #tpu.memory_space<semaphore_mem>>) attributes {dimension_semantics = [#tpu.dimension_semantics<core_parallel>, #tpu.dimension_semantics<subcore_parallel>], iteration_bounds = array<i64: 2, 16>, scalar_prefetch = 0 : i64, scratch_operands = 17 : i64, tpu.core_type = #tpu.core_type<sc_vector_subcore>, window_params = [{transform_indices = #map}, {transform_indices = #map1}, {transform_indices = #map1}, {transform_indices = #map}, {transform_indices = #map}]} {
    %mul3A = arith.constant 16 : i32
    %mul3A_0 = arith.muli %arg0, %mul3A : i32
    %add3A = arith.addi %mul3A_0, %arg1 : i32
    %lt3A = arith.constant 10 : i32
    %lt3A_1 = arith.cmpi slt, %arg1, %lt3A : i32
    %convert_element_type3A = arith.extui %lt3A_1 : i1 to i32
    %cond3A = arith.constant 0 : i32
    %cond3A_2 = arith.cmpi ne, %convert_element_type3A, %cond3A : i32
    scf.if %cond3A_2 {
      %mul3A_96 = arith.constant 1000 : i32
      %mul3A_97 = arith.muli %arg1, %mul3A_96 : i32
      "tpu.region"() ({
        %run_scoped3A = tpu.sem_alloc : memref<!tpu.dma_semaphore, #tpu.memory_space<semaphore_mem>>
        %dma_start3A_98 = arith.constant 0 : i32
        %dma_start3A_99 = tpu.memref_slice %arg13[%mul3A_97, %dma_start3A_98] : memref<10000x128xf32, #tpu.memory_space<vmem_shared>> -> memref<1000x128xf32, #tpu.memory_space<vmem_shared>>
        tpu.enqueue_dma source(%arg5 : memref<1000x128xf32, #tpu.memory_space<hbm>>) target(%dma_start3A_99 : memref<1000x128xf32, #tpu.memory_space<vmem_shared>>) target_semaphore(%run_scoped3A : memref<!tpu.dma_semaphore, #tpu.memory_space<semaphore_mem>>)
        %dma_wait3A_100 = arith.constant 0 : i32
        %dma_wait3A_101 = tpu.memref_slice %arg13[%mul3A_97, %dma_wait3A_100] : memref<10000x128xf32, #tpu.memory_space<vmem_shared>> -> memref<1000x128xf32, #tpu.memory_space<vmem_shared>>
        tpu.wait_dma2 semaphore(%run_scoped3A : memref<!tpu.dma_semaphore, #tpu.memory_space<semaphore_mem>>) src(%arg5 : memref<1000x128xf32, #tpu.memory_space<hbm>>) dst(%dma_wait3A_101 : memref<1000x128xf32, #tpu.memory_space<vmem_shared>>)
        tpu.yield
      }) : () -> ()
    } else {
    }
    %mul3A_3 = arith.constant 10 : i32
    %mul3A_4 = arith.muli %add3A, %mul3A_3 : i32
    %add3A_5 = arith.constant 0 : i32
    %add3A_6 = arith.addi %mul3A_4, %add3A_5 : i32
    "tpu.region"() ({
      %run_scoped3A = tpu.sem_alloc : memref<!tpu.dma_semaphore, #tpu.memory_space<semaphore_mem>>
      %dma_start3A_96 = arith.constant 0 : i32
      %dma_start3A_97 = arith.constant 0 : i32
      %dma_start3A_98 = tpu.memref_slice %arg3[%add3A_6, %dma_start3A_96, %dma_start3A_97] : memref<320x25x80xi32, #tpu.memory_space<hbm>> -> memref<1x25x80xi32, #tpu.memory_space<hbm>>
      %dma_start3A_99 = tpu.memref_squeeze %dma_start3A_98 : memref<1x25x80xi32, #tpu.memory_space<hbm>> -> memref<25x80xi32, #tpu.memory_space<hbm>>
      %dma_start3A_100 = arith.constant 0 : i32
      %dma_start3A_101 = arith.constant 0 : i32
      %dma_start3A_102 = tpu.memref_slice %arg3[%add3A_6, %dma_start3A_100, %dma_start3A_101] : memref<320x25x80xi32, #tpu.memory_space<hbm>> -> memref<1x25x80xi32, #tpu.memory_space<hbm>>
      %dma_start3A_103 = tpu.memref_squeeze %dma_start3A_102 : memref<1x25x80xi32, #tpu.memory_space<hbm>> -> memref<25x80xi32, #tpu.memory_space<hbm>>
      tpu.enqueue_dma source(%dma_start3A_103 : memref<25x80xi32, #tpu.memory_space<hbm>>) target(%arg7 : memref<25x80xi32, #tpu.memory_space<vmem>>) target_semaphore(%run_scoped3A : memref<!tpu.dma_semaphore, #tpu.memory_space<semaphore_mem>>)
      %dma_wait3A_104 = arith.constant 0 : i32
      %dma_wait3A_105 = arith.constant 0 : i32
      %dma_wait3A_106 = tpu.memref_slice %arg3[%add3A_6, %dma_wait3A_104, %dma_wait3A_105] : memref<320x25x80xi32, #tpu.memory_space<hbm>> -> memref<1x25x80xi32, #tpu.memory_space<hbm>>
      %dma_wait3A_107 = tpu.memref_squeeze %dma_wait3A_106 : memref<1x25x80xi32, #tpu.memory_space<hbm>> -> memref<25x80xi32, #tpu.memory_space<hbm>>
      %dma_wait3A_108 = arith.constant 0 : i32
      %dma_wait3A_109 = arith.constant 0 : i32
      %dma_wait3A_110 = tpu.memref_slice %arg3[%add3A_6, %dma_wait3A_108, %dma_wait3A_109] : memref<320x25x80xi32, #tpu.memory_space<hbm>> -> memref<1x25x80xi32, #tpu.memory_space<hbm>>
      %dma_wait3A_111 = tpu.memref_squeeze %dma_wait3A_110 : memref<1x25x80xi32, #tpu.memory_space<hbm>> -> memref<25x80xi32, #tpu.memory_space<hbm>>
      tpu.wait_dma2 semaphore(%run_scoped3A : memref<!tpu.dma_semaphore, #tpu.memory_space<semaphore_mem>>) src(%dma_wait3A_111 : memref<25x80xi32, #tpu.memory_space<hbm>>) dst(%arg7 : memref<25x80xi32, #tpu.memory_space<vmem>>)
      tpu.yield
    }) : () -> ()
    %mul3A_7 = arith.constant 10 : i32
    %mul3A_8 = arith.muli %arg1, %mul3A_7 : i32
    %add3A_9 = arith.constant 0 : i32
    %add3A_10 = arith.addi %mul3A_8, %add3A_9 : i32
    "tpu.region"() ({
      %run_scoped3A = tpu.sem_alloc : memref<!tpu.dma_semaphore, #tpu.memory_space<semaphore_mem>>
      %dma_start3A_96 = arith.constant 0 : i32
      %dma_start3A_97 = arith.constant 0 : i32
      %dma_start3A_98 = tpu.memref_slice %arg4[%add3A_10, %dma_start3A_96, %dma_start3A_97] : memref<160x25x80xi32, #tpu.memory_space<hbm>> -> memref<1x25x80xi32, #tpu.memory_space<hbm>>
      %dma_start3A_99 = tpu.memref_squeeze %dma_start3A_98 : memref<1x25x80xi32, #tpu.memory_space<hbm>> -> memref<25x80xi32, #tpu.memory_space<hbm>>
      %dma_start3A_100 = arith.constant 0 : i32
      %dma_start3A_101 = arith.constant 0 : i32
      %dma_start3A_102 = tpu.memref_slice %arg4[%add3A_10, %dma_start3A_100, %dma_start3A_101] : memref<160x25x80xi32, #tpu.memory_space<hbm>> -> memref<1x25x80xi32, #tpu.memory_space<hbm>>
      %dma_start3A_103 = tpu.memref_squeeze %dma_start3A_102 : memref<1x25x80xi32, #tpu.memory_space<hbm>> -> memref<25x80xi32, #tpu.memory_space<hbm>>
      tpu.enqueue_dma source(%dma_start3A_103 : memref<25x80xi32, #tpu.memory_space<hbm>>) target(%arg8 : memref<25x80xi32, #tpu.memory_space<vmem>>) target_semaphore(%run_scoped3A : memref<!tpu.dma_semaphore, #tpu.memory_space<semaphore_mem>>)
      %dma_wait3A_104 = arith.constant 0 : i32
      %dma_wait3A_105 = arith.constant 0 : i32
      %dma_wait3A_106 = tpu.memref_slice %arg4[%add3A_10, %dma_wait3A_104, %dma_wait3A_105] : memref<160x25x80xi32, #tpu.memory_space<hbm>> -> memref<1x25x80xi32, #tpu.memory_space<hbm>>
      %dma_wait3A_107 = tpu.memref_squeeze %dma_wait3A_106 : memref<1x25x80xi32, #tpu.memory_space<hbm>> -> memref<25x80xi32, #tpu.memory_space<hbm>>
      %dma_wait3A_108 = arith.constant 0 : i32
      %dma_wait3A_109 = arith.constant 0 : i32
      %dma_wait3A_110 = tpu.memref_slice %arg4[%add3A_10, %dma_wait3A_108, %dma_wait3A_109] : memref<160x25x80xi32, #tpu.memory_space<hbm>> -> memref<1x25x80xi32, #tpu.memory_space<hbm>>
      %dma_wait3A_111 = tpu.memref_squeeze %dma_wait3A_110 : memref<1x25x80xi32, #tpu.memory_space<hbm>> -> memref<25x80xi32, #tpu.memory_space<hbm>>
      tpu.wait_dma2 semaphore(%run_scoped3A : memref<!tpu.dma_semaphore, #tpu.memory_space<semaphore_mem>>) src(%dma_wait3A_111 : memref<25x80xi32, #tpu.memory_space<hbm>>) dst(%arg8 : memref<25x80xi32, #tpu.memory_space<vmem>>)
      tpu.yield
    }) : () -> ()
    %dma_start3A = arith.constant 0 : i32
    %dma_start3A_11 = arith.constant 0 : i32
    %dma_start3A_12 = tpu.memref_slice %arg7[%dma_start3A, %dma_start3A_11] : memref<25x80xi32, #tpu.memory_space<vmem>> -> memref<1x80xi32, #tpu.memory_space<vmem>>
    %dma_start3A_13 = tpu.memref_squeeze %dma_start3A_12 : memref<1x80xi32, #tpu.memory_space<vmem>> -> memref<80xi32, #tpu.memory_space<vmem>>
    %dma_start3A_14 = arith.constant 0 : i32
    %dma_start3A_15 = arith.constant 0 : i32
    %dma_start3A_16 = tpu.memref_slice %arg2[%dma_start3A_14, %dma_start3A_15] : memref<20000x128xf32, #tpu.memory_space<hbm>> -> memref<20000x128xf32, #tpu.memory_space<hbm>>
    tpu.enqueue_indirect_dma source(%dma_start3A_16 : memref<20000x128xf32, #tpu.memory_space<hbm>>) target(%arg9 : memref<80x128xf32, #tpu.memory_space<vmem>>) offsets(%dma_start3A_13 : memref<80xi32, #tpu.memory_space<vmem>>) semaphore(%arg16 : memref<!tpu.dma_semaphore, #tpu.memory_space<semaphore_mem>>)
    %dma_start3A_17 = arith.constant 1 : i32
    %dma_start3A_18 = arith.constant 0 : i32
    %dma_start3A_19 = tpu.memref_slice %arg7[%dma_start3A_17, %dma_start3A_18] : memref<25x80xi32, #tpu.memory_space<vmem>> -> memref<1x80xi32, #tpu.memory_space<vmem>>
    %dma_start3A_20 = tpu.memref_squeeze %dma_start3A_19 : memref<1x80xi32, #tpu.memory_space<vmem>> -> memref<80xi32, #tpu.memory_space<vmem>>
    %dma_start3A_21 = arith.constant 0 : i32
    %dma_start3A_22 = arith.constant 0 : i32
    %dma_start3A_23 = tpu.memref_slice %arg2[%dma_start3A_21, %dma_start3A_22] : memref<20000x128xf32, #tpu.memory_space<hbm>> -> memref<20000x128xf32, #tpu.memory_space<hbm>>
    tpu.enqueue_indirect_dma source(%dma_start3A_23 : memref<20000x128xf32, #tpu.memory_space<hbm>>) target(%arg10 : memref<80x128xf32, #tpu.memory_space<vmem>>) offsets(%dma_start3A_20 : memref<80xi32, #tpu.memory_space<vmem>>) semaphore(%arg17 : memref<!tpu.dma_semaphore, #tpu.memory_space<semaphore_mem>>)
    %dma_start3A_24 = arith.constant 2 : i32
    %dma_start3A_25 = arith.constant 0 : i32
    %dma_start3A_26 = tpu.memref_slice %arg7[%dma_start3A_24, %dma_start3A_25] : memref<25x80xi32, #tpu.memory_space<vmem>> -> memref<1x80xi32, #tpu.memory_space<vmem>>
    %dma_start3A_27 = tpu.memref_squeeze %dma_start3A_26 : memref<1x80xi32, #tpu.memory_space<vmem>> -> memref<80xi32, #tpu.memory_space<vmem>>
    %dma_start3A_28 = arith.constant 0 : i32
    %dma_start3A_29 = arith.constant 0 : i32
    %dma_start3A_30 = tpu.memref_slice %arg2[%dma_start3A_28, %dma_start3A_29] : memref<20000x128xf32, #tpu.memory_space<hbm>> -> memref<20000x128xf32, #tpu.memory_space<hbm>>
    tpu.enqueue_indirect_dma source(%dma_start3A_30 : memref<20000x128xf32, #tpu.memory_space<hbm>>) target(%arg11 : memref<80x128xf32, #tpu.memory_space<vmem>>) offsets(%dma_start3A_27 : memref<80xi32, #tpu.memory_space<vmem>>) semaphore(%arg18 : memref<!tpu.dma_semaphore, #tpu.memory_space<semaphore_mem>>)
    %dma_start3A_31 = arith.constant 3 : i32
    %dma_start3A_32 = arith.constant 0 : i32
    %dma_start3A_33 = tpu.memref_slice %arg7[%dma_start3A_31, %dma_start3A_32] : memref<25x80xi32, #tpu.memory_space<vmem>> -> memref<1x80xi32, #tpu.memory_space<vmem>>
    %dma_start3A_34 = tpu.memref_squeeze %dma_start3A_33 : memref<1x80xi32, #tpu.memory_space<vmem>> -> memref<80xi32, #tpu.memory_space<vmem>>
    %dma_start3A_35 = arith.constant 0 : i32
    %dma_start3A_36 = arith.constant 0 : i32
    %dma_start3A_37 = tpu.memref_slice %arg2[%dma_start3A_35, %dma_start3A_36] : memref<20000x128xf32, #tpu.memory_space<hbm>> -> memref<20000x128xf32, #tpu.memory_space<hbm>>
    tpu.enqueue_indirect_dma source(%dma_start3A_37 : memref<20000x128xf32, #tpu.memory_space<hbm>>) target(%arg12 : memref<80x128xf32, #tpu.memory_space<vmem>>) offsets(%dma_start3A_34 : memref<80xi32, #tpu.memory_space<vmem>>) semaphore(%arg19 : memref<!tpu.dma_semaphore, #tpu.memory_space<semaphore_mem>>)
    %barrier3A = arith.constant 0 : index
    tpu.barrier barrier_id(%barrier3A)
    %scan3A = arith.constant 0 : i32
    %scan3A_38 = arith.constant 0 : i32
    %scan3A_39 = arith.constant 6 : i32
    %scan3A_40 = arith.addi %scan3A_38, %scan3A_39 : i32
    %scan3A_41 = arith.constant 1 : i32
    scf.for %scan3A_96 = %scan3A_38 to %scan3A_40 step %scan3A_41  : i32 {
      %mul3A_97 = arith.constant 4 : i32
      %mul3A_98 = arith.muli %scan3A_96, %mul3A_97 : i32
      %add3A_99 = arith.constant 0 : i32
      %add3A_100 = arith.addi %mul3A_98, %add3A_99 : i32
      %dma_wait3A_101 = arith.constant 0 : i32
      %dma_wait3A_102 = tpu.memref_slice %arg7[%add3A_100, %dma_wait3A_101] : memref<25x80xi32, #tpu.memory_space<vmem>> -> memref<1x80xi32, #tpu.memory_space<vmem>>
      %dma_wait3A_103 = tpu.memref_squeeze %dma_wait3A_102 : memref<1x80xi32, #tpu.memory_space<vmem>> -> memref<80xi32, #tpu.memory_space<vmem>>
      %dma_wait3A_104 = arith.constant 0 : i32
      %dma_wait3A_105 = arith.constant 0 : i32
      %dma_wait3A_106 = tpu.memref_slice %arg2[%dma_wait3A_104, %dma_wait3A_105] : memref<20000x128xf32, #tpu.memory_space<hbm>> -> memref<20000x128xf32, #tpu.memory_space<hbm>>
      tpu.wait_indirect_dma semaphore(%arg16 : memref<!tpu.dma_semaphore, #tpu.memory_space<semaphore_mem>>) src(%dma_wait3A_106 : memref<20000x128xf32, #tpu.memory_space<hbm>>) dst(%arg9 : memref<80x128xf32, #tpu.memory_space<vmem>>)
      %dma_start3A_107 = arith.constant 0 : i32
      %dma_start3A_108 = tpu.memref_slice %arg8[%add3A_100, %dma_start3A_107] : memref<25x80xi32, #tpu.memory_space<vmem>> -> memref<1x80xi32, #tpu.memory_space<vmem>>
      %dma_start3A_109 = tpu.memref_squeeze %dma_start3A_108 : memref<1x80xi32, #tpu.memory_space<vmem>> -> memref<80xi32, #tpu.memory_space<vmem>>
      %dma_start3A_110 = arith.constant 0 : i32
      %dma_start3A_111 = arith.constant 0 : i32
      %dma_start3A_112 = tpu.memref_slice %arg13[%dma_start3A_110, %dma_start3A_111] : memref<10000x128xf32, #tpu.memory_space<vmem_shared>> -> memref<10000x128xf32, #tpu.memory_space<vmem_shared>>
      tpu.enqueue_indirect_dma source(%arg9 : memref<80x128xf32, #tpu.memory_space<vmem>>) target(%dma_start3A_112 : memref<10000x128xf32, #tpu.memory_space<vmem_shared>>) offsets(%dma_start3A_109 : memref<80xi32, #tpu.memory_space<vmem>>) semaphore(%arg20 : memref<!tpu.dma_semaphore, #tpu.memory_space<semaphore_mem>>) {add = true}
      %add3A_113 = arith.constant 1 : i32
      %add3A_114 = arith.addi %mul3A_98, %add3A_113 : i32
      %dma_wait3A_115 = arith.constant 0 : i32
      %dma_wait3A_116 = tpu.memref_slice %arg7[%add3A_114, %dma_wait3A_115] : memref<25x80xi32, #tpu.memory_space<vmem>> -> memref<1x80xi32, #tpu.memory_space<vmem>>
      %dma_wait3A_117 = tpu.memref_squeeze %dma_wait3A_116 : memref<1x80xi32, #tpu.memory_space<vmem>> -> memref<80xi32, #tpu.memory_space<vmem>>
      %dma_wait3A_118 = arith.constant 0 : i32
      %dma_wait3A_119 = arith.constant 0 : i32
      %dma_wait3A_120 = tpu.memref_slice %arg2[%dma_wait3A_118, %dma_wait3A_119] : memref<20000x128xf32, #tpu.memory_space<hbm>> -> memref<20000x128xf32, #tpu.memory_space<hbm>>
      tpu.wait_indirect_dma semaphore(%arg17 : memref<!tpu.dma_semaphore, #tpu.memory_space<semaphore_mem>>) src(%dma_wait3A_120 : memref<20000x128xf32, #tpu.memory_space<hbm>>) dst(%arg10 : memref<80x128xf32, #tpu.memory_space<vmem>>)
      %dma_start3A_121 = arith.constant 0 : i32
      %dma_start3A_122 = tpu.memref_slice %arg8[%add3A_114, %dma_start3A_121] : memref<25x80xi32, #tpu.memory_space<vmem>> -> memref<1x80xi32, #tpu.memory_space<vmem>>
      %dma_start3A_123 = tpu.memref_squeeze %dma_start3A_122 : memref<1x80xi32, #tpu.memory_space<vmem>> -> memref<80xi32, #tpu.memory_space<vmem>>
      %dma_start3A_124 = arith.constant 0 : i32
      %dma_start3A_125 = arith.constant 0 : i32
      %dma_start3A_126 = tpu.memref_slice %arg13[%dma_start3A_124, %dma_start3A_125] : memref<10000x128xf32, #tpu.memory_space<vmem_shared>> -> memref<10000x128xf32, #tpu.memory_space<vmem_shared>>
      tpu.enqueue_indirect_dma source(%arg10 : memref<80x128xf32, #tpu.memory_space<vmem>>) target(%dma_start3A_126 : memref<10000x128xf32, #tpu.memory_space<vmem_shared>>) offsets(%dma_start3A_123 : memref<80xi32, #tpu.memory_space<vmem>>) semaphore(%arg21 : memref<!tpu.dma_semaphore, #tpu.memory_space<semaphore_mem>>) {add = true}
      %add3A_127 = arith.constant 2 : i32
      %add3A_128 = arith.addi %mul3A_98, %add3A_127 : i32
      %dma_wait3A_129 = arith.constant 0 : i32
      %dma_wait3A_130 = tpu.memref_slice %arg7[%add3A_128, %dma_wait3A_129] : memref<25x80xi32, #tpu.memory_space<vmem>> -> memref<1x80xi32, #tpu.memory_space<vmem>>
      %dma_wait3A_131 = tpu.memref_squeeze %dma_wait3A_130 : memref<1x80xi32, #tpu.memory_space<vmem>> -> memref<80xi32, #tpu.memory_space<vmem>>
      %dma_wait3A_132 = arith.constant 0 : i32
      %dma_wait3A_133 = arith.constant 0 : i32
      %dma_wait3A_134 = tpu.memref_slice %arg2[%dma_wait3A_132, %dma_wait3A_133] : memref<20000x128xf32, #tpu.memory_space<hbm>> -> memref<20000x128xf32, #tpu.memory_space<hbm>>
      tpu.wait_indirect_dma semaphore(%arg18 : memref<!tpu.dma_semaphore, #tpu.memory_space<semaphore_mem>>) src(%dma_wait3A_134 : memref<20000x128xf32, #tpu.memory_space<hbm>>) dst(%arg11 : memref<80x128xf32, #tpu.memory_space<vmem>>)
      %dma_start3A_135 = arith.constant 0 : i32
      %dma_start3A_136 = tpu.memref_slice %arg8[%add3A_128, %dma_start3A_135] : memref<25x80xi32, #tpu.memory_space<vmem>> -> memref<1x80xi32, #tpu.memory_space<vmem>>
      %dma_start3A_137 = tpu.memref_squeeze %dma_start3A_136 : memref<1x80xi32, #tpu.memory_space<vmem>> -> memref<80xi32, #tpu.memory_space<vmem>>
      %dma_start3A_138 = arith.constant 0 : i32
      %dma_start3A_139 = arith.constant 0 : i32
      %dma_start3A_140 = tpu.memref_slice %arg13[%dma_start3A_138, %dma_start3A_139] : memref<10000x128xf32, #tpu.memory_space<vmem_shared>> -> memref<10000x128xf32, #tpu.memory_space<vmem_shared>>
      tpu.enqueue_indirect_dma source(%arg11 : memref<80x128xf32, #tpu.memory_space<vmem>>) target(%dma_start3A_140 : memref<10000x128xf32, #tpu.memory_space<vmem_shared>>) offsets(%dma_start3A_137 : memref<80xi32, #tpu.memory_space<vmem>>) semaphore(%arg22 : memref<!tpu.dma_semaphore, #tpu.memory_space<semaphore_mem>>) {add = true}
      %add3A_141 = arith.constant 3 : i32
      %add3A_142 = arith.addi %mul3A_98, %add3A_141 : i32
      %dma_wait3A_143 = arith.constant 0 : i32
      %dma_wait3A_144 = tpu.memref_slice %arg7[%add3A_142, %dma_wait3A_143] : memref<25x80xi32, #tpu.memory_space<vmem>> -> memref<1x80xi32, #tpu.memory_space<vmem>>
      %dma_wait3A_145 = tpu.memref_squeeze %dma_wait3A_144 : memref<1x80xi32, #tpu.memory_space<vmem>> -> memref<80xi32, #tpu.memory_space<vmem>>
      %dma_wait3A_146 = arith.constant 0 : i32
      %dma_wait3A_147 = arith.constant 0 : i32
      %dma_wait3A_148 = tpu.memref_slice %arg2[%dma_wait3A_146, %dma_wait3A_147] : memref<20000x128xf32, #tpu.memory_space<hbm>> -> memref<20000x128xf32, #tpu.memory_space<hbm>>
      tpu.wait_indirect_dma semaphore(%arg19 : memref<!tpu.dma_semaphore, #tpu.memory_space<semaphore_mem>>) src(%dma_wait3A_148 : memref<20000x128xf32, #tpu.memory_space<hbm>>) dst(%arg12 : memref<80x128xf32, #tpu.memory_space<vmem>>)
      %dma_start3A_149 = arith.constant 0 : i32
      %dma_start3A_150 = tpu.memref_slice %arg8[%add3A_142, %dma_start3A_149] : memref<25x80xi32, #tpu.memory_space<vmem>> -> memref<1x80xi32, #tpu.memory_space<vmem>>
      %dma_start3A_151 = tpu.memref_squeeze %dma_start3A_150 : memref<1x80xi32, #tpu.memory_space<vmem>> -> memref<80xi32, #tpu.memory_space<vmem>>
      %dma_start3A_152 = arith.constant 0 : i32
      %dma_start3A_153 = arith.constant 0 : i32
      %dma_start3A_154 = tpu.memref_slice %arg13[%dma_start3A_152, %dma_start3A_153] : memref<10000x128xf32, #tpu.memory_space<vmem_shared>> -> memref<10000x128xf32, #tpu.memory_space<vmem_shared>>
      tpu.enqueue_indirect_dma source(%arg12 : memref<80x128xf32, #tpu.memory_space<vmem>>) target(%dma_start3A_154 : memref<10000x128xf32, #tpu.memory_space<vmem_shared>>) offsets(%dma_start3A_151 : memref<80xi32, #tpu.memory_space<vmem>>) semaphore(%arg23 : memref<!tpu.dma_semaphore, #tpu.memory_space<semaphore_mem>>) {add = true}
      %add3A_155 = arith.constant 0 : i32
      %add3A_156 = arith.addi %mul3A_98, %add3A_155 : i32
      %add3A_157 = arith.constant 4 : i32
      %add3A_158 = arith.addi %add3A_156, %add3A_157 : i32
      %lt3A_159 = arith.constant 25 : i32
      %lt3A_160 = arith.cmpi slt, %add3A_158, %lt3A_159 : i32
      %convert_element_type3A_161 = arith.extui %lt3A_160 : i1 to i32
      %cond3A_162 = arith.constant 0 : i32
      %cond3A_163 = arith.cmpi ne, %convert_element_type3A_161, %cond3A_162 : i32
      scf.if %cond3A_163 {
        %dma_wait3A_191 = arith.constant 0 : i32
        %dma_wait3A_192 = arith.constant 0 : i32
        %dma_wait3A_193 = tpu.memref_slice %arg8[%dma_wait3A_191, %dma_wait3A_192] : memref<25x80xi32, #tpu.memory_space<vmem>> -> memref<1x80xi32, #tpu.memory_space<vmem>>
        %dma_wait3A_194 = tpu.memref_squeeze %dma_wait3A_193 : memref<1x80xi32, #tpu.memory_space<vmem>> -> memref<80xi32, #tpu.memory_space<vmem>>
        %dma_wait3A_195 = arith.constant 0 : i32
        %dma_wait3A_196 = arith.constant 0 : i32
        %dma_wait3A_197 = tpu.memref_slice %arg13[%dma_wait3A_195, %dma_wait3A_196] : memref<10000x128xf32, #tpu.memory_space<vmem_shared>> -> memref<10000x128xf32, #tpu.memory_space<vmem_shared>>
        tpu.wait_indirect_dma semaphore(%arg20 : memref<!tpu.dma_semaphore, #tpu.memory_space<semaphore_mem>>) src(%arg9 : memref<80x128xf32, #tpu.memory_space<vmem>>) dst(%dma_wait3A_197 : memref<10000x128xf32, #tpu.memory_space<vmem_shared>>)
        %dma_start3A_198 = arith.constant 0 : i32
        %dma_start3A_199 = tpu.memref_slice %arg7[%add3A_158, %dma_start3A_198] : memref<25x80xi32, #tpu.memory_space<vmem>> -> memref<1x80xi32, #tpu.memory_space<vmem>>
        %dma_start3A_200 = tpu.memref_squeeze %dma_start3A_199 : memref<1x80xi32, #tpu.memory_space<vmem>> -> memref<80xi32, #tpu.memory_space<vmem>>
        %dma_start3A_201 = arith.constant 0 : i32
        %dma_start3A_202 = arith.constant 0 : i32
        %dma_start3A_203 = tpu.memref_slice %arg2[%dma_start3A_201, %dma_start3A_202] : memref<20000x128xf32, #tpu.memory_space<hbm>> -> memref<20000x128xf32, #tpu.memory_space<hbm>>
        tpu.enqueue_indirect_dma source(%dma_start3A_203 : memref<20000x128xf32, #tpu.memory_space<hbm>>) target(%arg9 : memref<80x128xf32, #tpu.memory_space<vmem>>) offsets(%dma_start3A_200 : memref<80xi32, #tpu.memory_space<vmem>>) semaphore(%arg16 : memref<!tpu.dma_semaphore, #tpu.memory_space<semaphore_mem>>)
      } else {
      }
      %add3A_164 = arith.constant 1 : i32
      %add3A_165 = arith.addi %mul3A_98, %add3A_164 : i32
      %add3A_166 = arith.constant 4 : i32
      %add3A_167 = arith.addi %add3A_165, %add3A_166 : i32
      %lt3A_168 = arith.constant 25 : i32
      %lt3A_169 = arith.cmpi slt, %add3A_167, %lt3A_168 : i32
      %convert_element_type3A_170 = arith.extui %lt3A_169 : i1 to i32
      %cond3A_171 = arith.constant 0 : i32
      %cond3A_172 = arith.cmpi ne, %convert_element_type3A_170, %cond3A_171 : i32
      scf.if %cond3A_172 {
        %dma_wait3A_191 = arith.constant 0 : i32
        %dma_wait3A_192 = arith.constant 0 : i32
        %dma_wait3A_193 = tpu.memref_slice %arg8[%dma_wait3A_191, %dma_wait3A_192] : memref<25x80xi32, #tpu.memory_space<vmem>> -> memref<1x80xi32, #tpu.memory_space<vmem>>
        %dma_wait3A_194 = tpu.memref_squeeze %dma_wait3A_193 : memref<1x80xi32, #tpu.memory_space<vmem>> -> memref<80xi32, #tpu.memory_space<vmem>>
        %dma_wait3A_195 = arith.constant 0 : i32
        %dma_wait3A_196 = arith.constant 0 : i32
        %dma_wait3A_197 = tpu.memref_slice %arg13[%dma_wait3A_195, %dma_wait3A_196] : memref<10000x128xf32, #tpu.memory_space<vmem_shared>> -> memref<10000x128xf32, #tpu.memory_space<vmem_shared>>
        tpu.wait_indirect_dma semaphore(%arg21 : memref<!tpu.dma_semaphore, #tpu.memory_space<semaphore_mem>>) src(%arg10 : memref<80x128xf32, #tpu.memory_space<vmem>>) dst(%dma_wait3A_197 : memref<10000x128xf32, #tpu.memory_space<vmem_shared>>)
        %dma_start3A_198 = arith.constant 0 : i32
        %dma_start3A_199 = tpu.memref_slice %arg7[%add3A_167, %dma_start3A_198] : memref<25x80xi32, #tpu.memory_space<vmem>> -> memref<1x80xi32, #tpu.memory_space<vmem>>
        %dma_start3A_200 = tpu.memref_squeeze %dma_start3A_199 : memref<1x80xi32, #tpu.memory_space<vmem>> -> memref<80xi32, #tpu.memory_space<vmem>>
        %dma_start3A_201 = arith.constant 0 : i32
        %dma_start3A_202 = arith.constant 0 : i32
        %dma_start3A_203 = tpu.memref_slice %arg2[%dma_start3A_201, %dma_start3A_202] : memref<20000x128xf32, #tpu.memory_space<hbm>> -> memref<20000x128xf32, #tpu.memory_space<hbm>>
        tpu.enqueue_indirect_dma source(%dma_start3A_203 : memref<20000x128xf32, #tpu.memory_space<hbm>>) target(%arg10 : memref<80x128xf32, #tpu.memory_space<vmem>>) offsets(%dma_start3A_200 : memref<80xi32, #tpu.memory_space<vmem>>) semaphore(%arg17 : memref<!tpu.dma_semaphore, #tpu.memory_space<semaphore_mem>>)
      } else {
      }
      %add3A_173 = arith.constant 2 : i32
      %add3A_174 = arith.addi %mul3A_98, %add3A_173 : i32
      %add3A_175 = arith.constant 4 : i32
      %add3A_176 = arith.addi %add3A_174, %add3A_175 : i32
      %lt3A_177 = arith.constant 25 : i32
      %lt3A_178 = arith.cmpi slt, %add3A_176, %lt3A_177 : i32
      %convert_element_type3A_179 = arith.extui %lt3A_178 : i1 to i32
      %cond3A_180 = arith.constant 0 : i32
      %cond3A_181 = arith.cmpi ne, %convert_element_type3A_179, %cond3A_180 : i32
      scf.if %cond3A_181 {
        %dma_wait3A_191 = arith.constant 0 : i32
        %dma_wait3A_192 = arith.constant 0 : i32
        %dma_wait3A_193 = tpu.memref_slice %arg8[%dma_wait3A_191, %dma_wait3A_192] : memref<25x80xi32, #tpu.memory_space<vmem>> -> memref<1x80xi32, #tpu.memory_space<vmem>>
        %dma_wait3A_194 = tpu.memref_squeeze %dma_wait3A_193 : memref<1x80xi32, #tpu.memory_space<vmem>> -> memref<80xi32, #tpu.memory_space<vmem>>
        %dma_wait3A_195 = arith.constant 0 : i32
        %dma_wait3A_196 = arith.constant 0 : i32
        %dma_wait3A_197 = tpu.memref_slice %arg13[%dma_wait3A_195, %dma_wait3A_196] : memref<10000x128xf32, #tpu.memory_space<vmem_shared>> -> memref<10000x128xf32, #tpu.memory_space<vmem_shared>>
        tpu.wait_indirect_dma semaphore(%arg22 : memref<!tpu.dma_semaphore, #tpu.memory_space<semaphore_mem>>) src(%arg11 : memref<80x128xf32, #tpu.memory_space<vmem>>) dst(%dma_wait3A_197 : memref<10000x128xf32, #tpu.memory_space<vmem_shared>>)
        %dma_start3A_198 = arith.constant 0 : i32
        %dma_start3A_199 = tpu.memref_slice %arg7[%add3A_176, %dma_start3A_198] : memref<25x80xi32, #tpu.memory_space<vmem>> -> memref<1x80xi32, #tpu.memory_space<vmem>>
        %dma_start3A_200 = tpu.memref_squeeze %dma_start3A_199 : memref<1x80xi32, #tpu.memory_space<vmem>> -> memref<80xi32, #tpu.memory_space<vmem>>
        %dma_start3A_201 = arith.constant 0 : i32
        %dma_start3A_202 = arith.constant 0 : i32
        %dma_start3A_203 = tpu.memref_slice %arg2[%dma_start3A_201, %dma_start3A_202] : memref<20000x128xf32, #tpu.memory_space<hbm>> -> memref<20000x128xf32, #tpu.memory_space<hbm>>
        tpu.enqueue_indirect_dma source(%dma_start3A_203 : memref<20000x128xf32, #tpu.memory_space<hbm>>) target(%arg11 : memref<80x128xf32, #tpu.memory_space<vmem>>) offsets(%dma_start3A_200 : memref<80xi32, #tpu.memory_space<vmem>>) semaphore(%arg18 : memref<!tpu.dma_semaphore, #tpu.memory_space<semaphore_mem>>)
      } else {
      }
      %add3A_182 = arith.constant 3 : i32
      %add3A_183 = arith.addi %mul3A_98, %add3A_182 : i32
      %add3A_184 = arith.constant 4 : i32
      %add3A_185 = arith.addi %add3A_183, %add3A_184 : i32
      %lt3A_186 = arith.constant 25 : i32
      %lt3A_187 = arith.cmpi slt, %add3A_185, %lt3A_186 : i32
      %convert_element_type3A_188 = arith.extui %lt3A_187 : i1 to i32
      %cond3A_189 = arith.constant 0 : i32
      %cond3A_190 = arith.cmpi ne, %convert_element_type3A_188, %cond3A_189 : i32
      scf.if %cond3A_190 {
        %dma_wait3A_191 = arith.constant 0 : i32
        %dma_wait3A_192 = arith.constant 0 : i32
        %dma_wait3A_193 = tpu.memref_slice %arg8[%dma_wait3A_191, %dma_wait3A_192] : memref<25x80xi32, #tpu.memory_space<vmem>> -> memref<1x80xi32, #tpu.memory_space<vmem>>
        %dma_wait3A_194 = tpu.memref_squeeze %dma_wait3A_193 : memref<1x80xi32, #tpu.memory_space<vmem>> -> memref<80xi32, #tpu.memory_space<vmem>>
        %dma_wait3A_195 = arith.constant 0 : i32
        %dma_wait3A_196 = arith.constant 0 : i32
        %dma_wait3A_197 = tpu.memref_slice %arg13[%dma_wait3A_195, %dma_wait3A_196] : memref<10000x128xf32, #tpu.memory_space<vmem_shared>> -> memref<10000x128xf32, #tpu.memory_space<vmem_shared>>
        tpu.wait_indirect_dma semaphore(%arg23 : memref<!tpu.dma_semaphore, #tpu.memory_space<semaphore_mem>>) src(%arg12 : memref<80x128xf32, #tpu.memory_space<vmem>>) dst(%dma_wait3A_197 : memref<10000x128xf32, #tpu.memory_space<vmem_shared>>)
        %dma_start3A_198 = arith.constant 0 : i32
        %dma_start3A_199 = tpu.memref_slice %arg7[%add3A_185, %dma_start3A_198] : memref<25x80xi32, #tpu.memory_space<vmem>> -> memref<1x80xi32, #tpu.memory_space<vmem>>
        %dma_start3A_200 = tpu.memref_squeeze %dma_start3A_199 : memref<1x80xi32, #tpu.memory_space<vmem>> -> memref<80xi32, #tpu.memory_space<vmem>>
        %dma_start3A_201 = arith.constant 0 : i32
        %dma_start3A_202 = arith.constant 0 : i32
        %dma_start3A_203 = tpu.memref_slice %arg2[%dma_start3A_201, %dma_start3A_202] : memref<20000x128xf32, #tpu.memory_space<hbm>> -> memref<20000x128xf32, #tpu.memory_space<hbm>>
        tpu.enqueue_indirect_dma source(%dma_start3A_203 : memref<20000x128xf32, #tpu.memory_space<hbm>>) target(%arg12 : memref<80x128xf32, #tpu.memory_space<vmem>>) offsets(%dma_start3A_200 : memref<80xi32, #tpu.memory_space<vmem>>) semaphore(%arg19 : memref<!tpu.dma_semaphore, #tpu.memory_space<semaphore_mem>>)
      } else {
      }
    }
    %scan3A_42 = arith.constant 6 : i32
    %dma_wait3A = arith.constant 24 : i32
    %dma_wait3A_43 = arith.constant 0 : i32
    %dma_wait3A_44 = tpu.memref_slice %arg7[%dma_wait3A, %dma_wait3A_43] : memref<25x80xi32, #tpu.memory_space<vmem>> -> memref<1x80xi32, #tpu.memory_space<vmem>>
    %dma_wait3A_45 = tpu.memref_squeeze %dma_wait3A_44 : memref<1x80xi32, #tpu.memory_space<vmem>> -> memref<80xi32, #tpu.memory_space<vmem>>
    %dma_wait3A_46 = arith.constant 0 : i32
    %dma_wait3A_47 = arith.constant 0 : i32
    %dma_wait3A_48 = tpu.memref_slice %arg2[%dma_wait3A_46, %dma_wait3A_47] : memref<20000x128xf32, #tpu.memory_space<hbm>> -> memref<20000x128xf32, #tpu.memory_space<hbm>>
    tpu.wait_indirect_dma semaphore(%arg16 : memref<!tpu.dma_semaphore, #tpu.memory_space<semaphore_mem>>) src(%dma_wait3A_48 : memref<20000x128xf32, #tpu.memory_space<hbm>>) dst(%arg9 : memref<80x128xf32, #tpu.memory_space<vmem>>)
    %dma_start3A_49 = arith.constant 24 : i32
    %dma_start3A_50 = arith.constant 0 : i32
    %dma_start3A_51 = tpu.memref_slice %arg8[%dma_start3A_49, %dma_start3A_50] : memref<25x80xi32, #tpu.memory_space<vmem>> -> memref<1x80xi32, #tpu.memory_space<vmem>>
    %dma_start3A_52 = tpu.memref_squeeze %dma_start3A_51 : memref<1x80xi32, #tpu.memory_space<vmem>> -> memref<80xi32, #tpu.memory_space<vmem>>
    %dma_start3A_53 = arith.constant 0 : i32
    %dma_start3A_54 = arith.constant 0 : i32
    %dma_start3A_55 = tpu.memref_slice %arg13[%dma_start3A_53, %dma_start3A_54] : memref<10000x128xf32, #tpu.memory_space<vmem_shared>> -> memref<10000x128xf32, #tpu.memory_space<vmem_shared>>
    tpu.enqueue_indirect_dma source(%arg9 : memref<80x128xf32, #tpu.memory_space<vmem>>) target(%dma_start3A_55 : memref<10000x128xf32, #tpu.memory_space<vmem_shared>>) offsets(%dma_start3A_52 : memref<80xi32, #tpu.memory_space<vmem>>) semaphore(%arg20 : memref<!tpu.dma_semaphore, #tpu.memory_space<semaphore_mem>>) {add = true}
    %scan3A_56 = arith.constant 0 : i32
    %scan3A_57 = arith.constant 1 : i32
    %scan3A_58 = arith.constant 9 : i32
    %scan3A_59 = arith.addi %scan3A_57, %scan3A_58 : i32
    %scan3A_60 = arith.constant 1 : i32
    scf.for %scan3A_96 = %scan3A_57 to %scan3A_59 step %scan3A_60  : i32 {
      %mul3A_97 = arith.constant 10 : i32
      %mul3A_98 = arith.muli %add3A, %mul3A_97 : i32
      %add3A_99 = arith.addi %mul3A_98, %scan3A_96 : i32
      %dma_start3A_100 = arith.constant 0 : i32
      %dma_start3A_101 = arith.constant 0 : i32
      %dma_start3A_102 = tpu.memref_slice %arg3[%add3A_99, %dma_start3A_100, %dma_start3A_101] : memref<320x25x80xi32, #tpu.memory_space<hbm>> -> memref<1x25x80xi32, #tpu.memory_space<hbm>>
      %dma_start3A_103 = tpu.memref_squeeze %dma_start3A_102 : memref<1x25x80xi32, #tpu.memory_space<hbm>> -> memref<25x80xi32, #tpu.memory_space<hbm>>
      %dma_start3A_104 = arith.constant 0 : i32
      %dma_start3A_105 = arith.constant 0 : i32
      %dma_start3A_106 = tpu.memref_slice %arg3[%add3A_99, %dma_start3A_104, %dma_start3A_105] : memref<320x25x80xi32, #tpu.memory_space<hbm>> -> memref<1x25x80xi32, #tpu.memory_space<hbm>>
      %dma_start3A_107 = tpu.memref_squeeze %dma_start3A_106 : memref<1x25x80xi32, #tpu.memory_space<hbm>> -> memref<25x80xi32, #tpu.memory_space<hbm>>
      tpu.enqueue_dma source(%dma_start3A_107 : memref<25x80xi32, #tpu.memory_space<hbm>>) target(%arg7 : memref<25x80xi32, #tpu.memory_space<vmem>>) target_semaphore(%arg14 : memref<!tpu.dma_semaphore, #tpu.memory_space<semaphore_mem>>)
      %dma_wait3A_108 = arith.constant 0 : i32
      %dma_wait3A_109 = arith.constant 0 : i32
      %dma_wait3A_110 = tpu.memref_slice %arg8[%dma_wait3A_108, %dma_wait3A_109] : memref<25x80xi32, #tpu.memory_space<vmem>> -> memref<1x80xi32, #tpu.memory_space<vmem>>
      %dma_wait3A_111 = tpu.memref_squeeze %dma_wait3A_110 : memref<1x80xi32, #tpu.memory_space<vmem>> -> memref<80xi32, #tpu.memory_space<vmem>>
      %dma_wait3A_112 = arith.constant 0 : i32
      %dma_wait3A_113 = arith.constant 0 : i32
      %dma_wait3A_114 = tpu.memref_slice %arg13[%dma_wait3A_112, %dma_wait3A_113] : memref<10000x128xf32, #tpu.memory_space<vmem_shared>> -> memref<10000x128xf32, #tpu.memory_space<vmem_shared>>
      tpu.wait_indirect_dma semaphore(%arg20 : memref<!tpu.dma_semaphore, #tpu.memory_space<semaphore_mem>>) src(%arg9 : memref<80x128xf32, #tpu.memory_space<vmem>>) dst(%dma_wait3A_114 : memref<10000x128xf32, #tpu.memory_space<vmem_shared>>)
      %dma_wait3A_115 = arith.constant 0 : i32
      %dma_wait3A_116 = arith.constant 0 : i32
      %dma_wait3A_117 = tpu.memref_slice %arg8[%dma_wait3A_115, %dma_wait3A_116] : memref<25x80xi32, #tpu.memory_space<vmem>> -> memref<1x80xi32, #tpu.memory_space<vmem>>
      %dma_wait3A_118 = tpu.memref_squeeze %dma_wait3A_117 : memref<1x80xi32, #tpu.memory_space<vmem>> -> memref<80xi32, #tpu.memory_space<vmem>>
      %dma_wait3A_119 = arith.constant 0 : i32
      %dma_wait3A_120 = arith.constant 0 : i32
      %dma_wait3A_121 = tpu.memref_slice %arg13[%dma_wait3A_119, %dma_wait3A_120] : memref<10000x128xf32, #tpu.memory_space<vmem_shared>> -> memref<10000x128xf32, #tpu.memory_space<vmem_shared>>
      tpu.wait_indirect_dma semaphore(%arg21 : memref<!tpu.dma_semaphore, #tpu.memory_space<semaphore_mem>>) src(%arg10 : memref<80x128xf32, #tpu.memory_space<vmem>>) dst(%dma_wait3A_121 : memref<10000x128xf32, #tpu.memory_space<vmem_shared>>)
      %dma_wait3A_122 = arith.constant 0 : i32
      %dma_wait3A_123 = arith.constant 0 : i32
      %dma_wait3A_124 = tpu.memref_slice %arg8[%dma_wait3A_122, %dma_wait3A_123] : memref<25x80xi32, #tpu.memory_space<vmem>> -> memref<1x80xi32, #tpu.memory_space<vmem>>
      %dma_wait3A_125 = tpu.memref_squeeze %dma_wait3A_124 : memref<1x80xi32, #tpu.memory_space<vmem>> -> memref<80xi32, #tpu.memory_space<vmem>>
      %dma_wait3A_126 = arith.constant 0 : i32
      %dma_wait3A_127 = arith.constant 0 : i32
      %dma_wait3A_128 = tpu.memref_slice %arg13[%dma_wait3A_126, %dma_wait3A_127] : memref<10000x128xf32, #tpu.memory_space<vmem_shared>> -> memref<10000x128xf32, #tpu.memory_space<vmem_shared>>
      tpu.wait_indirect_dma semaphore(%arg22 : memref<!tpu.dma_semaphore, #tpu.memory_space<semaphore_mem>>) src(%arg11 : memref<80x128xf32, #tpu.memory_space<vmem>>) dst(%dma_wait3A_128 : memref<10000x128xf32, #tpu.memory_space<vmem_shared>>)
      %dma_wait3A_129 = arith.constant 0 : i32
      %dma_wait3A_130 = arith.constant 0 : i32
      %dma_wait3A_131 = tpu.memref_slice %arg8[%dma_wait3A_129, %dma_wait3A_130] : memref<25x80xi32, #tpu.memory_space<vmem>> -> memref<1x80xi32, #tpu.memory_space<vmem>>
      %dma_wait3A_132 = tpu.memref_squeeze %dma_wait3A_131 : memref<1x80xi32, #tpu.memory_space<vmem>> -> memref<80xi32, #tpu.memory_space<vmem>>
      %dma_wait3A_133 = arith.constant 0 : i32
      %dma_wait3A_134 = arith.constant 0 : i32
      %dma_wait3A_135 = tpu.memref_slice %arg13[%dma_wait3A_133, %dma_wait3A_134] : memref<10000x128xf32, #tpu.memory_space<vmem_shared>> -> memref<10000x128xf32, #tpu.memory_space<vmem_shared>>
      tpu.wait_indirect_dma semaphore(%arg23 : memref<!tpu.dma_semaphore, #tpu.memory_space<semaphore_mem>>) src(%arg12 : memref<80x128xf32, #tpu.memory_space<vmem>>) dst(%dma_wait3A_135 : memref<10000x128xf32, #tpu.memory_space<vmem_shared>>)
      %mul3A_136 = arith.constant 10 : i32
      %mul3A_137 = arith.muli %arg1, %mul3A_136 : i32
      %add3A_138 = arith.addi %mul3A_137, %scan3A_96 : i32
      %dma_start3A_139 = arith.constant 0 : i32
      %dma_start3A_140 = arith.constant 0 : i32
      %dma_start3A_141 = tpu.memref_slice %arg4[%add3A_138, %dma_start3A_139, %dma_start3A_140] : memref<160x25x80xi32, #tpu.memory_space<hbm>> -> memref<1x25x80xi32, #tpu.memory_space<hbm>>
      %dma_start3A_142 = tpu.memref_squeeze %dma_start3A_141 : memref<1x25x80xi32, #tpu.memory_space<hbm>> -> memref<25x80xi32, #tpu.memory_space<hbm>>
      %dma_start3A_143 = arith.constant 0 : i32
      %dma_start3A_144 = arith.constant 0 : i32
      %dma_start3A_145 = tpu.memref_slice %arg4[%add3A_138, %dma_start3A_143, %dma_start3A_144] : memref<160x25x80xi32, #tpu.memory_space<hbm>> -> memref<1x25x80xi32, #tpu.memory_space<hbm>>
      %dma_start3A_146 = tpu.memref_squeeze %dma_start3A_145 : memref<1x25x80xi32, #tpu.memory_space<hbm>> -> memref<25x80xi32, #tpu.memory_space<hbm>>
      tpu.enqueue_dma source(%dma_start3A_146 : memref<25x80xi32, #tpu.memory_space<hbm>>) target(%arg8 : memref<25x80xi32, #tpu.memory_space<vmem>>) target_semaphore(%arg15 : memref<!tpu.dma_semaphore, #tpu.memory_space<semaphore_mem>>)
      %mul3A_147 = arith.constant 10 : i32
      %mul3A_148 = arith.muli %add3A, %mul3A_147 : i32
      %add3A_149 = arith.addi %mul3A_148, %scan3A_96 : i32
      %dma_wait3A_150 = arith.constant 0 : i32
      %dma_wait3A_151 = arith.constant 0 : i32
      %dma_wait3A_152 = tpu.memref_slice %arg3[%add3A_149, %dma_wait3A_150, %dma_wait3A_151] : memref<320x25x80xi32, #tpu.memory_space<hbm>> -> memref<1x25x80xi32, #tpu.memory_space<hbm>>
      %dma_wait3A_153 = tpu.memref_squeeze %dma_wait3A_152 : memref<1x25x80xi32, #tpu.memory_space<hbm>> -> memref<25x80xi32, #tpu.memory_space<hbm>>
      %dma_wait3A_154 = arith.constant 0 : i32
      %dma_wait3A_155 = arith.constant 0 : i32
      %dma_wait3A_156 = tpu.memref_slice %arg3[%add3A_149, %dma_wait3A_154, %dma_wait3A_155] : memref<320x25x80xi32, #tpu.memory_space<hbm>> -> memref<1x25x80xi32, #tpu.memory_space<hbm>>
      %dma_wait3A_157 = tpu.memref_squeeze %dma_wait3A_156 : memref<1x25x80xi32, #tpu.memory_space<hbm>> -> memref<25x80xi32, #tpu.memory_space<hbm>>
      tpu.wait_dma2 semaphore(%arg14 : memref<!tpu.dma_semaphore, #tpu.memory_space<semaphore_mem>>) src(%dma_wait3A_157 : memref<25x80xi32, #tpu.memory_space<hbm>>) dst(%arg7 : memref<25x80xi32, #tpu.memory_space<vmem>>)
      %dma_start3A_158 = arith.constant 0 : i32
      %dma_start3A_159 = arith.constant 0 : i32
      %dma_start3A_160 = tpu.memref_slice %arg7[%dma_start3A_158, %dma_start3A_159] : memref<25x80xi32, #tpu.memory_space<vmem>> -> memref<1x80xi32, #tpu.memory_space<vmem>>
      %dma_start3A_161 = tpu.memref_squeeze %dma_start3A_160 : memref<1x80xi32, #tpu.memory_space<vmem>> -> memref<80xi32, #tpu.memory_space<vmem>>
      %dma_start3A_162 = arith.constant 0 : i32
      %dma_start3A_163 = arith.constant 0 : i32
      %dma_start3A_164 = tpu.memref_slice %arg2[%dma_start3A_162, %dma_start3A_163] : memref<20000x128xf32, #tpu.memory_space<hbm>> -> memref<20000x128xf32, #tpu.memory_space<hbm>>
      tpu.enqueue_indirect_dma source(%dma_start3A_164 : memref<20000x128xf32, #tpu.memory_space<hbm>>) target(%arg9 : memref<80x128xf32, #tpu.memory_space<vmem>>) offsets(%dma_start3A_161 : memref<80xi32, #tpu.memory_space<vmem>>) semaphore(%arg16 : memref<!tpu.dma_semaphore, #tpu.memory_space<semaphore_mem>>)
      %dma_start3A_165 = arith.constant 1 : i32
      %dma_start3A_166 = arith.constant 0 : i32
      %dma_start3A_167 = tpu.memref_slice %arg7[%dma_start3A_165, %dma_start3A_166] : memref<25x80xi32, #tpu.memory_space<vmem>> -> memref<1x80xi32, #tpu.memory_space<vmem>>
      %dma_start3A_168 = tpu.memref_squeeze %dma_start3A_167 : memref<1x80xi32, #tpu.memory_space<vmem>> -> memref<80xi32, #tpu.memory_space<vmem>>
      %dma_start3A_169 = arith.constant 0 : i32
      %dma_start3A_170 = arith.constant 0 : i32
      %dma_start3A_171 = tpu.memref_slice %arg2[%dma_start3A_169, %dma_start3A_170] : memref<20000x128xf32, #tpu.memory_space<hbm>> -> memref<20000x128xf32, #tpu.memory_space<hbm>>
      tpu.enqueue_indirect_dma source(%dma_start3A_171 : memref<20000x128xf32, #tpu.memory_space<hbm>>) target(%arg10 : memref<80x128xf32, #tpu.memory_space<vmem>>) offsets(%dma_start3A_168 : memref<80xi32, #tpu.memory_space<vmem>>) semaphore(%arg17 : memref<!tpu.dma_semaphore, #tpu.memory_space<semaphore_mem>>)
      %dma_start3A_172 = arith.constant 2 : i32
      %dma_start3A_173 = arith.constant 0 : i32
      %dma_start3A_174 = tpu.memref_slice %arg7[%dma_start3A_172, %dma_start3A_173] : memref<25x80xi32, #tpu.memory_space<vmem>> -> memref<1x80xi32, #tpu.memory_space<vmem>>
      %dma_start3A_175 = tpu.memref_squeeze %dma_start3A_174 : memref<1x80xi32, #tpu.memory_space<vmem>> -> memref<80xi32, #tpu.memory_space<vmem>>
      %dma_start3A_176 = arith.constant 0 : i32
      %dma_start3A_177 = arith.constant 0 : i32
      %dma_start3A_178 = tpu.memref_slice %arg2[%dma_start3A_176, %dma_start3A_177] : memref<20000x128xf32, #tpu.memory_space<hbm>> -> memref<20000x128xf32, #tpu.memory_space<hbm>>
      tpu.enqueue_indirect_dma source(%dma_start3A_178 : memref<20000x128xf32, #tpu.memory_space<hbm>>) target(%arg11 : memref<80x128xf32, #tpu.memory_space<vmem>>) offsets(%dma_start3A_175 : memref<80xi32, #tpu.memory_space<vmem>>) semaphore(%arg18 : memref<!tpu.dma_semaphore, #tpu.memory_space<semaphore_mem>>)
      %dma_start3A_179 = arith.constant 3 : i32
      %dma_start3A_180 = arith.constant 0 : i32
      %dma_start3A_181 = tpu.memref_slice %arg7[%dma_start3A_179, %dma_start3A_180] : memref<25x80xi32, #tpu.memory_space<vmem>> -> memref<1x80xi32, #tpu.memory_space<vmem>>
      %dma_start3A_182 = tpu.memref_squeeze %dma_start3A_181 : memref<1x80xi32, #tpu.memory_space<vmem>> -> memref<80xi32, #tpu.memory_space<vmem>>
      %dma_start3A_183 = arith.constant 0 : i32
      %dma_start3A_184 = arith.constant 0 : i32
      %dma_start3A_185 = tpu.memref_slice %arg2[%dma_start3A_183, %dma_start3A_184] : memref<20000x128xf32, #tpu.memory_space<hbm>> -> memref<20000x128xf32, #tpu.memory_space<hbm>>
      tpu.enqueue_indirect_dma source(%dma_start3A_185 : memref<20000x128xf32, #tpu.memory_space<hbm>>) target(%arg12 : memref<80x128xf32, #tpu.memory_space<vmem>>) offsets(%dma_start3A_182 : memref<80xi32, #tpu.memory_space<vmem>>) semaphore(%arg19 : memref<!tpu.dma_semaphore, #tpu.memory_space<semaphore_mem>>)
      %mul3A_186 = arith.constant 10 : i32
      %mul3A_187 = arith.muli %arg1, %mul3A_186 : i32
      %add3A_188 = arith.addi %mul3A_187, %scan3A_96 : i32
      %dma_wait3A_189 = arith.constant 0 : i32
      %dma_wait3A_190 = arith.constant 0 : i32
      %dma_wait3A_191 = tpu.memref_slice %arg4[%add3A_188, %dma_wait3A_189, %dma_wait3A_190] : memref<160x25x80xi32, #tpu.memory_space<hbm>> -> memref<1x25x80xi32, #tpu.memory_space<hbm>>
      %dma_wait3A_192 = tpu.memref_squeeze %dma_wait3A_191 : memref<1x25x80xi32, #tpu.memory_space<hbm>> -> memref<25x80xi32, #tpu.memory_space<hbm>>
      %dma_wait3A_193 = arith.constant 0 : i32
      %dma_wait3A_194 = arith.constant 0 : i32
      %dma_wait3A_195 = tpu.memref_slice %arg4[%add3A_188, %dma_wait3A_193, %dma_wait3A_194] : memref<160x25x80xi32, #tpu.memory_space<hbm>> -> memref<1x25x80xi32, #tpu.memory_space<hbm>>
      %dma_wait3A_196 = tpu.memref_squeeze %dma_wait3A_195 : memref<1x25x80xi32, #tpu.memory_space<hbm>> -> memref<25x80xi32, #tpu.memory_space<hbm>>
      tpu.wait_dma2 semaphore(%arg15 : memref<!tpu.dma_semaphore, #tpu.memory_space<semaphore_mem>>) src(%dma_wait3A_196 : memref<25x80xi32, #tpu.memory_space<hbm>>) dst(%arg8 : memref<25x80xi32, #tpu.memory_space<vmem>>)
      %scan3A_197 = arith.constant 0 : i32
      %scan3A_198 = arith.constant 0 : i32
      %scan3A_199 = arith.constant 6 : i32
      %scan3A_200 = arith.addi %scan3A_198, %scan3A_199 : i32
      %scan3A_201 = arith.constant 1 : i32
      scf.for %scan3A_217 = %scan3A_198 to %scan3A_200 step %scan3A_201  : i32 {
        %mul3A_218 = arith.constant 4 : i32
        %mul3A_219 = arith.muli %scan3A_217, %mul3A_218 : i32
        %add3A_220 = arith.constant 0 : i32
        %add3A_221 = arith.addi %mul3A_219, %add3A_220 : i32
        %dma_wait3A_222 = arith.constant 0 : i32
        %dma_wait3A_223 = tpu.memref_slice %arg7[%add3A_221, %dma_wait3A_222] : memref<25x80xi32, #tpu.memory_space<vmem>> -> memref<1x80xi32, #tpu.memory_space<vmem>>
        %dma_wait3A_224 = tpu.memref_squeeze %dma_wait3A_223 : memref<1x80xi32, #tpu.memory_space<vmem>> -> memref<80xi32, #tpu.memory_space<vmem>>
        %dma_wait3A_225 = arith.constant 0 : i32
        %dma_wait3A_226 = arith.constant 0 : i32
        %dma_wait3A_227 = tpu.memref_slice %arg2[%dma_wait3A_225, %dma_wait3A_226] : memref<20000x128xf32, #tpu.memory_space<hbm>> -> memref<20000x128xf32, #tpu.memory_space<hbm>>
        tpu.wait_indirect_dma semaphore(%arg16 : memref<!tpu.dma_semaphore, #tpu.memory_space<semaphore_mem>>) src(%dma_wait3A_227 : memref<20000x128xf32, #tpu.memory_space<hbm>>) dst(%arg9 : memref<80x128xf32, #tpu.memory_space<vmem>>)
        %dma_start3A_228 = arith.constant 0 : i32
        %dma_start3A_229 = tpu.memref_slice %arg8[%add3A_221, %dma_start3A_228] : memref<25x80xi32, #tpu.memory_space<vmem>> -> memref<1x80xi32, #tpu.memory_space<vmem>>
        %dma_start3A_230 = tpu.memref_squeeze %dma_start3A_229 : memref<1x80xi32, #tpu.memory_space<vmem>> -> memref<80xi32, #tpu.memory_space<vmem>>
        %dma_start3A_231 = arith.constant 0 : i32
        %dma_start3A_232 = arith.constant 0 : i32
        %dma_start3A_233 = tpu.memref_slice %arg13[%dma_start3A_231, %dma_start3A_232] : memref<10000x128xf32, #tpu.memory_space<vmem_shared>> -> memref<10000x128xf32, #tpu.memory_space<vmem_shared>>
        tpu.enqueue_indirect_dma source(%arg9 : memref<80x128xf32, #tpu.memory_space<vmem>>) target(%dma_start3A_233 : memref<10000x128xf32, #tpu.memory_space<vmem_shared>>) offsets(%dma_start3A_230 : memref<80xi32, #tpu.memory_space<vmem>>) semaphore(%arg20 : memref<!tpu.dma_semaphore, #tpu.memory_space<semaphore_mem>>) {add = true}
        %add3A_234 = arith.constant 1 : i32
        %add3A_235 = arith.addi %mul3A_219, %add3A_234 : i32
        %dma_wait3A_236 = arith.constant 0 : i32
        %dma_wait3A_237 = tpu.memref_slice %arg7[%add3A_235, %dma_wait3A_236] : memref<25x80xi32, #tpu.memory_space<vmem>> -> memref<1x80xi32, #tpu.memory_space<vmem>>
        %dma_wait3A_238 = tpu.memref_squeeze %dma_wait3A_237 : memref<1x80xi32, #tpu.memory_space<vmem>> -> memref<80xi32, #tpu.memory_space<vmem>>
        %dma_wait3A_239 = arith.constant 0 : i32
        %dma_wait3A_240 = arith.constant 0 : i32
        %dma_wait3A_241 = tpu.memref_slice %arg2[%dma_wait3A_239, %dma_wait3A_240] : memref<20000x128xf32, #tpu.memory_space<hbm>> -> memref<20000x128xf32, #tpu.memory_space<hbm>>
        tpu.wait_indirect_dma semaphore(%arg17 : memref<!tpu.dma_semaphore, #tpu.memory_space<semaphore_mem>>) src(%dma_wait3A_241 : memref<20000x128xf32, #tpu.memory_space<hbm>>) dst(%arg10 : memref<80x128xf32, #tpu.memory_space<vmem>>)
        %dma_start3A_242 = arith.constant 0 : i32
        %dma_start3A_243 = tpu.memref_slice %arg8[%add3A_235, %dma_start3A_242] : memref<25x80xi32, #tpu.memory_space<vmem>> -> memref<1x80xi32, #tpu.memory_space<vmem>>
        %dma_start3A_244 = tpu.memref_squeeze %dma_start3A_243 : memref<1x80xi32, #tpu.memory_space<vmem>> -> memref<80xi32, #tpu.memory_space<vmem>>
        %dma_start3A_245 = arith.constant 0 : i32
        %dma_start3A_246 = arith.constant 0 : i32
        %dma_start3A_247 = tpu.memref_slice %arg13[%dma_start3A_245, %dma_start3A_246] : memref<10000x128xf32, #tpu.memory_space<vmem_shared>> -> memref<10000x128xf32, #tpu.memory_space<vmem_shared>>
        tpu.enqueue_indirect_dma source(%arg10 : memref<80x128xf32, #tpu.memory_space<vmem>>) target(%dma_start3A_247 : memref<10000x128xf32, #tpu.memory_space<vmem_shared>>) offsets(%dma_start3A_244 : memref<80xi32, #tpu.memory_space<vmem>>) semaphore(%arg21 : memref<!tpu.dma_semaphore, #tpu.memory_space<semaphore_mem>>) {add = true}
        %add3A_248 = arith.constant 2 : i32
        %add3A_249 = arith.addi %mul3A_219, %add3A_248 : i32
        %dma_wait3A_250 = arith.constant 0 : i32
        %dma_wait3A_251 = tpu.memref_slice %arg7[%add3A_249, %dma_wait3A_250] : memref<25x80xi32, #tpu.memory_space<vmem>> -> memref<1x80xi32, #tpu.memory_space<vmem>>
        %dma_wait3A_252 = tpu.memref_squeeze %dma_wait3A_251 : memref<1x80xi32, #tpu.memory_space<vmem>> -> memref<80xi32, #tpu.memory_space<vmem>>
        %dma_wait3A_253 = arith.constant 0 : i32
        %dma_wait3A_254 = arith.constant 0 : i32
        %dma_wait3A_255 = tpu.memref_slice %arg2[%dma_wait3A_253, %dma_wait3A_254] : memref<20000x128xf32, #tpu.memory_space<hbm>> -> memref<20000x128xf32, #tpu.memory_space<hbm>>
        tpu.wait_indirect_dma semaphore(%arg18 : memref<!tpu.dma_semaphore, #tpu.memory_space<semaphore_mem>>) src(%dma_wait3A_255 : memref<20000x128xf32, #tpu.memory_space<hbm>>) dst(%arg11 : memref<80x128xf32, #tpu.memory_space<vmem>>)
        %dma_start3A_256 = arith.constant 0 : i32
        %dma_start3A_257 = tpu.memref_slice %arg8[%add3A_249, %dma_start3A_256] : memref<25x80xi32, #tpu.memory_space<vmem>> -> memref<1x80xi32, #tpu.memory_space<vmem>>
        %dma_start3A_258 = tpu.memref_squeeze %dma_start3A_257 : memref<1x80xi32, #tpu.memory_space<vmem>> -> memref<80xi32, #tpu.memory_space<vmem>>
        %dma_start3A_259 = arith.constant 0 : i32
        %dma_start3A_260 = arith.constant 0 : i32
        %dma_start3A_261 = tpu.memref_slice %arg13[%dma_start3A_259, %dma_start3A_260] : memref<10000x128xf32, #tpu.memory_space<vmem_shared>> -> memref<10000x128xf32, #tpu.memory_space<vmem_shared>>
        tpu.enqueue_indirect_dma source(%arg11 : memref<80x128xf32, #tpu.memory_space<vmem>>) target(%dma_start3A_261 : memref<10000x128xf32, #tpu.memory_space<vmem_shared>>) offsets(%dma_start3A_258 : memref<80xi32, #tpu.memory_space<vmem>>) semaphore(%arg22 : memref<!tpu.dma_semaphore, #tpu.memory_space<semaphore_mem>>) {add = true}
        %add3A_262 = arith.constant 3 : i32
        %add3A_263 = arith.addi %mul3A_219, %add3A_262 : i32
        %dma_wait3A_264 = arith.constant 0 : i32
        %dma_wait3A_265 = tpu.memref_slice %arg7[%add3A_263, %dma_wait3A_264] : memref<25x80xi32, #tpu.memory_space<vmem>> -> memref<1x80xi32, #tpu.memory_space<vmem>>
        %dma_wait3A_266 = tpu.memref_squeeze %dma_wait3A_265 : memref<1x80xi32, #tpu.memory_space<vmem>> -> memref<80xi32, #tpu.memory_space<vmem>>
        %dma_wait3A_267 = arith.constant 0 : i32
        %dma_wait3A_268 = arith.constant 0 : i32
        %dma_wait3A_269 = tpu.memref_slice %arg2[%dma_wait3A_267, %dma_wait3A_268] : memref<20000x128xf32, #tpu.memory_space<hbm>> -> memref<20000x128xf32, #tpu.memory_space<hbm>>
        tpu.wait_indirect_dma semaphore(%arg19 : memref<!tpu.dma_semaphore, #tpu.memory_space<semaphore_mem>>) src(%dma_wait3A_269 : memref<20000x128xf32, #tpu.memory_space<hbm>>) dst(%arg12 : memref<80x128xf32, #tpu.memory_space<vmem>>)
        %dma_start3A_270 = arith.constant 0 : i32
        %dma_start3A_271 = tpu.memref_slice %arg8[%add3A_263, %dma_start3A_270] : memref<25x80xi32, #tpu.memory_space<vmem>> -> memref<1x80xi32, #tpu.memory_space<vmem>>
        %dma_start3A_272 = tpu.memref_squeeze %dma_start3A_271 : memref<1x80xi32, #tpu.memory_space<vmem>> -> memref<80xi32, #tpu.memory_space<vmem>>
        %dma_start3A_273 = arith.constant 0 : i32
        %dma_start3A_274 = arith.constant 0 : i32
        %dma_start3A_275 = tpu.memref_slice %arg13[%dma_start3A_273, %dma_start3A_274] : memref<10000x128xf32, #tpu.memory_space<vmem_shared>> -> memref<10000x128xf32, #tpu.memory_space<vmem_shared>>
        tpu.enqueue_indirect_dma source(%arg12 : memref<80x128xf32, #tpu.memory_space<vmem>>) target(%dma_start3A_275 : memref<10000x128xf32, #tpu.memory_space<vmem_shared>>) offsets(%dma_start3A_272 : memref<80xi32, #tpu.memory_space<vmem>>) semaphore(%arg23 : memref<!tpu.dma_semaphore, #tpu.memory_space<semaphore_mem>>) {add = true}
        %add3A_276 = arith.constant 0 : i32
        %add3A_277 = arith.addi %mul3A_219, %add3A_276 : i32
        %add3A_278 = arith.constant 4 : i32
        %add3A_279 = arith.addi %add3A_277, %add3A_278 : i32
        %lt3A_280 = arith.constant 25 : i32
        %lt3A_281 = arith.cmpi slt, %add3A_279, %lt3A_280 : i32
        %convert_element_type3A_282 = arith.extui %lt3A_281 : i1 to i32
        %cond3A_283 = arith.constant 0 : i32
        %cond3A_284 = arith.cmpi ne, %convert_element_type3A_282, %cond3A_283 : i32
        scf.if %cond3A_284 {
          %dma_wait3A_312 = arith.constant 0 : i32
          %dma_wait3A_313 = arith.constant 0 : i32
          %dma_wait3A_314 = tpu.memref_slice %arg8[%dma_wait3A_312, %dma_wait3A_313] : memref<25x80xi32, #tpu.memory_space<vmem>> -> memref<1x80xi32, #tpu.memory_space<vmem>>
          %dma_wait3A_315 = tpu.memref_squeeze %dma_wait3A_314 : memref<1x80xi32, #tpu.memory_space<vmem>> -> memref<80xi32, #tpu.memory_space<vmem>>
          %dma_wait3A_316 = arith.constant 0 : i32
          %dma_wait3A_317 = arith.constant 0 : i32
          %dma_wait3A_318 = tpu.memref_slice %arg13[%dma_wait3A_316, %dma_wait3A_317] : memref<10000x128xf32, #tpu.memory_space<vmem_shared>> -> memref<10000x128xf32, #tpu.memory_space<vmem_shared>>
          tpu.wait_indirect_dma semaphore(%arg20 : memref<!tpu.dma_semaphore, #tpu.memory_space<semaphore_mem>>) src(%arg9 : memref<80x128xf32, #tpu.memory_space<vmem>>) dst(%dma_wait3A_318 : memref<10000x128xf32, #tpu.memory_space<vmem_shared>>)
          %dma_start3A_319 = arith.constant 0 : i32
          %dma_start3A_320 = tpu.memref_slice %arg7[%add3A_279, %dma_start3A_319] : memref<25x80xi32, #tpu.memory_space<vmem>> -> memref<1x80xi32, #tpu.memory_space<vmem>>
          %dma_start3A_321 = tpu.memref_squeeze %dma_start3A_320 : memref<1x80xi32, #tpu.memory_space<vmem>> -> memref<80xi32, #tpu.memory_space<vmem>>
          %dma_start3A_322 = arith.constant 0 : i32
          %dma_start3A_323 = arith.constant 0 : i32
          %dma_start3A_324 = tpu.memref_slice %arg2[%dma_start3A_322, %dma_start3A_323] : memref<20000x128xf32, #tpu.memory_space<hbm>> -> memref<20000x128xf32, #tpu.memory_space<hbm>>
          tpu.enqueue_indirect_dma source(%dma_start3A_324 : memref<20000x128xf32, #tpu.memory_space<hbm>>) target(%arg9 : memref<80x128xf32, #tpu.memory_space<vmem>>) offsets(%dma_start3A_321 : memref<80xi32, #tpu.memory_space<vmem>>) semaphore(%arg16 : memref<!tpu.dma_semaphore, #tpu.memory_space<semaphore_mem>>)
        } else {
        }
        %add3A_285 = arith.constant 1 : i32
        %add3A_286 = arith.addi %mul3A_219, %add3A_285 : i32
        %add3A_287 = arith.constant 4 : i32
        %add3A_288 = arith.addi %add3A_286, %add3A_287 : i32
        %lt3A_289 = arith.constant 25 : i32
        %lt3A_290 = arith.cmpi slt, %add3A_288, %lt3A_289 : i32
        %convert_element_type3A_291 = arith.extui %lt3A_290 : i1 to i32
        %cond3A_292 = arith.constant 0 : i32
        %cond3A_293 = arith.cmpi ne, %convert_element_type3A_291, %cond3A_292 : i32
        scf.if %cond3A_293 {
          %dma_wait3A_312 = arith.constant 0 : i32
          %dma_wait3A_313 = arith.constant 0 : i32
          %dma_wait3A_314 = tpu.memref_slice %arg8[%dma_wait3A_312, %dma_wait3A_313] : memref<25x80xi32, #tpu.memory_space<vmem>> -> memref<1x80xi32, #tpu.memory_space<vmem>>
          %dma_wait3A_315 = tpu.memref_squeeze %dma_wait3A_314 : memref<1x80xi32, #tpu.memory_space<vmem>> -> memref<80xi32, #tpu.memory_space<vmem>>
          %dma_wait3A_316 = arith.constant 0 : i32
          %dma_wait3A_317 = arith.constant 0 : i32
          %dma_wait3A_318 = tpu.memref_slice %arg13[%dma_wait3A_316, %dma_wait3A_317] : memref<10000x128xf32, #tpu.memory_space<vmem_shared>> -> memref<10000x128xf32, #tpu.memory_space<vmem_shared>>
          tpu.wait_indirect_dma semaphore(%arg21 : memref<!tpu.dma_semaphore, #tpu.memory_space<semaphore_mem>>) src(%arg10 : memref<80x128xf32, #tpu.memory_space<vmem>>) dst(%dma_wait3A_318 : memref<10000x128xf32, #tpu.memory_space<vmem_shared>>)
          %dma_start3A_319 = arith.constant 0 : i32
          %dma_start3A_320 = tpu.memref_slice %arg7[%add3A_288, %dma_start3A_319] : memref<25x80xi32, #tpu.memory_space<vmem>> -> memref<1x80xi32, #tpu.memory_space<vmem>>
          %dma_start3A_321 = tpu.memref_squeeze %dma_start3A_320 : memref<1x80xi32, #tpu.memory_space<vmem>> -> memref<80xi32, #tpu.memory_space<vmem>>
          %dma_start3A_322 = arith.constant 0 : i32
          %dma_start3A_323 = arith.constant 0 : i32
          %dma_start3A_324 = tpu.memref_slice %arg2[%dma_start3A_322, %dma_start3A_323] : memref<20000x128xf32, #tpu.memory_space<hbm>> -> memref<20000x128xf32, #tpu.memory_space<hbm>>
          tpu.enqueue_indirect_dma source(%dma_start3A_324 : memref<20000x128xf32, #tpu.memory_space<hbm>>) target(%arg10 : memref<80x128xf32, #tpu.memory_space<vmem>>) offsets(%dma_start3A_321 : memref<80xi32, #tpu.memory_space<vmem>>) semaphore(%arg17 : memref<!tpu.dma_semaphore, #tpu.memory_space<semaphore_mem>>)
        } else {
        }
        %add3A_294 = arith.constant 2 : i32
        %add3A_295 = arith.addi %mul3A_219, %add3A_294 : i32
        %add3A_296 = arith.constant 4 : i32
        %add3A_297 = arith.addi %add3A_295, %add3A_296 : i32
        %lt3A_298 = arith.constant 25 : i32
        %lt3A_299 = arith.cmpi slt, %add3A_297, %lt3A_298 : i32
        %convert_element_type3A_300 = arith.extui %lt3A_299 : i1 to i32
        %cond3A_301 = arith.constant 0 : i32
        %cond3A_302 = arith.cmpi ne, %convert_element_type3A_300, %cond3A_301 : i32
        scf.if %cond3A_302 {
          %dma_wait3A_312 = arith.constant 0 : i32
          %dma_wait3A_313 = arith.constant 0 : i32
          %dma_wait3A_314 = tpu.memref_slice %arg8[%dma_wait3A_312, %dma_wait3A_313] : memref<25x80xi32, #tpu.memory_space<vmem>> -> memref<1x80xi32, #tpu.memory_space<vmem>>
          %dma_wait3A_315 = tpu.memref_squeeze %dma_wait3A_314 : memref<1x80xi32, #tpu.memory_space<vmem>> -> memref<80xi32, #tpu.memory_space<vmem>>
          %dma_wait3A_316 = arith.constant 0 : i32
          %dma_wait3A_317 = arith.constant 0 : i32
          %dma_wait3A_318 = tpu.memref_slice %arg13[%dma_wait3A_316, %dma_wait3A_317] : memref<10000x128xf32, #tpu.memory_space<vmem_shared>> -> memref<10000x128xf32, #tpu.memory_space<vmem_shared>>
          tpu.wait_indirect_dma semaphore(%arg22 : memref<!tpu.dma_semaphore, #tpu.memory_space<semaphore_mem>>) src(%arg11 : memref<80x128xf32, #tpu.memory_space<vmem>>) dst(%dma_wait3A_318 : memref<10000x128xf32, #tpu.memory_space<vmem_shared>>)
          %dma_start3A_319 = arith.constant 0 : i32
          %dma_start3A_320 = tpu.memref_slice %arg7[%add3A_297, %dma_start3A_319] : memref<25x80xi32, #tpu.memory_space<vmem>> -> memref<1x80xi32, #tpu.memory_space<vmem>>
          %dma_start3A_321 = tpu.memref_squeeze %dma_start3A_320 : memref<1x80xi32, #tpu.memory_space<vmem>> -> memref<80xi32, #tpu.memory_space<vmem>>
          %dma_start3A_322 = arith.constant 0 : i32
          %dma_start3A_323 = arith.constant 0 : i32
          %dma_start3A_324 = tpu.memref_slice %arg2[%dma_start3A_322, %dma_start3A_323] : memref<20000x128xf32, #tpu.memory_space<hbm>> -> memref<20000x128xf32, #tpu.memory_space<hbm>>
          tpu.enqueue_indirect_dma source(%dma_start3A_324 : memref<20000x128xf32, #tpu.memory_space<hbm>>) target(%arg11 : memref<80x128xf32, #tpu.memory_space<vmem>>) offsets(%dma_start3A_321 : memref<80xi32, #tpu.memory_space<vmem>>) semaphore(%arg18 : memref<!tpu.dma_semaphore, #tpu.memory_space<semaphore_mem>>)
        } else {
        }
        %add3A_303 = arith.constant 3 : i32
        %add3A_304 = arith.addi %mul3A_219, %add3A_303 : i32
        %add3A_305 = arith.constant 4 : i32
        %add3A_306 = arith.addi %add3A_304, %add3A_305 : i32
        %lt3A_307 = arith.constant 25 : i32
        %lt3A_308 = arith.cmpi slt, %add3A_306, %lt3A_307 : i32
        %convert_element_type3A_309 = arith.extui %lt3A_308 : i1 to i32
        %cond3A_310 = arith.constant 0 : i32
        %cond3A_311 = arith.cmpi ne, %convert_element_type3A_309, %cond3A_310 : i32
        scf.if %cond3A_311 {
          %dma_wait3A_312 = arith.constant 0 : i32
          %dma_wait3A_313 = arith.constant 0 : i32
          %dma_wait3A_314 = tpu.memref_slice %arg8[%dma_wait3A_312, %dma_wait3A_313] : memref<25x80xi32, #tpu.memory_space<vmem>> -> memref<1x80xi32, #tpu.memory_space<vmem>>
          %dma_wait3A_315 = tpu.memref_squeeze %dma_wait3A_314 : memref<1x80xi32, #tpu.memory_space<vmem>> -> memref<80xi32, #tpu.memory_space<vmem>>
          %dma_wait3A_316 = arith.constant 0 : i32
          %dma_wait3A_317 = arith.constant 0 : i32
          %dma_wait3A_318 = tpu.memref_slice %arg13[%dma_wait3A_316, %dma_wait3A_317] : memref<10000x128xf32, #tpu.memory_space<vmem_shared>> -> memref<10000x128xf32, #tpu.memory_space<vmem_shared>>
          tpu.wait_indirect_dma semaphore(%arg23 : memref<!tpu.dma_semaphore, #tpu.memory_space<semaphore_mem>>) src(%arg12 : memref<80x128xf32, #tpu.memory_space<vmem>>) dst(%dma_wait3A_318 : memref<10000x128xf32, #tpu.memory_space<vmem_shared>>)
          %dma_start3A_319 = arith.constant 0 : i32
          %dma_start3A_320 = tpu.memref_slice %arg7[%add3A_306, %dma_start3A_319] : memref<25x80xi32, #tpu.memory_space<vmem>> -> memref<1x80xi32, #tpu.memory_space<vmem>>
          %dma_start3A_321 = tpu.memref_squeeze %dma_start3A_320 : memref<1x80xi32, #tpu.memory_space<vmem>> -> memref<80xi32, #tpu.memory_space<vmem>>
          %dma_start3A_322 = arith.constant 0 : i32
          %dma_start3A_323 = arith.constant 0 : i32
          %dma_start3A_324 = tpu.memref_slice %arg2[%dma_start3A_322, %dma_start3A_323] : memref<20000x128xf32, #tpu.memory_space<hbm>> -> memref<20000x128xf32, #tpu.memory_space<hbm>>
          tpu.enqueue_indirect_dma source(%dma_start3A_324 : memref<20000x128xf32, #tpu.memory_space<hbm>>) target(%arg12 : memref<80x128xf32, #tpu.memory_space<vmem>>) offsets(%dma_start3A_321 : memref<80xi32, #tpu.memory_space<vmem>>) semaphore(%arg19 : memref<!tpu.dma_semaphore, #tpu.memory_space<semaphore_mem>>)
        } else {
        }
      }
      %scan3A_202 = arith.constant 6 : i32
      %dma_wait3A_203 = arith.constant 24 : i32
      %dma_wait3A_204 = arith.constant 0 : i32
      %dma_wait3A_205 = tpu.memref_slice %arg7[%dma_wait3A_203, %dma_wait3A_204] : memref<25x80xi32, #tpu.memory_space<vmem>> -> memref<1x80xi32, #tpu.memory_space<vmem>>
      %dma_wait3A_206 = tpu.memref_squeeze %dma_wait3A_205 : memref<1x80xi32, #tpu.memory_space<vmem>> -> memref<80xi32, #tpu.memory_space<vmem>>
      %dma_wait3A_207 = arith.constant 0 : i32
      %dma_wait3A_208 = arith.constant 0 : i32
      %dma_wait3A_209 = tpu.memref_slice %arg2[%dma_wait3A_207, %dma_wait3A_208] : memref<20000x128xf32, #tpu.memory_space<hbm>> -> memref<20000x128xf32, #tpu.memory_space<hbm>>
      tpu.wait_indirect_dma semaphore(%arg16 : memref<!tpu.dma_semaphore, #tpu.memory_space<semaphore_mem>>) src(%dma_wait3A_209 : memref<20000x128xf32, #tpu.memory_space<hbm>>) dst(%arg9 : memref<80x128xf32, #tpu.memory_space<vmem>>)
      %dma_start3A_210 = arith.constant 24 : i32
      %dma_start3A_211 = arith.constant 0 : i32
      %dma_start3A_212 = tpu.memref_slice %arg8[%dma_start3A_210, %dma_start3A_211] : memref<25x80xi32, #tpu.memory_space<vmem>> -> memref<1x80xi32, #tpu.memory_space<vmem>>
      %dma_start3A_213 = tpu.memref_squeeze %dma_start3A_212 : memref<1x80xi32, #tpu.memory_space<vmem>> -> memref<80xi32, #tpu.memory_space<vmem>>
      %dma_start3A_214 = arith.constant 0 : i32
      %dma_start3A_215 = arith.constant 0 : i32
      %dma_start3A_216 = tpu.memref_slice %arg13[%dma_start3A_214, %dma_start3A_215] : memref<10000x128xf32, #tpu.memory_space<vmem_shared>> -> memref<10000x128xf32, #tpu.memory_space<vmem_shared>>
      tpu.enqueue_indirect_dma source(%arg9 : memref<80x128xf32, #tpu.memory_space<vmem>>) target(%dma_start3A_216 : memref<10000x128xf32, #tpu.memory_space<vmem_shared>>) offsets(%dma_start3A_213 : memref<80xi32, #tpu.memory_space<vmem>>) semaphore(%arg20 : memref<!tpu.dma_semaphore, #tpu.memory_space<semaphore_mem>>) {add = true}
    }
    %scan3A_61 = arith.constant 9 : i32
    %dma_wait3A_62 = arith.constant 0 : i32
    %dma_wait3A_63 = arith.constant 0 : i32
    %dma_wait3A_64 = tpu.memref_slice %arg8[%dma_wait3A_62, %dma_wait3A_63] : memref<25x80xi32, #tpu.memory_space<vmem>> -> memref<1x80xi32, #tpu.memory_space<vmem>>
    %dma_wait3A_65 = tpu.memref_squeeze %dma_wait3A_64 : memref<1x80xi32, #tpu.memory_space<vmem>> -> memref<80xi32, #tpu.memory_space<vmem>>
    %dma_wait3A_66 = arith.constant 0 : i32
    %dma_wait3A_67 = arith.constant 0 : i32
    %dma_wait3A_68 = tpu.memref_slice %arg13[%dma_wait3A_66, %dma_wait3A_67] : memref<10000x128xf32, #tpu.memory_space<vmem_shared>> -> memref<10000x128xf32, #tpu.memory_space<vmem_shared>>
    tpu.wait_indirect_dma semaphore(%arg20 : memref<!tpu.dma_semaphore, #tpu.memory_space<semaphore_mem>>) src(%arg9 : memref<80x128xf32, #tpu.memory_space<vmem>>) dst(%dma_wait3A_68 : memref<10000x128xf32, #tpu.memory_space<vmem_shared>>)
    %dma_wait3A_69 = arith.constant 0 : i32
    %dma_wait3A_70 = arith.constant 0 : i32
    %dma_wait3A_71 = tpu.memref_slice %arg8[%dma_wait3A_69, %dma_wait3A_70] : memref<25x80xi32, #tpu.memory_space<vmem>> -> memref<1x80xi32, #tpu.memory_space<vmem>>
    %dma_wait3A_72 = tpu.memref_squeeze %dma_wait3A_71 : memref<1x80xi32, #tpu.memory_space<vmem>> -> memref<80xi32, #tpu.memory_space<vmem>>
    %dma_wait3A_73 = arith.constant 0 : i32
    %dma_wait3A_74 = arith.constant 0 : i32
    %dma_wait3A_75 = tpu.memref_slice %arg13[%dma_wait3A_73, %dma_wait3A_74] : memref<10000x128xf32, #tpu.memory_space<vmem_shared>> -> memref<10000x128xf32, #tpu.memory_space<vmem_shared>>
    tpu.wait_indirect_dma semaphore(%arg21 : memref<!tpu.dma_semaphore, #tpu.memory_space<semaphore_mem>>) src(%arg10 : memref<80x128xf32, #tpu.memory_space<vmem>>) dst(%dma_wait3A_75 : memref<10000x128xf32, #tpu.memory_space<vmem_shared>>)
    %dma_wait3A_76 = arith.constant 0 : i32
    %dma_wait3A_77 = arith.constant 0 : i32
    %dma_wait3A_78 = tpu.memref_slice %arg8[%dma_wait3A_76, %dma_wait3A_77] : memref<25x80xi32, #tpu.memory_space<vmem>> -> memref<1x80xi32, #tpu.memory_space<vmem>>
    %dma_wait3A_79 = tpu.memref_squeeze %dma_wait3A_78 : memref<1x80xi32, #tpu.memory_space<vmem>> -> memref<80xi32, #tpu.memory_space<vmem>>
    %dma_wait3A_80 = arith.constant 0 : i32
    %dma_wait3A_81 = arith.constant 0 : i32
    %dma_wait3A_82 = tpu.memref_slice %arg13[%dma_wait3A_80, %dma_wait3A_81] : memref<10000x128xf32, #tpu.memory_space<vmem_shared>> -> memref<10000x128xf32, #tpu.memory_space<vmem_shared>>
    tpu.wait_indirect_dma semaphore(%arg22 : memref<!tpu.dma_semaphore, #tpu.memory_space<semaphore_mem>>) src(%arg11 : memref<80x128xf32, #tpu.memory_space<vmem>>) dst(%dma_wait3A_82 : memref<10000x128xf32, #tpu.memory_space<vmem_shared>>)
    %dma_wait3A_83 = arith.constant 0 : i32
    %dma_wait3A_84 = arith.constant 0 : i32
    %dma_wait3A_85 = tpu.memref_slice %arg8[%dma_wait3A_83, %dma_wait3A_84] : memref<25x80xi32, #tpu.memory_space<vmem>> -> memref<1x80xi32, #tpu.memory_space<vmem>>
    %dma_wait3A_86 = tpu.memref_squeeze %dma_wait3A_85 : memref<1x80xi32, #tpu.memory_space<vmem>> -> memref<80xi32, #tpu.memory_space<vmem>>
    %dma_wait3A_87 = arith.constant 0 : i32
    %dma_wait3A_88 = arith.constant 0 : i32
    %dma_wait3A_89 = tpu.memref_slice %arg13[%dma_wait3A_87, %dma_wait3A_88] : memref<10000x128xf32, #tpu.memory_space<vmem_shared>> -> memref<10000x128xf32, #tpu.memory_space<vmem_shared>>
    tpu.wait_indirect_dma semaphore(%arg23 : memref<!tpu.dma_semaphore, #tpu.memory_space<semaphore_mem>>) src(%arg12 : memref<80x128xf32, #tpu.memory_space<vmem>>) dst(%dma_wait3A_89 : memref<10000x128xf32, #tpu.memory_space<vmem_shared>>)
    %barrier3A_90 = arith.constant 0 : index
    tpu.barrier barrier_id(%barrier3A_90)
    %lt3A_91 = arith.constant 10 : i32
    %lt3A_92 = arith.cmpi slt, %arg1, %lt3A_91 : i32
    %convert_element_type3A_93 = arith.extui %lt3A_92 : i1 to i32
    %cond3A_94 = arith.constant 0 : i32
    %cond3A_95 = arith.cmpi ne, %convert_element_type3A_93, %cond3A_94 : i32
    scf.if %cond3A_95 {
      %mul3A_96 = arith.constant 1000 : i32
      %mul3A_97 = arith.muli %arg1, %mul3A_96 : i32
      %mul3A_98 = arith.constant 10000 : i32
      %mul3A_99 = arith.muli %arg0, %mul3A_98 : i32
      %mul3A_100 = arith.constant 1000 : i32
      %mul3A_101 = arith.muli %arg1, %mul3A_100 : i32
      %add3A_102 = arith.addi %mul3A_99, %mul3A_101 : i32
      "tpu.region"() ({
        %run_scoped3A = tpu.sem_alloc : memref<!tpu.dma_semaphore, #tpu.memory_space<semaphore_mem>>
        %dma_start3A_103 = arith.constant 0 : i32
        %dma_start3A_104 = tpu.memref_slice %arg6[%add3A_102, %dma_start3A_103] : memref<20000x128xf32, #tpu.memory_space<hbm>> -> memref<1000x128xf32, #tpu.memory_space<hbm>>
        %dma_start3A_105 = arith.constant 0 : i32
        %dma_start3A_106 = tpu.memref_slice %arg13[%mul3A_97, %dma_start3A_105] : memref<10000x128xf32, #tpu.memory_space<vmem_shared>> -> memref<1000x128xf32, #tpu.memory_space<vmem_shared>>
        tpu.enqueue_dma source(%dma_start3A_106 : memref<1000x128xf32, #tpu.memory_space<vmem_shared>>) target(%dma_start3A_104 : memref<1000x128xf32, #tpu.memory_space<hbm>>) target_semaphore(%run_scoped3A : memref<!tpu.dma_semaphore, #tpu.memory_space<semaphore_mem>>)
        %dma_wait3A_107 = arith.constant 0 : i32
        %dma_wait3A_108 = tpu.memref_slice %arg6[%add3A_102, %dma_wait3A_107] : memref<20000x128xf32, #tpu.memory_space<hbm>> -> memref<1000x128xf32, #tpu.memory_space<hbm>>
        %dma_wait3A_109 = arith.constant 0 : i32
        %dma_wait3A_110 = tpu.memref_slice %arg13[%mul3A_97, %dma_wait3A_109] : memref<10000x128xf32, #tpu.memory_space<vmem_shared>> -> memref<1000x128xf32, #tpu.memory_space<vmem_shared>>
        tpu.wait_dma2 semaphore(%run_scoped3A : memref<!tpu.dma_semaphore, #tpu.memory_space<semaphore_mem>>) src(%dma_wait3A_110 : memref<1000x128xf32, #tpu.memory_space<vmem_shared>>) dst(%dma_wait3A_108 : memref<1000x128xf32, #tpu.memory_space<hbm>>)
        tpu.yield
      }) : () -> ()
    } else {
    }
    return
  }
}

module attributes {stable_mosaic.version = 14 : i64} {
  func.func @_tc1_body(%arg0: i32, %arg1: memref<1x32x5000xf32, #tpu.memory_space<vmem>>, %arg2: memref<5000x256xf32, #tpu.memory_space<vmem>>, %arg3: memref<256x256xf32, #tpu.memory_space<vmem>>, %arg4: memref<2x5000x128xf32, #tpu.memory_space<vmem>>, %arg5: memref<5000x8xf32, #tpu.memory_space<vmem>>) attributes {dimension_semantics = [#tpu.dimension_semantics<arbitrary>], iteration_bounds = array<i64: 2>, scalar_prefetch = 0 : i64, scratch_operands = 0 : i64, tpu.core_type = #tpu.core_type<tc>, window_params = [{transform_indices = @transform_0, window_bounds = array<i64: 1, 32, 5000>}, {transform_indices = @transform_1, window_bounds = array<i64: 5000, 256>}, {pipeline_mode = #tpu.pipeline_mode<synchronous>, transform_indices = @transform_2, window_bounds = array<i64: 256, 256>}, {transform_indices = @transform_3, window_bounds = array<i64: 2, 5000, 128>}, {transform_indices = @transform_4, window_bounds = array<i64: 5000, 8>}]} {
    %get3A = arith.constant 0 : index
    %get3A_0 = arith.constant 0 : index
    %get3A_1 = arith.constant 0 : index
    %get3A_2 = vector.load %arg1[%get3A, %get3A_0, %get3A_1] : memref<1x32x5000xf32, #tpu.memory_space<vmem>>, vector<1x32x5000xf32>
    %get3A_3 = vector.shape_cast %get3A_2 : vector<1x32x5000xf32> to vector<32x5000xf32>
    %reduce_sum3A = arith.constant dense<0.000000e+00> : vector<5000xf32>
    %reduce_sum3A_4 = vector.multi_reduction <add>, %get3A_3, %reduce_sum3A [0] : vector<32x5000xf32> to vector<5000xf32>
    %broadcast_in_dim3A = vector.shape_cast %reduce_sum3A_4 : vector<5000xf32> to vector<5000x1xf32>
    %add3A = arith.constant 1.000000e+00 : f32
    %add3A_5 = vector.broadcast %add3A : f32 to vector<5000x1xf32>
    %add3A_6 = arith.addf %broadcast_in_dim3A, %add3A_5 : vector<5000x1xf32>
    %rsqrt3A = math.rsqrt %add3A_6 : vector<5000x1xf32>
    %get3A_7 = arith.constant 0 : index
    %get3A_8 = arith.constant 0 : index
    %get3A_9 = vector.load %arg2[%get3A_7, %get3A_8] : memref<5000x256xf32, #tpu.memory_space<vmem>>, vector<5000x256xf32>
    %get3A_10 = arith.constant 0 : index
    %get3A_11 = arith.constant 0 : index
    %get3A_12 = vector.load %arg3[%get3A_10, %get3A_11] : memref<256x256xf32, #tpu.memory_space<vmem>>, vector<256x256xf32>
    %dot_general3A = arith.constant dense<0.000000e+00> : vector<5000x256xf32>
    %dot_general3A_13 = tpu.matmul %get3A_9, %get3A_12, %dot_general3A {dimension_numbers = #tpu.dot_dimension_numbers<[1], [0], [0], [1], [0, 0, 1, 1], [], []>, transpose_lhs_hint = false} : vector<5000x256xf32>, vector<256x256xf32>, vector<5000x256xf32> -> vector<5000x256xf32>
    %slice3A = vector.extract_strided_slice %dot_general3A_13 {offsets = [0, 0], sizes = [5000, 128], strides = [1, 1]} : vector<5000x256xf32> to vector<5000x128xf32>
    %mul3A = vector.broadcast %rsqrt3A : vector<5000x1xf32> to vector<5000x128xf32>
    %mul3A_14 = arith.mulf %slice3A, %mul3A : vector<5000x128xf32>
    %swap3A = arith.constant 0 : index
    %swap3A_15 = arith.constant 0 : index
    %swap3A_16 = arith.constant 0 : index
    %swap3A_17 = vector.load %arg4[%swap3A, %swap3A_15, %swap3A_16] : memref<2x5000x128xf32, #tpu.memory_space<vmem>>, vector<1x5000x128xf32>
    %swap3A_18 = vector.shape_cast %swap3A_17 : vector<1x5000x128xf32> to vector<5000x128xf32>
    %swap3A_19 = vector.shape_cast %mul3A_14 : vector<5000x128xf32> to vector<1x5000x128xf32>
    tpu.vector_store %arg4[%swap3A, %swap3A_15, %swap3A_16], %swap3A_19 {strides = array<i32>} : memref<2x5000x128xf32, #tpu.memory_space<vmem>>, vector<1x5000x128xf32>,
    %slice3A_20 = vector.extract_strided_slice %dot_general3A_13 {offsets = [0, 128], sizes = [5000, 128], strides = [1, 1]} : vector<5000x256xf32> to vector<5000x128xf32>
    %mul3A_21 = vector.broadcast %rsqrt3A : vector<5000x1xf32> to vector<5000x128xf32>
    %mul3A_22 = arith.mulf %slice3A_20, %mul3A_21 : vector<5000x128xf32>
    %swap3A_23 = arith.constant 1 : index
    %swap3A_24 = arith.constant 0 : index
    %swap3A_25 = arith.constant 0 : index
    %swap3A_26 = vector.load %arg4[%swap3A_23, %swap3A_24, %swap3A_25] : memref<2x5000x128xf32, #tpu.memory_space<vmem>>, vector<1x5000x128xf32>
    %swap3A_27 = vector.shape_cast %swap3A_26 : vector<1x5000x128xf32> to vector<5000x128xf32>
    %swap3A_28 = vector.shape_cast %mul3A_22 : vector<5000x128xf32> to vector<1x5000x128xf32>
    tpu.vector_store %arg4[%swap3A_23, %swap3A_24, %swap3A_25], %swap3A_28 {strides = array<i32>} : memref<2x5000x128xf32, #tpu.memory_space<vmem>>, vector<1x5000x128xf32>,
    %broadcast_in_dim3A_29 = vector.shape_cast %rsqrt3A : vector<5000x1xf32> to vector<5000x1xf32>
    %broadcast_in_dim3A_30 = vector.broadcast %broadcast_in_dim3A_29 : vector<5000x1xf32> to vector<5000x8xf32>
    %swap3A_31 = arith.constant 0 : index
    %swap3A_32 = arith.constant 0 : index
    %swap3A_33 = vector.load %arg5[%swap3A_31, %swap3A_32] : memref<5000x8xf32, #tpu.memory_space<vmem>>, vector<5000x8xf32>
    tpu.vector_store %arg5[%swap3A_31, %swap3A_32], %broadcast_in_dim3A_30 {strides = array<i32>} : memref<5000x8xf32, #tpu.memory_space<vmem>>, vector<5000x8xf32>,
    return
  }
  func.func @transform_0(%arg0: i32) -> (i32, i32, i32) {
    %c0_i32 = arith.constant 0 : i32
    %c0_i32_0 = arith.constant 0 : i32
    %c0_i32_1 = arith.constant 0 : i32
    return %arg0, %c0_i32, %c0_i32_0 : i32, i32, i32
  }
  func.func @transform_1(%arg0: i32) -> (i32, i32) {
    %c0_i32 = arith.constant 0 : i32
    %c0_i32_0 = arith.constant 0 : i32
    return %arg0, %c0_i32 : i32, i32
  }
  func.func @transform_2(%arg0: i32) -> (i32, i32) {
    %c0_i32 = arith.constant 0 : i32
    %c0_i32_0 = arith.constant 0 : i32
    %c0_i32_1 = arith.constant 0 : i32
    return %c0_i32, %c0_i32_0 : i32, i32
  }
  func.func @transform_3(%arg0: i32) -> (i32, i32, i32) {
    %c0_i32 = arith.constant 0 : i32
    %c0_i32_0 = arith.constant 0 : i32
    %c0_i32_1 = arith.constant 0 : i32
    return %c0_i32, %arg0, %c0_i32_0 : i32, i32, i32
  }
  func.func @transform_4(%arg0: i32) -> (i32, i32) {
    %c0_i32 = arith.constant 0 : i32
    %c0_i32_0 = arith.constant 0 : i32
    return %arg0, %c0_i32 : i32, i32
  }
}

module attributes {stable_mosaic.version = 14 : i64} {
  func.func @_tc2_body(%arg0: i32, %arg1: memref<2x5000x128xf32, #tpu.memory_space<vmem>>, %arg2: memref<2x5000x128xf32, #tpu.memory_space<vmem>>, %arg3: memref<5000x8xf32, #tpu.memory_space<vmem>>, %arg4: memref<2x128xf32, #tpu.memory_space<vmem>>, %arg5: memref<256x128xf32, #tpu.memory_space<vmem>>, %arg6: memref<5000x128xf32, #tpu.memory_space<vmem>>) attributes {dimension_semantics = [#tpu.dimension_semantics<arbitrary>], iteration_bounds = array<i64: 2>, scalar_prefetch = 0 : i64, scratch_operands = 0 : i64, tpu.core_type = #tpu.core_type<tc>, window_params = [{transform_indices = @transform_0, window_bounds = array<i64: 2, 5000, 128>}, {transform_indices = @transform_1, window_bounds = array<i64: 2, 5000, 128>}, {transform_indices = @transform_2, window_bounds = array<i64: 5000, 8>}, {pipeline_mode = #tpu.pipeline_mode<synchronous>, transform_indices = @transform_3, window_bounds = array<i64: 2, 128>}, {pipeline_mode = #tpu.pipeline_mode<synchronous>, transform_indices = @transform_4, window_bounds = array<i64: 256, 128>}, {transform_indices = @transform_5, window_bounds = array<i64: 5000, 128>}]} {
    %get3A = arith.constant 0 : index
    %get3A_0 = arith.constant 0 : index
    %get3A_1 = vector.load %arg3[%get3A, %get3A_0] : memref<5000x8xf32, #tpu.memory_space<vmem>>, vector<5000x1xf32>
    %get3A_2 = arith.constant 0 : index
    %get3A_3 = arith.constant 0 : index
    %get3A_4 = arith.constant 0 : index
    %get3A_5 = vector.load %arg1[%get3A_2, %get3A_3, %get3A_4] : memref<2x5000x128xf32, #tpu.memory_space<vmem>>, vector<1x5000x128xf32>
    %get3A_6 = vector.shape_cast %get3A_5 : vector<1x5000x128xf32> to vector<5000x128xf32>
    %get3A_7 = arith.constant 0 : index
    %get3A_8 = arith.constant 0 : index
    %get3A_9 = arith.constant 0 : index
    %get3A_10 = vector.load %arg2[%get3A_7, %get3A_8, %get3A_9] : memref<2x5000x128xf32, #tpu.memory_space<vmem>>, vector<1x5000x128xf32>
    %get3A_11 = vector.shape_cast %get3A_10 : vector<1x5000x128xf32> to vector<5000x128xf32>
    %add3A = arith.addf %get3A_6, %get3A_11 : vector<5000x128xf32>
    %mul3A = vector.broadcast %get3A_1 : vector<5000x1xf32> to vector<5000x128xf32>
    %mul3A_12 = arith.mulf %mul3A, %add3A : vector<5000x128xf32>
    %get3A_13 = arith.constant 0 : index
    %get3A_14 = arith.constant 0 : index
    %get3A_15 = vector.load %arg4[%get3A_13, %get3A_14] : memref<2x128xf32, #tpu.memory_space<vmem>>, vector<1x128xf32>
    %add3A_16 = vector.broadcast %get3A_15 : vector<1x128xf32> to vector<5000x128xf32>
    %add3A_17 = arith.addf %mul3A_12, %add3A_16 : vector<5000x128xf32>
    %max3A = arith.constant 0.000000e+00 : f32
    %max3A_18 = vector.broadcast %max3A : f32 to vector<5000x128xf32>
    %max3A_19 = arith.maximumf %add3A_17, %max3A_18 : vector<5000x128xf32>
    %get3A_20 = arith.constant 1 : index
    %get3A_21 = arith.constant 0 : index
    %get3A_22 = arith.constant 0 : index
    %get3A_23 = vector.load %arg1[%get3A_20, %get3A_21, %get3A_22] : memref<2x5000x128xf32, #tpu.memory_space<vmem>>, vector<1x5000x128xf32>
    %get3A_24 = vector.shape_cast %get3A_23 : vector<1x5000x128xf32> to vector<5000x128xf32>
    %get3A_25 = arith.constant 1 : index
    %get3A_26 = arith.constant 0 : index
    %get3A_27 = arith.constant 0 : index
    %get3A_28 = vector.load %arg2[%get3A_25, %get3A_26, %get3A_27] : memref<2x5000x128xf32, #tpu.memory_space<vmem>>, vector<1x5000x128xf32>
    %get3A_29 = vector.shape_cast %get3A_28 : vector<1x5000x128xf32> to vector<5000x128xf32>
    %add3A_30 = arith.addf %get3A_24, %get3A_29 : vector<5000x128xf32>
    %mul3A_31 = vector.broadcast %get3A_1 : vector<5000x1xf32> to vector<5000x128xf32>
    %mul3A_32 = arith.mulf %mul3A_31, %add3A_30 : vector<5000x128xf32>
    %get3A_33 = arith.constant 1 : index
    %get3A_34 = arith.constant 0 : index
    %get3A_35 = vector.load %arg4[%get3A_33, %get3A_34] : memref<2x128xf32, #tpu.memory_space<vmem>>, vector<1x128xf32>
    %add3A_36 = vector.broadcast %get3A_35 : vector<1x128xf32> to vector<5000x128xf32>
    %add3A_37 = arith.addf %mul3A_32, %add3A_36 : vector<5000x128xf32>
    %max3A_38 = arith.constant 0.000000e+00 : f32
    %max3A_39 = vector.broadcast %max3A_38 : f32 to vector<5000x128xf32>
    %max3A_40 = arith.maximumf %add3A_37, %max3A_39 : vector<5000x128xf32>
    %get3A_41 = arith.constant 0 : index
    %get3A_42 = arith.constant 0 : index
    %get3A_43 = vector.load %arg5[%get3A_41, %get3A_42] : memref<256x128xf32, #tpu.memory_space<vmem>>, vector<128x128xf32>
    %dot_general3A = arith.constant dense<0.000000e+00> : vector<5000x128xf32>
    %dot_general3A_44 = tpu.matmul %max3A_19, %get3A_43, %dot_general3A {dimension_numbers = #tpu.dot_dimension_numbers<[1], [0], [0], [1], [0, 0, 1, 1], [], []>, transpose_lhs_hint = false} : vector<5000x128xf32>, vector<128x128xf32>, vector<5000x128xf32> -> vector<5000x128xf32>
    %get3A_45 = arith.constant 128 : index
    %get3A_46 = arith.constant 0 : index
    %get3A_47 = vector.load %arg5[%get3A_45, %get3A_46] : memref<256x128xf32, #tpu.memory_space<vmem>>, vector<128x128xf32>
    %dot_general3A_48 = arith.constant dense<0.000000e+00> : vector<5000x128xf32>
    %dot_general3A_49 = tpu.matmul %max3A_40, %get3A_47, %dot_general3A_48 {dimension_numbers = #tpu.dot_dimension_numbers<[1], [0], [0], [1], [0, 0, 1, 1], [], []>, transpose_lhs_hint = false} : vector<5000x128xf32>, vector<128x128xf32>, vector<5000x128xf32> -> vector<5000x128xf32>
    %add3A_50 = arith.addf %dot_general3A_44, %dot_general3A_49 : vector<5000x128xf32>
    %mul3A_51 = vector.broadcast %get3A_1 : vector<5000x1xf32> to vector<5000x128xf32>
    %mul3A_52 = arith.mulf %add3A_50, %mul3A_51 : vector<5000x128xf32>
    %swap3A = arith.constant 0 : index
    %swap3A_53 = arith.constant 0 : index
    %swap3A_54 = vector.load %arg6[%swap3A, %swap3A_53] : memref<5000x128xf32, #tpu.memory_space<vmem>>, vector<5000x128xf32>
    tpu.vector_store %arg6[%swap3A, %swap3A_53], %mul3A_52 {strides = array<i32>} : memref<5000x128xf32, #tpu.memory_space<vmem>>, vector<5000x128xf32>,
    return
  }
  func.func @transform_0(%arg0: i32) -> (i32, i32, i32) {
    %c0_i32 = arith.constant 0 : i32
    %c0_i32_0 = arith.constant 0 : i32
    %c0_i32_1 = arith.constant 0 : i32
    return %c0_i32, %arg0, %c0_i32_0 : i32, i32, i32
  }
  func.func @transform_1(%arg0: i32) -> (i32, i32, i32) {
    %c0_i32 = arith.constant 0 : i32
    %c0_i32_0 = arith.constant 0 : i32
    %c0_i32_1 = arith.constant 0 : i32
    return %c0_i32, %arg0, %c0_i32_0 : i32, i32, i32
  }
  func.func @transform_2(%arg0: i32) -> (i32, i32) {
    %c0_i32 = arith.constant 0 : i32
    %c0_i32_0 = arith.constant 0 : i32
    return %arg0, %c0_i32 : i32, i32
  }
  func.func @transform_3(%arg0: i32) -> (i32, i32) {
    %c0_i32 = arith.constant 0 : i32
    %c0_i32_0 = arith.constant 0 : i32
    %c0_i32_1 = arith.constant 0 : i32
    return %c0_i32, %c0_i32_0 : i32, i32
  }
  func.func @transform_4(%arg0: i32) -> (i32, i32) {
    %c0_i32 = arith.constant 0 : i32
    %c0_i32_0 = arith.constant 0 : i32
    %c0_i32_1 = arith.constant 0 : i32
    return %c0_i32, %c0_i32_0 : i32, i32
  }
  func.func @transform_5(%arg0: i32) -> (i32, i32) {
    %c0_i32 = arith.constant 0 : i32
    %c0_i32_0 = arith.constant 0 : i32
    return %arg0, %c0_i32 : i32, i32
  }
}

module attributes {stable_mosaic.version = 14 : i64} {
  func.func @_tc3_body(%arg0: i32, %arg1: memref<2x5000x128xf32, #tpu.memory_space<vmem>>, %arg2: memref<5000x128xf32, #tpu.memory_space<vmem>>, %arg3: memref<5000x8xf32, #tpu.memory_space<vmem>>, %arg4: memref<1x128xf32, #tpu.memory_space<vmem>>, %arg5: memref<5000x128xf32, #tpu.memory_space<vmem>>) attributes {dimension_semantics = [#tpu.dimension_semantics<arbitrary>], iteration_bounds = array<i64: 2>, scalar_prefetch = 0 : i64, scratch_operands = 0 : i64, tpu.core_type = #tpu.core_type<tc>, window_params = [{transform_indices = @transform_0, window_bounds = array<i64: 2, 5000, 128>}, {transform_indices = @transform_1, window_bounds = array<i64: 5000, 128>}, {transform_indices = @transform_2, window_bounds = array<i64: 5000, 8>}, {pipeline_mode = #tpu.pipeline_mode<synchronous>, transform_indices = @transform_3, window_bounds = array<i64: 1, 128>}, {transform_indices = @transform_4, window_bounds = array<i64: 5000, 128>}]} {
    %get3A = arith.constant 0 : index
    %get3A_0 = arith.constant 0 : index
    %get3A_1 = vector.load %arg3[%get3A, %get3A_0] : memref<5000x8xf32, #tpu.memory_space<vmem>>, vector<5000x1xf32>
    %get3A_2 = arith.constant 0 : index
    %get3A_3 = arith.constant 0 : index
    %get3A_4 = arith.constant 0 : index
    %get3A_5 = vector.load %arg1[%get3A_2, %get3A_3, %get3A_4] : memref<2x5000x128xf32, #tpu.memory_space<vmem>>, vector<1x5000x128xf32>
    %get3A_6 = vector.shape_cast %get3A_5 : vector<1x5000x128xf32> to vector<5000x128xf32>
    %get3A_7 = arith.constant 1 : index
    %get3A_8 = arith.constant 0 : index
    %get3A_9 = arith.constant 0 : index
    %get3A_10 = vector.load %arg1[%get3A_7, %get3A_8, %get3A_9] : memref<2x5000x128xf32, #tpu.memory_space<vmem>>, vector<1x5000x128xf32>
    %get3A_11 = vector.shape_cast %get3A_10 : vector<1x5000x128xf32> to vector<5000x128xf32>
    %add3A = arith.addf %get3A_6, %get3A_11 : vector<5000x128xf32>
    %get3A_12 = arith.constant 0 : index
    %get3A_13 = arith.constant 0 : index
    %get3A_14 = vector.load %arg2[%get3A_12, %get3A_13] : memref<5000x128xf32, #tpu.memory_space<vmem>>, vector<5000x128xf32>
    %add3A_15 = arith.addf %add3A, %get3A_14 : vector<5000x128xf32>
    %mul3A = vector.broadcast %get3A_1 : vector<5000x1xf32> to vector<5000x128xf32>
    %mul3A_16 = arith.mulf %mul3A, %add3A_15 : vector<5000x128xf32>
    %get3A_17 = arith.constant 0 : index
    %get3A_18 = arith.constant 0 : index
    %get3A_19 = vector.load %arg4[%get3A_17, %get3A_18] : memref<1x128xf32, #tpu.memory_space<vmem>>, vector<1x128xf32>
    %add3A_20 = vector.broadcast %get3A_19 : vector<1x128xf32> to vector<5000x128xf32>
    %add3A_21 = arith.addf %mul3A_16, %add3A_20 : vector<5000x128xf32>
    %swap3A = arith.constant 0 : index
    %swap3A_22 = arith.constant 0 : index
    %swap3A_23 = vector.load %arg5[%swap3A, %swap3A_22] : memref<5000x128xf32, #tpu.memory_space<vmem>>, vector<5000x128xf32>
    tpu.vector_store %arg5[%swap3A, %swap3A_22], %add3A_21 {strides = array<i32>} : memref<5000x128xf32, #tpu.memory_space<vmem>>, vector<5000x128xf32>,
    return
  }
  func.func @transform_0(%arg0: i32) -> (i32, i32, i32) {
    %c0_i32 = arith.constant 0 : i32
    %c0_i32_0 = arith.constant 0 : i32
    %c0_i32_1 = arith.constant 0 : i32
    return %c0_i32, %arg0, %c0_i32_0 : i32, i32, i32
  }
  func.func @transform_1(%arg0: i32) -> (i32, i32) {
    %c0_i32 = arith.constant 0 : i32
    %c0_i32_0 = arith.constant 0 : i32
    return %arg0, %c0_i32 : i32, i32
  }
  func.func @transform_2(%arg0: i32) -> (i32, i32) {
    %c0_i32 = arith.constant 0 : i32
    %c0_i32_0 = arith.constant 0 : i32
    return %arg0, %c0_i32 : i32, i32
  }
  func.func @transform_3(%arg0: i32) -> (i32, i32) {
    %c0_i32 = arith.constant 0 : i32
    %c0_i32_0 = arith.constant 0 : i32
    %c0_i32_1 = arith.constant 0 : i32
    return %c0_i32, %c0_i32_0 : i32, i32
  }
  func.func @transform_4(%arg0: i32) -> (i32, i32) {
    %c0_i32 = arith.constant 0 : i32
    %c0_i32_0 = arith.constant 0 : i32
    return %arg0, %c0_i32 : i32, i32
  }
}

</mosaic_0001>

<sc_bundles>
// kernel: kernel.11.cloned.1.call-start
scs
__scs_entry_jumppad:
0x0: {  	(pc) =	sbr.rel $0x88, $3  }
0x1: {  	(tag) =	ssettag $0x0;
	lr =	simm.s32 $0x1  }
0x2: {  	[smem:$0x3F9B] =	sst lr;
	_ =	strace $0xD0000000  }
0x3: {  	_ = 	snop  }
0x4: {  	_ = 	snop  }
0x5: {  	_ = 	snop  }
0x6: {  	_ = 	snop  }
0x7: {  	_ = 	snop  }
__scs_overlays_trampoline_lowered:
0x8: {  	[smem:$0x3FAA] =	sst s0  }
0x9: {  	[smem:$0x3FAB] =	sst s1  }
0xa: {  	[smem:$0x3FAC] =	sst s2  }
0xb: {  	[smem:$0x3FAD] =	sst s3  }
0xc: {  	[smem:$0x3FAE] =	sst s4  }
0xd: {  	[smem:$0x3FAF] =	sst s5  }
0xe: {  	[smem:$0x3FB0] =	sst s6  }
0xf: {  	[smem:$0x3FB1] =	sst s7  }
0x10: {  	[smem:$0x3FB2] =	sst s8  }
0x11: {  	[smem:$0x3FB3] =	sst s9;
	s0 =	simm.s32 @!p0 $0x0  }
0x12: {  	s1 =	sld [smem:$0x3F99];
	s0 =	simm.s32 @p0 $0x1  }
0x13: {  	[smem:$0x3FB4] =	sst s0;
	s0 =	simm.s32 @!p1 $0x0  }
0x14: {  	s2 =	sld [smem:$0x3F98];
	s0 =	simm.s32 @p1 $0x1  }
0x15: {  	[smem:$0x3FB5] =	sst s0;
	s0 =	simm.s32 @!p2 $0x0  }
0x16: {  	s3 =	sld [smem:$0x3FDB];
	s0 =	simm.s32 @p2 $0x1  }
0x17: {  	s4 =	simm.s32 $0x1BF5;
	[smem:$0x3FB7] =	sst s0  }
0x18: {  	s0 =	sld [smem:$0x3F9A];
	_ =	swait.ge [sflag:s4], $0x0  }
0x19: {  	s7 =	sld [smem:$0x3F9B]  }
0x1a: {  	s8 =	sadd.s32 $0xFFFFE003, lr  }
0x1b: {  	s9 =	sadd.s32 $0xFFFFFEF7, lr;
	s5 =	simm.s32 $0xFFFFFFFF;
	p2 =	slt.u32 s8, $0xFFFFF086  }
0x1c: {  	p1 =	slt.u32 s9, $0xF7A;
	s5 =	simm.s32 @!p2 $0x0  }
0x1d: {  	s5 =	simm.s32 @p1 $0x1;
	p0 =	seq.s32 s7, s2  }
0x1e: {  	s7 =	smul.u32 @!p0 $0xF7A, s2;
	p2 =	seq.s32 @!p0 s5, $0x0  }
0x1f: {  	s9 =	smul.u32 $0xF7A, s1;
	s8 =	simm.s32 @!p0 $0x1BF5;
	p2 =	por !p2, p0  }
0x20: {  	[sflag:s8] =	ssyncset.s32 @!p0 $0xFFFFF086;
	s6 =	sadd.s32 @!p0 s3, s7;
	s7 =	simm.s32 @!p0 $0x108  }
0x21: {  	s3 =	sadd.s32 s3, s9;
	s6 =	sadd.s32 @!p0 $0x88, s6;
	s7 =	simm.s32 @p2 $0x1082  }
0x22: {  	[simem:s7], [sflag:s8] =	dma.local @!p0 [hbm:s6], $0xF7A  }
0x23: {  	s9 =	sor.u32 $0xD0000000, s2;
	s6 =	simm.s32 $0x108;
	_ =	swait.ge @!p0 [sflag:s8], $0x0  }
0x24: {  	s3 =	sadd.s32 $0x88, s3;
	s6 =	simm.s32 @!p1 $0x1082;
	[sflag:s4] =	ssyncset.s32 $0xFFFFF086  }
0x25: {  	[simem:s6], [sflag:s4] =	dma.local [hbm:s3], $0xF7A  }
0x26: {  	[smem:$0x3F9B] =	sst s1;
	(tag) =	ssettag s2;
	_ =	strace s9  }
0x27: {  	s1 =	sld [smem:$0x3FAB]  }
0x28: {  	s2 =	sld [smem:$0x3FAC]  }
0x29: {  	s4 =	sld [smem:$0x3FAE]  }
0x2a: {  	p0 =	seq.s32 s5, $0x0;
	s5 =	sld [smem:$0x3FAF]  }
0x2b: {  	s6 =	sld [smem:$0x3FB0]  }
0x2c: {  	s7 =	sld [smem:$0x3FB1]  }
0x2d: {  	s3 =	simm.s32 $0x108;
	s8 =	sld [smem:$0x3FB2]  }
0x2e: {  	s3 =	simm.s32 @!p0 $0x1082;
	s9 =	sld [smem:$0x3FB3]  }
0x2f: {  	lr =	sadd.s32 s0, s3;
	s0 =	sld [smem:$0x3FAA]  }
0x30: {  	s3 =	sld [smem:$0x3FAD]  }
0x31: {  	[smem:$0x3FB6] =	sst s10  }
0x32: {  	s10 =	sld [smem:$0x3FB4];
	_ =	sdelay $0x3  }
0x33: {  	p0 =	seq.s32 s10, $0x1;
	s10 =	sld [smem:$0x3FB6];
	_ =	sdelay $0x3  }
0x34: {  	[smem:$0x3FB6] =	sst s10  }
0x35: {  	s10 =	sld [smem:$0x3FB5];
	_ =	sdelay $0x3  }
0x36: {  	p1 =	seq.s32 s10, $0x1;
	s10 =	sld [smem:$0x3FB6];
	_ =	sdelay $0x3  }
0x37: {  	[smem:$0x3FB6] =	sst s10  }
0x38: {  	s10 =	sld [smem:$0x3FB7]  }
0x39: {  	_ = 	snop;
	(pc) =	sbr.ind lr, $3  }
0x3a: {  	_ = 	snop  }
0x3b: {  	_ = 	snop  }
0x3c: {  	p2 =	seq.s32 s10, $0x1;
	s10 =	sld [smem:$0x3FB6]  }
0x3d: {  	_ =	shalt  }
0x3e: {  	_ =	shalt  }
0x3f: {  	_ =	shalt  }
0x40: {  	_ =	shalt  }
0x41: {  	_ =	shalt  }
0x42: {  	_ =	shalt  }
0x43: {  	_ =	shalt  }
0x44: {  	_ =	shalt  }
0x45: {  	_ =	shalt  }
0x46: {  	_ =	shalt  }
0x47: {  	_ =	shalt  }
0x48: {  	_ =	shalt  }
0x49: {  	_ =	shalt  }
0x4a: {  	_ =	shalt  }
0x4b: {  	_ =	shalt  }
0x4c: {  	_ =	shalt  }
0x4d: {  	_ =	shalt  }
0x4e: {  	_ =	shalt  }
0x4f: {  	_ =	shalt  }
0x50: {  	_ =	shalt  }
0x51: {  	_ =	shalt  }
0x52: {  	_ =	shalt  }
0x53: {  	_ =	shalt  }
0x54: {  	_ =	shalt  }
0x55: {  	_ =	shalt  }
0x56: {  	_ =	shalt  }
0x57: {  	_ =	shalt  }
0x58: {  	_ =	shalt  }
0x59: {  	_ =	shalt  }
0x5a: {  	_ =	shalt  }
0x5b: {  	_ =	shalt  }
0x5c: {  	_ =	shalt  }
0x5d: {  	_ =	shalt  }
0x5e: {  	_ =	shalt  }
0x5f: {  	_ =	shalt  }
0x60: {  	_ =	shalt  }
0x61: {  	_ =	shalt  }
0x62: {  	_ =	shalt  }
0x63: {  	_ =	shalt  }
0x64: {  	_ =	shalt  }
0x65: {  	_ =	shalt  }
0x66: {  	_ =	shalt  }
0x67: {  	_ =	shalt  }
0x68: {  	_ =	shalt  }
0x69: {  	_ =	shalt  }
0x6a: {  	_ =	shalt  }
0x6b: {  	_ =	shalt  }
0x6c: {  	_ =	shalt  }
0x6d: {  	_ =	shalt  }
0x6e: {  	_ =	shalt  }
0x6f: {  	_ =	shalt  }
0x70: {  	_ =	shalt  }
0x71: {  	_ =	shalt  }
0x72: {  	_ =	shalt  }
0x73: {  	_ =	shalt  }
0x74: {  	_ =	shalt  }
0x75: {  	_ =	shalt  }
0x76: {  	_ =	shalt  }
0x77: {  	_ =	shalt  }
0x78: {  	_ =	shalt  }
0x79: {  	_ =	shalt  }
0x7a: {  	_ =	shalt  }
0x7b: {  	_ =	shalt  }
0x7c: {  	_ =	shalt  }
0x7d: {  	_ =	shalt  }
0x7e: {  	_ =	shalt  }
0x7f: {  	_ =	shalt  }
0x80: {  	_ =	shalt  }
0x81: {  	_ =	shalt  }
0x82: {  	_ =	shalt  }
0x83: {  	_ =	shalt  }
0x84: {  	_ =	shalt  }
0x85: {  	_ =	shalt  }
0x86: {  	_ =	shalt  }
0x87: {  	_ =	shalt  }
.Lfunc_end0:
.L_simem_size_0:
called_computation.1_lowered:
.L_overlay_start_0:
0x88: {  	s2 =	sld [smem:$0x3FD9]  }
0x89: {  	s3 =	sld [smem:$0x3FFE];
	_ =	sdelay $0x1  }
0x8a: {  	s1 =	srdreg.scid  }
0x8b: {  	s0 =	sand.u32 $0x1, s1  }
0x8c: {  	s16 =	sshll.u32 s0, $0xA;
	s2 =	sadd.s32 s3, s2  }
0x8d: {  	s2 =	sadd.s32 s2, s16  }
0x8e: {  	[smem:$0x3FC2] =	sst s2  }
0x8f: {  	_ = 	snop  }
0x90: {  	(tm) =	ssettm $0x1  }
0x91: {  	s17 =	sld [smem:$0x3FFB];
	_ =	sdelay $0x3  }
0x92: {  	_ =	strace s17  }
0x93: {  	s2 =	sld [smem:$0x3FFC];
	_ =	sdelay $0x3  }
0x94: {  	_ =	strace s2  }
0x95: {  	s2 =	sld [smem:$0x3FFD];
	_ =	sdelay $0x3  }
0x96: {  	_ =	strace s2  }
0x97: {  	_ =	strace $0x8FFFFFFF  }
0x98: {  	s18 =	sld [smem:$0x3FDB];
	_ =	sdelay $0x1  }
0x99: {  	s19 =	simm.s32 $_scs_section_size  }
0x9a: {  	s4 =	simm.s32 $_size__tile_overlayer_lowered;
	s5 =	simm.s32 $_tile_overlayer_lowered  }
0x9b: {  	s22 =	simm.s32 $0x1BFF;
	s21 =	sshll.u32 s5, $0x1;
	s2 =	sadd.s32 s19, s18  }
0x9c: {  	s6 =	simm.s32 $0x0;
	s20 =	sshll.u32 s4, $0x1;
	s4 =	sadd.s32 s21, s2  }
0x9d: {  	[timem:s6], [sflag:s22] =	dma.local [hbm:s4], s20  }
0x9e: {  	_ =	swait.ge [sflag:s22], s20  }
0x9f: {  	s3 =	ssub.s32 $0x0, s20;
	[sflag:s22] =	ssyncset.done $0x0  }
0xa0: {  	[sflag:s22] =	ssyncadd.s32 s3;
	_ =	sdelay $0x1  }
0xa1: {  	s23 =	simm.s32 $0x1B8B  }
0xa2: {  	_ =	swait.ge [sflag:s23], $0x1  }
0xa3: {  	[sflag:s23] =	ssyncset.done $0x0  }
0xa4: {  	s25 =	simm.s32 $0x1B8E;
	s24 =	sld [smem:$0x3FFE];
	[sflag:s23] =	ssyncadd.s32 $0xFFFFFFFF  }
0xa5: {  	s26 =	simm.s32 $execute0_lowered;
	[smem:$0x3FD2] =	sst s25  }
0xa6: {  	s4 =	sshll.u32 s26, $0x1;
	_ =	strace $0x80000049;
	[dreg:$0x1] =	wrdreg $0xFFFFFFFF  }
0xa7: {  	s28 =	simm.s32 $_size_execute0_lowered;
	s2 =	sadd.s32 s2, s4;
	[dreg:$0x0] =	wrdreg $0x0  }
0xa8: {  	s4 =	sshll.u32 s28, $0x1;
	[dreg:$0x2] =	wrdreg s2  }
0xa9: {  	[dreg:$0x3] =	wrdreg s4  }
0xaa: {  	[dreg:$0x4] =	wrdreg $0xC0  }
0xab: {  	_ =	task [dreg:s6], $0x5FFFF  }
0xac: {  	[dreg:$0x1] =	wrdreg $0xFFFFFFFF  }
0xad: {  	[dreg:$0x0] =	wrdreg $0x60  }
0xae: {  	[dreg:$0x2] =	wrdreg s24  }
0xaf: {  	[dreg:$0x3] =	wrdreg $0xC0000  }
0xb0: {  	[dreg:$0x4] =	wrdreg $0x9  }
0xb1: {  	_ =	task.clear_ibuf [dreg:s6], $0x5FFFF;
	_ =	strace $0x90000049  }
0xb2: {  	s29 =	simm.s32 $0x9;
	_ =	strace $0x8000004B  }
0xb3: {  	_ =	swait.ge [sflag:s29], $0x1  }
0xb4: {  	[sflag:s29] =	ssyncadd.s32 $0xFFFFFFFF  }
0xb5: {  	_ =	strace $0x9000004B  }
0xb6: {  	_ =	sfence  }
0xb7: {  	s30 =	sld [smem:$0x0];
	_ =	sdelay $0x2  }
0xb8: {  	s31 =	sshll.u32 s1, $0xD;
	s1 =	sshrl.u32 s1, $0x2  }
0xb9: {  	s3 =	sand.u32 $0x4000, s31;
	s1 =	sadd.s32 s1, s30  }
0xba: {  	s0 =	sor.u32 s3, s0;
	s1 =	sshll.u32 s1, $0x11  }
0xbb: {  	s0 =	sor.u32 s1, s0  }
0xbc: {  	s0 =	sadd.s32 $0x8F2B, s0  }
0xbd: {  	[sflag:s0] =	ssyncadd.remote.s32 $0x1  }
0xbe: {  	_ =	sfence.sel $0xFFFF  }
0xbf: {  	[dreg:$0x0] =	wrdreg $0xFFFFFFFF;
	(pc) =	sbr.abs _section_cstart, $3  }
0xc0: {  	[dreg:$0x1] =	wrdreg $0xFFFFFFFF  }
0xc1: {  	_ =	task.clear_ibuf [dreg:s6], $0x2FFFF;
	_ =	strace $0x9FFFFFFF  }
0xc2: {  	(tm) =	ssettm $0x7FFFFFFF  }
0xc3: {  	_ =	shalt  }
tec
execute0_lowered:
.L_overlay_start_1:
0x0: {  	(tag) =	ssettag $0x1  }
0x1: {  	s0 =	rddreg [dreg:$0x0]  }
0x2: {  	s2 =	rddreg [dreg:$0x1];
	s3 =	simm.s32 $0x0  }
0x3: {  	s13 =	stileid.u32;
	s1 =	srdreg.scid;
	s14 =	simm.s32 $0x50  }
0x4: {  	s15 =	simm.s32 $0x2000;
	s17 =	simm.s32 $0x4800;
	s20 =	simm.s32 $0x100  }
0x5: {  	s19 =	simm.s32 $0x7000;
	s28 =	simm.s32 $0x6;
	s30 =	simm.s32 $0x7  }
0x6: {  	s31 =	simm.s32 $0x8;
	[smem:$0x7FF] =	sst s3;
	s5 =	smul.u32 $0x1400, s13  }
0x7: {  	s1 =	sand.u32 $0x1, s1;
	s4 =	sadd.s32 $0x5BA00, s0;
	s7 =	smul.u32 $0x3E80, s13  }
0x8: {  	s9 =	sadd.s32 $0x33A00, s0;
	s10 =	smul.u32 $0x7D000, s13;
	s11 =	sadd.s32 $0x1C00, s0  }
0x9: {  	s12 =	smul.u32 $0xA, s13;
	p0 =	sgt.u32 s13, $0x9;
	_ =	strace $0x8000004A  }
0xa: {  	s6 =	smul.u32 $0x27100, s1;
	s8 =	sshll.u32 s1, $0x4;
	[dreg:$0x4] =	wrdreg s11  }
0xb: {  	s21 =	ssub.s32 $0x2, s1;
	s1 =	smul.u32 $0xA0, s1;
	s11 =	simm.s32 $0x0  }
0xc: {  	s8 =	sor.u32 s13, s8;
	s5 =	sadd.s32 s5, s0;
	s22 =	sshrl.u32 s21, $0x1  }
0xd: {  	s10 =	sshrl.u32 s10, $0x2;
	[dreg:$0xa] =	wrdreg s11;
	s8 =	smul.u32 $0x1400, s8  }
0xe: {  	s6 =	sadd.s32 s7, s6;
	s23 =	ssub.s32 s21, s22;
	s10 =	sadd.s32 s10, s2  }
0xf: {  	s29 =	sadd.s32 $0xBA00, s5;
	s1 =	sadd.s32 s12, s1;
	s12 =	simm.s32 $0x80  }
0x10: {  	s21 =	simm.s32 $0x9800;
	s22 =	simm.s32 $0x3;
	s5 =	simm.s32 $0x1180  }
0x11: {  	s7 =	simm.s32 $0x300;
	s0 =	sadd.s32 s6, s0;
	s25 =	sshll.u32 s1, $0x9  }
0x12: {  	s26 =	smax.u32 s23, $0x1;
	s1 =	sshll.u32 @!p0 s13, $0x6;
	s18 =	sshrl.u32 @!p0 s10, $0x3  }
0x13: {  	s13 =	simm.s32 $0x1000;
	s23 =	simm.s32 $0x4;
	s10 =	simm.s32 $0x280  }
0x14: {  	s6 =	simm.s32 $0xA;
	s24 =	sadd.s32 s9, s8;
	[dreg:$0x7] =	wrdreg s26  }
0x15: {  	s0 =	sadd.s32 $0xA9C00, s0;
	s16 =	sor.u32 @!p0 $0x1C0B, s1;
	[dreg:$0x9] =	wrdreg s18  }
0x16: {  	s26 =	simm.s32 $0x1080;
	s1 =	simm.s32 $0x9;
	[dreg:$0x5] =	wrdreg s24  }
0x17: {  	s8 =	simm.s32 $0x1;
	[dreg:$0x6] =	wrdreg s0;
	s0 =	sadd.s32 s25, s9  }
0x18: {  	s24 =	simm.s32 $0x180;
	s25 =	simm.s32 $0x5;
	[dreg:$0x8] =	wrdreg s16  }
0x19: {  	s9 =	simm.s32 $0x2;
	[dreg:$0x3] =	wrdreg s0;
	s0 =	simm.s32 $0x1100  }
.LBB2_1:
0x1a: {  	s11 =	rddreg [dreg:$0x4]  }
0x1b: {  	[spmem:s18], [sflag:s16] =	dma.local @!p0 [hbm:s11], $0x3E80  }
0x1c: {  	s11 =	simm.s32 @!p0 $0xB  }
0x1d: {  	_ =	swait.ge @!p0 [sflag:s11], $0x3E80  }
0x1e: {  	[sflag:s11] =	ssyncset.done @!p0 $0x0  }
0x1f: {  	s18 =	simm.s32 $0xB;
	s16 =	rddreg [dreg:$0x5];
	[sflag:s11] =	ssyncadd.s32 @!p0 $0xFFFFC180  }
0x20: {  	[tilespmem:s3], [sflag:$0xB] =	stream.linear.gather [hbm4b:s16+s3], $0xC80, $0x38;
	[tilespmem:$0x1F880] =	vst v63  }
0x21: {  	_ =	swait.ge [sflag:s18], $0xC80  }
0x22: {  	[sflag:s18] =	ssyncset.done $0x0  }
0x23: {  	[sflag:s18] =	ssyncadd.s32 $0xFFFFF380  }
0x24: {  	[tilespmem:s13], [sflag:$0xB] =	stream.linear.gather [hbm4b:s29+s3], $0xC80, $0x38;
	[tilespmem:$0x1F880] =	vst v63  }
0x25: {  	_ =	swait.ge [sflag:s18], $0xC80  }
0x26: {  	[sflag:s18] =	ssyncset.done $0x0  }
0x27: {  	[sflag:s18] =	ssyncadd.s32 $0xFFFFF380  }
0x28: {  	[tilespmem:s15], [sflag:$0x3] =	stream.indirect.gather [hbm4b:s4+s14], $0x80, s3, s14, $0xb8;
	[tilespmem:$0x1F880] =	vst v63  }
0x29: {  	_ = 	snop  }
0x2a: {  	[tilespmem:s17], [sflag:$0x4] =	stream.indirect.gather [hbm4b:s4+s14], $0x80, s12, s14, $0xb8;
	[tilespmem:$0x1F880] =	vst v63  }
0x2b: {  	_ = 	snop  }
0x2c: {  	[tilespmem:s19], [sflag:$0x5] =	stream.indirect.gather [hbm4b:s4+s14], $0x80, s20, s14, $0xb8;
	[tilespmem:$0x1F880] =	vst v63  }
0x2d: {  	_ = 	snop  }
0x2e: {  	[tilespmem:s21], [sflag:$0x6] =	stream.indirect.gather [hbm4b:s4+s14], $0x80, s24, s14, $0xb8;
	[tilespmem:$0x1F880] =	vst v63  }
0x2f: {  	[bflag:$0x0] =	sbarrier.arrive $0xFFFF  }
0x30: {  	_ =	swait.ge [sflag:s22], $0x2800  }
0x31: {  	[sflag:s22] =	ssyncset.done $0x0  }
0x32: {  	[sflag:s22] =	ssyncadd.s32 $0xFFFFD800  }
0x33: {  	[spmem:s2] =	stream.indirect.scatter.add.f32 [tilespmem:s15], [sflag:$0x7], $0x80, s13, s14, $0xb8;
	[tilespmem:$0x1F880] =	vst v63  }
0x34: {  	_ =	swait.ge [sflag:s23], $0x2800  }
0x35: {  	[sflag:s23] =	ssyncset.done $0x0  }
0x36: {  	[sflag:s23] =	ssyncadd.s32 $0xFFFFD800  }
0x37: {  	[spmem:s2] =	stream.indirect.scatter.add.f32 [tilespmem:s17], [sflag:$0x8], $0x80, s26, s14, $0xb8;
	[tilespmem:$0x1F880] =	vst v63  }
0x38: {  	_ =	swait.ge [sflag:s25], $0x2800  }
0x39: {  	[sflag:s25] =	ssyncset.done $0x0  }
0x3a: {  	[sflag:s25] =	ssyncadd.s32 $0xFFFFD800  }
0x3b: {  	[spmem:s2] =	stream.indirect.scatter.add.f32 [tilespmem:s19], [sflag:$0x9], $0x80, s0, s14, $0xb8;
	[tilespmem:$0x1F880] =	vst v63  }
0x3c: {  	_ =	swait.ge [sflag:s28], $0x2800  }
0x3d: {  	[sflag:s28] =	ssyncset.done $0x0  }
0x3e: {  	[sflag:s28] =	ssyncadd.s32 $0xFFFFD800  }
0x3f: {  	[spmem:s2] =	stream.indirect.scatter.add.f32 [tilespmem:s21], [sflag:$0xA], $0x80, s5, s14, $0xb8;
	[tilespmem:$0x1F880] =	vst v63  }
0x40: {  	_ =	swait.ge [sflag:s30], $0x2800  }
0x41: {  	[sflag:s30] =	ssyncset.done $0x0  }
0x42: {  	s18 =	simm.s32 $0x200;
	[sflag:s30] =	ssyncadd.s32 $0xFFFFD800  }
0x43: {  	[tilespmem:s15], [sflag:$0x3] =	stream.indirect.gather [hbm4b:s4+s14], $0x80, s18, s14, $0xb8;
	[tilespmem:$0x1F880] =	vst v63  }
0x44: {  	_ =	swait.ge [sflag:s31], $0x2800  }
0x45: {  	[sflag:s31] =	ssyncset.done $0x0  }
0x46: {  	[sflag:s31] =	ssyncadd.s32 $0xFFFFD800  }
0x47: {  	[tilespmem:s17], [sflag:$0x4] =	stream.indirect.gather [hbm4b:s4+s14], $0x80, s10, s14, $0xb8;
	[tilespmem:$0x1F880] =	vst v63  }
0x48: {  	_ =	swait.ge [sflag:s1], $0x2800  }
0x49: {  	[sflag:s1] =	ssyncset.done $0x0  }
0x4a: {  	[sflag:s1] =	ssyncadd.s32 $0xFFFFD800  }
0x4b: {  	[tilespmem:s19], [sflag:$0x5] =	stream.indirect.gather [hbm4b:s4+s14], $0x80, s7, s14, $0xb8;
	[tilespmem:$0x1F880] =	vst v63  }
0x4c: {  	_ =	swait.ge [sflag:s6], $0x2800  }
0x4d: {  	[sflag:s6] =	ssyncset.done $0x0  }
0x4e: {  	s16 =	simm.s32 $0x380;
	[sflag:s6] =	ssyncadd.s32 $0xFFFFD800  }
0x4f: {  	[tilespmem:s21], [sflag:$0x6] =	stream.indirect.gather [hbm4b:s4+s14], $0x80, s16, s14, $0xb8;
	[tilespmem:$0x1F880] =	vst v63  }
0x50: {  	_ =	swait.ge [sflag:s22], $0x2800  }
0x51: {  	[sflag:s22] =	ssyncset.done $0x0  }
0x52: {  	s16 =	simm.s32 $0x1200;
	[sflag:s22] =	ssyncadd.s32 $0xFFFFD800  }
0x53: {  	[spmem:s2] =	stream.indirect.scatter.add.f32 [tilespmem:s15], [sflag:$0x7], $0x80, s16, s14, $0xb8;
	[tilespmem:$0x1F880] =	vst v63  }
0x54: {  	_ =	swait.ge [sflag:s23], $0x2800  }
0x55: {  	[sflag:s23] =	ssyncset.done $0x0  }
0x56: {  	s16 =	simm.s32 $0x1280;
	[sflag:s23] =	ssyncadd.s32 $0xFFFFD800  }
0x57: {  	[spmem:s2] =	stream.indirect.scatter.add.f32 [tilespmem:s17], [sflag:$0x8], $0x80, s16, s14, $0xb8;
	[tilespmem:$0x1F880] =	vst v63  }
0x58: {  	_ =	swait.ge [sflag:s25], $0x2800  }
0x59: {  	[sflag:s25] =	ssyncset.done $0x0  }
0x5a: {  	s16 =	simm.s32 $0x1300;
	[sflag:s25] =	ssyncadd.s32 $0xFFFFD800  }
0x5b: {  	[spmem:s2] =	stream.indirect.scatter.add.f32 [tilespmem:s19], [sflag:$0x9], $0x80, s16, s14, $0xb8;
	[tilespmem:$0x1F880] =	vst v63  }
0x5c: {  	_ =	swait.ge [sflag:s28], $0x2800  }
0x5d: {  	[sflag:s28] =	ssyncset.done $0x0  }
0x5e: {  	s16 =	simm.s32 $0x1380;
	[sflag:s28] =	ssyncadd.s32 $0xFFFFD800  }
0x5f: {  	[spmem:s2] =	stream.indirect.scatter.add.f32 [tilespmem:s21], [sflag:$0xA], $0x80, s16, s14, $0xb8;
	[tilespmem:$0x1F880] =	vst v63  }
0x60: {  	_ =	swait.ge [sflag:s30], $0x2800  }
0x61: {  	[sflag:s30] =	ssyncset.done $0x0  }
0x62: {  	s16 =	simm.s32 $0x400;
	[sflag:s30] =	ssyncadd.s32 $0xFFFFD800  }
0x63: {  	[tilespmem:s15], [sflag:$0x3] =	stream.indirect.gather [hbm4b:s4+s14], $0x80, s16, s14, $0xb8;
	[tilespmem:$0x1F880] =	vst v63  }
0x64: {  	_ =	swait.ge [sflag:s31], $0x2800  }
0x65: {  	[sflag:s31] =	ssyncset.done $0x0  }
0x66: {  	s16 =	simm.s32 $0x480;
	[sflag:s31] =	ssyncadd.s32 $0xFFFFD800  }
0x67: {  	[tilespmem:s17], [sflag:$0x4] =	stream.indirect.gather [hbm4b:s4+s14], $0x80, s16, s14, $0xb8;
	[tilespmem:$0x1F880] =	vst v63  }
0x68: {  	_ =	swait.ge [sflag:s1], $0x2800  }
0x69: {  	[sflag:s1] =	ssyncset.done $0x0  }
0x6a: {  	s16 =	simm.s32 $0x500;
	[sflag:s1] =	ssyncadd.s32 $0xFFFFD800  }
0x6b: {  	[tilespmem:s19], [sflag:$0x5] =	stream.indirect.gather [hbm4b:s4+s14], $0x80, s16, s14, $0xb8;
	[tilespmem:$0x1F880] =	vst v63  }
0x6c: {  	_ =	swait.ge [sflag:s6], $0x2800  }
0x6d: {  	[sflag:s6] =	ssyncset.done $0x0  }
0x6e: {  	s16 =	simm.s32 $0x580;
	[sflag:s6] =	ssyncadd.s32 $0xFFFFD800  }
0x6f: {  	[tilespmem:s21], [sflag:$0x6] =	stream.indirect.gather [hbm4b:s4+s14], $0x80, s16, s14, $0xb8;
	[tilespmem:$0x1F880] =	vst v63  }
0x70: {  	_ =	swait.ge [sflag:s22], $0x2800  }
0x71: {  	[sflag:s22] =	ssyncset.done $0x0  }
0x72: {  	s16 =	simm.s32 $0x1400;
	[sflag:s22] =	ssyncadd.s32 $0xFFFFD800  }
0x73: {  	[spmem:s2] =	stream.indirect.scatter.add.f32 [tilespmem:s15], [sflag:$0x7], $0x80, s16, s14, $0xb8;
	[tilespmem:$0x1F880] =	vst v63  }
0x74: {  	_ =	swait.ge [sflag:s23], $0x2800  }
0x75: {  	[sflag:s23] =	ssyncset.done $0x0  }
0x76: {  	s16 =	simm.s32 $0x1480;
	[sflag:s23] =	ssyncadd.s32 $0xFFFFD800  }
0x77: {  	[spmem:s2] =	stream.indirect.scatter.add.f32 [tilespmem:s17], [sflag:$0x8], $0x80, s16, s14, $0xb8;
	[tilespmem:$0x1F880] =	vst v63  }
0x78: {  	_ =	swait.ge [sflag:s25], $0x2800  }
0x79: {  	[sflag:s25] =	ssyncset.done $0x0  }
0x7a: {  	s16 =	simm.s32 $0x1500;
	[sflag:s25] =	ssyncadd.s32 $0xFFFFD800  }
0x7b: {  	[spmem:s2] =	stream.indirect.scatter.add.f32 [tilespmem:s19], [sflag:$0x9], $0x80, s16, s14, $0xb8;
	[tilespmem:$0x1F880] =	vst v63  }
0x7c: {  	_ =	swait.ge [sflag:s28], $0x2800  }
0x7d: {  	[sflag:s28] =	ssyncset.done $0x0  }
0x7e: {  	s16 =	simm.s32 $0x1580;
	[sflag:s28] =	ssyncadd.s32 $0xFFFFD800  }
0x7f: {  	[spmem:s2] =	stream.indirect.scatter.add.f32 [tilespmem:s21], [sflag:$0xA], $0x80, s16, s14, $0xb8;
	[tilespmem:$0x1F880] =	vst v63  }
0x80: {  	_ =	swait.ge [sflag:s30], $0x2800  }
0x81: {  	[sflag:s30] =	ssyncset.done $0x0  }
0x82: {  	s16 =	simm.s32 $0x600;
	[sflag:s30] =	ssyncadd.s32 $0xFFFFD800  }
0x83: {  	[tilespmem:s15], [sflag:$0x3] =	stream.indirect.gather [hbm4b:s4+s14], $0x80, s16, s14, $0xb8;
	[tilespmem:$0x1F880] =	vst v63  }
0x84: {  	_ =	swait.ge [sflag:s31], $0x2800  }
0x85: {  	[sflag:s31] =	ssyncset.done $0x0  }
0x86: {  	s16 =	simm.s32 $0x680;
	[sflag:s31] =	ssyncadd.s32 $0xFFFFD800  }
0x87: {  	[tilespmem:s17], [sflag:$0x4] =	stream.indirect.gather [hbm4b:s4+s14], $0x80, s16, s14, $0xb8;
	[tilespmem:$0x1F880] =	vst v63  }
0x88: {  	_ =	swait.ge [sflag:s1], $0x2800  }
0x89: {  	[sflag:s1] =	ssyncset.done $0x0  }
0x8a: {  	s16 =	simm.s32 $0x700;
	[sflag:s1] =	ssyncadd.s32 $0xFFFFD800  }
0x8b: {  	[tilespmem:s19], [sflag:$0x5] =	stream.indirect.gather [hbm4b:s4+s14], $0x80, s16, s14, $0xb8;
	[tilespmem:$0x1F880] =	vst v63  }
0x8c: {  	_ =	swait.ge [sflag:s6], $0x2800  }
0x8d: {  	[sflag:s6] =	ssyncset.done $0x0  }
0x8e: {  	s16 =	simm.s32 $0x780;
	[sflag:s6] =	ssyncadd.s32 $0xFFFFD800  }
0x8f: {  	[tilespmem:s21], [sflag:$0x6] =	stream.indirect.gather [hbm4b:s4+s14], $0x80, s16, s14, $0xb8;
	[tilespmem:$0x1F880] =	vst v63  }
0x90: {  	_ =	swait.ge [sflag:s22], $0x2800  }
0x91: {  	[sflag:s22] =	ssyncset.done $0x0  }
0x92: {  	s16 =	simm.s32 $0x1600;
	[sflag:s22] =	ssyncadd.s32 $0xFFFFD800  }
0x93: {  	[spmem:s2] =	stream.indirect.scatter.add.f32 [tilespmem:s15], [sflag:$0x7], $0x80, s16, s14, $0xb8;
	[tilespmem:$0x1F880] =	vst v63  }
0x94: {  	_ =	swait.ge [sflag:s23], $0x2800  }
0x95: {  	[sflag:s23] =	ssyncset.done $0x0  }
0x96: {  	s16 =	simm.s32 $0x1680;
	[sflag:s23] =	ssyncadd.s32 $0xFFFFD800  }
0x97: {  	[spmem:s2] =	stream.indirect.scatter.add.f32 [tilespmem:s17], [sflag:$0x8], $0x80, s16, s14, $0xb8;
	[tilespmem:$0x1F880] =	vst v63  }
0x98: {  	_ =	swait.ge [sflag:s25], $0x2800  }
0x99: {  	[sflag:s25] =	ssyncset.done $0x0  }
0x9a: {  	s16 =	simm.s32 $0x1700;
	[sflag:s25] =	ssyncadd.s32 $0xFFFFD800  }
0x9b: {  	[spmem:s2] =	stream.indirect.scatter.add.f32 [tilespmem:s19], [sflag:$0x9], $0x80, s16, s14, $0xb8;
	[tilespmem:$0x1F880] =	vst v63  }
0x9c: {  	_ =	swait.ge [sflag:s28], $0x2800  }
0x9d: {  	[sflag:s28] =	ssyncset.done $0x0  }
0x9e: {  	s16 =	simm.s32 $0x1780;
	[sflag:s28] =	ssyncadd.s32 $0xFFFFD800  }
0x9f: {  	[spmem:s2] =	stream.indirect.scatter.add.f32 [tilespmem:s21], [sflag:$0xA], $0x80, s16, s14, $0xb8;
	[tilespmem:$0x1F880] =	vst v63  }
0xa0: {  	_ =	swait.ge [sflag:s30], $0x2800  }
0xa1: {  	[sflag:s30] =	ssyncset.done $0x0  }
0xa2: {  	s16 =	simm.s32 $0x800;
	[sflag:s30] =	ssyncadd.s32 $0xFFFFD800  }
0xa3: {  	[tilespmem:s15], [sflag:$0x3] =	stream.indirect.gather [hbm4b:s4+s14], $0x80, s16, s14, $0xb8;
	[tilespmem:$0x1F880] =	vst v63  }
0xa4: {  	_ =	swait.ge [sflag:s31], $0x2800  }
0xa5: {  	[sflag:s31] =	ssyncset.done $0x0  }
0xa6: {  	s16 =	simm.s32 $0x880;
	[sflag:s31] =	ssyncadd.s32 $0xFFFFD800  }
0xa7: {  	[tilespmem:s17], [sflag:$0x4] =	stream.indirect.gather [hbm4b:s4+s14], $0x80, s16, s14, $0xb8;
	[tilespmem:$0x1F880] =	vst v63  }
0xa8: {  	_ =	swait.ge [sflag:s1], $0x2800  }
0xa9: {  	[sflag:s1] =	ssyncset.done $0x0  }
0xaa: {  	s16 =	simm.s32 $0x900;
	[sflag:s1] =	ssyncadd.s32 $0xFFFFD800  }
0xab: {  	[tilespmem:s19], [sflag:$0x5] =	stream.indirect.gather [hbm4b:s4+s14], $0x80, s16, s14, $0xb8;
	[tilespmem:$0x1F880] =	vst v63  }
0xac: {  	_ =	swait.ge [sflag:s6], $0x2800  }
0xad: {  	[sflag:s6] =	ssyncset.done $0x0  }
0xae: {  	s16 =	simm.s32 $0x980;
	[sflag:s6] =	ssyncadd.s32 $0xFFFFD800  }
0xaf: {  	[tilespmem:s21], [sflag:$0x6] =	stream.indirect.gather [hbm4b:s4+s14], $0x80, s16, s14, $0xb8;
	[tilespmem:$0x1F880] =	vst v63  }
0xb0: {  	_ =	swait.ge [sflag:s22], $0x2800  }
0xb1: {  	[sflag:s22] =	ssyncset.done $0x0  }
0xb2: {  	s16 =	simm.s32 $0x1800;
	[sflag:s22] =	ssyncadd.s32 $0xFFFFD800  }
0xb3: {  	[spmem:s2] =	stream.indirect.scatter.add.f32 [tilespmem:s15], [sflag:$0x7], $0x80, s16, s14, $0xb8;
	[tilespmem:$0x1F880] =	vst v63  }
0xb4: {  	_ =	swait.ge [sflag:s23], $0x2800  }
0xb5: {  	[sflag:s23] =	ssyncset.done $0x0  }
0xb6: {  	s16 =	simm.s32 $0x1880;
	[sflag:s23] =	ssyncadd.s32 $0xFFFFD800  }
0xb7: {  	[spmem:s2] =	stream.indirect.scatter.add.f32 [tilespmem:s17], [sflag:$0x8], $0x80, s16, s14, $0xb8;
	[tilespmem:$0x1F880] =	vst v63  }
0xb8: {  	_ =	swait.ge [sflag:s25], $0x2800  }
0xb9: {  	[sflag:s25] =	ssyncset.done $0x0  }
0xba: {  	s16 =	simm.s32 $0x1900;
	[sflag:s25] =	ssyncadd.s32 $0xFFFFD800  }
0xbb: {  	[spmem:s2] =	stream.indirect.scatter.add.f32 [tilespmem:s19], [sflag:$0x9], $0x80, s16, s14, $0xb8;
	[tilespmem:$0x1F880] =	vst v63  }
0xbc: {  	_ =	swait.ge [sflag:s28], $0x2800  }
0xbd: {  	[sflag:s28] =	ssyncset.done $0x0  }
0xbe: {  	s16 =	simm.s32 $0x1980;
	[sflag:s28] =	ssyncadd.s32 $0xFFFFD800  }
0xbf: {  	[spmem:s2] =	stream.indirect.scatter.add.f32 [tilespmem:s21], [sflag:$0xA], $0x80, s16, s14, $0xb8;
	[tilespmem:$0x1F880] =	vst v63  }
0xc0: {  	_ =	swait.ge [sflag:s30], $0x2800  }
0xc1: {  	[sflag:s30] =	ssyncset.done $0x0  }
0xc2: {  	s16 =	simm.s32 $0xA00;
	[sflag:s30] =	ssyncadd.s32 $0xFFFFD800  }
0xc3: {  	[tilespmem:s15], [sflag:$0x3] =	stream.indirect.gather [hbm4b:s4+s14], $0x80, s16, s14, $0xb8;
	[tilespmem:$0x1F880] =	vst v63  }
0xc4: {  	_ =	swait.ge [sflag:s31], $0x2800  }
0xc5: {  	[sflag:s31] =	ssyncset.done $0x0  }
0xc6: {  	s16 =	simm.s32 $0xA80;
	[sflag:s31] =	ssyncadd.s32 $0xFFFFD800  }
0xc7: {  	[tilespmem:s17], [sflag:$0x4] =	stream.indirect.gather [hbm4b:s4+s14], $0x80, s16, s14, $0xb8;
	[tilespmem:$0x1F880] =	vst v63  }
0xc8: {  	_ =	swait.ge [sflag:s1], $0x2800  }
0xc9: {  	[sflag:s1] =	ssyncset.done $0x0  }
0xca: {  	s16 =	simm.s32 $0xB00;
	[sflag:s1] =	ssyncadd.s32 $0xFFFFD800  }
0xcb: {  	[tilespmem:s19], [sflag:$0x5] =	stream.indirect.gather [hbm4b:s4+s14], $0x80, s16, s14, $0xb8;
	[tilespmem:$0x1F880] =	vst v63  }
0xcc: {  	_ =	swait.ge [sflag:s6], $0x2800  }
0xcd: {  	[sflag:s6] =	ssyncset.done $0x0  }
0xce: {  	s16 =	simm.s32 $0xB80;
	[sflag:s6] =	ssyncadd.s32 $0xFFFFD800  }
0xcf: {  	[tilespmem:s21], [sflag:$0x6] =	stream.indirect.gather [hbm4b:s4+s14], $0x80, s16, s14, $0xb8;
	[tilespmem:$0x1F880] =	vst v63  }
0xd0: {  	_ =	swait.ge [sflag:s22], $0x2800  }
0xd1: {  	[sflag:s22] =	ssyncset.done $0x0  }
0xd2: {  	s16 =	simm.s32 $0x1A00;
	[sflag:s22] =	ssyncadd.s32 $0xFFFFD800  }
0xd3: {  	[spmem:s2] =	stream.indirect.scatter.add.f32 [tilespmem:s15], [sflag:$0x7], $0x80, s16, s14, $0xb8;
	[tilespmem:$0x1F880] =	vst v63  }
0xd4: {  	_ =	swait.ge [sflag:s23], $0x2800  }
0xd5: {  	[sflag:s23] =	ssyncset.done $0x0  }
0xd6: {  	s16 =	simm.s32 $0x1A80;
	[sflag:s23] =	ssyncadd.s32 $0xFFFFD800  }
0xd7: {  	[spmem:s2] =	stream.indirect.scatter.add.f32 [tilespmem:s17], [sflag:$0x8], $0x80, s16, s14, $0xb8;
	[tilespmem:$0x1F880] =	vst v63  }
0xd8: {  	_ =	swait.ge [sflag:s25], $0x2800  }
0xd9: {  	[sflag:s25] =	ssyncset.done $0x0  }
0xda: {  	s16 =	simm.s32 $0x1B00;
	[sflag:s25] =	ssyncadd.s32 $0xFFFFD800  }
0xdb: {  	[spmem:s2] =	stream.indirect.scatter.add.f32 [tilespmem:s19], [sflag:$0x9], $0x80, s16, s14, $0xb8;
	[tilespmem:$0x1F880] =	vst v63  }
0xdc: {  	_ =	swait.ge [sflag:s28], $0x2800  }
0xdd: {  	[sflag:s28] =	ssyncset.done $0x0  }
0xde: {  	s16 =	simm.s32 $0x1B80;
	[sflag:s28] =	ssyncadd.s32 $0xFFFFD800  }
0xdf: {  	[spmem:s2] =	stream.indirect.scatter.add.f32 [tilespmem:s21], [sflag:$0xA], $0x80, s16, s14, $0xb8;
	[tilespmem:$0x1F880] =	vst v63  }
0xe0: {  	_ =	swait.ge [sflag:s30], $0x2800  }
0xe1: {  	[sflag:s30] =	ssyncset.done $0x0  }
0xe2: {  	s16 =	simm.s32 $0xC00;
	[sflag:s30] =	ssyncadd.s32 $0xFFFFD800  }
0xe3: {  	[tilespmem:s15], [sflag:$0x3] =	stream.indirect.gather [hbm4b:s4+s14], $0x80, s16, s14, $0xb8;
	[tilespmem:$0x1F880] =	vst v63  }
0xe4: {  	_ =	swait.ge [sflag:s22], $0x2800  }
0xe5: {  	[sflag:s22] =	ssyncset.done $0x0  }
0xe6: {  	s16 =	simm.s32 $0x1C00;
	s11 =	rddreg [dreg:$0x3];
	[sflag:s22] =	ssyncadd.s32 $0xFFFFD800  }
0xe7: {  	[spmem:s2] =	stream.indirect.scatter.add.f32 [tilespmem:s15], [sflag:$0x7], $0x80, s16, s14, $0xb8;
	[tilespmem:$0x1F880] =	vst v63  }
0xe8: {  	s11 =	sadd.s32 $0x200, s11  }
0xe9: {  	[tilespmem:s3], [sflag:$0x1] =	stream.linear.gather [hbm4b:s11+s3], $0xC80, $0x38;
	[tilespmem:$0x1F880] =	vst v63  }
0xea: {  	_ =	swait.ge [sflag:s30], $0x2800  }
0xeb: {  	[sflag:s30] =	ssyncset.done $0x0  }
0xec: {  	[sflag:s30] =	ssyncadd.s32 $0xFFFFD800  }
0xed: {  	_ =	swait.ge [sflag:s31], $0x2800  }
0xee: {  	[sflag:s31] =	ssyncset.done $0x0  }
0xef: {  	[sflag:s31] =	ssyncadd.s32 $0xFFFFD800  }
0xf0: {  	_ =	swait.ge [sflag:s1], $0x2800  }
0xf1: {  	[sflag:s1] =	ssyncset.done $0x0  }
0xf2: {  	[sflag:s1] =	ssyncadd.s32 $0xFFFFD800  }
0xf3: {  	_ =	swait.ge [sflag:s6], $0x2800  }
0xf4: {  	[sflag:s6] =	ssyncset.done $0x0  }
0xf5: {  	s16 =	sadd.s32 $0x200, s29;
	[sflag:s6] =	ssyncadd.s32 $0xFFFFD800  }
0xf6: {  	[tilespmem:s13], [sflag:$0x2] =	stream.linear.gather [hbm4b:s16+s3], $0xC80, $0x38;
	[tilespmem:$0x1F880] =	vst v63  }
0xf7: {  	_ =	swait.ge [sflag:s8], $0xC80  }
0xf8: {  	[sflag:s8] =	ssyncset.done $0x0  }
0xf9: {  	[sflag:s8] =	ssyncadd.s32 $0xFFFFF380  }
0xfa: {  	[tilespmem:s15], [sflag:$0x3] =	stream.indirect.gather [hbm4b:s4+s14], $0x80, s3, s14, $0xb8;
	[tilespmem:$0x1F880] =	vst v63  }
0xfb: {  	_ = 	snop  }
0xfc: {  	[tilespmem:s17], [sflag:$0x4] =	stream.indirect.gather [hbm4b:s4+s14], $0x80, s12, s14, $0xb8;
	[tilespmem:$0x1F880] =	vst v63  }
0xfd: {  	_ = 	snop  }
0xfe: {  	[tilespmem:s19], [sflag:$0x5] =	stream.indirect.gather [hbm4b:s4+s14], $0x80, s20, s14, $0xb8;
	[tilespmem:$0x1F880] =	vst v63  }
0xff: {  	_ = 	snop  }
0x100: {  	[tilespmem:s21], [sflag:$0x6] =	stream.indirect.gather [hbm4b:s4+s14], $0x80, s24, s14, $0xb8;
	[tilespmem:$0x1F880] =	vst v63  }
0x101: {  	_ =	swait.ge [sflag:s9], $0xC80  }
0x102: {  	[sflag:s9] =	ssyncset.done $0x0  }
0x103: {  	[sflag:s9] =	ssyncadd.s32 $0xFFFFF380  }
0x104: {  	_ =	swait.ge [sflag:s22], $0x2800  }
0x105: {  	[sflag:s22] =	ssyncset.done $0x0  }
0x106: {  	[sflag:s22] =	ssyncadd.s32 $0xFFFFD800  }
0x107: {  	[spmem:s2] =	stream.indirect.scatter.add.f32 [tilespmem:s15], [sflag:$0x7], $0x80, s13, s14, $0xb8;
	[tilespmem:$0x1F880] =	vst v63  }
0x108: {  	_ =	swait.ge [sflag:s23], $0x2800  }
0x109: {  	[sflag:s23] =	ssyncset.done $0x0  }
0x10a: {  	[sflag:s23] =	ssyncadd.s32 $0xFFFFD800  }
0x10b: {  	[spmem:s2] =	stream.indirect.scatter.add.f32 [tilespmem:s17], [sflag:$0x8], $0x80, s26, s14, $0xb8;
	[tilespmem:$0x1F880] =	vst v63  }
0x10c: {  	_ =	swait.ge [sflag:s25], $0x2800  }
0x10d: {  	[sflag:s25] =	ssyncset.done $0x0  }
0x10e: {  	[sflag:s25] =	ssyncadd.s32 $0xFFFFD800  }
0x10f: {  	[spmem:s2] =	stream.indirect.scatter.add.f32 [tilespmem:s19], [sflag:$0x9], $0x80, s0, s14, $0xb8;
	[tilespmem:$0x1F880] =	vst v63  }
0x110: {  	_ =	swait.ge [sflag:s28], $0x2800  }
0x111: {  	[sflag:s28] =	ssyncset.done $0x0  }
0x112: {  	[sflag:s28] =	ssyncadd.s32 $0xFFFFD800  }
0x113: {  	[spmem:s2] =	stream.indirect.scatter.add.f32 [tilespmem:s21], [sflag:$0xA], $0x80, s5, s14, $0xb8;
	[tilespmem:$0x1F880] =	vst v63  }
0x114: {  	_ =	swait.ge [sflag:s30], $0x2800  }
0x115: {  	[sflag:s30] =	ssyncset.done $0x0  }
0x116: {  	[sflag:s30] =	ssyncadd.s32 $0xFFFFD800  }
0x117: {  	[tilespmem:s15], [sflag:$0x3] =	stream.indirect.gather [hbm4b:s4+s14], $0x80, s18, s14, $0xb8;
	[tilespmem:$0x1F880] =	vst v63  }
0x118: {  	_ =	swait.ge [sflag:s31], $0x2800  }
0x119: {  	[sflag:s31] =	ssyncset.done $0x0  }
0x11a: {  	[sflag:s31] =	ssyncadd.s32 $0xFFFFD800  }
0x11b: {  	[tilespmem:s17], [sflag:$0x4] =	stream.indirect.gather [hbm4b:s4+s14], $0x80, s10, s14, $0xb8;
	[tilespmem:$0x1F880] =	vst v63  }
0x11c: {  	_ =	swait.ge [sflag:s1], $0x2800  }
0x11d: {  	[sflag:s1] =	ssyncset.done $0x0  }
0x11e: {  	[sflag:s1] =	ssyncadd.s32 $0xFFFFD800  }
0x11f: {  	[tilespmem:s19], [sflag:$0x5] =	stream.indirect.gather [hbm4b:s4+s14], $0x80, s7, s14, $0xb8;
	[tilespmem:$0x1F880] =	vst v63  }
0x120: {  	_ =	swait.ge [sflag:s6], $0x2800  }
0x121: {  	[sflag:s6] =	ssyncset.done $0x0  }
0x122: {  	s16 =	simm.s32 $0x380;
	[sflag:s6] =	ssyncadd.s32 $0xFFFFD800  }
0x123: {  	[tilespmem:s21], [sflag:$0x6] =	stream.indirect.gather [hbm4b:s4+s14], $0x80, s16, s14, $0xb8;
	[tilespmem:$0x1F880] =	vst v63  }
0x124: {  	_ =	swait.ge [sflag:s22], $0x2800  }
0x125: {  	[sflag:s22] =	ssyncset.done $0x0  }
0x126: {  	s18 =	simm.s32 $0x1200;
	[sflag:s22] =	ssyncadd.s32 $0xFFFFD800  }
0x127: {  	[spmem:s2] =	stream.indirect.scatter.add.f32 [tilespmem:s15], [sflag:$0x7], $0x80, s18, s14, $0xb8;
	[tilespmem:$0x1F880] =	vst v63  }
0x128: {  	_ =	swait.ge [sflag:s23], $0x2800  }
0x129: {  	[sflag:s23] =	ssyncset.done $0x0  }
0x12a: {  	s20 =	simm.s32 $0x1280;
	[sflag:s23] =	ssyncadd.s32 $0xFFFFD800  }
0x12b: {  	[spmem:s2] =	stream.indirect.scatter.add.f32 [tilespmem:s17], [sflag:$0x8], $0x80, s20, s14, $0xb8;
	[tilespmem:$0x1F880] =	vst v63  }
0x12c: {  	_ =	swait.ge [sflag:s25], $0x2800  }
0x12d: {  	[sflag:s25] =	ssyncset.done $0x0  }
0x12e: {  	s24 =	simm.s32 $0x1300;
	[sflag:s25] =	ssyncadd.s32 $0xFFFFD800  }
0x12f: {  	[spmem:s2] =	stream.indirect.scatter.add.f32 [tilespmem:s19], [sflag:$0x9], $0x80, s24, s14, $0xb8;
	[tilespmem:$0x1F880] =	vst v63  }
0x130: {  	_ =	swait.ge [sflag:s28], $0x2800  }
0x131: {  	[sflag:s28] =	ssyncset.done $0x0  }
0x132: {  	s26 =	simm.s32 $0x1380;
	[sflag:s28] =	ssyncadd.s32 $0xFFFFD800  }
0x133: {  	[spmem:s2] =	stream.indirect.scatter.add.f32 [tilespmem:s21], [sflag:$0xA], $0x80, s26, s14, $0xb8;
	[tilespmem:$0x1F880] =	vst v63  }
0x134: {  	_ =	swait.ge [sflag:s30], $0x2800  }
0x135: {  	[sflag:s30] =	ssyncset.done $0x0  }
0x136: {  	s5 =	simm.s32 $0x400;
	[sflag:s30] =	ssyncadd.s32 $0xFFFFD800  }
0x137: {  	[tilespmem:s15], [sflag:$0x3] =	stream.indirect.gather [hbm4b:s4+s14], $0x80, s5, s14, $0xb8;
	[tilespmem:$0x1F880] =	vst v63  }
0x138: {  	_ =	swait.ge [sflag:s31], $0x2800  }
0x139: {  	[sflag:s31] =	ssyncset.done $0x0  }
0x13a: {  	s7 =	simm.s32 $0x480;
	[sflag:s31] =	ssyncadd.s32 $0xFFFFD800  }
0x13b: {  	[tilespmem:s17], [sflag:$0x4] =	stream.indirect.gather [hbm4b:s4+s14], $0x80, s7, s14, $0xb8;
	[tilespmem:$0x1F880] =	vst v63  }
0x13c: {  	_ =	swait.ge [sflag:s1], $0x2800  }
0x13d: {  	[sflag:s1] =	ssyncset.done $0x0  }
0x13e: {  	s10 =	simm.s32 $0x500;
	[sflag:s1] =	ssyncadd.s32 $0xFFFFD800  }
0x13f: {  	[tilespmem:s19], [sflag:$0x5] =	stream.indirect.gather [hbm4b:s4+s14], $0x80, s10, s14, $0xb8;
	[tilespmem:$0x1F880] =	vst v63  }
0x140: {  	_ =	swait.ge [sflag:s6], $0x2800  }
0x141: {  	[sflag:s6] =	ssyncset.done $0x0  }
0x142: {  	s11 =	simm.s32 $0x580;
	[sflag:s6] =	ssyncadd.s32 $0xFFFFD800  }
0x143: {  	[tilespmem:s21], [sflag:$0x6] =	stream.indirect.gather [hbm4b:s4+s14], $0x80, s11, s14, $0xb8;
	[tilespmem:$0x1F880] =	vst v63  }
0x144: {  	_ =	swait.ge [sflag:s22], $0x2800  }
0x145: {  	[sflag:s22] =	ssyncset.done $0x0  }
0x146: {  	s12 =	simm.s32 $0x1400;
	[sflag:s22] =	ssyncadd.s32 $0xFFFFD800  }
0x147: {  	[spmem:s2] =	stream.indirect.scatter.add.f32 [tilespmem:s15], [sflag:$0x7], $0x80, s12, s14, $0xb8;
	[tilespmem:$0x1F880] =	vst v63  }
0x148: {  	_ =	swait.ge [sflag:s23], $0x2800  }
0x149: {  	[sflag:s23] =	ssyncset.done $0x0  }
0x14a: {  	s13 =	simm.s32 $0x1480;
	[sflag:s23] =	ssyncadd.s32 $0xFFFFD800  }
0x14b: {  	[spmem:s2] =	stream.indirect.scatter.add.f32 [tilespmem:s17], [sflag:$0x8], $0x80, s13, s14, $0xb8;
	[tilespmem:$0x1F880] =	vst v63  }
0x14c: {  	_ =	swait.ge [sflag:s25], $0x2800  }
0x14d: {  	[sflag:s25] =	ssyncset.done $0x0  }
0x14e: {  	s16 =	simm.s32 $0x1500;
	[sflag:s25] =	ssyncadd.s32 $0xFFFFD800  }
0x14f: {  	[spmem:s2] =	stream.indirect.scatter.add.f32 [tilespmem:s19], [sflag:$0x9], $0x80, s16, s14, $0xb8;
	[tilespmem:$0x1F880] =	vst v63  }
0x150: {  	_ =	swait.ge [sflag:s28], $0x2800  }
0x151: {  	[sflag:s28] =	ssyncset.done $0x0  }
0x152: {  	s18 =	simm.s32 $0x1580;
	[sflag:s28] =	ssyncadd.s32 $0xFFFFD800  }
0x153: {  	[spmem:s2] =	stream.indirect.scatter.add.f32 [tilespmem:s21], [sflag:$0xA], $0x80, s18, s14, $0xb8;
	[tilespmem:$0x1F880] =	vst v63  }
0x154: {  	_ =	swait.ge [sflag:s30], $0x2800  }
0x155: {  	[sflag:s30] =	ssyncset.done $0x0  }
0x156: {  	s20 =	simm.s32 $0x600;
	[sflag:s30] =	ssyncadd.s32 $0xFFFFD800  }
0x157: {  	[tilespmem:s15], [sflag:$0x3] =	stream.indirect.gather [hbm4b:s4+s14], $0x80, s20, s14, $0xb8;
	[tilespmem:$0x1F880] =	vst v63  }
0x158: {  	_ =	swait.ge [sflag:s31], $0x2800  }
0x159: {  	[sflag:s31] =	ssyncset.done $0x0  }
0x15a: {  	s24 =	simm.s32 $0x680;
	[sflag:s31] =	ssyncadd.s32 $0xFFFFD800  }
0x15b: {  	[tilespmem:s17], [sflag:$0x4] =	stream.indirect.gather [hbm4b:s4+s14], $0x80, s24, s14, $0xb8;
	[tilespmem:$0x1F880] =	vst v63  }
0x15c: {  	_ =	swait.ge [sflag:s1], $0x2800  }
0x15d: {  	[sflag:s1] =	ssyncset.done $0x0  }
0x15e: {  	s26 =	simm.s32 $0x700;
	[sflag:s1] =	ssyncadd.s32 $0xFFFFD800  }
0x15f: {  	[tilespmem:s19], [sflag:$0x5] =	stream.indirect.gather [hbm4b:s4+s14], $0x80, s26, s14, $0xb8;
	[tilespmem:$0x1F880] =	vst v63  }
0x160: {  	_ =	swait.ge [sflag:s6], $0x2800  }
0x161: {  	[sflag:s6] =	ssyncset.done $0x0  }
0x162: {  	s5 =	simm.s32 $0x780;
	[sflag:s6] =	ssyncadd.s32 $0xFFFFD800  }
0x163: {  	[tilespmem:s21], [sflag:$0x6] =	stream.indirect.gather [hbm4b:s4+s14], $0x80, s5, s14, $0xb8;
	[tilespmem:$0x1F880] =	vst v63  }
0x164: {  	_ =	swait.ge [sflag:s22], $0x2800  }
0x165: {  	[sflag:s22] =	ssyncset.done $0x0  }
0x166: {  	s7 =	simm.s32 $0x1600;
	[sflag:s22] =	ssyncadd.s32 $0xFFFFD800  }
0x167: {  	[spmem:s2] =	stream.indirect.scatter.add.f32 [tilespmem:s15], [sflag:$0x7], $0x80, s7, s14, $0xb8;
	[tilespmem:$0x1F880] =	vst v63  }
0x168: {  	_ =	swait.ge [sflag:s23], $0x2800  }
0x169: {  	[sflag:s23] =	ssyncset.done $0x0  }
0x16a: {  	s10 =	simm.s32 $0x1680;
	[sflag:s23] =	ssyncadd.s32 $0xFFFFD800  }
0x16b: {  	[spmem:s2] =	stream.indirect.scatter.add.f32 [tilespmem:s17], [sflag:$0x8], $0x80, s10, s14, $0xb8;
	[tilespmem:$0x1F880] =	vst v63  }
0x16c: {  	_ =	swait.ge [sflag:s25], $0x2800  }
0x16d: {  	[sflag:s25] =	ssyncset.done $0x0  }
0x16e: {  	s11 =	simm.s32 $0x1700;
	[sflag:s25] =	ssyncadd.s32 $0xFFFFD800  }
0x16f: {  	[spmem:s2] =	stream.indirect.scatter.add.f32 [tilespmem:s19], [sflag:$0x9], $0x80, s11, s14, $0xb8;
	[tilespmem:$0x1F880] =	vst v63  }
0x170: {  	_ =	swait.ge [sflag:s28], $0x2800  }
0x171: {  	[sflag:s28] =	ssyncset.done $0x0  }
0x172: {  	s12 =	simm.s32 $0x1780;
	[sflag:s28] =	ssyncadd.s32 $0xFFFFD800  }
0x173: {  	[spmem:s2] =	stream.indirect.scatter.add.f32 [tilespmem:s21], [sflag:$0xA], $0x80, s12, s14, $0xb8;
	[tilespmem:$0x1F880] =	vst v63  }
0x174: {  	_ =	swait.ge [sflag:s30], $0x2800  }
0x175: {  	[sflag:s30] =	ssyncset.done $0x0  }
0x176: {  	s13 =	simm.s32 $0x800;
	[sflag:s30] =	ssyncadd.s32 $0xFFFFD800  }
0x177: {  	[tilespmem:s15], [sflag:$0x3] =	stream.indirect.gather [hbm4b:s4+s14], $0x80, s13, s14, $0xb8;
	[tilespmem:$0x1F880] =	vst v63  }
0x178: {  	_ =	swait.ge [sflag:s31], $0x2800  }
0x179: {  	[sflag:s31] =	ssyncset.done $0x0  }
0x17a: {  	s16 =	simm.s32 $0x880;
	[sflag:s31] =	ssyncadd.s32 $0xFFFFD800  }
0x17b: {  	[tilespmem:s17], [sflag:$0x4] =	stream.indirect.gather [hbm4b:s4+s14], $0x80, s16, s14, $0xb8;
	[tilespmem:$0x1F880] =	vst v63  }
0x17c: {  	_ =	swait.ge [sflag:s1], $0x2800  }
0x17d: {  	[sflag:s1] =	ssyncset.done $0x0  }
0x17e: {  	s18 =	simm.s32 $0x900;
	[sflag:s1] =	ssyncadd.s32 $0xFFFFD800  }
0x17f: {  	[tilespmem:s19], [sflag:$0x5] =	stream.indirect.gather [hbm4b:s4+s14], $0x80, s18, s14, $0xb8;
	[tilespmem:$0x1F880] =	vst v63  }
0x180: {  	_ =	swait.ge [sflag:s6], $0x2800  }
0x181: {  	[sflag:s6] =	ssyncset.done $0x0  }
0x182: {  	s20 =	simm.s32 $0x980;
	[sflag:s6] =	ssyncadd.s32 $0xFFFFD800  }
0x183: {  	[tilespmem:s21], [sflag:$0x6] =	stream.indirect.gather [hbm4b:s4+s14], $0x80, s20, s14, $0xb8;
	[tilespmem:$0x1F880] =	vst v63  }
0x184: {  	_ =	swait.ge [sflag:s22], $0x2800  }
0x185: {  	[sflag:s22] =	ssyncset.done $0x0  }
0x186: {  	s24 =	simm.s32 $0x1800;
	[sflag:s22] =	ssyncadd.s32 $0xFFFFD800  }
0x187: {  	[spmem:s2] =	stream.indirect.scatter.add.f32 [tilespmem:s15], [sflag:$0x7], $0x80, s24, s14, $0xb8;
	[tilespmem:$0x1F880] =	vst v63  }
0x188: {  	_ =	swait.ge [sflag:s23], $0x2800  }
0x189: {  	[sflag:s23] =	ssyncset.done $0x0  }
0x18a: {  	s26 =	simm.s32 $0x1880;
	[sflag:s23] =	ssyncadd.s32 $0xFFFFD800  }
0x18b: {  	[spmem:s2] =	stream.indirect.scatter.add.f32 [tilespmem:s17], [sflag:$0x8], $0x80, s26, s14, $0xb8;
	[tilespmem:$0x1F880] =	vst v63  }
0x18c: {  	_ =	swait.ge [sflag:s25], $0x2800  }
0x18d: {  	[sflag:s25] =	ssyncset.done $0x0  }
0x18e: {  	s5 =	simm.s32 $0x1900;
	[sflag:s25] =	ssyncadd.s32 $0xFFFFD800  }
0x18f: {  	[spmem:s2] =	stream.indirect.scatter.add.f32 [tilespmem:s19], [sflag:$0x9], $0x80, s5, s14, $0xb8;
	[tilespmem:$0x1F880] =	vst v63  }
0x190: {  	_ =	swait.ge [sflag:s28], $0x2800  }
0x191: {  	[sflag:s28] =	ssyncset.done $0x0  }
0x192: {  	s7 =	simm.s32 $0x1980;
	[sflag:s28] =	ssyncadd.s32 $0xFFFFD800  }
0x193: {  	[spmem:s2] =	stream.indirect.scatter.add.f32 [tilespmem:s21], [sflag:$0xA], $0x80, s7, s14, $0xb8;
	[tilespmem:$0x1F880] =	vst v63  }
0x194: {  	_ =	swait.ge [sflag:s30], $0x2800  }
0x195: {  	[sflag:s30] =	ssyncset.done $0x0  }
0x196: {  	s10 =	simm.s32 $0xA00;
	[sflag:s30] =	ssyncadd.s32 $0xFFFFD800  }
0x197: {  	[tilespmem:s15], [sflag:$0x3] =	stream.indirect.gather [hbm4b:s4+s14], $0x80, s10, s14, $0xb8;
	[tilespmem:$0x1F880] =	vst v63  }
0x198: {  	_ =	swait.ge [sflag:s31], $0x2800  }
0x199: {  	[sflag:s31] =	ssyncset.done $0x0  }
0x19a: {  	s11 =	simm.s32 $0xA80;
	[sflag:s31] =	ssyncadd.s32 $0xFFFFD800  }
0x19b: {  	[tilespmem:s17], [sflag:$0x4] =	stream.indirect.gather [hbm4b:s4+s14], $0x80, s11, s14, $0xb8;
	[tilespmem:$0x1F880] =	vst v63  }
0x19c: {  	_ =	swait.ge [sflag:s1], $0x2800  }
0x19d: {  	[sflag:s1] =	ssyncset.done $0x0  }
0x19e: {  	s12 =	simm.s32 $0xB00;
	[sflag:s1] =	ssyncadd.s32 $0xFFFFD800  }
0x19f: {  	[tilespmem:s19], [sflag:$0x5] =	stream.indirect.gather [hbm4b:s4+s14], $0x80, s12, s14, $0xb8;
	[tilespmem:$0x1F880] =	vst v63  }
0x1a0: {  	_ =	swait.ge [sflag:s6], $0x2800  }
0x1a1: {  	[sflag:s6] =	ssyncset.done $0x0  }
0x1a2: {  	s13 =	simm.s32 $0xB80;
	[sflag:s6] =	ssyncadd.s32 $0xFFFFD800  }
0x1a3: {  	[tilespmem:s21], [sflag:$0x6] =	stream.indirect.gather [hbm4b:s4+s14], $0x80, s13, s14, $0xb8;
	[tilespmem:$0x1F880] =	vst v63  }
0x1a4: {  	_ =	swait.ge [sflag:s22], $0x2800  }
0x1a5: {  	[sflag:s22] =	ssyncset.done $0x0  }
0x1a6: {  	s16 =	simm.s32 $0x1A00;
	[sflag:s22] =	ssyncadd.s32 $0xFFFFD800  }
0x1a7: {  	[spmem:s2] =	stream.indirect.scatter.add.f32 [tilespmem:s15], [sflag:$0x7], $0x80, s16, s14, $0xb8;
	[tilespmem:$0x1F880] =	vst v63  }
0x1a8: {  	_ =	swait.ge [sflag:s23], $0x2800  }
0x1a9: {  	[sflag:s23] =	ssyncset.done $0x0  }
0x1aa: {  	s18 =	simm.s32 $0x1A80;
	[sflag:s23] =	ssyncadd.s32 $0xFFFFD800  }
0x1ab: {  	[spmem:s2] =	stream.indirect.scatter.add.f32 [tilespmem:s17], [sflag:$0x8], $0x80, s18, s14, $0xb8;
	[tilespmem:$0x1F880] =	vst v63  }
0x1ac: {  	_ =	swait.ge [sflag:s25], $0x2800  }
0x1ad: {  	[sflag:s25] =	ssyncset.done $0x0  }
0x1ae: {  	s20 =	simm.s32 $0x1B00;
	[sflag:s25] =	ssyncadd.s32 $0xFFFFD800  }
0x1af: {  	[spmem:s2] =	stream.indirect.scatter.add.f32 [tilespmem:s19], [sflag:$0x9], $0x80, s20, s14, $0xb8;
	[tilespmem:$0x1F880] =	vst v63  }
0x1b0: {  	_ =	swait.ge [sflag:s28], $0x2800  }
0x1b1: {  	s0 =	simm.s32 $0x1100;
	[sflag:s28] =	ssyncset.done $0x0  }
0x1b2: {  	s24 =	simm.s32 $0x1B80;
	s26 =	simm.s32 $0xC00;
	[sflag:s28] =	ssyncadd.s32 $0xFFFFD800  }
0x1b3: {  	[spmem:s2] =	stream.indirect.scatter.add.f32 [tilespmem:s21], [sflag:$0xA], $0x80, s24, s14, $0xb8;
	[tilespmem:$0x1F880] =	vst v63  }
0x1b4: {  	s5 =	simm.s32 $0x1180;
	s7 =	simm.s32 $0x300;
	_ =	swait.ge [sflag:s30], $0x2800  }
0x1b5: {  	s10 =	simm.s32 $0x280;
	s11 =	simm.s32 $0x400;
	[sflag:s30] =	ssyncset.done $0x0  }
0x1b6: {  	s13 =	simm.s32 $0x1000;
	s20 =	simm.s32 $0x80;
	[sflag:s30] =	ssyncadd.s32 $0xFFFFD800  }
0x1b7: {  	[tilespmem:s15], [sflag:$0x3] =	stream.indirect.gather [hbm4b:s4+s14], $0x80, s26, s14, $0xb8;
	[tilespmem:$0x1F880] =	vst v63  }
0x1b8: {  	s24 =	simm.s32 $0x100;
	s26 =	simm.s32 $0x180;
	_ =	swait.ge [sflag:s22], $0x2800  }
.LBB2_2:
0x1b9: {  	s16 =	rddreg [dreg:$0x3]  }
0x1ba: {  	[sflag:s22] =	ssyncset.done $0x0;
	s18 =	smov.u32 s11;
	s12 =	sadd.s32 $0x200, s11  }
0x1bb: {  	p1 =	sne.s32 s11, $0x1200;
	s11 =	simm.s32 $0x1C00;
	[sflag:s22] =	ssyncadd.s32 $0xFFFFD800  }
0x1bc: {  	[spmem:s2] =	stream.indirect.scatter.add.f32 [tilespmem:s15], [sflag:$0x7], $0x80, s11, s14, $0xb8;
	[tilespmem:$0x1F880] =	vst v63  }
0x1bd: {  	s16 =	sadd.s32 s18, s16  }
0x1be: {  	[tilespmem:s3], [sflag:$0x1] =	stream.linear.gather [hbm4b:s16+s3], $0xC80, $0x38;
	[tilespmem:$0x1F880] =	vst v63  }
0x1bf: {  	_ =	swait.ge [sflag:s30], $0x2800  }
0x1c0: {  	[sflag:s30] =	ssyncset.done $0x0  }
0x1c1: {  	[sflag:s30] =	ssyncadd.s32 $0xFFFFD800  }
0x1c2: {  	_ =	swait.ge [sflag:s31], $0x2800  }
0x1c3: {  	[sflag:s31] =	ssyncset.done $0x0  }
0x1c4: {  	[sflag:s31] =	ssyncadd.s32 $0xFFFFD800  }
0x1c5: {  	_ =	swait.ge [sflag:s1], $0x2800  }
0x1c6: {  	[sflag:s1] =	ssyncset.done $0x0  }
0x1c7: {  	[sflag:s1] =	ssyncadd.s32 $0xFFFFD800  }
0x1c8: {  	_ =	swait.ge [sflag:s6], $0x2800  }
0x1c9: {  	[sflag:s6] =	ssyncset.done $0x0  }
0x1ca: {  	s18 =	sadd.s32 s18, s29;
	[sflag:s6] =	ssyncadd.s32 $0xFFFFD800  }
0x1cb: {  	[tilespmem:s13], [sflag:$0x2] =	stream.linear.gather [hbm4b:s18+s3], $0xC80, $0x38;
	[tilespmem:$0x1F880] =	vst v63  }
0x1cc: {  	_ =	swait.ge [sflag:s8], $0xC80  }
0x1cd: {  	[sflag:s8] =	ssyncset.done $0x0  }
0x1ce: {  	[sflag:s8] =	ssyncadd.s32 $0xFFFFF380  }
0x1cf: {  	[tilespmem:s15], [sflag:$0x3] =	stream.indirect.gather [hbm4b:s4+s14], $0x80, s3, s14, $0xb8;
	[tilespmem:$0x1F880] =	vst v63  }
0x1d0: {  	_ = 	snop  }
0x1d1: {  	[tilespmem:s17], [sflag:$0x4] =	stream.indirect.gather [hbm4b:s4+s14], $0x80, s20, s14, $0xb8;
	[tilespmem:$0x1F880] =	vst v63  }
0x1d2: {  	_ = 	snop  }
0x1d3: {  	[tilespmem:s19], [sflag:$0x5] =	stream.indirect.gather [hbm4b:s4+s14], $0x80, s24, s14, $0xb8;
	[tilespmem:$0x1F880] =	vst v63  }
0x1d4: {  	_ = 	snop  }
0x1d5: {  	[tilespmem:s21], [sflag:$0x6] =	stream.indirect.gather [hbm4b:s4+s14], $0x80, s26, s14, $0xb8;
	[tilespmem:$0x1F880] =	vst v63  }
0x1d6: {  	_ =	swait.ge [sflag:s9], $0xC80  }
0x1d7: {  	[sflag:s9] =	ssyncset.done $0x0  }
0x1d8: {  	[sflag:s9] =	ssyncadd.s32 $0xFFFFF380  }
0x1d9: {  	_ =	swait.ge [sflag:s22], $0x2800  }
0x1da: {  	[sflag:s22] =	ssyncset.done $0x0  }
0x1db: {  	[sflag:s22] =	ssyncadd.s32 $0xFFFFD800  }
0x1dc: {  	[spmem:s2] =	stream.indirect.scatter.add.f32 [tilespmem:s15], [sflag:$0x7], $0x80, s13, s14, $0xb8;
	[tilespmem:$0x1F880] =	vst v63  }
0x1dd: {  	_ =	swait.ge [sflag:s23], $0x2800  }
0x1de: {  	[sflag:s23] =	ssyncset.done $0x0  }
0x1df: {  	s16 =	simm.s32 $0x1080;
	[sflag:s23] =	ssyncadd.s32 $0xFFFFD800  }
0x1e0: {  	[spmem:s2] =	stream.indirect.scatter.add.f32 [tilespmem:s17], [sflag:$0x8], $0x80, s16, s14, $0xb8;
	[tilespmem:$0x1F880] =	vst v63  }
0x1e1: {  	_ =	swait.ge [sflag:s25], $0x2800  }
0x1e2: {  	[sflag:s25] =	ssyncset.done $0x0  }
0x1e3: {  	[sflag:s25] =	ssyncadd.s32 $0xFFFFD800  }
0x1e4: {  	[spmem:s2] =	stream.indirect.scatter.add.f32 [tilespmem:s19], [sflag:$0x9], $0x80, s0, s14, $0xb8;
	[tilespmem:$0x1F880] =	vst v63  }
0x1e5: {  	_ =	swait.ge [sflag:s28], $0x2800  }
0x1e6: {  	[sflag:s28] =	ssyncset.done $0x0  }
0x1e7: {  	[sflag:s28] =	ssyncadd.s32 $0xFFFFD800  }
0x1e8: {  	[spmem:s2] =	stream.indirect.scatter.add.f32 [tilespmem:s21], [sflag:$0xA], $0x80, s5, s14, $0xb8;
	[tilespmem:$0x1F880] =	vst v63  }
0x1e9: {  	_ =	swait.ge [sflag:s30], $0x2800  }
0x1ea: {  	[sflag:s30] =	ssyncset.done $0x0  }
0x1eb: {  	s18 =	simm.s32 $0x200;
	[sflag:s30] =	ssyncadd.s32 $0xFFFFD800  }
0x1ec: {  	[tilespmem:s15], [sflag:$0x3] =	stream.indirect.gather [hbm4b:s4+s14], $0x80, s18, s14, $0xb8;
	[tilespmem:$0x1F880] =	vst v63  }
0x1ed: {  	_ =	swait.ge [sflag:s31], $0x2800  }
0x1ee: {  	[sflag:s31] =	ssyncset.done $0x0  }
0x1ef: {  	[sflag:s31] =	ssyncadd.s32 $0xFFFFD800  }
0x1f0: {  	[tilespmem:s17], [sflag:$0x4] =	stream.indirect.gather [hbm4b:s4+s14], $0x80, s10, s14, $0xb8;
	[tilespmem:$0x1F880] =	vst v63  }
0x1f1: {  	_ =	swait.ge [sflag:s1], $0x2800  }
0x1f2: {  	[sflag:s1] =	ssyncset.done $0x0  }
0x1f3: {  	[sflag:s1] =	ssyncadd.s32 $0xFFFFD800  }
0x1f4: {  	[tilespmem:s19], [sflag:$0x5] =	stream.indirect.gather [hbm4b:s4+s14], $0x80, s7, s14, $0xb8;
	[tilespmem:$0x1F880] =	vst v63  }
0x1f5: {  	_ =	swait.ge [sflag:s6], $0x2800  }
0x1f6: {  	[sflag:s6] =	ssyncset.done $0x0  }
0x1f7: {  	s16 =	simm.s32 $0x380;
	[sflag:s6] =	ssyncadd.s32 $0xFFFFD800  }
0x1f8: {  	[tilespmem:s21], [sflag:$0x6] =	stream.indirect.gather [hbm4b:s4+s14], $0x80, s16, s14, $0xb8;
	[tilespmem:$0x1F880] =	vst v63  }
0x1f9: {  	_ =	swait.ge [sflag:s22], $0x2800  }
0x1fa: {  	[sflag:s22] =	ssyncset.done $0x0  }
0x1fb: {  	s18 =	simm.s32 $0x1200;
	[sflag:s22] =	ssyncadd.s32 $0xFFFFD800  }
0x1fc: {  	[spmem:s2] =	stream.indirect.scatter.add.f32 [tilespmem:s15], [sflag:$0x7], $0x80, s18, s14, $0xb8;
	[tilespmem:$0x1F880] =	vst v63  }
0x1fd: {  	_ =	swait.ge [sflag:s23], $0x2800  }
0x1fe: {  	[sflag:s23] =	ssyncset.done $0x0  }
0x1ff: {  	s16 =	simm.s32 $0x1280;
	[sflag:s23] =	ssyncadd.s32 $0xFFFFD800  }
0x200: {  	[spmem:s2] =	stream.indirect.scatter.add.f32 [tilespmem:s17], [sflag:$0x8], $0x80, s16, s14, $0xb8;
	[tilespmem:$0x1F880] =	vst v63  }
0x201: {  	_ =	swait.ge [sflag:s25], $0x2800  }
0x202: {  	[sflag:s25] =	ssyncset.done $0x0  }
0x203: {  	s18 =	simm.s32 $0x1300;
	[sflag:s25] =	ssyncadd.s32 $0xFFFFD800  }
0x204: {  	[spmem:s2] =	stream.indirect.scatter.add.f32 [tilespmem:s19], [sflag:$0x9], $0x80, s18, s14, $0xb8;
	[tilespmem:$0x1F880] =	vst v63  }
0x205: {  	_ =	swait.ge [sflag:s28], $0x2800  }
0x206: {  	[sflag:s28] =	ssyncset.done $0x0  }
0x207: {  	s16 =	simm.s32 $0x1380;
	[sflag:s28] =	ssyncadd.s32 $0xFFFFD800  }
0x208: {  	[spmem:s2] =	stream.indirect.scatter.add.f32 [tilespmem:s21], [sflag:$0xA], $0x80, s16, s14, $0xb8;
	[tilespmem:$0x1F880] =	vst v63  }
0x209: {  	_ =	swait.ge [sflag:s30], $0x2800  }
0x20a: {  	[sflag:s30] =	ssyncset.done $0x0  }
0x20b: {  	s18 =	simm.s32 $0x400;
	[sflag:s30] =	ssyncadd.s32 $0xFFFFD800  }
0x20c: {  	[tilespmem:s15], [sflag:$0x3] =	stream.indirect.gather [hbm4b:s4+s14], $0x80, s18, s14, $0xb8;
	[tilespmem:$0x1F880] =	vst v63  }
0x20d: {  	_ =	swait.ge [sflag:s31], $0x2800  }
0x20e: {  	[sflag:s31] =	ssyncset.done $0x0  }
0x20f: {  	s16 =	simm.s32 $0x480;
	[sflag:s31] =	ssyncadd.s32 $0xFFFFD800  }
0x210: {  	[tilespmem:s17], [sflag:$0x4] =	stream.indirect.gather [hbm4b:s4+s14], $0x80, s16, s14, $0xb8;
	[tilespmem:$0x1F880] =	vst v63  }
0x211: {  	_ =	swait.ge [sflag:s1], $0x2800  }
0x212: {  	[sflag:s1] =	ssyncset.done $0x0  }
0x213: {  	s18 =	simm.s32 $0x500;
	[sflag:s1] =	ssyncadd.s32 $0xFFFFD800  }
0x214: {  	[tilespmem:s19], [sflag:$0x5] =	stream.indirect.gather [hbm4b:s4+s14], $0x80, s18, s14, $0xb8;
	[tilespmem:$0x1F880] =	vst v63  }
0x215: {  	_ =	swait.ge [sflag:s6], $0x2800  }
0x216: {  	[sflag:s6] =	ssyncset.done $0x0  }
0x217: {  	s16 =	simm.s32 $0x580;
	[sflag:s6] =	ssyncadd.s32 $0xFFFFD800  }
0x218: {  	[tilespmem:s21], [sflag:$0x6] =	stream.indirect.gather [hbm4b:s4+s14], $0x80, s16, s14, $0xb8;
	[tilespmem:$0x1F880] =	vst v63  }
0x219: {  	_ =	swait.ge [sflag:s22], $0x2800  }
0x21a: {  	[sflag:s22] =	ssyncset.done $0x0  }
0x21b: {  	s18 =	simm.s32 $0x1400;
	[sflag:s22] =	ssyncadd.s32 $0xFFFFD800  }
0x21c: {  	[spmem:s2] =	stream.indirect.scatter.add.f32 [tilespmem:s15], [sflag:$0x7], $0x80, s18, s14, $0xb8;
	[tilespmem:$0x1F880] =	vst v63  }
0x21d: {  	_ =	swait.ge [sflag:s23], $0x2800  }
0x21e: {  	[sflag:s23] =	ssyncset.done $0x0  }
0x21f: {  	s16 =	simm.s32 $0x1480;
	[sflag:s23] =	ssyncadd.s32 $0xFFFFD800  }
0x220: {  	[spmem:s2] =	stream.indirect.scatter.add.f32 [tilespmem:s17], [sflag:$0x8], $0x80, s16, s14, $0xb8;
	[tilespmem:$0x1F880] =	vst v63  }
0x221: {  	_ =	swait.ge [sflag:s25], $0x2800  }
0x222: {  	[sflag:s25] =	ssyncset.done $0x0  }
0x223: {  	s18 =	simm.s32 $0x1500;
	[sflag:s25] =	ssyncadd.s32 $0xFFFFD800  }
0x224: {  	[spmem:s2] =	stream.indirect.scatter.add.f32 [tilespmem:s19], [sflag:$0x9], $0x80, s18, s14, $0xb8;
	[tilespmem:$0x1F880] =	vst v63  }
0x225: {  	_ =	swait.ge [sflag:s28], $0x2800  }
0x226: {  	[sflag:s28] =	ssyncset.done $0x0  }
0x227: {  	s16 =	simm.s32 $0x1580;
	[sflag:s28] =	ssyncadd.s32 $0xFFFFD800  }
0x228: {  	[spmem:s2] =	stream.indirect.scatter.add.f32 [tilespmem:s21], [sflag:$0xA], $0x80, s16, s14, $0xb8;
	[tilespmem:$0x1F880] =	vst v63  }
0x229: {  	_ =	swait.ge [sflag:s30], $0x2800  }
0x22a: {  	[sflag:s30] =	ssyncset.done $0x0  }
0x22b: {  	s18 =	simm.s32 $0x600;
	[sflag:s30] =	ssyncadd.s32 $0xFFFFD800  }
0x22c: {  	[tilespmem:s15], [sflag:$0x3] =	stream.indirect.gather [hbm4b:s4+s14], $0x80, s18, s14, $0xb8;
	[tilespmem:$0x1F880] =	vst v63  }
0x22d: {  	_ =	swait.ge [sflag:s31], $0x2800  }
0x22e: {  	[sflag:s31] =	ssyncset.done $0x0  }
0x22f: {  	s16 =	simm.s32 $0x680;
	[sflag:s31] =	ssyncadd.s32 $0xFFFFD800  }
0x230: {  	[tilespmem:s17], [sflag:$0x4] =	stream.indirect.gather [hbm4b:s4+s14], $0x80, s16, s14, $0xb8;
	[tilespmem:$0x1F880] =	vst v63  }
0x231: {  	_ =	swait.ge [sflag:s1], $0x2800  }
0x232: {  	[sflag:s1] =	ssyncset.done $0x0  }
0x233: {  	s18 =	simm.s32 $0x700;
	[sflag:s1] =	ssyncadd.s32 $0xFFFFD800  }
0x234: {  	[tilespmem:s19], [sflag:$0x5] =	stream.indirect.gather [hbm4b:s4+s14], $0x80, s18, s14, $0xb8;
	[tilespmem:$0x1F880] =	vst v63  }
0x235: {  	_ =	swait.ge [sflag:s6], $0x2800  }
0x236: {  	[sflag:s6] =	ssyncset.done $0x0  }
0x237: {  	s16 =	simm.s32 $0x780;
	[sflag:s6] =	ssyncadd.s32 $0xFFFFD800  }
0x238: {  	[tilespmem:s21], [sflag:$0x6] =	stream.indirect.gather [hbm4b:s4+s14], $0x80, s16, s14, $0xb8;
	[tilespmem:$0x1F880] =	vst v63  }
0x239: {  	_ =	swait.ge [sflag:s22], $0x2800  }
0x23a: {  	[sflag:s22] =	ssyncset.done $0x0  }
0x23b: {  	s18 =	simm.s32 $0x1600;
	[sflag:s22] =	ssyncadd.s32 $0xFFFFD800  }
0x23c: {  	[spmem:s2] =	stream.indirect.scatter.add.f32 [tilespmem:s15], [sflag:$0x7], $0x80, s18, s14, $0xb8;
	[tilespmem:$0x1F880] =	vst v63  }
0x23d: {  	_ =	swait.ge [sflag:s23], $0x2800  }
0x23e: {  	[sflag:s23] =	ssyncset.done $0x0  }
0x23f: {  	s16 =	simm.s32 $0x1680;
	[sflag:s23] =	ssyncadd.s32 $0xFFFFD800  }
0x240: {  	[spmem:s2] =	stream.indirect.scatter.add.f32 [tilespmem:s17], [sflag:$0x8], $0x80, s16, s14, $0xb8;
	[tilespmem:$0x1F880] =	vst v63  }
0x241: {  	_ =	swait.ge [sflag:s25], $0x2800  }
0x242: {  	[sflag:s25] =	ssyncset.done $0x0  }
0x243: {  	s18 =	simm.s32 $0x1700;
	[sflag:s25] =	ssyncadd.s32 $0xFFFFD800  }
0x244: {  	[spmem:s2] =	stream.indirect.scatter.add.f32 [tilespmem:s19], [sflag:$0x9], $0x80, s18, s14, $0xb8;
	[tilespmem:$0x1F880] =	vst v63  }
0x245: {  	_ =	swait.ge [sflag:s28], $0x2800  }
0x246: {  	[sflag:s28] =	ssyncset.done $0x0  }
0x247: {  	s16 =	simm.s32 $0x1780;
	[sflag:s28] =	ssyncadd.s32 $0xFFFFD800  }
0x248: {  	[spmem:s2] =	stream.indirect.scatter.add.f32 [tilespmem:s21], [sflag:$0xA], $0x80, s16, s14, $0xb8;
	[tilespmem:$0x1F880] =	vst v63  }
0x249: {  	_ =	swait.ge [sflag:s30], $0x2800  }
0x24a: {  	[sflag:s30] =	ssyncset.done $0x0  }
0x24b: {  	s18 =	simm.s32 $0x800;
	[sflag:s30] =	ssyncadd.s32 $0xFFFFD800  }
0x24c: {  	[tilespmem:s15], [sflag:$0x3] =	stream.indirect.gather [hbm4b:s4+s14], $0x80, s18, s14, $0xb8;
	[tilespmem:$0x1F880] =	vst v63  }
0x24d: {  	_ =	swait.ge [sflag:s31], $0x2800  }
0x24e: {  	[sflag:s31] =	ssyncset.done $0x0  }
0x24f: {  	s16 =	simm.s32 $0x880;
	[sflag:s31] =	ssyncadd.s32 $0xFFFFD800  }
0x250: {  	[tilespmem:s17], [sflag:$0x4] =	stream.indirect.gather [hbm4b:s4+s14], $0x80, s16, s14, $0xb8;
	[tilespmem:$0x1F880] =	vst v63  }
0x251: {  	_ =	swait.ge [sflag:s1], $0x2800  }
0x252: {  	[sflag:s1] =	ssyncset.done $0x0  }
0x253: {  	s18 =	simm.s32 $0x900;
	[sflag:s1] =	ssyncadd.s32 $0xFFFFD800  }
0x254: {  	[tilespmem:s19], [sflag:$0x5] =	stream.indirect.gather [hbm4b:s4+s14], $0x80, s18, s14, $0xb8;
	[tilespmem:$0x1F880] =	vst v63  }
0x255: {  	_ =	swait.ge [sflag:s6], $0x2800  }
0x256: {  	[sflag:s6] =	ssyncset.done $0x0  }
0x257: {  	s16 =	simm.s32 $0x980;
	[sflag:s6] =	ssyncadd.s32 $0xFFFFD800  }
0x258: {  	[tilespmem:s21], [sflag:$0x6] =	stream.indirect.gather [hbm4b:s4+s14], $0x80, s16, s14, $0xb8;
	[tilespmem:$0x1F880] =	vst v63  }
0x259: {  	_ =	swait.ge [sflag:s22], $0x2800  }
0x25a: {  	[sflag:s22] =	ssyncset.done $0x0  }
0x25b: {  	s18 =	simm.s32 $0x1800;
	[sflag:s22] =	ssyncadd.s32 $0xFFFFD800  }
0x25c: {  	[spmem:s2] =	stream.indirect.scatter.add.f32 [tilespmem:s15], [sflag:$0x7], $0x80, s18, s14, $0xb8;
	[tilespmem:$0x1F880] =	vst v63  }
0x25d: {  	_ =	swait.ge [sflag:s23], $0x2800  }
0x25e: {  	[sflag:s23] =	ssyncset.done $0x0  }
0x25f: {  	s16 =	simm.s32 $0x1880;
	[sflag:s23] =	ssyncadd.s32 $0xFFFFD800  }
0x260: {  	[spmem:s2] =	stream.indirect.scatter.add.f32 [tilespmem:s17], [sflag:$0x8], $0x80, s16, s14, $0xb8;
	[tilespmem:$0x1F880] =	vst v63  }
0x261: {  	_ =	swait.ge [sflag:s25], $0x2800  }
0x262: {  	[sflag:s25] =	ssyncset.done $0x0  }
0x263: {  	s18 =	simm.s32 $0x1900;
	[sflag:s25] =	ssyncadd.s32 $0xFFFFD800  }
0x264: {  	[spmem:s2] =	stream.indirect.scatter.add.f32 [tilespmem:s19], [sflag:$0x9], $0x80, s18, s14, $0xb8;
	[tilespmem:$0x1F880] =	vst v63  }
0x265: {  	_ =	swait.ge [sflag:s28], $0x2800  }
0x266: {  	[sflag:s28] =	ssyncset.done $0x0  }
0x267: {  	s16 =	simm.s32 $0x1980;
	[sflag:s28] =	ssyncadd.s32 $0xFFFFD800  }
0x268: {  	[spmem:s2] =	stream.indirect.scatter.add.f32 [tilespmem:s21], [sflag:$0xA], $0x80, s16, s14, $0xb8;
	[tilespmem:$0x1F880] =	vst v63  }
0x269: {  	_ =	swait.ge [sflag:s30], $0x2800  }
0x26a: {  	[sflag:s30] =	ssyncset.done $0x0  }
0x26b: {  	s18 =	simm.s32 $0xA00;
	[sflag:s30] =	ssyncadd.s32 $0xFFFFD800  }
0x26c: {  	[tilespmem:s15], [sflag:$0x3] =	stream.indirect.gather [hbm4b:s4+s14], $0x80, s18, s14, $0xb8;
	[tilespmem:$0x1F880] =	vst v63  }
0x26d: {  	_ =	swait.ge [sflag:s31], $0x2800  }
0x26e: {  	[sflag:s31] =	ssyncset.done $0x0  }
0x26f: {  	s16 =	simm.s32 $0xA80;
	[sflag:s31] =	ssyncadd.s32 $0xFFFFD800  }
0x270: {  	[tilespmem:s17], [sflag:$0x4] =	stream.indirect.gather [hbm4b:s4+s14], $0x80, s16, s14, $0xb8;
	[tilespmem:$0x1F880] =	vst v63  }
0x271: {  	_ =	swait.ge [sflag:s1], $0x2800  }
0x272: {  	[sflag:s1] =	ssyncset.done $0x0  }
0x273: {  	s18 =	simm.s32 $0xB00;
	[sflag:s1] =	ssyncadd.s32 $0xFFFFD800  }
0x274: {  	[tilespmem:s19], [sflag:$0x5] =	stream.indirect.gather [hbm4b:s4+s14], $0x80, s18, s14, $0xb8;
	[tilespmem:$0x1F880] =	vst v63  }
0x275: {  	_ =	swait.ge [sflag:s6], $0x2800  }
0x276: {  	[sflag:s6] =	ssyncset.done $0x0  }
0x277: {  	s16 =	simm.s32 $0xB80;
	[sflag:s6] =	ssyncadd.s32 $0xFFFFD800  }
0x278: {  	[tilespmem:s21], [sflag:$0x6] =	stream.indirect.gather [hbm4b:s4+s14], $0x80, s16, s14, $0xb8;
	[tilespmem:$0x1F880] =	vst v63  }
0x279: {  	_ =	swait.ge [sflag:s22], $0x2800  }
0x27a: {  	[sflag:s22] =	ssyncset.done $0x0  }
0x27b: {  	s18 =	simm.s32 $0x1A00;
	[sflag:s22] =	ssyncadd.s32 $0xFFFFD800  }
0x27c: {  	[spmem:s2] =	stream.indirect.scatter.add.f32 [tilespmem:s15], [sflag:$0x7], $0x80, s18, s14, $0xb8;
	[tilespmem:$0x1F880] =	vst v63  }
0x27d: {  	_ =	swait.ge [sflag:s23], $0x2800  }
0x27e: {  	[sflag:s23] =	ssyncset.done $0x0  }
0x27f: {  	s16 =	simm.s32 $0x1A80;
	[sflag:s23] =	ssyncadd.s32 $0xFFFFD800  }
0x280: {  	[spmem:s2] =	stream.indirect.scatter.add.f32 [tilespmem:s17], [sflag:$0x8], $0x80, s16, s14, $0xb8;
	[tilespmem:$0x1F880] =	vst v63  }
0x281: {  	_ =	swait.ge [sflag:s25], $0x2800  }
0x282: {  	[sflag:s25] =	ssyncset.done $0x0  }
0x283: {  	s18 =	simm.s32 $0x1B00;
	[sflag:s25] =	ssyncadd.s32 $0xFFFFD800  }
0x284: {  	[spmem:s2] =	stream.indirect.scatter.add.f32 [tilespmem:s19], [sflag:$0x9], $0x80, s18, s14, $0xb8;
	[tilespmem:$0x1F880] =	vst v63  }
0x285: {  	_ =	swait.ge [sflag:s28], $0x2800  }
0x286: {  	[sflag:s28] =	ssyncset.done $0x0  }
0x287: {  	s16 =	simm.s32 $0x1B80;
	[sflag:s28] =	ssyncadd.s32 $0xFFFFD800  }
0x288: {  	[spmem:s2] =	stream.indirect.scatter.add.f32 [tilespmem:s21], [sflag:$0xA], $0x80, s16, s14, $0xb8;
	[tilespmem:$0x1F880] =	vst v63  }
.Ltmp0:
0x289: {  	_ =	swait.ge [sflag:s30], $0x2800;
	(pc) =	sbr.rel @p1 .LBB2_2-.Ltmp0, $4  }
0x28a: {  	[sflag:s30] =	ssyncset.done $0x0  }
0x28b: {  	s18 =	simm.s32 $0xC00;
	[sflag:s30] =	ssyncadd.s32 $0xFFFFD800  }
0x28c: {  	[tilespmem:s15], [sflag:$0x3] =	stream.indirect.gather [hbm4b:s4+s14], $0x80, s18, s14, $0xb8;
	[tilespmem:$0x1F880] =	vst v63  }
0x28d: {  	s11 =	smov.u32 s12;
	_ =	swait.ge [sflag:s22], $0x2800  }
0x28e: {  	[sflag:s22] =	ssyncset.done $0x0  }
0x28f: {  	s0 =	simm.s32 $0x1C00;
	[sflag:s22] =	ssyncadd.s32 $0xFFFFD800  }
0x290: {  	[spmem:s2] =	stream.indirect.scatter.add.f32 [tilespmem:s15], [sflag:$0x7], $0x80, s0, s14, $0xb8;
	[tilespmem:$0x1F880] =	vst v63  }
0x291: {  	_ =	swait.ge [sflag:s30], $0x2800  }
0x292: {  	[sflag:s30] =	ssyncset.done $0x0  }
0x293: {  	[sflag:s30] =	ssyncadd.s32 $0xFFFFD800  }
0x294: {  	_ =	swait.ge [sflag:s31], $0x2800  }
0x295: {  	[sflag:s31] =	ssyncset.done $0x0  }
0x296: {  	[sflag:s31] =	ssyncadd.s32 $0xFFFFD800  }
0x297: {  	_ =	swait.ge [sflag:s1], $0x2800  }
0x298: {  	[sflag:s1] =	ssyncset.done $0x0  }
0x299: {  	[sflag:s1] =	ssyncadd.s32 $0xFFFFD800  }
0x29a: {  	_ =	swait.ge [sflag:s6], $0x2800  }
0x29b: {  	[sflag:s6] =	ssyncset.done $0x0  }
0x29c: {  	[sflag:s6] =	ssyncadd.s32 $0xFFFFD800  }
0x29d: {  	[bflag:$0x0] =	sbarrier.arrive $0xFFFF  }
0x29e: {  	s11 =	rddreg [dreg:$0x6]  }
0x29f: {  	s16 =	rddreg [dreg:$0x8]  }
0x2a0: {  	s18 =	rddreg [dreg:$0x9]  }
0x2a1: {  	[hbm:s11], [sflag:s16] =	dma.local @!p0 [spmem:s18], $0x3E80  }
0x2a2: {  	s11 =	simm.s32 @!p0 $0xB  }
0x2a3: {  	_ =	swait.ge @!p0 [sflag:s11], $0x3E80  }
0x2a4: {  	s26 =	rddreg [dreg:$0xa]  }
0x2a5: {  	s12 =	rddreg [dreg:$0x7];
	s0 =	sadd.s32 $0x1, s26  }
0x2a6: {  	p1 =	sne.s32 s0, s12  }
.Ltmp1:
0x2a7: {  	_ = 	snop;
	(pc) =	sbr.rel @p1 .LBB2_1-.Ltmp1, $4  }
0x2a8: {  	s20 =	simm.s32 $0x100;
	s24 =	simm.s32 $0x180;
	s5 =	simm.s32 $0x1180  }
0x2a9: {  	s10 =	simm.s32 $0x280;
	s7 =	simm.s32 $0x300;
	[sflag:s11] =	ssyncset.done @!p0 $0x0  }
0x2aa: {  	s13 =	simm.s32 $0x1000;
	[sflag:s11] =	ssyncadd.s32 @!p0 $0xFFFFC180;
	s26 =	simm.s32 $0x1080  }
0x2ab: {  	[dreg:$0xa] =	wrdreg s0;
	s12 =	simm.s32 $0x80;
	s0 =	simm.s32 $0x1100  }
0x2ac: {  	_ =	sfence.sel $0x180000  }
0x2ad: {  	[bflag:$0x0] =	sbarrier.arrive $0xFFFF  }
0x2ae: {  	_ =	strace $0x9000004A  }
0x2af: {  	s0 =	stileid.u32;
	[bflag:$0x2] =	sbarrier.arrive $0xFFFF  }
0x2b0: {  	p0 =	sne.s32 s0, $0x0;
	s0 =	rddreg [dreg:$0x2]  }
0x2b1: {  	s0 =	sadd.s32 @!p0 $0x100000, s0  }
0x2b2: {  	[sflag:s0] =	ssyncadd.tile.s32 @!p0 $0x1;
	_ =	shalt  }
.Lfunc_end2:
_tile_overlayer_lowered:
.L_overlay_start_2:
0x2b3: {  	(tag) =	ssettag $0x2  }
0x2b4: {  	s0 =	rddreg [dreg:$0x0];
	s2 =	stileid.u32  }
0x2b5: {  	s1 =	rddreg [dreg:$0x1];
	p0 =	sne.s32 s2, $0x0  }
0x2b6: {  	s3 =	rddreg [dreg:$0x2];
	[bflag:$0x3] =	sbarrier.arrive $0xFFFF;
	s2 =	simm.s32 @!p0 $0x1C0B  }
0x2b7: {  	[timem:s3], [sflag:s2] =	dma.local @!p0 [hbm:s0], s1  }
0x2b8: {  	s0 =	simm.s32 @!p0 $0xB  }
0x2b9: {  	_ =	swait.ge @!p0 [sflag:s0], s1  }
0x2ba: {  	s1 =	ssub.s32 @!p0 $0x0, s1;
	[sflag:s0] =	ssyncset.done @!p0 $0x0  }
0x2bb: {  	[sflag:s0] =	ssyncadd.s32 @!p0 s1  }
0x2bc: {  	[bflag:$0x3] =	sbarrier.arrive $0xFFFF  }
0x2bd: {  	_ =	shalt  }

// kernel: kernel.14.cloned.1.call-start
scs
__scs_entry_jumppad:
0x0: {  	(pc) =	sbr.rel $0x88, $3  }
0x1: {  	(tag) =	ssettag $0x0;
	lr =	simm.s32 $0x1  }
0x2: {  	[smem:$0x3F9B] =	sst lr;
	_ =	strace $0xD0000000  }
0x3: {  	_ = 	snop  }
0x4: {  	_ = 	snop  }
0x5: {  	_ = 	snop  }
0x6: {  	_ = 	snop  }
0x7: {  	_ = 	snop  }
__scs_overlays_trampoline_lowered:
0x8: {  	[smem:$0x3FAA] =	sst s0  }
0x9: {  	[smem:$0x3FAB] =	sst s1  }
0xa: {  	[smem:$0x3FAC] =	sst s2  }
0xb: {  	[smem:$0x3FAD] =	sst s3  }
0xc: {  	[smem:$0x3FAE] =	sst s4  }
0xd: {  	[smem:$0x3FAF] =	sst s5  }
0xe: {  	[smem:$0x3FB0] =	sst s6  }
0xf: {  	[smem:$0x3FB1] =	sst s7  }
0x10: {  	[smem:$0x3FB2] =	sst s8  }
0x11: {  	[smem:$0x3FB3] =	sst s9;
	s0 =	simm.s32 @!p0 $0x0  }
0x12: {  	s1 =	sld [smem:$0x3F99];
	s0 =	simm.s32 @p0 $0x1  }
0x13: {  	[smem:$0x3FB4] =	sst s0;
	s0 =	simm.s32 @!p1 $0x0  }
0x14: {  	s2 =	sld [smem:$0x3F98];
	s0 =	simm.s32 @p1 $0x1  }
0x15: {  	[smem:$0x3FB5] =	sst s0;
	s0 =	simm.s32 @!p2 $0x0  }
0x16: {  	s3 =	sld [smem:$0x3FDB];
	s0 =	simm.s32 @p2 $0x1  }
0x17: {  	s4 =	simm.s32 $0x1BF5;
	[smem:$0x3FB7] =	sst s0  }
0x18: {  	s0 =	sld [smem:$0x3F9A];
	_ =	swait.ge [sflag:s4], $0x0  }
0x19: {  	s7 =	sld [smem:$0x3F9B]  }
0x1a: {  	s8 =	sadd.s32 $0xFFFFE003, lr  }
0x1b: {  	s9 =	sadd.s32 $0xFFFFFEF7, lr;
	s5 =	simm.s32 $0xFFFFFFFF;
	p2 =	slt.u32 s8, $0xFFFFF086  }
0x1c: {  	p1 =	slt.u32 s9, $0xF7A;
	s5 =	simm.s32 @!p2 $0x0  }
0x1d: {  	s5 =	simm.s32 @p1 $0x1;
	p0 =	seq.s32 s7, s2  }
0x1e: {  	s7 =	smul.u32 @!p0 $0xF7A, s2;
	p2 =	seq.s32 @!p0 s5, $0x0  }
0x1f: {  	s9 =	smul.u32 $0xF7A, s1;
	s8 =	simm.s32 @!p0 $0x1BF5;
	p2 =	por !p2, p0  }
0x20: {  	[sflag:s8] =	ssyncset.s32 @!p0 $0xFFFFF086;
	s6 =	sadd.s32 @!p0 s3, s7;
	s7 =	simm.s32 @!p0 $0x108  }
0x21: {  	s3 =	sadd.s32 s3, s9;
	s6 =	sadd.s32 @!p0 $0x88, s6;
	s7 =	simm.s32 @p2 $0x1082  }
0x22: {  	[simem:s7], [sflag:s8] =	dma.local @!p0 [hbm:s6], $0xF7A  }
0x23: {  	s9 =	sor.u32 $0xD0000000, s2;
	s6 =	simm.s32 $0x108;
	_ =	swait.ge @!p0 [sflag:s8], $0x0  }
0x24: {  	s3 =	sadd.s32 $0x88, s3;
	s6 =	simm.s32 @!p1 $0x1082;
	[sflag:s4] =	ssyncset.s32 $0xFFFFF086  }
0x25: {  	[simem:s6], [sflag:s4] =	dma.local [hbm:s3], $0xF7A  }
0x26: {  	[smem:$0x3F9B] =	sst s1;
	(tag) =	ssettag s2;
	_ =	strace s9  }
0x27: {  	s1 =	sld [smem:$0x3FAB]  }
0x28: {  	s2 =	sld [smem:$0x3FAC]  }
0x29: {  	s4 =	sld [smem:$0x3FAE]  }
0x2a: {  	p0 =	seq.s32 s5, $0x0;
	s5 =	sld [smem:$0x3FAF]  }
0x2b: {  	s6 =	sld [smem:$0x3FB0]  }
0x2c: {  	s7 =	sld [smem:$0x3FB1]  }
0x2d: {  	s3 =	simm.s32 $0x108;
	s8 =	sld [smem:$0x3FB2]  }
0x2e: {  	s3 =	simm.s32 @!p0 $0x1082;
	s9 =	sld [smem:$0x3FB3]  }
0x2f: {  	lr =	sadd.s32 s0, s3;
	s0 =	sld [smem:$0x3FAA]  }
0x30: {  	s3 =	sld [smem:$0x3FAD]  }
0x31: {  	[smem:$0x3FB6] =	sst s10  }
0x32: {  	s10 =	sld [smem:$0x3FB4];
	_ =	sdelay $0x3  }
0x33: {  	p0 =	seq.s32 s10, $0x1;
	s10 =	sld [smem:$0x3FB6];
	_ =	sdelay $0x3  }
0x34: {  	[smem:$0x3FB6] =	sst s10  }
0x35: {  	s10 =	sld [smem:$0x3FB5];
	_ =	sdelay $0x3  }
0x36: {  	p1 =	seq.s32 s10, $0x1;
	s10 =	sld [smem:$0x3FB6];
	_ =	sdelay $0x3  }
0x37: {  	[smem:$0x3FB6] =	sst s10  }
0x38: {  	s10 =	sld [smem:$0x3FB7]  }
0x39: {  	_ = 	snop;
	(pc) =	sbr.ind lr, $3  }
0x3a: {  	_ = 	snop  }
0x3b: {  	_ = 	snop  }
0x3c: {  	p2 =	seq.s32 s10, $0x1;
	s10 =	sld [smem:$0x3FB6]  }
0x3d: {  	_ =	shalt  }
0x3e: {  	_ =	shalt  }
0x3f: {  	_ =	shalt  }
0x40: {  	_ =	shalt  }
0x41: {  	_ =	shalt  }
0x42: {  	_ =	shalt  }
0x43: {  	_ =	shalt  }
0x44: {  	_ =	shalt  }
0x45: {  	_ =	shalt  }
0x46: {  	_ =	shalt  }
0x47: {  	_ =	shalt  }
0x48: {  	_ =	shalt  }
0x49: {  	_ =	shalt  }
0x4a: {  	_ =	shalt  }
0x4b: {  	_ =	shalt  }
0x4c: {  	_ =	shalt  }
0x4d: {  	_ =	shalt  }
0x4e: {  	_ =	shalt  }
0x4f: {  	_ =	shalt  }
0x50: {  	_ =	shalt  }
0x51: {  	_ =	shalt  }
0x52: {  	_ =	shalt  }
0x53: {  	_ =	shalt  }
0x54: {  	_ =	shalt  }
0x55: {  	_ =	shalt  }
0x56: {  	_ =	shalt  }
0x57: {  	_ =	shalt  }
0x58: {  	_ =	shalt  }
0x59: {  	_ =	shalt  }
0x5a: {  	_ =	shalt  }
0x5b: {  	_ =	shalt  }
0x5c: {  	_ =	shalt  }
0x5d: {  	_ =	shalt  }
0x5e: {  	_ =	shalt  }
0x5f: {  	_ =	shalt  }
0x60: {  	_ =	shalt  }
0x61: {  	_ =	shalt  }
0x62: {  	_ =	shalt  }
0x63: {  	_ =	shalt  }
0x64: {  	_ =	shalt  }
0x65: {  	_ =	shalt  }
0x66: {  	_ =	shalt  }
0x67: {  	_ =	shalt  }
0x68: {  	_ =	shalt  }
0x69: {  	_ =	shalt  }
0x6a: {  	_ =	shalt  }
0x6b: {  	_ =	shalt  }
0x6c: {  	_ =	shalt  }
0x6d: {  	_ =	shalt  }
0x6e: {  	_ =	shalt  }
0x6f: {  	_ =	shalt  }
0x70: {  	_ =	shalt  }
0x71: {  	_ =	shalt  }
0x72: {  	_ =	shalt  }
0x73: {  	_ =	shalt  }
0x74: {  	_ =	shalt  }
0x75: {  	_ =	shalt  }
0x76: {  	_ =	shalt  }
0x77: {  	_ =	shalt  }
0x78: {  	_ =	shalt  }
0x79: {  	_ =	shalt  }
0x7a: {  	_ =	shalt  }
0x7b: {  	_ =	shalt  }
0x7c: {  	_ =	shalt  }
0x7d: {  	_ =	shalt  }
0x7e: {  	_ =	shalt  }
0x7f: {  	_ =	shalt  }
0x80: {  	_ =	shalt  }
0x81: {  	_ =	shalt  }
0x82: {  	_ =	shalt  }
0x83: {  	_ =	shalt  }
0x84: {  	_ =	shalt  }
0x85: {  	_ =	shalt  }
0x86: {  	_ =	shalt  }
0x87: {  	_ =	shalt  }
.Lfunc_end0:
.L_simem_size_0:
called_computation.2_lowered:
.L_overlay_start_0:
0x88: {  	s2 =	sld [smem:$0x3FD9]  }
0x89: {  	s3 =	sld [smem:$0x3FFE];
	_ =	sdelay $0x1  }
0x8a: {  	s1 =	srdreg.scid  }
0x8b: {  	s0 =	sand.u32 $0x1, s1  }
0x8c: {  	s17 =	sshll.u32 s0, $0xA;
	s2 =	sadd.s32 s3, s2  }
0x8d: {  	s2 =	sadd.s32 s2, s17  }
0x8e: {  	[smem:$0x3FC2] =	sst s2  }
0x8f: {  	_ = 	snop  }
0x90: {  	s2 =	sld [smem:$0x3FD0];
	(tm) =	ssettm $0x1  }
0x91: {  	s18 =	sld [smem:$0x3FFB];
	_ =	sdelay $0x3  }
0x92: {  	_ =	strace s18  }
0x93: {  	s3 =	sld [smem:$0x3FFC];
	_ =	sdelay $0x3  }
0x94: {  	_ =	strace s3  }
0x95: {  	s3 =	sld [smem:$0x3FFD];
	_ =	sdelay $0x3  }
0x96: {  	_ =	strace s3  }
0x97: {  	_ =	strace $0x8FFFFFFF  }
0x98: {  	s19 =	sld [smem:$0x3FDB];
	_ =	sdelay $0x1  }
0x99: {  	s4 =	simm.s32 $_scs_section_size  }
0x9a: {  	s5 =	simm.s32 $_size__tile_overlayer_lowered;
	s6 =	simm.s32 $_tile_overlayer_lowered  }
0x9b: {  	s22 =	simm.s32 $0x1BFF;
	s21 =	sshll.u32 s6, $0x1;
	s3 =	sadd.s32 s4, s19  }
0x9c: {  	s7 =	simm.s32 $0x0;
	s20 =	sshll.u32 s5, $0x1;
	s5 =	sadd.s32 s21, s3  }
0x9d: {  	[timem:s7], [sflag:s22] =	dma.local [hbm:s5], s20  }
0x9e: {  	_ =	swait.ge [sflag:s22], s20  }
0x9f: {  	s4 =	ssub.s32 $0x0, s20;
	[sflag:s22] =	ssyncset.done $0x0  }
0xa0: {  	[sflag:s22] =	ssyncadd.s32 s4;
	_ =	sdelay $0x1  }
0xa1: {  	s23 =	simm.s32 $0x1B8B  }
0xa2: {  	_ =	swait.ge [sflag:s23], $0x1  }
0xa3: {  	[sflag:s23] =	ssyncset.done $0x0  }
0xa4: {  	s25 =	simm.s32 $0x1B8E;
	s24 =	sld [smem:$0x3FFE];
	[sflag:s23] =	ssyncadd.s32 $0xFFFFFFFF  }
0xa5: {  	s26 =	simm.s32 $execute0_lowered;
	[smem:$0x3FD2] =	sst s25  }
0xa6: {  	s5 =	sshll.u32 s26, $0x1;
	_ =	strace $0x8000004C;
	[dreg:$0x1] =	wrdreg $0xFFFFFFFF  }
0xa7: {  	s28 =	simm.s32 $_size_execute0_lowered;
	s3 =	sadd.s32 s3, s5;
	[dreg:$0x0] =	wrdreg $0x0  }
0xa8: {  	s5 =	sshll.u32 s28, $0x1;
	[dreg:$0x2] =	wrdreg s3  }
0xa9: {  	[dreg:$0x3] =	wrdreg s5  }
0xaa: {  	[dreg:$0x4] =	wrdreg $0xC0  }
0xab: {  	_ =	task [dreg:s7], $0x5FFFF  }
0xac: {  	[dreg:$0x1] =	wrdreg $0xFFFFFFFF  }
0xad: {  	[dreg:$0x0] =	wrdreg $0x60  }
0xae: {  	[dreg:$0x2] =	wrdreg s2  }
0xaf: {  	[dreg:$0x3] =	wrdreg s24  }
0xb0: {  	[dreg:$0x4] =	wrdreg $0xC0000  }
0xb1: {  	[dreg:$0x5] =	wrdreg $0x9  }
0xb2: {  	_ =	task.clear_ibuf [dreg:s7], $0x6FFFF;
	_ =	strace $0x9000004C  }
0xb3: {  	s29 =	simm.s32 $0x9;
	_ =	strace $0x8000004E  }
0xb4: {  	_ =	swait.ge [sflag:s29], $0x1  }
0xb5: {  	[sflag:s29] =	ssyncadd.s32 $0xFFFFFFFF  }
0xb6: {  	_ =	strace $0x9000004E  }
0xb7: {  	_ =	sfence  }
0xb8: {  	s30 =	sld [smem:$0x0];
	_ =	sdelay $0x2  }
0xb9: {  	s31 =	sshll.u32 s1, $0xD;
	s1 =	sshrl.u32 s1, $0x2  }
0xba: {  	s3 =	sand.u32 $0x4000, s31;
	s1 =	sadd.s32 s1, s30  }
0xbb: {  	s0 =	sor.u32 s3, s0;
	s1 =	sshll.u32 s1, $0x11  }
0xbc: {  	s0 =	sor.u32 s1, s0  }
0xbd: {  	s0 =	sadd.s32 $0x8F2B, s0  }
0xbe: {  	[sflag:s0] =	ssyncadd.remote.s32 $0x1  }
0xbf: {  	_ =	sfence.sel $0xFFFF  }
0xc0: {  	[dreg:$0x0] =	wrdreg $0xFFFFFFFF;
	(pc) =	sbr.abs _section_cstart, $3  }
0xc1: {  	[dreg:$0x1] =	wrdreg $0xFFFFFFFF  }
0xc2: {  	_ =	task.clear_ibuf [dreg:s7], $0x2FFFF;
	_ =	strace $0x9FFFFFFF  }
0xc3: {  	(tm) =	ssettm $0x7FFFFFFF  }
tec
execute0_lowered:
.L_overlay_start_1:
0x0: {  	(tag) =	ssettag $0x1  }
0x1: {  	s1 =	rddreg [dreg:$0x0]  }
0x2: {  	s0 =	rddreg [dreg:$0x1]  }
0x3: {  	s2 =	rddreg [dreg:$0x2];
	s3 =	srdreg.scid  }
0x4: {  	s4 =	simm.s32 $0x0;
	s12 =	stileid.u32;
	s13 =	simm.s32 $0x1000  }
0x5: {  	s14 =	simm.s32 $0x50;
	s15 =	simm.s32 $0x2000;
	s17 =	simm.s32 $0x4800  }
0x6: {  	s28 =	simm.s32 $0x6;
	s30 =	simm.s32 $0x7;
	s31 =	simm.s32 $0x1  }
0x7: {  	s3 =	sand.u32 $0x1, s3;
	[smem:$0x7FF] =	sst s4;
	s6 =	smul.u32 $0x3E80, s12  }
0x8: {  	s7 =	sadd.s32 $0x1FA00, s0;
	s8 =	sadd.s32 $0xBA00, s0;
	s19 =	smul.u32 $0x7D000, s12  }
0x9: {  	s9 =	sadd.s32 $0x1C00, s0;
	s10 =	smul.u32 $0x5, s12;
	p0 =	sgt.u32 s12, $0x9  }
0xa: {  	s5 =	smul.u32 $0x27100, s3;
	_ =	strace $0x8000004D;
	[dreg:$0x6] =	wrdreg s9  }
0xb: {  	s20 =	sshll.u32 s3, $0x4;
	s21 =	smul.u32 $0x50, s3;
	s3 =	ssub.s32 $0x2, s3  }
0xc: {  	s11 =	sshrl.u32 s3, $0x1;
	s5 =	sadd.s32 s6, s5;
	s6 =	sshrl.u32 s19, $0x2  }
0xd: {  	s3 =	ssub.s32 s3, s11;
	s9 =	sadd.s32 s10, s21;
	s19 =	simm.s32 $0x7000  }
0xe: {  	s21 =	simm.s32 $0x9800;
	s11 =	simm.s32 $0x0;
	s0 =	sadd.s32 s5, s0  }
0xf: {  	s5 =	sor.u32 s12, s20;
	s6 =	sadd.s32 s6, s2;
	s23 =	sshll.u32 s9, $0x9  }
0x10: {  	s24 =	smax.u32 s3, $0x1;
	s3 =	sshll.u32 @!p0 s12, $0x6;
	s5 =	smul.u32 $0xA00, s5  }
0x11: {  	s0 =	sadd.s32 $0x33A00, s0;
	[dreg:$0xa] =	wrdreg s24;
	s25 =	sadd.s32 s23, s7  }
0x12: {  	s26 =	sadd.s32 s23, s8;
	s9 =	sor.u32 @!p0 $0x1C0B, s3;
	[dreg:$0x9] =	wrdreg s0  }
0x13: {  	s10 =	sshrl.u32 @!p0 s6, $0x3;
	s23 =	simm.s32 $0x4;
	[dreg:$0xb] =	wrdreg s9  }
0x14: {  	s3 =	simm.s32 $0x2;
	s0 =	sadd.s32 $0x200, s25;
	[dreg:$0xc] =	wrdreg s10  }
0x15: {  	s29 =	sadd.s32 $0x200, s26;
	s25 =	simm.s32 $0x5;
	[dreg:$0x4] =	wrdreg s0  }
0x16: {  	s22 =	sadd.s32 s7, s5;
	s5 =	sadd.s32 s8, s5;
	[dreg:$0x5] =	wrdreg s29  }
0x17: {  	s0 =	simm.s32 $0x8;
	s7 =	simm.s32 $0xA;
	[dreg:$0x7] =	wrdreg s22  }
0x18: {  	[dreg:$0x8] =	wrdreg s5;
	s22 =	simm.s32 $0x3;
	s5 =	simm.s32 $0x9  }
.LBB2_1:
0x19: {  	[dreg:$0xd] =	wrdreg s11  }
0x1a: {  	s6 =	rddreg [dreg:$0x6]  }
0x1b: {  	[spmem:s10], [sflag:s9] =	dma.local @!p0 [hbm:s6], $0x3E80  }
0x1c: {  	s6 =	simm.s32 @!p0 $0xB  }
0x1d: {  	_ =	swait.ge @!p0 [sflag:s6], $0x3E80  }
0x1e: {  	[sflag:s6] =	ssyncset.done @!p0 $0x0  }
0x1f: {  	s8 =	simm.s32 $0xB;
	s20 =	rddreg [dreg:$0x7];
	[sflag:s6] =	ssyncadd.s32 @!p0 $0xFFFFC180  }
0x20: {  	[tilespmem:s4], [sflag:$0xB] =	stream.linear.gather [hbm4b:s20+s4], $0xC80, $0x38;
	[tilespmem:$0x1F880] =	vst v63  }
0x21: {  	_ =	swait.ge [sflag:s8], $0xC80  }
0x22: {  	[sflag:s8] =	ssyncset.done $0x0  }
0x23: {  	s24 =	rddreg [dreg:$0x8];
	[sflag:s8] =	ssyncadd.s32 $0xFFFFF380  }
0x24: {  	[tilespmem:s13], [sflag:$0xB] =	stream.linear.gather [hbm4b:s24+s4], $0xC80, $0x38;
	[tilespmem:$0x1F880] =	vst v63  }
0x25: {  	_ =	swait.ge [sflag:s8], $0xC80  }
0x26: {  	[sflag:s8] =	ssyncset.done $0x0  }
0x27: {  	[sflag:s8] =	ssyncadd.s32 $0xFFFFF380  }
0x28: {  	[tilespmem:s15], [sflag:$0x3] =	stream.indirect.gather [hbm4b:s1+s14], $0x80, s4, s14, $0xb8;
	[tilespmem:$0x1F880] =	vst v63  }
0x29: {  	s9 =	simm.s32 $0x80  }
0x2a: {  	[tilespmem:s17], [sflag:$0x4] =	stream.indirect.gather [hbm4b:s1+s14], $0x80, s9, s14, $0xb8;
	[tilespmem:$0x1F880] =	vst v63  }
0x2b: {  	s10 =	simm.s32 $0x100  }
0x2c: {  	[tilespmem:s19], [sflag:$0x5] =	stream.indirect.gather [hbm4b:s1+s14], $0x80, s10, s14, $0xb8;
	[tilespmem:$0x1F880] =	vst v63  }
0x2d: {  	s26 =	simm.s32 $0x180  }
0x2e: {  	[tilespmem:s21], [sflag:$0x6] =	stream.indirect.gather [hbm4b:s1+s14], $0x80, s26, s14, $0xb8;
	[tilespmem:$0x1F880] =	vst v63  }
0x2f: {  	[bflag:$0x0] =	sbarrier.arrive $0xFFFF  }
0x30: {  	_ =	swait.ge [sflag:s22], $0x2800  }
0x31: {  	[sflag:s22] =	ssyncset.done $0x0  }
0x32: {  	[sflag:s22] =	ssyncadd.s32 $0xFFFFD800  }
0x33: {  	[spmem:s2] =	stream.indirect.scatter.add.f32 [tilespmem:s15], [sflag:$0x7], $0x80, s13, s14, $0xb8;
	[tilespmem:$0x1F880] =	vst v63  }
0x34: {  	_ =	swait.ge [sflag:s23], $0x2800  }
0x35: {  	[sflag:s23] =	ssyncset.done $0x0  }
0x36: {  	s11 =	simm.s32 $0x1080;
	[sflag:s23] =	ssyncadd.s32 $0xFFFFD800  }
0x37: {  	[spmem:s2] =	stream.indirect.scatter.add.f32 [tilespmem:s17], [sflag:$0x8], $0x80, s11, s14, $0xb8;
	[tilespmem:$0x1F880] =	vst v63  }
0x38: {  	_ =	swait.ge [sflag:s25], $0x2800  }
0x39: {  	[sflag:s25] =	ssyncset.done $0x0  }
0x3a: {  	s12 =	simm.s32 $0x1100;
	[sflag:s25] =	ssyncadd.s32 $0xFFFFD800  }
0x3b: {  	[spmem:s2] =	stream.indirect.scatter.add.f32 [tilespmem:s19], [sflag:$0x9], $0x80, s12, s14, $0xb8;
	[tilespmem:$0x1F880] =	vst v63  }
0x3c: {  	_ =	swait.ge [sflag:s28], $0x2800  }
0x3d: {  	[sflag:s28] =	ssyncset.done $0x0  }
0x3e: {  	s16 =	simm.s32 $0x1180;
	[sflag:s28] =	ssyncadd.s32 $0xFFFFD800  }
0x3f: {  	[spmem:s2] =	stream.indirect.scatter.add.f32 [tilespmem:s21], [sflag:$0xA], $0x80, s16, s14, $0xb8;
	[tilespmem:$0x1F880] =	vst v63  }
0x40: {  	_ =	swait.ge [sflag:s30], $0x2800  }
0x41: {  	[sflag:s30] =	ssyncset.done $0x0  }
0x42: {  	s18 =	simm.s32 $0x200;
	[sflag:s30] =	ssyncadd.s32 $0xFFFFD800  }
0x43: {  	[tilespmem:s15], [sflag:$0x3] =	stream.indirect.gather [hbm4b:s1+s14], $0x80, s18, s14, $0xb8;
	[tilespmem:$0x1F880] =	vst v63  }
0x44: {  	_ =	swait.ge [sflag:s0], $0x2800  }
0x45: {  	[sflag:s0] =	ssyncset.done $0x0  }
0x46: {  	s20 =	simm.s32 $0x280;
	[sflag:s0] =	ssyncadd.s32 $0xFFFFD800  }
0x47: {  	[tilespmem:s17], [sflag:$0x4] =	stream.indirect.gather [hbm4b:s1+s14], $0x80, s20, s14, $0xb8;
	[tilespmem:$0x1F880] =	vst v63  }
0x48: {  	_ =	swait.ge [sflag:s5], $0x2800  }
0x49: {  	[sflag:s5] =	ssyncset.done $0x0  }
0x4a: {  	s24 =	simm.s32 $0x300;
	[sflag:s5] =	ssyncadd.s32 $0xFFFFD800  }
0x4b: {  	[tilespmem:s19], [sflag:$0x5] =	stream.indirect.gather [hbm4b:s1+s14], $0x80, s24, s14, $0xb8;
	[tilespmem:$0x1F880] =	vst v63  }
0x4c: {  	_ =	swait.ge [sflag:s7], $0x2800  }
0x4d: {  	[sflag:s7] =	ssyncset.done $0x0  }
0x4e: {  	s26 =	simm.s32 $0x380;
	[sflag:s7] =	ssyncadd.s32 $0xFFFFD800  }
0x4f: {  	[tilespmem:s21], [sflag:$0x6] =	stream.indirect.gather [hbm4b:s1+s14], $0x80, s26, s14, $0xb8;
	[tilespmem:$0x1F880] =	vst v63  }
0x50: {  	_ =	swait.ge [sflag:s22], $0x2800  }
0x51: {  	[sflag:s22] =	ssyncset.done $0x0  }
0x52: {  	s29 =	simm.s32 $0x1200;
	[sflag:s22] =	ssyncadd.s32 $0xFFFFD800  }
0x53: {  	[spmem:s2] =	stream.indirect.scatter.add.f32 [tilespmem:s15], [sflag:$0x7], $0x80, s29, s14, $0xb8;
	[tilespmem:$0x1F880] =	vst v63  }
0x54: {  	_ =	swait.ge [sflag:s23], $0x2800  }
0x55: {  	[sflag:s23] =	ssyncset.done $0x0  }
0x56: {  	s8 =	simm.s32 $0x1280;
	[sflag:s23] =	ssyncadd.s32 $0xFFFFD800  }
0x57: {  	[spmem:s2] =	stream.indirect.scatter.add.f32 [tilespmem:s17], [sflag:$0x8], $0x80, s8, s14, $0xb8;
	[tilespmem:$0x1F880] =	vst v63  }
0x58: {  	_ =	swait.ge [sflag:s25], $0x2800  }
0x59: {  	[sflag:s25] =	ssyncset.done $0x0  }
0x5a: {  	s8 =	simm.s32 $0x1300;
	[sflag:s25] =	ssyncadd.s32 $0xFFFFD800  }
0x5b: {  	[spmem:s2] =	stream.indirect.scatter.add.f32 [tilespmem:s19], [sflag:$0x9], $0x80, s8, s14, $0xb8;
	[tilespmem:$0x1F880] =	vst v63  }
0x5c: {  	_ =	swait.ge [sflag:s28], $0x2800  }
0x5d: {  	[sflag:s28] =	ssyncset.done $0x0  }
0x5e: {  	s8 =	simm.s32 $0x1380;
	[sflag:s28] =	ssyncadd.s32 $0xFFFFD800  }
0x5f: {  	[spmem:s2] =	stream.indirect.scatter.add.f32 [tilespmem:s21], [sflag:$0xA], $0x80, s8, s14, $0xb8;
	[tilespmem:$0x1F880] =	vst v63  }
0x60: {  	_ =	swait.ge [sflag:s30], $0x2800  }
0x61: {  	[sflag:s30] =	ssyncset.done $0x0  }
0x62: {  	s8 =	simm.s32 $0x400;
	[sflag:s30] =	ssyncadd.s32 $0xFFFFD800  }
0x63: {  	[tilespmem:s15], [sflag:$0x3] =	stream.indirect.gather [hbm4b:s1+s14], $0x80, s8, s14, $0xb8;
	[tilespmem:$0x1F880] =	vst v63  }
0x64: {  	_ =	swait.ge [sflag:s0], $0x2800  }
0x65: {  	[sflag:s0] =	ssyncset.done $0x0  }
0x66: {  	s8 =	simm.s32 $0x480;
	[sflag:s0] =	ssyncadd.s32 $0xFFFFD800  }
0x67: {  	[tilespmem:s17], [sflag:$0x4] =	stream.indirect.gather [hbm4b:s1+s14], $0x80, s8, s14, $0xb8;
	[tilespmem:$0x1F880] =	vst v63  }
0x68: {  	_ =	swait.ge [sflag:s5], $0x2800  }
0x69: {  	[sflag:s5] =	ssyncset.done $0x0  }
0x6a: {  	s8 =	simm.s32 $0x500;
	[sflag:s5] =	ssyncadd.s32 $0xFFFFD800  }
0x6b: {  	[tilespmem:s19], [sflag:$0x5] =	stream.indirect.gather [hbm4b:s1+s14], $0x80, s8, s14, $0xb8;
	[tilespmem:$0x1F880] =	vst v63  }
0x6c: {  	_ =	swait.ge [sflag:s7], $0x2800  }
0x6d: {  	[sflag:s7] =	ssyncset.done $0x0  }
0x6e: {  	s8 =	simm.s32 $0x580;
	[sflag:s7] =	ssyncadd.s32 $0xFFFFD800  }
0x6f: {  	[tilespmem:s21], [sflag:$0x6] =	stream.indirect.gather [hbm4b:s1+s14], $0x80, s8, s14, $0xb8;
	[tilespmem:$0x1F880] =	vst v63  }
0x70: {  	_ =	swait.ge [sflag:s22], $0x2800  }
0x71: {  	[sflag:s22] =	ssyncset.done $0x0  }
0x72: {  	s8 =	simm.s32 $0x1400;
	[sflag:s22] =	ssyncadd.s32 $0xFFFFD800  }
0x73: {  	[spmem:s2] =	stream.indirect.scatter.add.f32 [tilespmem:s15], [sflag:$0x7], $0x80, s8, s14, $0xb8;
	[tilespmem:$0x1F880] =	vst v63  }
0x74: {  	_ =	swait.ge [sflag:s23], $0x2800  }
0x75: {  	[sflag:s23] =	ssyncset.done $0x0  }
0x76: {  	s8 =	simm.s32 $0x1480;
	[sflag:s23] =	ssyncadd.s32 $0xFFFFD800  }
0x77: {  	[spmem:s2] =	stream.indirect.scatter.add.f32 [tilespmem:s17], [sflag:$0x8], $0x80, s8, s14, $0xb8;
	[tilespmem:$0x1F880] =	vst v63  }
0x78: {  	_ =	swait.ge [sflag:s25], $0x2800  }
0x79: {  	[sflag:s25] =	ssyncset.done $0x0  }
0x7a: {  	s8 =	simm.s32 $0x1500;
	[sflag:s25] =	ssyncadd.s32 $0xFFFFD800  }
0x7b: {  	[spmem:s2] =	stream.indirect.scatter.add.f32 [tilespmem:s19], [sflag:$0x9], $0x80, s8, s14, $0xb8;
	[tilespmem:$0x1F880] =	vst v63  }
0x7c: {  	_ =	swait.ge [sflag:s28], $0x2800  }
0x7d: {  	[sflag:s28] =	ssyncset.done $0x0  }
0x7e: {  	s8 =	simm.s32 $0x1580;
	[sflag:s28] =	ssyncadd.s32 $0xFFFFD800  }
0x7f: {  	[spmem:s2] =	stream.indirect.scatter.add.f32 [tilespmem:s21], [sflag:$0xA], $0x80, s8, s14, $0xb8;
	[tilespmem:$0x1F880] =	vst v63  }
0x80: {  	_ =	swait.ge [sflag:s30], $0x2800  }
0x81: {  	[sflag:s30] =	ssyncset.done $0x0  }
0x82: {  	s8 =	simm.s32 $0x600;
	[sflag:s30] =	ssyncadd.s32 $0xFFFFD800  }
0x83: {  	[tilespmem:s15], [sflag:$0x3] =	stream.indirect.gather [hbm4b:s1+s14], $0x80, s8, s14, $0xb8;
	[tilespmem:$0x1F880] =	vst v63  }
0x84: {  	_ =	swait.ge [sflag:s0], $0x2800  }
0x85: {  	[sflag:s0] =	ssyncset.done $0x0  }
0x86: {  	s8 =	simm.s32 $0x680;
	[sflag:s0] =	ssyncadd.s32 $0xFFFFD800  }
0x87: {  	[tilespmem:s17], [sflag:$0x4] =	stream.indirect.gather [hbm4b:s1+s14], $0x80, s8, s14, $0xb8;
	[tilespmem:$0x1F880] =	vst v63  }
0x88: {  	_ =	swait.ge [sflag:s5], $0x2800  }
0x89: {  	[sflag:s5] =	ssyncset.done $0x0  }
0x8a: {  	s8 =	simm.s32 $0x700;
	[sflag:s5] =	ssyncadd.s32 $0xFFFFD800  }
0x8b: {  	[tilespmem:s19], [sflag:$0x5] =	stream.indirect.gather [hbm4b:s1+s14], $0x80, s8, s14, $0xb8;
	[tilespmem:$0x1F880] =	vst v63  }
0x8c: {  	_ =	swait.ge [sflag:s7], $0x2800  }
0x8d: {  	[sflag:s7] =	ssyncset.done $0x0  }
0x8e: {  	s8 =	simm.s32 $0x780;
	[sflag:s7] =	ssyncadd.s32 $0xFFFFD800  }
0x8f: {  	[tilespmem:s21], [sflag:$0x6] =	stream.indirect.gather [hbm4b:s1+s14], $0x80, s8, s14, $0xb8;
	[tilespmem:$0x1F880] =	vst v63  }
0x90: {  	_ =	swait.ge [sflag:s22], $0x2800  }
0x91: {  	[sflag:s22] =	ssyncset.done $0x0  }
0x92: {  	s8 =	simm.s32 $0x1600;
	[sflag:s22] =	ssyncadd.s32 $0xFFFFD800  }
0x93: {  	[spmem:s2] =	stream.indirect.scatter.add.f32 [tilespmem:s15], [sflag:$0x7], $0x80, s8, s14, $0xb8;
	[tilespmem:$0x1F880] =	vst v63  }
0x94: {  	_ =	swait.ge [sflag:s23], $0x2800  }
0x95: {  	[sflag:s23] =	ssyncset.done $0x0  }
0x96: {  	s8 =	simm.s32 $0x1680;
	[sflag:s23] =	ssyncadd.s32 $0xFFFFD800  }
0x97: {  	[spmem:s2] =	stream.indirect.scatter.add.f32 [tilespmem:s17], [sflag:$0x8], $0x80, s8, s14, $0xb8;
	[tilespmem:$0x1F880] =	vst v63  }
0x98: {  	_ =	swait.ge [sflag:s25], $0x2800  }
0x99: {  	[sflag:s25] =	ssyncset.done $0x0  }
0x9a: {  	s8 =	simm.s32 $0x1700;
	[sflag:s25] =	ssyncadd.s32 $0xFFFFD800  }
0x9b: {  	[spmem:s2] =	stream.indirect.scatter.add.f32 [tilespmem:s19], [sflag:$0x9], $0x80, s8, s14, $0xb8;
	[tilespmem:$0x1F880] =	vst v63  }
0x9c: {  	_ =	swait.ge [sflag:s28], $0x2800  }
0x9d: {  	[sflag:s28] =	ssyncset.done $0x0  }
0x9e: {  	s8 =	simm.s32 $0x1780;
	[sflag:s28] =	ssyncadd.s32 $0xFFFFD800  }
0x9f: {  	[spmem:s2] =	stream.indirect.scatter.add.f32 [tilespmem:s21], [sflag:$0xA], $0x80, s8, s14, $0xb8;
	[tilespmem:$0x1F880] =	vst v63  }
0xa0: {  	_ =	swait.ge [sflag:s30], $0x2800  }
0xa1: {  	[sflag:s30] =	ssyncset.done $0x0  }
0xa2: {  	s8 =	simm.s32 $0x800;
	[sflag:s30] =	ssyncadd.s32 $0xFFFFD800  }
0xa3: {  	[tilespmem:s15], [sflag:$0x3] =	stream.indirect.gather [hbm4b:s1+s14], $0x80, s8, s14, $0xb8;
	[tilespmem:$0x1F880] =	vst v63  }
0xa4: {  	_ =	swait.ge [sflag:s0], $0x2800  }
0xa5: {  	[sflag:s0] =	ssyncset.done $0x0  }
0xa6: {  	s8 =	simm.s32 $0x880;
	[sflag:s0] =	ssyncadd.s32 $0xFFFFD800  }
0xa7: {  	[tilespmem:s17], [sflag:$0x4] =	stream.indirect.gather [hbm4b:s1+s14], $0x80, s8, s14, $0xb8;
	[tilespmem:$0x1F880] =	vst v63  }
0xa8: {  	_ =	swait.ge [sflag:s5], $0x2800  }
0xa9: {  	[sflag:s5] =	ssyncset.done $0x0  }
0xaa: {  	s8 =	simm.s32 $0x900;
	[sflag:s5] =	ssyncadd.s32 $0xFFFFD800  }
0xab: {  	[tilespmem:s19], [sflag:$0x5] =	stream.indirect.gather [hbm4b:s1+s14], $0x80, s8, s14, $0xb8;
	[tilespmem:$0x1F880] =	vst v63  }
0xac: {  	_ =	swait.ge [sflag:s7], $0x2800  }
0xad: {  	[sflag:s7] =	ssyncset.done $0x0  }
0xae: {  	s8 =	simm.s32 $0x980;
	[sflag:s7] =	ssyncadd.s32 $0xFFFFD800  }
0xaf: {  	[tilespmem:s21], [sflag:$0x6] =	stream.indirect.gather [hbm4b:s1+s14], $0x80, s8, s14, $0xb8;
	[tilespmem:$0x1F880] =	vst v63  }
0xb0: {  	_ =	swait.ge [sflag:s22], $0x2800  }
0xb1: {  	[sflag:s22] =	ssyncset.done $0x0  }
0xb2: {  	s8 =	simm.s32 $0x1800;
	[sflag:s22] =	ssyncadd.s32 $0xFFFFD800  }
0xb3: {  	[spmem:s2] =	stream.indirect.scatter.add.f32 [tilespmem:s15], [sflag:$0x7], $0x80, s8, s14, $0xb8;
	[tilespmem:$0x1F880] =	vst v63  }
0xb4: {  	_ =	swait.ge [sflag:s23], $0x2800  }
0xb5: {  	[sflag:s23] =	ssyncset.done $0x0  }
0xb6: {  	s8 =	simm.s32 $0x1880;
	[sflag:s23] =	ssyncadd.s32 $0xFFFFD800  }
0xb7: {  	[spmem:s2] =	stream.indirect.scatter.add.f32 [tilespmem:s17], [sflag:$0x8], $0x80, s8, s14, $0xb8;
	[tilespmem:$0x1F880] =	vst v63  }
0xb8: {  	_ =	swait.ge [sflag:s25], $0x2800  }
0xb9: {  	[sflag:s25] =	ssyncset.done $0x0  }
0xba: {  	s8 =	simm.s32 $0x1900;
	[sflag:s25] =	ssyncadd.s32 $0xFFFFD800  }
0xbb: {  	[spmem:s2] =	stream.indirect.scatter.add.f32 [tilespmem:s19], [sflag:$0x9], $0x80, s8, s14, $0xb8;
	[tilespmem:$0x1F880] =	vst v63  }
0xbc: {  	_ =	swait.ge [sflag:s28], $0x2800  }
0xbd: {  	[sflag:s28] =	ssyncset.done $0x0  }
0xbe: {  	s8 =	simm.s32 $0x1980;
	[sflag:s28] =	ssyncadd.s32 $0xFFFFD800  }
0xbf: {  	[spmem:s2] =	stream.indirect.scatter.add.f32 [tilespmem:s21], [sflag:$0xA], $0x80, s8, s14, $0xb8;
	[tilespmem:$0x1F880] =	vst v63  }
0xc0: {  	_ =	swait.ge [sflag:s30], $0x2800  }
0xc1: {  	[sflag:s30] =	ssyncset.done $0x0  }
0xc2: {  	s8 =	simm.s32 $0xA00;
	[sflag:s30] =	ssyncadd.s32 $0xFFFFD800  }
0xc3: {  	[tilespmem:s15], [sflag:$0x3] =	stream.indirect.gather [hbm4b:s1+s14], $0x80, s8, s14, $0xb8;
	[tilespmem:$0x1F880] =	vst v63  }
0xc4: {  	_ =	swait.ge [sflag:s0], $0x2800  }
0xc5: {  	[sflag:s0] =	ssyncset.done $0x0  }
0xc6: {  	s8 =	simm.s32 $0xA80;
	[sflag:s0] =	ssyncadd.s32 $0xFFFFD800  }
0xc7: {  	[tilespmem:s17], [sflag:$0x4] =	stream.indirect.gather [hbm4b:s1+s14], $0x80, s8, s14, $0xb8;
	[tilespmem:$0x1F880] =	vst v63  }
0xc8: {  	_ =	swait.ge [sflag:s5], $0x2800  }
0xc9: {  	[sflag:s5] =	ssyncset.done $0x0  }
0xca: {  	s8 =	simm.s32 $0xB00;
	[sflag:s5] =	ssyncadd.s32 $0xFFFFD800  }
0xcb: {  	[tilespmem:s19], [sflag:$0x5] =	stream.indirect.gather [hbm4b:s1+s14], $0x80, s8, s14, $0xb8;
	[tilespmem:$0x1F880] =	vst v63  }
0xcc: {  	_ =	swait.ge [sflag:s7], $0x2800  }
0xcd: {  	[sflag:s7] =	ssyncset.done $0x0  }
0xce: {  	s8 =	simm.s32 $0xB80;
	[sflag:s7] =	ssyncadd.s32 $0xFFFFD800  }
0xcf: {  	[tilespmem:s21], [sflag:$0x6] =	stream.indirect.gather [hbm4b:s1+s14], $0x80, s8, s14, $0xb8;
	[tilespmem:$0x1F880] =	vst v63  }
0xd0: {  	_ =	swait.ge [sflag:s22], $0x2800  }
0xd1: {  	[sflag:s22] =	ssyncset.done $0x0  }
0xd2: {  	s8 =	simm.s32 $0x1A00;
	[sflag:s22] =	ssyncadd.s32 $0xFFFFD800  }
0xd3: {  	[spmem:s2] =	stream.indirect.scatter.add.f32 [tilespmem:s15], [sflag:$0x7], $0x80, s8, s14, $0xb8;
	[tilespmem:$0x1F880] =	vst v63  }
0xd4: {  	_ =	swait.ge [sflag:s23], $0x2800  }
0xd5: {  	[sflag:s23] =	ssyncset.done $0x0  }
0xd6: {  	s8 =	simm.s32 $0x1A80;
	[sflag:s23] =	ssyncadd.s32 $0xFFFFD800  }
0xd7: {  	[spmem:s2] =	stream.indirect.scatter.add.f32 [tilespmem:s17], [sflag:$0x8], $0x80, s8, s14, $0xb8;
	[tilespmem:$0x1F880] =	vst v63  }
0xd8: {  	_ =	swait.ge [sflag:s25], $0x2800  }
0xd9: {  	[sflag:s25] =	ssyncset.done $0x0  }
0xda: {  	s8 =	simm.s32 $0x1B00;
	[sflag:s25] =	ssyncadd.s32 $0xFFFFD800  }
0xdb: {  	[spmem:s2] =	stream.indirect.scatter.add.f32 [tilespmem:s19], [sflag:$0x9], $0x80, s8, s14, $0xb8;
	[tilespmem:$0x1F880] =	vst v63  }
0xdc: {  	_ =	swait.ge [sflag:s28], $0x2800  }
0xdd: {  	[sflag:s28] =	ssyncset.done $0x0  }
0xde: {  	s8 =	simm.s32 $0x1B80;
	[sflag:s28] =	ssyncadd.s32 $0xFFFFD800  }
0xdf: {  	[spmem:s2] =	stream.indirect.scatter.add.f32 [tilespmem:s21], [sflag:$0xA], $0x80, s8, s14, $0xb8;
	[tilespmem:$0x1F880] =	vst v63  }
0xe0: {  	_ =	swait.ge [sflag:s30], $0x2800  }
0xe1: {  	[sflag:s30] =	ssyncset.done $0x0  }
0xe2: {  	s8 =	simm.s32 $0xC00;
	[sflag:s30] =	ssyncadd.s32 $0xFFFFD800  }
0xe3: {  	[tilespmem:s15], [sflag:$0x3] =	stream.indirect.gather [hbm4b:s1+s14], $0x80, s8, s14, $0xb8;
	[tilespmem:$0x1F880] =	vst v63  }
0xe4: {  	_ =	swait.ge [sflag:s22], $0x2800  }
0xe5: {  	[sflag:s22] =	ssyncset.done $0x0  }
0xe6: {  	s8 =	simm.s32 $0x1C00;
	s6 =	rddreg [dreg:$0x4];
	[sflag:s22] =	ssyncadd.s32 $0xFFFFD800  }
0xe7: {  	[spmem:s2] =	stream.indirect.scatter.add.f32 [tilespmem:s15], [sflag:$0x7], $0x80, s8, s14, $0xb8;
	[tilespmem:$0x1F880] =	vst v63  }
0xe8: {  	s6 =	sadd.s32 $0x0, s6  }
0xe9: {  	[tilespmem:s4], [sflag:$0x1] =	stream.linear.gather [hbm4b:s6+s4], $0xC80, $0x38;
	[tilespmem:$0x1F880] =	vst v63  }
0xea: {  	_ =	swait.ge [sflag:s30], $0x2800  }
0xeb: {  	[sflag:s30] =	ssyncset.done $0x0  }
0xec: {  	[sflag:s30] =	ssyncadd.s32 $0xFFFFD800  }
0xed: {  	_ =	swait.ge [sflag:s0], $0x2800  }
0xee: {  	[sflag:s0] =	ssyncset.done $0x0  }
0xef: {  	[sflag:s0] =	ssyncadd.s32 $0xFFFFD800  }
0xf0: {  	_ =	swait.ge [sflag:s5], $0x2800  }
0xf1: {  	[sflag:s5] =	ssyncset.done $0x0  }
0xf2: {  	[sflag:s5] =	ssyncadd.s32 $0xFFFFD800  }
0xf3: {  	_ =	swait.ge [sflag:s7], $0x2800  }
0xf4: {  	s8 =	rddreg [dreg:$0x5];
	[sflag:s7] =	ssyncset.done $0x0  }
0xf5: {  	[sflag:s7] =	ssyncadd.s32 $0xFFFFD800;
	s6 =	sadd.s32 $0x0, s8  }
0xf6: {  	[tilespmem:s13], [sflag:$0x2] =	stream.linear.gather [hbm4b:s6+s4], $0xC80, $0x38;
	[tilespmem:$0x1F880] =	vst v63  }
0xf7: {  	_ =	swait.ge [sflag:s31], $0xC80  }
0xf8: {  	[sflag:s31] =	ssyncset.done $0x0  }
0xf9: {  	[sflag:s31] =	ssyncadd.s32 $0xFFFFF380  }
0xfa: {  	[tilespmem:s15], [sflag:$0x3] =	stream.indirect.gather [hbm4b:s1+s14], $0x80, s4, s14, $0xb8;
	[tilespmem:$0x1F880] =	vst v63  }
0xfb: {  	_ = 	snop  }
0xfc: {  	[tilespmem:s17], [sflag:$0x4] =	stream.indirect.gather [hbm4b:s1+s14], $0x80, s9, s14, $0xb8;
	[tilespmem:$0x1F880] =	vst v63  }
0xfd: {  	_ = 	snop  }
0xfe: {  	[tilespmem:s19], [sflag:$0x5] =	stream.indirect.gather [hbm4b:s1+s14], $0x80, s10, s14, $0xb8;
	[tilespmem:$0x1F880] =	vst v63  }
0xff: {  	s10 =	simm.s32 $0x180  }
0x100: {  	[tilespmem:s21], [sflag:$0x6] =	stream.indirect.gather [hbm4b:s1+s14], $0x80, s10, s14, $0xb8;
	[tilespmem:$0x1F880] =	vst v63  }
0x101: {  	_ =	swait.ge [sflag:s3], $0xC80  }
0x102: {  	[sflag:s3] =	ssyncset.done $0x0  }
0x103: {  	[sflag:s3] =	ssyncadd.s32 $0xFFFFF380  }
0x104: {  	_ =	swait.ge [sflag:s22], $0x2800  }
0x105: {  	[sflag:s22] =	ssyncset.done $0x0  }
0x106: {  	[sflag:s22] =	ssyncadd.s32 $0xFFFFD800  }
0x107: {  	[spmem:s2] =	stream.indirect.scatter.add.f32 [tilespmem:s15], [sflag:$0x7], $0x80, s13, s14, $0xb8;
	[tilespmem:$0x1F880] =	vst v63  }
0x108: {  	_ =	swait.ge [sflag:s23], $0x2800  }
0x109: {  	[sflag:s23] =	ssyncset.done $0x0  }
0x10a: {  	[sflag:s23] =	ssyncadd.s32 $0xFFFFD800  }
0x10b: {  	[spmem:s2] =	stream.indirect.scatter.add.f32 [tilespmem:s17], [sflag:$0x8], $0x80, s11, s14, $0xb8;
	[tilespmem:$0x1F880] =	vst v63  }
0x10c: {  	_ =	swait.ge [sflag:s25], $0x2800  }
0x10d: {  	[sflag:s25] =	ssyncset.done $0x0  }
0x10e: {  	[sflag:s25] =	ssyncadd.s32 $0xFFFFD800  }
0x10f: {  	[spmem:s2] =	stream.indirect.scatter.add.f32 [tilespmem:s19], [sflag:$0x9], $0x80, s12, s14, $0xb8;
	[tilespmem:$0x1F880] =	vst v63  }
0x110: {  	_ =	swait.ge [sflag:s28], $0x2800  }
0x111: {  	[sflag:s28] =	ssyncset.done $0x0  }
0x112: {  	[sflag:s28] =	ssyncadd.s32 $0xFFFFD800  }
0x113: {  	[spmem:s2] =	stream.indirect.scatter.add.f32 [tilespmem:s21], [sflag:$0xA], $0x80, s16, s14, $0xb8;
	[tilespmem:$0x1F880] =	vst v63  }
0x114: {  	_ =	swait.ge [sflag:s30], $0x2800  }
0x115: {  	[sflag:s30] =	ssyncset.done $0x0  }
0x116: {  	[sflag:s30] =	ssyncadd.s32 $0xFFFFD800  }
0x117: {  	[tilespmem:s15], [sflag:$0x3] =	stream.indirect.gather [hbm4b:s1+s14], $0x80, s18, s14, $0xb8;
	[tilespmem:$0x1F880] =	vst v63  }
0x118: {  	_ =	swait.ge [sflag:s0], $0x2800  }
0x119: {  	[sflag:s0] =	ssyncset.done $0x0  }
0x11a: {  	[sflag:s0] =	ssyncadd.s32 $0xFFFFD800  }
0x11b: {  	[tilespmem:s17], [sflag:$0x4] =	stream.indirect.gather [hbm4b:s1+s14], $0x80, s20, s14, $0xb8;
	[tilespmem:$0x1F880] =	vst v63  }
0x11c: {  	_ =	swait.ge [sflag:s5], $0x2800  }
0x11d: {  	[sflag:s5] =	ssyncset.done $0x0  }
0x11e: {  	[sflag:s5] =	ssyncadd.s32 $0xFFFFD800  }
0x11f: {  	[tilespmem:s19], [sflag:$0x5] =	stream.indirect.gather [hbm4b:s1+s14], $0x80, s24, s14, $0xb8;
	[tilespmem:$0x1F880] =	vst v63  }
0x120: {  	_ =	swait.ge [sflag:s7], $0x2800  }
0x121: {  	[sflag:s7] =	ssyncset.done $0x0  }
0x122: {  	[sflag:s7] =	ssyncadd.s32 $0xFFFFD800  }
0x123: {  	[tilespmem:s21], [sflag:$0x6] =	stream.indirect.gather [hbm4b:s1+s14], $0x80, s26, s14, $0xb8;
	[tilespmem:$0x1F880] =	vst v63  }
0x124: {  	_ =	swait.ge [sflag:s22], $0x2800  }
0x125: {  	[sflag:s22] =	ssyncset.done $0x0  }
0x126: {  	[sflag:s22] =	ssyncadd.s32 $0xFFFFD800  }
0x127: {  	[spmem:s2] =	stream.indirect.scatter.add.f32 [tilespmem:s15], [sflag:$0x7], $0x80, s29, s14, $0xb8;
	[tilespmem:$0x1F880] =	vst v63  }
0x128: {  	_ =	swait.ge [sflag:s23], $0x2800  }
0x129: {  	[sflag:s23] =	ssyncset.done $0x0  }
0x12a: {  	s18 =	simm.s32 $0x1280;
	[sflag:s23] =	ssyncadd.s32 $0xFFFFD800  }
0x12b: {  	[spmem:s2] =	stream.indirect.scatter.add.f32 [tilespmem:s17], [sflag:$0x8], $0x80, s18, s14, $0xb8;
	[tilespmem:$0x1F880] =	vst v63  }
0x12c: {  	_ =	swait.ge [sflag:s25], $0x2800  }
0x12d: {  	[sflag:s25] =	ssyncset.done $0x0  }
0x12e: {  	s20 =	simm.s32 $0x1300;
	[sflag:s25] =	ssyncadd.s32 $0xFFFFD800  }
0x12f: {  	[spmem:s2] =	stream.indirect.scatter.add.f32 [tilespmem:s19], [sflag:$0x9], $0x80, s20, s14, $0xb8;
	[tilespmem:$0x1F880] =	vst v63  }
0x130: {  	_ =	swait.ge [sflag:s28], $0x2800  }
0x131: {  	[sflag:s28] =	ssyncset.done $0x0  }
0x132: {  	s24 =	simm.s32 $0x1380;
	[sflag:s28] =	ssyncadd.s32 $0xFFFFD800  }
0x133: {  	[spmem:s2] =	stream.indirect.scatter.add.f32 [tilespmem:s21], [sflag:$0xA], $0x80, s24, s14, $0xb8;
	[tilespmem:$0x1F880] =	vst v63  }
0x134: {  	_ =	swait.ge [sflag:s30], $0x2800  }
0x135: {  	[sflag:s30] =	ssyncset.done $0x0  }
0x136: {  	s26 =	simm.s32 $0x400;
	[sflag:s30] =	ssyncadd.s32 $0xFFFFD800  }
0x137: {  	[tilespmem:s15], [sflag:$0x3] =	stream.indirect.gather [hbm4b:s1+s14], $0x80, s26, s14, $0xb8;
	[tilespmem:$0x1F880] =	vst v63  }
0x138: {  	_ =	swait.ge [sflag:s0], $0x2800  }
0x139: {  	[sflag:s0] =	ssyncset.done $0x0  }
0x13a: {  	s8 =	simm.s32 $0x480;
	[sflag:s0] =	ssyncadd.s32 $0xFFFFD800  }
0x13b: {  	[tilespmem:s17], [sflag:$0x4] =	stream.indirect.gather [hbm4b:s1+s14], $0x80, s8, s14, $0xb8;
	[tilespmem:$0x1F880] =	vst v63  }
0x13c: {  	_ =	swait.ge [sflag:s5], $0x2800  }
0x13d: {  	[sflag:s5] =	ssyncset.done $0x0  }
0x13e: {  	s9 =	simm.s32 $0x500;
	[sflag:s5] =	ssyncadd.s32 $0xFFFFD800  }
0x13f: {  	[tilespmem:s19], [sflag:$0x5] =	stream.indirect.gather [hbm4b:s1+s14], $0x80, s9, s14, $0xb8;
	[tilespmem:$0x1F880] =	vst v63  }
0x140: {  	_ =	swait.ge [sflag:s7], $0x2800  }
0x141: {  	[sflag:s7] =	ssyncset.done $0x0  }
0x142: {  	s10 =	simm.s32 $0x580;
	[sflag:s7] =	ssyncadd.s32 $0xFFFFD800  }
0x143: {  	[tilespmem:s21], [sflag:$0x6] =	stream.indirect.gather [hbm4b:s1+s14], $0x80, s10, s14, $0xb8;
	[tilespmem:$0x1F880] =	vst v63  }
0x144: {  	_ =	swait.ge [sflag:s22], $0x2800  }
0x145: {  	[sflag:s22] =	ssyncset.done $0x0  }
0x146: {  	s11 =	simm.s32 $0x1400;
	[sflag:s22] =	ssyncadd.s32 $0xFFFFD800  }
0x147: {  	[spmem:s2] =	stream.indirect.scatter.add.f32 [tilespmem:s15], [sflag:$0x7], $0x80, s11, s14, $0xb8;
	[tilespmem:$0x1F880] =	vst v63  }
0x148: {  	_ =	swait.ge [sflag:s23], $0x2800  }
0x149: {  	[sflag:s23] =	ssyncset.done $0x0  }
0x14a: {  	s12 =	simm.s32 $0x1480;
	[sflag:s23] =	ssyncadd.s32 $0xFFFFD800  }
0x14b: {  	[spmem:s2] =	stream.indirect.scatter.add.f32 [tilespmem:s17], [sflag:$0x8], $0x80, s12, s14, $0xb8;
	[tilespmem:$0x1F880] =	vst v63  }
0x14c: {  	_ =	swait.ge [sflag:s25], $0x2800  }
0x14d: {  	[sflag:s25] =	ssyncset.done $0x0  }
0x14e: {  	s16 =	simm.s32 $0x1500;
	[sflag:s25] =	ssyncadd.s32 $0xFFFFD800  }
0x14f: {  	[spmem:s2] =	stream.indirect.scatter.add.f32 [tilespmem:s19], [sflag:$0x9], $0x80, s16, s14, $0xb8;
	[tilespmem:$0x1F880] =	vst v63  }
0x150: {  	_ =	swait.ge [sflag:s28], $0x2800  }
0x151: {  	[sflag:s28] =	ssyncset.done $0x0  }
0x152: {  	s18 =	simm.s32 $0x1580;
	[sflag:s28] =	ssyncadd.s32 $0xFFFFD800  }
0x153: {  	[spmem:s2] =	stream.indirect.scatter.add.f32 [tilespmem:s21], [sflag:$0xA], $0x80, s18, s14, $0xb8;
	[tilespmem:$0x1F880] =	vst v63  }
0x154: {  	_ =	swait.ge [sflag:s30], $0x2800  }
0x155: {  	[sflag:s30] =	ssyncset.done $0x0  }
0x156: {  	s20 =	simm.s32 $0x600;
	[sflag:s30] =	ssyncadd.s32 $0xFFFFD800  }
0x157: {  	[tilespmem:s15], [sflag:$0x3] =	stream.indirect.gather [hbm4b:s1+s14], $0x80, s20, s14, $0xb8;
	[tilespmem:$0x1F880] =	vst v63  }
0x158: {  	_ =	swait.ge [sflag:s0], $0x2800  }
0x159: {  	[sflag:s0] =	ssyncset.done $0x0  }
0x15a: {  	s24 =	simm.s32 $0x680;
	[sflag:s0] =	ssyncadd.s32 $0xFFFFD800  }
0x15b: {  	[tilespmem:s17], [sflag:$0x4] =	stream.indirect.gather [hbm4b:s1+s14], $0x80, s24, s14, $0xb8;
	[tilespmem:$0x1F880] =	vst v63  }
0x15c: {  	_ =	swait.ge [sflag:s5], $0x2800  }
0x15d: {  	[sflag:s5] =	ssyncset.done $0x0  }
0x15e: {  	s26 =	simm.s32 $0x700;
	[sflag:s5] =	ssyncadd.s32 $0xFFFFD800  }
0x15f: {  	[tilespmem:s19], [sflag:$0x5] =	stream.indirect.gather [hbm4b:s1+s14], $0x80, s26, s14, $0xb8;
	[tilespmem:$0x1F880] =	vst v63  }
0x160: {  	_ =	swait.ge [sflag:s7], $0x2800  }
0x161: {  	[sflag:s7] =	ssyncset.done $0x0  }
0x162: {  	s8 =	simm.s32 $0x780;
	[sflag:s7] =	ssyncadd.s32 $0xFFFFD800  }
0x163: {  	[tilespmem:s21], [sflag:$0x6] =	stream.indirect.gather [hbm4b:s1+s14], $0x80, s8, s14, $0xb8;
	[tilespmem:$0x1F880] =	vst v63  }
0x164: {  	_ =	swait.ge [sflag:s22], $0x2800  }
0x165: {  	[sflag:s22] =	ssyncset.done $0x0  }
0x166: {  	s9 =	simm.s32 $0x1600;
	[sflag:s22] =	ssyncadd.s32 $0xFFFFD800  }
0x167: {  	[spmem:s2] =	stream.indirect.scatter.add.f32 [tilespmem:s15], [sflag:$0x7], $0x80, s9, s14, $0xb8;
	[tilespmem:$0x1F880] =	vst v63  }
0x168: {  	_ =	swait.ge [sflag:s23], $0x2800  }
0x169: {  	[sflag:s23] =	ssyncset.done $0x0  }
0x16a: {  	s10 =	simm.s32 $0x1680;
	[sflag:s23] =	ssyncadd.s32 $0xFFFFD800  }
0x16b: {  	[spmem:s2] =	stream.indirect.scatter.add.f32 [tilespmem:s17], [sflag:$0x8], $0x80, s10, s14, $0xb8;
	[tilespmem:$0x1F880] =	vst v63  }
0x16c: {  	_ =	swait.ge [sflag:s25], $0x2800  }
0x16d: {  	[sflag:s25] =	ssyncset.done $0x0  }
0x16e: {  	s11 =	simm.s32 $0x1700;
	[sflag:s25] =	ssyncadd.s32 $0xFFFFD800  }
0x16f: {  	[spmem:s2] =	stream.indirect.scatter.add.f32 [tilespmem:s19], [sflag:$0x9], $0x80, s11, s14, $0xb8;
	[tilespmem:$0x1F880] =	vst v63  }
0x170: {  	_ =	swait.ge [sflag:s28], $0x2800  }
0x171: {  	[sflag:s28] =	ssyncset.done $0x0  }
0x172: {  	s12 =	simm.s32 $0x1780;
	[sflag:s28] =	ssyncadd.s32 $0xFFFFD800  }
0x173: {  	[spmem:s2] =	stream.indirect.scatter.add.f32 [tilespmem:s21], [sflag:$0xA], $0x80, s12, s14, $0xb8;
	[tilespmem:$0x1F880] =	vst v63  }
0x174: {  	_ =	swait.ge [sflag:s30], $0x2800  }
0x175: {  	[sflag:s30] =	ssyncset.done $0x0  }
0x176: {  	s16 =	simm.s32 $0x800;
	[sflag:s30] =	ssyncadd.s32 $0xFFFFD800  }
0x177: {  	[tilespmem:s15], [sflag:$0x3] =	stream.indirect.gather [hbm4b:s1+s14], $0x80, s16, s14, $0xb8;
	[tilespmem:$0x1F880] =	vst v63  }
0x178: {  	_ =	swait.ge [sflag:s0], $0x2800  }
0x179: {  	[sflag:s0] =	ssyncset.done $0x0  }
0x17a: {  	s18 =	simm.s32 $0x880;
	[sflag:s0] =	ssyncadd.s32 $0xFFFFD800  }
0x17b: {  	[tilespmem:s17], [sflag:$0x4] =	stream.indirect.gather [hbm4b:s1+s14], $0x80, s18, s14, $0xb8;
	[tilespmem:$0x1F880] =	vst v63  }
0x17c: {  	_ =	swait.ge [sflag:s5], $0x2800  }
0x17d: {  	[sflag:s5] =	ssyncset.done $0x0  }
0x17e: {  	s20 =	simm.s32 $0x900;
	[sflag:s5] =	ssyncadd.s32 $0xFFFFD800  }
0x17f: {  	[tilespmem:s19], [sflag:$0x5] =	stream.indirect.gather [hbm4b:s1+s14], $0x80, s20, s14, $0xb8;
	[tilespmem:$0x1F880] =	vst v63  }
0x180: {  	_ =	swait.ge [sflag:s7], $0x2800  }
0x181: {  	[sflag:s7] =	ssyncset.done $0x0  }
0x182: {  	s24 =	simm.s32 $0x980;
	[sflag:s7] =	ssyncadd.s32 $0xFFFFD800  }
0x183: {  	[tilespmem:s21], [sflag:$0x6] =	stream.indirect.gather [hbm4b:s1+s14], $0x80, s24, s14, $0xb8;
	[tilespmem:$0x1F880] =	vst v63  }
0x184: {  	_ =	swait.ge [sflag:s22], $0x2800  }
0x185: {  	[sflag:s22] =	ssyncset.done $0x0  }
0x186: {  	s26 =	simm.s32 $0x1800;
	[sflag:s22] =	ssyncadd.s32 $0xFFFFD800  }
0x187: {  	[spmem:s2] =	stream.indirect.scatter.add.f32 [tilespmem:s15], [sflag:$0x7], $0x80, s26, s14, $0xb8;
	[tilespmem:$0x1F880] =	vst v63  }
0x188: {  	_ =	swait.ge [sflag:s23], $0x2800  }
0x189: {  	[sflag:s23] =	ssyncset.done $0x0  }
0x18a: {  	s8 =	simm.s32 $0x1880;
	[sflag:s23] =	ssyncadd.s32 $0xFFFFD800  }
0x18b: {  	[spmem:s2] =	stream.indirect.scatter.add.f32 [tilespmem:s17], [sflag:$0x8], $0x80, s8, s14, $0xb8;
	[tilespmem:$0x1F880] =	vst v63  }
0x18c: {  	_ =	swait.ge [sflag:s25], $0x2800  }
0x18d: {  	[sflag:s25] =	ssyncset.done $0x0  }
0x18e: {  	s9 =	simm.s32 $0x1900;
	[sflag:s25] =	ssyncadd.s32 $0xFFFFD800  }
0x18f: {  	[spmem:s2] =	stream.indirect.scatter.add.f32 [tilespmem:s19], [sflag:$0x9], $0x80, s9, s14, $0xb8;
	[tilespmem:$0x1F880] =	vst v63  }
0x190: {  	_ =	swait.ge [sflag:s28], $0x2800  }
0x191: {  	[sflag:s28] =	ssyncset.done $0x0  }
0x192: {  	s10 =	simm.s32 $0x1980;
	[sflag:s28] =	ssyncadd.s32 $0xFFFFD800  }
0x193: {  	[spmem:s2] =	stream.indirect.scatter.add.f32 [tilespmem:s21], [sflag:$0xA], $0x80, s10, s14, $0xb8;
	[tilespmem:$0x1F880] =	vst v63  }
0x194: {  	_ =	swait.ge [sflag:s30], $0x2800  }
0x195: {  	[sflag:s30] =	ssyncset.done $0x0  }
0x196: {  	s11 =	simm.s32 $0xA00;
	[sflag:s30] =	ssyncadd.s32 $0xFFFFD800  }
0x197: {  	[tilespmem:s15], [sflag:$0x3] =	stream.indirect.gather [hbm4b:s1+s14], $0x80, s11, s14, $0xb8;
	[tilespmem:$0x1F880] =	vst v63  }
0x198: {  	_ =	swait.ge [sflag:s0], $0x2800  }
0x199: {  	[sflag:s0] =	ssyncset.done $0x0  }
0x19a: {  	s12 =	simm.s32 $0xA80;
	[sflag:s0] =	ssyncadd.s32 $0xFFFFD800  }
0x19b: {  	[tilespmem:s17], [sflag:$0x4] =	stream.indirect.gather [hbm4b:s1+s14], $0x80, s12, s14, $0xb8;
	[tilespmem:$0x1F880] =	vst v63  }
0x19c: {  	_ =	swait.ge [sflag:s5], $0x2800  }
0x19d: {  	[sflag:s5] =	ssyncset.done $0x0  }
0x19e: {  	s16 =	simm.s32 $0xB00;
	[sflag:s5] =	ssyncadd.s32 $0xFFFFD800  }
0x19f: {  	[tilespmem:s19], [sflag:$0x5] =	stream.indirect.gather [hbm4b:s1+s14], $0x80, s16, s14, $0xb8;
	[tilespmem:$0x1F880] =	vst v63  }
0x1a0: {  	_ =	swait.ge [sflag:s7], $0x2800  }
0x1a1: {  	[sflag:s7] =	ssyncset.done $0x0  }
0x1a2: {  	s18 =	simm.s32 $0xB80;
	[sflag:s7] =	ssyncadd.s32 $0xFFFFD800  }
0x1a3: {  	[tilespmem:s21], [sflag:$0x6] =	stream.indirect.gather [hbm4b:s1+s14], $0x80, s18, s14, $0xb8;
	[tilespmem:$0x1F880] =	vst v63  }
0x1a4: {  	_ =	swait.ge [sflag:s22], $0x2800  }
0x1a5: {  	[sflag:s22] =	ssyncset.done $0x0  }
0x1a6: {  	s20 =	simm.s32 $0x1A00;
	[sflag:s22] =	ssyncadd.s32 $0xFFFFD800  }
0x1a7: {  	[spmem:s2] =	stream.indirect.scatter.add.f32 [tilespmem:s15], [sflag:$0x7], $0x80, s20, s14, $0xb8;
	[tilespmem:$0x1F880] =	vst v63  }
0x1a8: {  	_ =	swait.ge [sflag:s23], $0x2800  }
0x1a9: {  	[sflag:s23] =	ssyncset.done $0x0  }
0x1aa: {  	s24 =	simm.s32 $0x1A80;
	[sflag:s23] =	ssyncadd.s32 $0xFFFFD800  }
0x1ab: {  	[spmem:s2] =	stream.indirect.scatter.add.f32 [tilespmem:s17], [sflag:$0x8], $0x80, s24, s14, $0xb8;
	[tilespmem:$0x1F880] =	vst v63  }
0x1ac: {  	_ =	swait.ge [sflag:s25], $0x2800  }
0x1ad: {  	[sflag:s25] =	ssyncset.done $0x0  }
0x1ae: {  	s8 =	simm.s32 $0x1B00;
	[sflag:s25] =	ssyncadd.s32 $0xFFFFD800  }
0x1af: {  	[spmem:s2] =	stream.indirect.scatter.add.f32 [tilespmem:s19], [sflag:$0x9], $0x80, s8, s14, $0xb8;
	[tilespmem:$0x1F880] =	vst v63  }
0x1b0: {  	_ =	swait.ge [sflag:s28], $0x2800  }
0x1b1: {  	s6 =	simm.s32 $0x200;
	[sflag:s28] =	ssyncset.done $0x0  }
0x1b2: {  	s29 =	simm.s32 $0xB00;
	s9 =	simm.s32 $0x1B80;
	[sflag:s28] =	ssyncadd.s32 $0xFFFFD800  }
0x1b3: {  	[spmem:s2] =	stream.indirect.scatter.add.f32 [tilespmem:s21], [sflag:$0xA], $0x80, s9, s14, $0xb8;
	[tilespmem:$0x1F880] =	vst v63  }
0x1b4: {  	s26 =	simm.s32 $0xA80;
	s10 =	simm.s32 $0xC00;
	_ =	swait.ge [sflag:s30], $0x2800  }
0x1b5: {  	s11 =	simm.s32 $0xB80;
	s12 =	simm.s32 $0x1A00;
	[sflag:s30] =	ssyncset.done $0x0  }
0x1b6: {  	s16 =	simm.s32 $0x1A80;
	s18 =	simm.s32 $0x1B00;
	[sflag:s30] =	ssyncadd.s32 $0xFFFFD800  }
0x1b7: {  	[tilespmem:s15], [sflag:$0x3] =	stream.indirect.gather [hbm4b:s1+s14], $0x80, s10, s14, $0xb8;
	[tilespmem:$0x1F880] =	vst v63  }
0x1b8: {  	s20 =	simm.s32 $0x1B80;
	s24 =	simm.s32 $0xC00;
	_ =	swait.ge [sflag:s22], $0x2800  }
.LBB2_2:
0x1b9: {  	s9 =	rddreg [dreg:$0x4]  }
0x1ba: {  	[sflag:s22] =	ssyncset.done $0x0;
	s10 =	smov.u32 s6;
	s8 =	sadd.s32 $0x200, s6  }
0x1bb: {  	p1 =	sne.s32 s6, $0x600;
	s6 =	simm.s32 $0x1C00;
	[sflag:s22] =	ssyncadd.s32 $0xFFFFD800  }
0x1bc: {  	[spmem:s2] =	stream.indirect.scatter.add.f32 [tilespmem:s15], [sflag:$0x7], $0x80, s6, s14, $0xb8;
	[tilespmem:$0x1F880] =	vst v63  }
0x1bd: {  	s9 =	sadd.s32 s10, s9  }
0x1be: {  	[tilespmem:s4], [sflag:$0x1] =	stream.linear.gather [hbm4b:s9+s4], $0xC80, $0x38;
	[tilespmem:$0x1F880] =	vst v63  }
0x1bf: {  	_ =	swait.ge [sflag:s30], $0x2800  }
0x1c0: {  	[sflag:s30] =	ssyncset.done $0x0  }
0x1c1: {  	[sflag:s30] =	ssyncadd.s32 $0xFFFFD800  }
0x1c2: {  	_ =	swait.ge [sflag:s0], $0x2800  }
0x1c3: {  	[sflag:s0] =	ssyncset.done $0x0  }
0x1c4: {  	[sflag:s0] =	ssyncadd.s32 $0xFFFFD800  }
0x1c5: {  	_ =	swait.ge [sflag:s5], $0x2800  }
0x1c6: {  	[sflag:s5] =	ssyncset.done $0x0  }
0x1c7: {  	[sflag:s5] =	ssyncadd.s32 $0xFFFFD800  }
0x1c8: {  	_ =	swait.ge [sflag:s7], $0x2800  }
0x1c9: {  	s9 =	rddreg [dreg:$0x5];
	[sflag:s7] =	ssyncset.done $0x0  }
0x1ca: {  	[sflag:s7] =	ssyncadd.s32 $0xFFFFD800;
	s6 =	sadd.s32 s10, s9  }
0x1cb: {  	[tilespmem:s13], [sflag:$0x2] =	stream.linear.gather [hbm4b:s6+s4], $0xC80, $0x38;
	[tilespmem:$0x1F880] =	vst v63  }
0x1cc: {  	_ =	swait.ge [sflag:s31], $0xC80  }
0x1cd: {  	[sflag:s31] =	ssyncset.done $0x0  }
0x1ce: {  	[sflag:s31] =	ssyncadd.s32 $0xFFFFF380  }
0x1cf: {  	[tilespmem:s15], [sflag:$0x3] =	stream.indirect.gather [hbm4b:s1+s14], $0x80, s4, s14, $0xb8;
	[tilespmem:$0x1F880] =	vst v63  }
0x1d0: {  	s10 =	simm.s32 $0x80  }
0x1d1: {  	[tilespmem:s17], [sflag:$0x4] =	stream.indirect.gather [hbm4b:s1+s14], $0x80, s10, s14, $0xb8;
	[tilespmem:$0x1F880] =	vst v63  }
0x1d2: {  	s9 =	simm.s32 $0x100  }
0x1d3: {  	[tilespmem:s19], [sflag:$0x5] =	stream.indirect.gather [hbm4b:s1+s14], $0x80, s9, s14, $0xb8;
	[tilespmem:$0x1F880] =	vst v63  }
0x1d4: {  	s10 =	simm.s32 $0x180  }
0x1d5: {  	[tilespmem:s21], [sflag:$0x6] =	stream.indirect.gather [hbm4b:s1+s14], $0x80, s10, s14, $0xb8;
	[tilespmem:$0x1F880] =	vst v63  }
0x1d6: {  	_ =	swait.ge [sflag:s3], $0xC80  }
0x1d7: {  	[sflag:s3] =	ssyncset.done $0x0  }
0x1d8: {  	[sflag:s3] =	ssyncadd.s32 $0xFFFFF380  }
0x1d9: {  	_ =	swait.ge [sflag:s22], $0x2800  }
0x1da: {  	[sflag:s22] =	ssyncset.done $0x0  }
0x1db: {  	[sflag:s22] =	ssyncadd.s32 $0xFFFFD800  }
0x1dc: {  	[spmem:s2] =	stream.indirect.scatter.add.f32 [tilespmem:s15], [sflag:$0x7], $0x80, s13, s14, $0xb8;
	[tilespmem:$0x1F880] =	vst v63  }
0x1dd: {  	_ =	swait.ge [sflag:s23], $0x2800  }
0x1de: {  	[sflag:s23] =	ssyncset.done $0x0  }
0x1df: {  	s9 =	simm.s32 $0x1080;
	[sflag:s23] =	ssyncadd.s32 $0xFFFFD800  }
0x1e0: {  	[spmem:s2] =	stream.indirect.scatter.add.f32 [tilespmem:s17], [sflag:$0x8], $0x80, s9, s14, $0xb8;
	[tilespmem:$0x1F880] =	vst v63  }
0x1e1: {  	_ =	swait.ge [sflag:s25], $0x2800  }
0x1e2: {  	[sflag:s25] =	ssyncset.done $0x0  }
0x1e3: {  	s10 =	simm.s32 $0x1100;
	[sflag:s25] =	ssyncadd.s32 $0xFFFFD800  }
0x1e4: {  	[spmem:s2] =	stream.indirect.scatter.add.f32 [tilespmem:s19], [sflag:$0x9], $0x80, s10, s14, $0xb8;
	[tilespmem:$0x1F880] =	vst v63  }
0x1e5: {  	_ =	swait.ge [sflag:s28], $0x2800  }
0x1e6: {  	[sflag:s28] =	ssyncset.done $0x0  }
0x1e7: {  	s9 =	simm.s32 $0x1180;
	[sflag:s28] =	ssyncadd.s32 $0xFFFFD800  }
0x1e8: {  	[spmem:s2] =	stream.indirect.scatter.add.f32 [tilespmem:s21], [sflag:$0xA], $0x80, s9, s14, $0xb8;
	[tilespmem:$0x1F880] =	vst v63  }
0x1e9: {  	_ =	swait.ge [sflag:s30], $0x2800  }
0x1ea: {  	[sflag:s30] =	ssyncset.done $0x0  }
0x1eb: {  	s10 =	simm.s32 $0x200;
	[sflag:s30] =	ssyncadd.s32 $0xFFFFD800  }
0x1ec: {  	[tilespmem:s15], [sflag:$0x3] =	stream.indirect.gather [hbm4b:s1+s14], $0x80, s10, s14, $0xb8;
	[tilespmem:$0x1F880] =	vst v63  }
0x1ed: {  	_ =	swait.ge [sflag:s0], $0x2800  }
0x1ee: {  	[sflag:s0] =	ssyncset.done $0x0  }
0x1ef: {  	s9 =	simm.s32 $0x280;
	[sflag:s0] =	ssyncadd.s32 $0xFFFFD800  }
0x1f0: {  	[tilespmem:s17], [sflag:$0x4] =	stream.indirect.gather [hbm4b:s1+s14], $0x80, s9, s14, $0xb8;
	[tilespmem:$0x1F880] =	vst v63  }
0x1f1: {  	_ =	swait.ge [sflag:s5], $0x2800  }
0x1f2: {  	[sflag:s5] =	ssyncset.done $0x0  }
0x1f3: {  	s10 =	simm.s32 $0x300;
	[sflag:s5] =	ssyncadd.s32 $0xFFFFD800  }
0x1f4: {  	[tilespmem:s19], [sflag:$0x5] =	stream.indirect.gather [hbm4b:s1+s14], $0x80, s10, s14, $0xb8;
	[tilespmem:$0x1F880] =	vst v63  }
0x1f5: {  	_ =	swait.ge [sflag:s7], $0x2800  }
0x1f6: {  	[sflag:s7] =	ssyncset.done $0x0  }
0x1f7: {  	s9 =	simm.s32 $0x380;
	[sflag:s7] =	ssyncadd.s32 $0xFFFFD800  }
0x1f8: {  	[tilespmem:s21], [sflag:$0x6] =	stream.indirect.gather [hbm4b:s1+s14], $0x80, s9, s14, $0xb8;
	[tilespmem:$0x1F880] =	vst v63  }
0x1f9: {  	_ =	swait.ge [sflag:s22], $0x2800  }
0x1fa: {  	[sflag:s22] =	ssyncset.done $0x0  }
0x1fb: {  	s10 =	simm.s32 $0x1200;
	[sflag:s22] =	ssyncadd.s32 $0xFFFFD800  }
0x1fc: {  	[spmem:s2] =	stream.indirect.scatter.add.f32 [tilespmem:s15], [sflag:$0x7], $0x80, s10, s14, $0xb8;
	[tilespmem:$0x1F880] =	vst v63  }
0x1fd: {  	_ =	swait.ge [sflag:s23], $0x2800  }
0x1fe: {  	[sflag:s23] =	ssyncset.done $0x0  }
0x1ff: {  	s9 =	simm.s32 $0x1280;
	[sflag:s23] =	ssyncadd.s32 $0xFFFFD800  }
0x200: {  	[spmem:s2] =	stream.indirect.scatter.add.f32 [tilespmem:s17], [sflag:$0x8], $0x80, s9, s14, $0xb8;
	[tilespmem:$0x1F880] =	vst v63  }
0x201: {  	_ =	swait.ge [sflag:s25], $0x2800  }
0x202: {  	[sflag:s25] =	ssyncset.done $0x0  }
0x203: {  	s10 =	simm.s32 $0x1300;
	[sflag:s25] =	ssyncadd.s32 $0xFFFFD800  }
0x204: {  	[spmem:s2] =	stream.indirect.scatter.add.f32 [tilespmem:s19], [sflag:$0x9], $0x80, s10, s14, $0xb8;
	[tilespmem:$0x1F880] =	vst v63  }
0x205: {  	_ =	swait.ge [sflag:s28], $0x2800  }
0x206: {  	[sflag:s28] =	ssyncset.done $0x0  }
0x207: {  	s9 =	simm.s32 $0x1380;
	[sflag:s28] =	ssyncadd.s32 $0xFFFFD800  }
0x208: {  	[spmem:s2] =	stream.indirect.scatter.add.f32 [tilespmem:s21], [sflag:$0xA], $0x80, s9, s14, $0xb8;
	[tilespmem:$0x1F880] =	vst v63  }
0x209: {  	_ =	swait.ge [sflag:s30], $0x2800  }
0x20a: {  	[sflag:s30] =	ssyncset.done $0x0  }
0x20b: {  	s10 =	simm.s32 $0x400;
	[sflag:s30] =	ssyncadd.s32 $0xFFFFD800  }
0x20c: {  	[tilespmem:s15], [sflag:$0x3] =	stream.indirect.gather [hbm4b:s1+s14], $0x80, s10, s14, $0xb8;
	[tilespmem:$0x1F880] =	vst v63  }
0x20d: {  	_ =	swait.ge [sflag:s0], $0x2800  }
0x20e: {  	[sflag:s0] =	ssyncset.done $0x0  }
0x20f: {  	s9 =	simm.s32 $0x480;
	[sflag:s0] =	ssyncadd.s32 $0xFFFFD800  }
0x210: {  	[tilespmem:s17], [sflag:$0x4] =	stream.indirect.gather [hbm4b:s1+s14], $0x80, s9, s14, $0xb8;
	[tilespmem:$0x1F880] =	vst v63  }
0x211: {  	_ =	swait.ge [sflag:s5], $0x2800  }
0x212: {  	[sflag:s5] =	ssyncset.done $0x0  }
0x213: {  	s10 =	simm.s32 $0x500;
	[sflag:s5] =	ssyncadd.s32 $0xFFFFD800  }
0x214: {  	[tilespmem:s19], [sflag:$0x5] =	stream.indirect.gather [hbm4b:s1+s14], $0x80, s10, s14, $0xb8;
	[tilespmem:$0x1F880] =	vst v63  }
0x215: {  	_ =	swait.ge [sflag:s7], $0x2800  }
0x216: {  	[sflag:s7] =	ssyncset.done $0x0  }
0x217: {  	s9 =	simm.s32 $0x580;
	[sflag:s7] =	ssyncadd.s32 $0xFFFFD800  }
0x218: {  	[tilespmem:s21], [sflag:$0x6] =	stream.indirect.gather [hbm4b:s1+s14], $0x80, s9, s14, $0xb8;
	[tilespmem:$0x1F880] =	vst v63  }
0x219: {  	_ =	swait.ge [sflag:s22], $0x2800  }
0x21a: {  	[sflag:s22] =	ssyncset.done $0x0  }
0x21b: {  	s10 =	simm.s32 $0x1400;
	[sflag:s22] =	ssyncadd.s32 $0xFFFFD800  }
0x21c: {  	[spmem:s2] =	stream.indirect.scatter.add.f32 [tilespmem:s15], [sflag:$0x7], $0x80, s10, s14, $0xb8;
	[tilespmem:$0x1F880] =	vst v63  }
0x21d: {  	_ =	swait.ge [sflag:s23], $0x2800  }
0x21e: {  	[sflag:s23] =	ssyncset.done $0x0  }
0x21f: {  	s9 =	simm.s32 $0x1480;
	[sflag:s23] =	ssyncadd.s32 $0xFFFFD800  }
0x220: {  	[spmem:s2] =	stream.indirect.scatter.add.f32 [tilespmem:s17], [sflag:$0x8], $0x80, s9, s14, $0xb8;
	[tilespmem:$0x1F880] =	vst v63  }
0x221: {  	_ =	swait.ge [sflag:s25], $0x2800  }
0x222: {  	[sflag:s25] =	ssyncset.done $0x0  }
0x223: {  	s10 =	simm.s32 $0x1500;
	[sflag:s25] =	ssyncadd.s32 $0xFFFFD800  }
0x224: {  	[spmem:s2] =	stream.indirect.scatter.add.f32 [tilespmem:s19], [sflag:$0x9], $0x80, s10, s14, $0xb8;
	[tilespmem:$0x1F880] =	vst v63  }
0x225: {  	_ =	swait.ge [sflag:s28], $0x2800  }
0x226: {  	[sflag:s28] =	ssyncset.done $0x0  }
0x227: {  	s9 =	simm.s32 $0x1580;
	[sflag:s28] =	ssyncadd.s32 $0xFFFFD800  }
0x228: {  	[spmem:s2] =	stream.indirect.scatter.add.f32 [tilespmem:s21], [sflag:$0xA], $0x80, s9, s14, $0xb8;
	[tilespmem:$0x1F880] =	vst v63  }
0x229: {  	_ =	swait.ge [sflag:s30], $0x2800  }
0x22a: {  	[sflag:s30] =	ssyncset.done $0x0  }
0x22b: {  	s10 =	simm.s32 $0x600;
	[sflag:s30] =	ssyncadd.s32 $0xFFFFD800  }
0x22c: {  	[tilespmem:s15], [sflag:$0x3] =	stream.indirect.gather [hbm4b:s1+s14], $0x80, s10, s14, $0xb8;
	[tilespmem:$0x1F880] =	vst v63  }
0x22d: {  	_ =	swait.ge [sflag:s0], $0x2800  }
0x22e: {  	[sflag:s0] =	ssyncset.done $0x0  }
0x22f: {  	s9 =	simm.s32 $0x680;
	[sflag:s0] =	ssyncadd.s32 $0xFFFFD800  }
0x230: {  	[tilespmem:s17], [sflag:$0x4] =	stream.indirect.gather [hbm4b:s1+s14], $0x80, s9, s14, $0xb8;
	[tilespmem:$0x1F880] =	vst v63  }
0x231: {  	_ =	swait.ge [sflag:s5], $0x2800  }
0x232: {  	[sflag:s5] =	ssyncset.done $0x0  }
0x233: {  	s10 =	simm.s32 $0x700;
	[sflag:s5] =	ssyncadd.s32 $0xFFFFD800  }
0x234: {  	[tilespmem:s19], [sflag:$0x5] =	stream.indirect.gather [hbm4b:s1+s14], $0x80, s10, s14, $0xb8;
	[tilespmem:$0x1F880] =	vst v63  }
0x235: {  	_ =	swait.ge [sflag:s7], $0x2800  }
0x236: {  	[sflag:s7] =	ssyncset.done $0x0  }
0x237: {  	s9 =	simm.s32 $0x780;
	[sflag:s7] =	ssyncadd.s32 $0xFFFFD800  }
0x238: {  	[tilespmem:s21], [sflag:$0x6] =	stream.indirect.gather [hbm4b:s1+s14], $0x80, s9, s14, $0xb8;
	[tilespmem:$0x1F880] =	vst v63  }
0x239: {  	_ =	swait.ge [sflag:s22], $0x2800  }
0x23a: {  	[sflag:s22] =	ssyncset.done $0x0  }
0x23b: {  	s10 =	simm.s32 $0x1600;
	[sflag:s22] =	ssyncadd.s32 $0xFFFFD800  }
0x23c: {  	[spmem:s2] =	stream.indirect.scatter.add.f32 [tilespmem:s15], [sflag:$0x7], $0x80, s10, s14, $0xb8;
	[tilespmem:$0x1F880] =	vst v63  }
0x23d: {  	_ =	swait.ge [sflag:s23], $0x2800  }
0x23e: {  	[sflag:s23] =	ssyncset.done $0x0  }
0x23f: {  	s9 =	simm.s32 $0x1680;
	[sflag:s23] =	ssyncadd.s32 $0xFFFFD800  }
0x240: {  	[spmem:s2] =	stream.indirect.scatter.add.f32 [tilespmem:s17], [sflag:$0x8], $0x80, s9, s14, $0xb8;
	[tilespmem:$0x1F880] =	vst v63  }
0x241: {  	_ =	swait.ge [sflag:s25], $0x2800  }
0x242: {  	[sflag:s25] =	ssyncset.done $0x0  }
0x243: {  	s10 =	simm.s32 $0x1700;
	[sflag:s25] =	ssyncadd.s32 $0xFFFFD800  }
0x244: {  	[spmem:s2] =	stream.indirect.scatter.add.f32 [tilespmem:s19], [sflag:$0x9], $0x80, s10, s14, $0xb8;
	[tilespmem:$0x1F880] =	vst v63  }
0x245: {  	_ =	swait.ge [sflag:s28], $0x2800  }
0x246: {  	[sflag:s28] =	ssyncset.done $0x0  }
0x247: {  	s9 =	simm.s32 $0x1780;
	[sflag:s28] =	ssyncadd.s32 $0xFFFFD800  }
0x248: {  	[spmem:s2] =	stream.indirect.scatter.add.f32 [tilespmem:s21], [sflag:$0xA], $0x80, s9, s14, $0xb8;
	[tilespmem:$0x1F880] =	vst v63  }
0x249: {  	_ =	swait.ge [sflag:s30], $0x2800  }
0x24a: {  	[sflag:s30] =	ssyncset.done $0x0  }
0x24b: {  	s10 =	simm.s32 $0x800;
	[sflag:s30] =	ssyncadd.s32 $0xFFFFD800  }
0x24c: {  	[tilespmem:s15], [sflag:$0x3] =	stream.indirect.gather [hbm4b:s1+s14], $0x80, s10, s14, $0xb8;
	[tilespmem:$0x1F880] =	vst v63  }
0x24d: {  	_ =	swait.ge [sflag:s0], $0x2800  }
0x24e: {  	[sflag:s0] =	ssyncset.done $0x0  }
0x24f: {  	s9 =	simm.s32 $0x880;
	[sflag:s0] =	ssyncadd.s32 $0xFFFFD800  }
0x250: {  	[tilespmem:s17], [sflag:$0x4] =	stream.indirect.gather [hbm4b:s1+s14], $0x80, s9, s14, $0xb8;
	[tilespmem:$0x1F880] =	vst v63  }
0x251: {  	_ =	swait.ge [sflag:s5], $0x2800  }
0x252: {  	[sflag:s5] =	ssyncset.done $0x0  }
0x253: {  	s10 =	simm.s32 $0x900;
	[sflag:s5] =	ssyncadd.s32 $0xFFFFD800  }
0x254: {  	[tilespmem:s19], [sflag:$0x5] =	stream.indirect.gather [hbm4b:s1+s14], $0x80, s10, s14, $0xb8;
	[tilespmem:$0x1F880] =	vst v63  }
0x255: {  	_ =	swait.ge [sflag:s7], $0x2800  }
0x256: {  	[sflag:s7] =	ssyncset.done $0x0  }
0x257: {  	s9 =	simm.s32 $0x980;
	[sflag:s7] =	ssyncadd.s32 $0xFFFFD800  }
0x258: {  	[tilespmem:s21], [sflag:$0x6] =	stream.indirect.gather [hbm4b:s1+s14], $0x80, s9, s14, $0xb8;
	[tilespmem:$0x1F880] =	vst v63  }
0x259: {  	_ =	swait.ge [sflag:s22], $0x2800  }
0x25a: {  	[sflag:s22] =	ssyncset.done $0x0  }
0x25b: {  	s10 =	simm.s32 $0x1800;
	[sflag:s22] =	ssyncadd.s32 $0xFFFFD800  }
0x25c: {  	[spmem:s2] =	stream.indirect.scatter.add.f32 [tilespmem:s15], [sflag:$0x7], $0x80, s10, s14, $0xb8;
	[tilespmem:$0x1F880] =	vst v63  }
0x25d: {  	_ =	swait.ge [sflag:s23], $0x2800  }
0x25e: {  	[sflag:s23] =	ssyncset.done $0x0  }
0x25f: {  	s9 =	simm.s32 $0x1880;
	[sflag:s23] =	ssyncadd.s32 $0xFFFFD800  }
0x260: {  	[spmem:s2] =	stream.indirect.scatter.add.f32 [tilespmem:s17], [sflag:$0x8], $0x80, s9, s14, $0xb8;
	[tilespmem:$0x1F880] =	vst v63  }
0x261: {  	_ =	swait.ge [sflag:s25], $0x2800  }
0x262: {  	[sflag:s25] =	ssyncset.done $0x0  }
0x263: {  	s10 =	simm.s32 $0x1900;
	[sflag:s25] =	ssyncadd.s32 $0xFFFFD800  }
0x264: {  	[spmem:s2] =	stream.indirect.scatter.add.f32 [tilespmem:s19], [sflag:$0x9], $0x80, s10, s14, $0xb8;
	[tilespmem:$0x1F880] =	vst v63  }
0x265: {  	_ =	swait.ge [sflag:s28], $0x2800  }
0x266: {  	[sflag:s28] =	ssyncset.done $0x0  }
0x267: {  	s9 =	simm.s32 $0x1980;
	[sflag:s28] =	ssyncadd.s32 $0xFFFFD800  }
0x268: {  	[spmem:s2] =	stream.indirect.scatter.add.f32 [tilespmem:s21], [sflag:$0xA], $0x80, s9, s14, $0xb8;
	[tilespmem:$0x1F880] =	vst v63  }
0x269: {  	_ =	swait.ge [sflag:s30], $0x2800  }
0x26a: {  	[sflag:s30] =	ssyncset.done $0x0  }
0x26b: {  	s10 =	simm.s32 $0xA00;
	[sflag:s30] =	ssyncadd.s32 $0xFFFFD800  }
0x26c: {  	[tilespmem:s15], [sflag:$0x3] =	stream.indirect.gather [hbm4b:s1+s14], $0x80, s10, s14, $0xb8;
	[tilespmem:$0x1F880] =	vst v63  }
0x26d: {  	_ =	swait.ge [sflag:s0], $0x2800  }
0x26e: {  	[sflag:s0] =	ssyncset.done $0x0  }
0x26f: {  	[sflag:s0] =	ssyncadd.s32 $0xFFFFD800  }
0x270: {  	[tilespmem:s17], [sflag:$0x4] =	stream.indirect.gather [hbm4b:s1+s14], $0x80, s26, s14, $0xb8;
	[tilespmem:$0x1F880] =	vst v63  }
0x271: {  	_ =	swait.ge [sflag:s5], $0x2800  }
0x272: {  	[sflag:s5] =	ssyncset.done $0x0  }
0x273: {  	[sflag:s5] =	ssyncadd.s32 $0xFFFFD800  }
0x274: {  	[tilespmem:s19], [sflag:$0x5] =	stream.indirect.gather [hbm4b:s1+s14], $0x80, s29, s14, $0xb8;
	[tilespmem:$0x1F880] =	vst v63  }
0x275: {  	_ =	swait.ge [sflag:s7], $0x2800  }
0x276: {  	[sflag:s7] =	ssyncset.done $0x0  }
0x277: {  	[sflag:s7] =	ssyncadd.s32 $0xFFFFD800  }
0x278: {  	[tilespmem:s21], [sflag:$0x6] =	stream.indirect.gather [hbm4b:s1+s14], $0x80, s11, s14, $0xb8;
	[tilespmem:$0x1F880] =	vst v63  }
0x279: {  	_ =	swait.ge [sflag:s22], $0x2800  }
0x27a: {  	[sflag:s22] =	ssyncset.done $0x0  }
0x27b: {  	[sflag:s22] =	ssyncadd.s32 $0xFFFFD800  }
0x27c: {  	[spmem:s2] =	stream.indirect.scatter.add.f32 [tilespmem:s15], [sflag:$0x7], $0x80, s12, s14, $0xb8;
	[tilespmem:$0x1F880] =	vst v63  }
0x27d: {  	_ =	swait.ge [sflag:s23], $0x2800  }
0x27e: {  	[sflag:s23] =	ssyncset.done $0x0  }
0x27f: {  	[sflag:s23] =	ssyncadd.s32 $0xFFFFD800  }
0x280: {  	[spmem:s2] =	stream.indirect.scatter.add.f32 [tilespmem:s17], [sflag:$0x8], $0x80, s16, s14, $0xb8;
	[tilespmem:$0x1F880] =	vst v63  }
0x281: {  	_ =	swait.ge [sflag:s25], $0x2800  }
0x282: {  	[sflag:s25] =	ssyncset.done $0x0  }
0x283: {  	[sflag:s25] =	ssyncadd.s32 $0xFFFFD800  }
0x284: {  	[spmem:s2] =	stream.indirect.scatter.add.f32 [tilespmem:s19], [sflag:$0x9], $0x80, s18, s14, $0xb8;
	[tilespmem:$0x1F880] =	vst v63  }
0x285: {  	_ =	swait.ge [sflag:s28], $0x2800  }
0x286: {  	[sflag:s28] =	ssyncset.done $0x0  }
0x287: {  	[sflag:s28] =	ssyncadd.s32 $0xFFFFD800  }
0x288: {  	[spmem:s2] =	stream.indirect.scatter.add.f32 [tilespmem:s21], [sflag:$0xA], $0x80, s20, s14, $0xb8;
	[tilespmem:$0x1F880] =	vst v63  }
.Ltmp0:
0x289: {  	_ =	swait.ge [sflag:s30], $0x2800;
	(pc) =	sbr.rel @p1 .LBB2_2-.Ltmp0, $4  }
0x28a: {  	[sflag:s30] =	ssyncset.done $0x0  }
0x28b: {  	[sflag:s30] =	ssyncadd.s32 $0xFFFFD800  }
0x28c: {  	[tilespmem:s15], [sflag:$0x3] =	stream.indirect.gather [hbm4b:s1+s14], $0x80, s24, s14, $0xb8;
	[tilespmem:$0x1F880] =	vst v63  }
0x28d: {  	s6 =	smov.u32 s8;
	_ =	swait.ge [sflag:s22], $0x2800  }
0x28e: {  	[sflag:s22] =	ssyncset.done $0x0  }
0x28f: {  	s6 =	simm.s32 $0x1C00;
	[sflag:s22] =	ssyncadd.s32 $0xFFFFD800  }
0x290: {  	[spmem:s2] =	stream.indirect.scatter.add.f32 [tilespmem:s15], [sflag:$0x7], $0x80, s6, s14, $0xb8;
	[tilespmem:$0x1F880] =	vst v63  }
0x291: {  	_ =	swait.ge [sflag:s30], $0x2800  }
0x292: {  	[sflag:s30] =	ssyncset.done $0x0  }
0x293: {  	[sflag:s30] =	ssyncadd.s32 $0xFFFFD800  }
0x294: {  	_ =	swait.ge [sflag:s0], $0x2800  }
0x295: {  	[sflag:s0] =	ssyncset.done $0x0  }
0x296: {  	[sflag:s0] =	ssyncadd.s32 $0xFFFFD800  }
0x297: {  	_ =	swait.ge [sflag:s5], $0x2800  }
0x298: {  	[sflag:s5] =	ssyncset.done $0x0  }
0x299: {  	[sflag:s5] =	ssyncadd.s32 $0xFFFFD800  }
0x29a: {  	_ =	swait.ge [sflag:s7], $0x2800  }
0x29b: {  	[sflag:s7] =	ssyncset.done $0x0  }
0x29c: {  	[sflag:s7] =	ssyncadd.s32 $0xFFFFD800  }
0x29d: {  	[bflag:$0x0] =	sbarrier.arrive $0xFFFF  }
0x29e: {  	s6 =	rddreg [dreg:$0x9]  }
0x29f: {  	s9 =	rddreg [dreg:$0xb]  }
0x2a0: {  	s10 =	rddreg [dreg:$0xc]  }
0x2a1: {  	[hbm:s6], [sflag:s9] =	dma.local @!p0 [spmem:s10], $0x3E80  }
0x2a2: {  	s6 =	simm.s32 @!p0 $0xB  }
0x2a3: {  	_ =	swait.ge @!p0 [sflag:s6], $0x3E80  }
0x2a4: {  	s11 =	rddreg [dreg:$0xd]  }
0x2a5: {  	s8 =	rddreg [dreg:$0xa];
	s11 =	sadd.s32 $0x1, s11  }
0x2a6: {  	p1 =	sne.s32 s11, s8  }
.Ltmp1:
0x2a7: {  	_ = 	snop;
	(pc) =	sbr.rel @p1 .LBB2_1-.Ltmp1, $3  }
0x2a8: {  	_ =	sdelay $0x1  }
0x2a9: {  	[sflag:s6] =	ssyncset.done @!p0 $0x0  }
0x2aa: {  	[sflag:s6] =	ssyncadd.s32 @!p0 $0xFFFFC180  }
0x2ab: {  	_ =	sfence.sel $0x180000  }
0x2ac: {  	[bflag:$0x0] =	sbarrier.arrive $0xFFFF  }
0x2ad: {  	_ =	strace $0x9000004D  }
0x2ae: {  	s0 =	stileid.u32;
	[bflag:$0x2] =	sbarrier.arrive $0xFFFF  }
0x2af: {  	p0 =	sne.s32 s0, $0x0;
	s0 =	rddreg [dreg:$0x3]  }
0x2b0: {  	s0 =	sadd.s32 @!p0 $0x100000, s0  }
0x2b1: {  	[sflag:s0] =	ssyncadd.tile.s32 @!p0 $0x1;
	_ =	shalt  }
.Lfunc_end2:
_tile_overlayer_lowered:
.L_overlay_start_2:
0x2b2: {  	(tag) =	ssettag $0x2  }
0x2b3: {  	s0 =	rddreg [dreg:$0x0];
	s2 =	stileid.u32  }
0x2b4: {  	s1 =	rddreg [dreg:$0x1];
	p0 =	sne.s32 s2, $0x0  }
0x2b5: {  	s3 =	rddreg [dreg:$0x2];
	[bflag:$0x3] =	sbarrier.arrive $0xFFFF;
	s2 =	simm.s32 @!p0 $0x1C0B  }
0x2b6: {  	[timem:s3], [sflag:s2] =	dma.local @!p0 [hbm:s0], s1  }
0x2b7: {  	s0 =	simm.s32 @!p0 $0xB  }
0x2b8: {  	_ =	swait.ge @!p0 [sflag:s0], s1  }
0x2b9: {  	s1 =	ssub.s32 @!p0 $0x0, s1;
	[sflag:s0] =	ssyncset.done @!p0 $0x0  }
0x2ba: {  	[sflag:s0] =	ssyncadd.s32 @!p0 s1  }
0x2bb: {  	[bflag:$0x3] =	sbarrier.arrive $0xFFFF  }
0x2bc: {  	_ =	shalt  }

// kernel: kernel.8.cloned.1.call-start
scs
__scs_entry_jumppad:
0x0: {  	(pc) =	sbr.rel $0x88, $3  }
0x1: {  	(tag) =	ssettag $0x0;
	lr =	simm.s32 $0x1  }
0x2: {  	[smem:$0x3F9B] =	sst lr;
	_ =	strace $0xD0000000  }
0x3: {  	_ = 	snop  }
0x4: {  	_ = 	snop  }
0x5: {  	_ = 	snop  }
0x6: {  	_ = 	snop  }
0x7: {  	_ = 	snop  }
__scs_overlays_trampoline_lowered:
0x8: {  	[smem:$0x3FAA] =	sst s0  }
0x9: {  	[smem:$0x3FAB] =	sst s1  }
0xa: {  	[smem:$0x3FAC] =	sst s2  }
0xb: {  	[smem:$0x3FAD] =	sst s3  }
0xc: {  	[smem:$0x3FAE] =	sst s4  }
0xd: {  	[smem:$0x3FAF] =	sst s5  }
0xe: {  	[smem:$0x3FB0] =	sst s6  }
0xf: {  	[smem:$0x3FB1] =	sst s7  }
0x10: {  	[smem:$0x3FB2] =	sst s8  }
0x11: {  	[smem:$0x3FB3] =	sst s9;
	s0 =	simm.s32 @!p0 $0x0  }
0x12: {  	s1 =	sld [smem:$0x3F99];
	s0 =	simm.s32 @p0 $0x1  }
0x13: {  	[smem:$0x3FB4] =	sst s0;
	s0 =	simm.s32 @!p1 $0x0  }
0x14: {  	s2 =	sld [smem:$0x3F98];
	s0 =	simm.s32 @p1 $0x1  }
0x15: {  	[smem:$0x3FB5] =	sst s0;
	s0 =	simm.s32 @!p2 $0x0  }
0x16: {  	s3 =	sld [smem:$0x3FDB];
	s0 =	simm.s32 @p2 $0x1  }
0x17: {  	s4 =	simm.s32 $0x1BF5;
	[smem:$0x3FB7] =	sst s0  }
0x18: {  	s0 =	sld [smem:$0x3F9A];
	_ =	swait.ge [sflag:s4], $0x0  }
0x19: {  	s7 =	sld [smem:$0x3F9B]  }
0x1a: {  	s8 =	sadd.s32 $0xFFFFE003, lr  }
0x1b: {  	s9 =	sadd.s32 $0xFFFFFEF7, lr;
	s5 =	simm.s32 $0xFFFFFFFF;
	p2 =	slt.u32 s8, $0xFFFFF086  }
0x1c: {  	p1 =	slt.u32 s9, $0xF7A;
	s5 =	simm.s32 @!p2 $0x0  }
0x1d: {  	s5 =	simm.s32 @p1 $0x1;
	p0 =	seq.s32 s7, s2  }
0x1e: {  	s7 =	smul.u32 @!p0 $0xF7A, s2;
	p2 =	seq.s32 @!p0 s5, $0x0  }
0x1f: {  	s9 =	smul.u32 $0xF7A, s1;
	s8 =	simm.s32 @!p0 $0x1BF5;
	p2 =	por !p2, p0  }
0x20: {  	[sflag:s8] =	ssyncset.s32 @!p0 $0xFFFFF086;
	s6 =	sadd.s32 @!p0 s3, s7;
	s7 =	simm.s32 @!p0 $0x108  }
0x21: {  	s3 =	sadd.s32 s3, s9;
	s6 =	sadd.s32 @!p0 $0x88, s6;
	s7 =	simm.s32 @p2 $0x1082  }
0x22: {  	[simem:s7], [sflag:s8] =	dma.local @!p0 [hbm:s6], $0xF7A  }
0x23: {  	s9 =	sor.u32 $0xD0000000, s2;
	s6 =	simm.s32 $0x108;
	_ =	swait.ge @!p0 [sflag:s8], $0x0  }
0x24: {  	s3 =	sadd.s32 $0x88, s3;
	s6 =	simm.s32 @!p1 $0x1082;
	[sflag:s4] =	ssyncset.s32 $0xFFFFF086  }
0x25: {  	[simem:s6], [sflag:s4] =	dma.local [hbm:s3], $0xF7A  }
0x26: {  	[smem:$0x3F9B] =	sst s1;
	(tag) =	ssettag s2;
	_ =	strace s9  }
0x27: {  	s1 =	sld [smem:$0x3FAB]  }
0x28: {  	s2 =	sld [smem:$0x3FAC]  }
0x29: {  	s4 =	sld [smem:$0x3FAE]  }
0x2a: {  	p0 =	seq.s32 s5, $0x0;
	s5 =	sld [smem:$0x3FAF]  }
0x2b: {  	s6 =	sld [smem:$0x3FB0]  }
0x2c: {  	s7 =	sld [smem:$0x3FB1]  }
0x2d: {  	s3 =	simm.s32 $0x108;
	s8 =	sld [smem:$0x3FB2]  }
0x2e: {  	s3 =	simm.s32 @!p0 $0x1082;
	s9 =	sld [smem:$0x3FB3]  }
0x2f: {  	lr =	sadd.s32 s0, s3;
	s0 =	sld [smem:$0x3FAA]  }
0x30: {  	s3 =	sld [smem:$0x3FAD]  }
0x31: {  	[smem:$0x3FB6] =	sst s10  }
0x32: {  	s10 =	sld [smem:$0x3FB4];
	_ =	sdelay $0x3  }
0x33: {  	p0 =	seq.s32 s10, $0x1;
	s10 =	sld [smem:$0x3FB6];
	_ =	sdelay $0x3  }
0x34: {  	[smem:$0x3FB6] =	sst s10  }
0x35: {  	s10 =	sld [smem:$0x3FB5];
	_ =	sdelay $0x3  }
0x36: {  	p1 =	seq.s32 s10, $0x1;
	s10 =	sld [smem:$0x3FB6];
	_ =	sdelay $0x3  }
0x37: {  	[smem:$0x3FB6] =	sst s10  }
0x38: {  	s10 =	sld [smem:$0x3FB7]  }
0x39: {  	_ = 	snop;
	(pc) =	sbr.ind lr, $3  }
0x3a: {  	_ = 	snop  }
0x3b: {  	_ = 	snop  }
0x3c: {  	p2 =	seq.s32 s10, $0x1;
	s10 =	sld [smem:$0x3FB6]  }
0x3d: {  	_ =	shalt  }
0x3e: {  	_ =	shalt  }
0x3f: {  	_ =	shalt  }
0x40: {  	_ =	shalt  }
0x41: {  	_ =	shalt  }
0x42: {  	_ =	shalt  }
0x43: {  	_ =	shalt  }
0x44: {  	_ =	shalt  }
0x45: {  	_ =	shalt  }
0x46: {  	_ =	shalt  }
0x47: {  	_ =	shalt  }
0x48: {  	_ =	shalt  }
0x49: {  	_ =	shalt  }
0x4a: {  	_ =	shalt  }
0x4b: {  	_ =	shalt  }
0x4c: {  	_ =	shalt  }
0x4d: {  	_ =	shalt  }
0x4e: {  	_ =	shalt  }
0x4f: {  	_ =	shalt  }
0x50: {  	_ =	shalt  }
0x51: {  	_ =	shalt  }
0x52: {  	_ =	shalt  }
0x53: {  	_ =	shalt  }
0x54: {  	_ =	shalt  }
0x55: {  	_ =	shalt  }
0x56: {  	_ =	shalt  }
0x57: {  	_ =	shalt  }
0x58: {  	_ =	shalt  }
0x59: {  	_ =	shalt  }
0x5a: {  	_ =	shalt  }
0x5b: {  	_ =	shalt  }
0x5c: {  	_ =	shalt  }
0x5d: {  	_ =	shalt  }
0x5e: {  	_ =	shalt  }
0x5f: {  	_ =	shalt  }
0x60: {  	_ =	shalt  }
0x61: {  	_ =	shalt  }
0x62: {  	_ =	shalt  }
0x63: {  	_ =	shalt  }
0x64: {  	_ =	shalt  }
0x65: {  	_ =	shalt  }
0x66: {  	_ =	shalt  }
0x67: {  	_ =	shalt  }
0x68: {  	_ =	shalt  }
0x69: {  	_ =	shalt  }
0x6a: {  	_ =	shalt  }
0x6b: {  	_ =	shalt  }
0x6c: {  	_ =	shalt  }
0x6d: {  	_ =	shalt  }
0x6e: {  	_ =	shalt  }
0x6f: {  	_ =	shalt  }
0x70: {  	_ =	shalt  }
0x71: {  	_ =	shalt  }
0x72: {  	_ =	shalt  }
0x73: {  	_ =	shalt  }
0x74: {  	_ =	shalt  }
0x75: {  	_ =	shalt  }
0x76: {  	_ =	shalt  }
0x77: {  	_ =	shalt  }
0x78: {  	_ =	shalt  }
0x79: {  	_ =	shalt  }
0x7a: {  	_ =	shalt  }
0x7b: {  	_ =	shalt  }
0x7c: {  	_ =	shalt  }
0x7d: {  	_ =	shalt  }
0x7e: {  	_ =	shalt  }
0x7f: {  	_ =	shalt  }
0x80: {  	_ =	shalt  }
0x81: {  	_ =	shalt  }
0x82: {  	_ =	shalt  }
0x83: {  	_ =	shalt  }
0x84: {  	_ =	shalt  }
0x85: {  	_ =	shalt  }
0x86: {  	_ =	shalt  }
0x87: {  	_ =	shalt  }
.Lfunc_end0:
.L_simem_size_0:
called_computation_lowered:
.L_overlay_start_0:
0x88: {  	s2 =	sld [smem:$0x3FD9]  }
0x89: {  	s3 =	sld [smem:$0x3FFE];
	_ =	sdelay $0x1  }
0x8a: {  	s1 =	srdreg.scid  }
0x8b: {  	s0 =	sand.u32 $0x1, s1  }
0x8c: {  	s17 =	sshll.u32 s0, $0xA;
	s2 =	sadd.s32 s3, s2  }
0x8d: {  	s2 =	sadd.s32 s2, s17  }
0x8e: {  	[smem:$0x3FC2] =	sst s2  }
0x8f: {  	_ = 	snop  }
0x90: {  	s2 =	sld [smem:$0x3FD0];
	(tm) =	ssettm $0x1  }
0x91: {  	s18 =	sld [smem:$0x3FFB];
	_ =	sdelay $0x3  }
0x92: {  	_ =	strace s18  }
0x93: {  	s3 =	sld [smem:$0x3FFC];
	_ =	sdelay $0x3  }
0x94: {  	_ =	strace s3  }
0x95: {  	s3 =	sld [smem:$0x3FFD];
	_ =	sdelay $0x3  }
0x96: {  	_ =	strace s3  }
0x97: {  	_ =	strace $0x8FFFFFFF  }
0x98: {  	s19 =	sld [smem:$0x3FDB];
	_ =	sdelay $0x1  }
0x99: {  	s4 =	simm.s32 $_scs_section_size  }
0x9a: {  	s5 =	simm.s32 $_size__tile_overlayer_lowered;
	s6 =	simm.s32 $_tile_overlayer_lowered  }
0x9b: {  	s22 =	simm.s32 $0x1BFF;
	s21 =	sshll.u32 s6, $0x1;
	s3 =	sadd.s32 s4, s19  }
0x9c: {  	s7 =	simm.s32 $0x0;
	s20 =	sshll.u32 s5, $0x1;
	s5 =	sadd.s32 s21, s3  }
0x9d: {  	[timem:s7], [sflag:s22] =	dma.local [hbm:s5], s20  }
0x9e: {  	_ =	swait.ge [sflag:s22], s20  }
0x9f: {  	s4 =	ssub.s32 $0x0, s20;
	[sflag:s22] =	ssyncset.done $0x0  }
0xa0: {  	[sflag:s22] =	ssyncadd.s32 s4;
	_ =	sdelay $0x1  }
0xa1: {  	s23 =	simm.s32 $0x1B8B  }
0xa2: {  	_ =	swait.ge [sflag:s23], $0x1  }
0xa3: {  	[sflag:s23] =	ssyncset.done $0x0  }
0xa4: {  	s25 =	simm.s32 $0x1B8E;
	s24 =	sld [smem:$0x3FFE];
	[sflag:s23] =	ssyncadd.s32 $0xFFFFFFFF  }
0xa5: {  	s26 =	simm.s32 $execute0_lowered;
	[smem:$0x3FD2] =	sst s25  }
0xa6: {  	s5 =	sshll.u32 s26, $0x1;
	_ =	strace $0x80000046;
	[dreg:$0x1] =	wrdreg $0xFFFFFFFF  }
0xa7: {  	s28 =	simm.s32 $_size_execute0_lowered;
	s3 =	sadd.s32 s3, s5;
	[dreg:$0x0] =	wrdreg $0x0  }
0xa8: {  	s5 =	sshll.u32 s28, $0x1;
	[dreg:$0x2] =	wrdreg s3  }
0xa9: {  	[dreg:$0x3] =	wrdreg s5  }
0xaa: {  	[dreg:$0x4] =	wrdreg $0xC0  }
0xab: {  	_ =	task [dreg:s7], $0x5FFFF  }
0xac: {  	[dreg:$0x1] =	wrdreg $0xFFFFFFFF  }
0xad: {  	[dreg:$0x0] =	wrdreg $0x60  }
0xae: {  	[dreg:$0x2] =	wrdreg s2  }
0xaf: {  	[dreg:$0x3] =	wrdreg s24  }
0xb0: {  	[dreg:$0x4] =	wrdreg $0x9  }
0xb1: {  	_ =	task.clear_ibuf [dreg:s7], $0x5FFFF;
	_ =	strace $0x90000046  }
0xb2: {  	s29 =	simm.s32 $0x9;
	_ =	strace $0x80000048  }
0xb3: {  	_ =	swait.ge [sflag:s29], $0x1  }
0xb4: {  	[sflag:s29] =	ssyncadd.s32 $0xFFFFFFFF  }
0xb5: {  	_ =	strace $0x90000048  }
0xb6: {  	_ =	sfence  }
0xb7: {  	s30 =	sld [smem:$0x0];
	_ =	sdelay $0x2  }
0xb8: {  	s31 =	sshll.u32 s1, $0xD;
	s1 =	sshrl.u32 s1, $0x2  }
0xb9: {  	s3 =	sand.u32 $0x4000, s31;
	s1 =	sadd.s32 s1, s30  }
0xba: {  	s0 =	sor.u32 s3, s0;
	s1 =	sshll.u32 s1, $0x11  }
0xbb: {  	s0 =	sor.u32 s1, s0  }
0xbc: {  	s0 =	sadd.s32 $0x8F2B, s0  }
0xbd: {  	[sflag:s0] =	ssyncadd.remote.s32 $0x1  }
0xbe: {  	_ =	sfence.sel $0xFFFF  }
0xbf: {  	[dreg:$0x0] =	wrdreg $0xFFFFFFFF;
	(pc) =	sbr.abs _section_cstart, $3  }
0xc0: {  	[dreg:$0x1] =	wrdreg $0xFFFFFFFF  }
0xc1: {  	_ =	task.clear_ibuf [dreg:s7], $0x2FFFF;
	_ =	strace $0x9FFFFFFF  }
0xc2: {  	(tm) =	ssettm $0x7FFFFFFF  }
0xc3: {  	_ =	shalt  }
tec
execute0_lowered:
.L_overlay_start_1:
0x0: {  	(tag) =	ssettag $0x1  }
0x1: {  	s0 =	srdreg.scid;
	s3 =	rddreg [dreg:$0x0]  }
0x2: {  	s5 =	rddreg [dreg:$0x1];
	s4 =	sand.u32 $0x1, s0  }
0x3: {  	s1 =	stileid.u32;
	s8 =	simm.s32 $0x0;
	s2 =	sshll.u32 s4, $0x4  }
0x4: {  	s4 =	ssub.s32 $0x2, s4;
	s6 =	sor.u32 s1, s2;
	s2 =	simm.s32 $0x0  }
0x5: {  	s7 =	sshrl.u32 s4, $0x1;
	s6 =	smul.u32 $0x4E2, s6;
	[smem:$0x7FF] =	sst s2  }
0x6: {  	s0 =	rddreg [dreg:$0x2];
	s7 =	ssub.s32 s4, s7;
	_ =	strace $0x80000047  }
0x7: {  	s5 =	sadd.s32 s6, s5;
	s3 =	sadd.s32 s3, s6;
	s6 =	simm.s32 $0x1  }
0x8: {  	v0 =	vimm.f32 $0.0e+00;
	v1 =	vimm.f32 $1.000000000e+00;
	s4 =	sadd.s32 $0x1C00, s5;
	s5 =	smax.u32 s7, $0x1;
	s7 =	simm.s32 $0x2780  }
.LBB2_1:
0x9: {  	s9 =	simm.s32 $0x40;
	s10 =	simm.s32 $0x0  }
.LBB2_2:
0xa: {  	p0 =	sne.s32 s9, $0x9C00;
	[tilespmem:s10+$0x2780] =	vst v0;
	s10 =	smov.u32 s9;
	s9 =	sadd.s32 $0x40, s9  }
.Ltmp0:
0xb: {  	(pc) =	sbr.rel @p0 .LBB2_2-.Ltmp0, $2  }
0xc: {  	_ =	sdelay $0x2  }
0xd: {  	s10 =	sshra.s32 s10, $0x2  }
0xe: {  	[tilespmem:s10+$0x2780] =	vst v0;
	s9 =	simm.s32 $0x0  }
0xf: {  	[tilespmem:s9], [sflag:$0x1] =	stream.linear.gather [hbm4b:s3+s9], $0x2710, $0x38;
	[tilespmem:$0x4F00] =	vst v63  }
0x10: {  	_ =	swait.ge [sflag:s6], $0x2710  }
0x11: {  	[sflag:s6] =	ssyncset.done $0x0  }
0x12: {  	s10 =	simm.s32 $0x0;
	s9 =	simm.s32 $0x40;
	[sflag:s6] =	ssyncadd.s32 $0xFFFFD8F0  }
.LBB2_4:
0x13: {  	p0 =	sne.s32 s9, $0x9C00;
	v2 =	vld [tilespmem:s10+$0x0];
	_ =	sdelay $0x3  }
.Ltmp1:
0x14: {  	(pc) =	sbr.rel @p0 .LBB2_4-.Ltmp1, $2  }
0x15: {  	_ =	sdelay $0x2  }
0x16: {  	s10 =	sshra.s32 s9, $0x2;
	s9 =	sadd.s32 $0x40, s9;
	[tilespmem:v2+s7+$0x0] =	vst.idx.add.f32.msk $0xffff, v1  }
0x17: {  	v2 =	vld [tilespmem:s10+$0x0];
	_ =	sdelay $0x5  }
0x18: {  	s8 =	sadd.s32 $0x1, s8  }
0x19: {  	p0 =	sne.s32 s8, s5  }
.Ltmp2:
0x1a: {  	[tilespmem:v2+s7+$0x0] =	vst.idx.add.f32.msk $0xffff, v1;
	(pc) =	sbr.rel @p0 .LBB2_1-.Ltmp2, $4  }
0x1b: {  	[hbm4b:s4+s2] =	stream.linear.scatter [tilespmem:s7], [sflag:$0x1], $0x2710, $0x38;
	[tilespmem:$0x4F00] =	vst v63  }
0x1c: {  	_ =	swait.ge [sflag:s6], $0x2710  }
0x1d: {  	[sflag:s6] =	ssyncset.done $0x0  }
0x1e: {  	[sflag:s6] =	ssyncadd.s32 $0xFFFFD8F0  }
0x1f: {  	_ =	sfence.sel $0x180000  }
0x20: {  	[bflag:$0x0] =	sbarrier.arrive $0xFFFF  }
0x21: {  	p0 =	sne.s32 s1, $0x0;
	_ =	strace $0x90000047  }
0x22: {  	s0 =	sadd.s32 @!p0 $0x100000, s0;
	[bflag:$0x2] =	sbarrier.arrive $0xFFFF  }
0x23: {  	[sflag:s0] =	ssyncadd.tile.s32 @!p0 $0x1;
	_ =	shalt  }
.Lfunc_end2:
_tile_overlayer_lowered:
.L_overlay_start_2:
0x24: {  	(tag) =	ssettag $0x2  }
0x25: {  	s0 =	rddreg [dreg:$0x0];
	s2 =	stileid.u32  }
0x26: {  	s1 =	rddreg [dreg:$0x1];
	p0 =	sne.s32 s2, $0x0  }
0x27: {  	s3 =	rddreg [dreg:$0x2];
	[bflag:$0x3] =	sbarrier.arrive $0xFFFF;
	s2 =	simm.s32 @!p0 $0x1C01  }
0x28: {  	[timem:s3], [sflag:s2] =	dma.local @!p0 [hbm:s0], s1  }
0x29: {  	s0 =	simm.s32 @!p0 $0x1  }
0x2a: {  	_ =	swait.ge @!p0 [sflag:s0], s1  }
0x2b: {  	s1 =	ssub.s32 @!p0 $0x0, s1;
	[sflag:s0] =	ssyncset.done @!p0 $0x0  }
0x2c: {  	[sflag:s0] =	ssyncadd.s32 @!p0 s1  }
0x2d: {  	[bflag:$0x3] =	sbarrier.arrive $0xFFFF  }
0x2e: {  	_ =	shalt  }

</sc_bundles>
